<compile_context>
chip_gen: v7x
topology: tpu7x:2x2x1
jax: 0.10.2.dev20260603
libtpu: 0.0.44.dev20260713+nightly
codegen_flags: <defaults>
</compile_context>

<pallas_src>
import functools

import jax
import jax.numpy as jnp
from jax import lax
from jax.experimental import pallas as pl
from jax.experimental.pallas import tpu as pltpu
from jax.experimental.pallas import tpu_sc as plsc

N_USERS = 100000
N_ITEMS = 1000000
HIDDEN = 64
BATCH = 16384

_NC = 2
_NS = 16
_NW = _NC * _NS
_BPW = BATCH // _NW
_L = 16
_CH = 32
_NCH = _BPW // _CH
_CW = _CH * HIDDEN


def _bpr_body(users_hbm, items_hbm, ua_hbm, ia_hbm, ub_hbm, ib_hbm, out_hbm,
              ur_v, ir_v, ug_v, ig_v, ub_v, ib_v, out_v,
              semu, semi, semb0, semb1):
    wid = lax.axis_index("s") * _NC + lax.axis_index("c")
    base = wid * _BPW

    pltpu.sync_copy(users_hbm.at[pl.ds(base, _BPW)], ur_v)
    pltpu.sync_copy(items_hbm.at[pl.ds(base, _BPW)], ir_v)

    cb0 = pltpu.async_copy(ub_hbm.at[ur_v], ub_v, semb0)
    cb1 = pltpu.async_copy(ib_hbm.at[ir_v], ib_v, semb1)

    def issue(c, slot):
        for g in range(_CH // _L):
            uvec = ur_v[pl.ds(c * _CH + g * _L, _L)]
            ivec = ir_v[pl.ds(c * _CH + g * _L, _L)]
            for j in range(_L):
                d = g * _L + j
                pltpu.async_copy(ua_hbm.at[uvec[j] >> 3, uvec[j] & 7],
                                 ug_v.at[slot, d], semu)
                pltpu.async_copy(ia_hbm.at[ivec[j] >> 3, ivec[j] & 7],
                                 ig_v.at[slot, d], semi)

    def drain(slot):
        for k in range(_CH // 8):
            pltpu.make_async_copy(
                ua_hbm.at[0], ug_v.at[slot, pl.ds(8 * k, 8), :], semu).wait()
            pltpu.make_async_copy(
                ia_hbm.at[0], ig_v.at[slot, pl.ds(8 * k, 8), :], semi).wait()

    issue(0, 0)
    cb0.wait()
    cb1.wait()

    def chunk_step(c, carry):
        slot = lax.rem(c, 2)

        @pl.when(c + 1 < _NCH)
        def _():
            issue(c + 1, 1 - slot)

        drain(slot)

        def group(g, carry2):
            r0 = c * _CH + g * _L
            acc = ub_v[pl.ds(r0, _L)] + ib_v[pl.ds(r0, _L)]
            slots = jnp.full((_L,), slot, jnp.int32)
            rows = lax.iota(jnp.int32, _L) + g * _L

            def hstep(h, a):
                for k in range(8):
                    cols = jnp.full((_L,), h * 8 + k, jnp.int32)
                    uv = plsc.load_gather(ug_v, [slots, rows, cols])
                    iv = plsc.load_gather(ig_v, [slots, rows, cols])
                    a = a + uv * iv
                return a

            acc = lax.fori_loop(0, HIDDEN // 8, hstep, acc)
            out_v[pl.ds(r0, _L)] = acc
            return carry2

        lax.fori_loop(0, _CH // _L, group, 0)
        return carry

    lax.fori_loop(0, _NCH, chunk_step, 0)
    pltpu.sync_copy(out_v, out_hbm.at[pl.ds(base, _BPW)])


@jax.jit
def _bpr(users, items, ua3, ia3, user_beta, item_beta):
    mesh = plsc.VectorSubcoreMesh(core_axis_name="c", subcore_axis_name="s")
    run = functools.partial(
        pl.kernel,
        mesh=mesh,
        compiler_params=pltpu.CompilerParams(
            needs_layout_passes=False, use_tc_tiling_on_sc=True),
        out_type=jax.ShapeDtypeStruct((BATCH,), jnp.float32),
        scratch_types=[
            pltpu.VMEM((_BPW,), jnp.int32),
            pltpu.VMEM((_BPW,), jnp.int32),
            pltpu.VMEM((2, _CH, HIDDEN), jnp.float32),
            pltpu.VMEM((2, _CH, HIDDEN), jnp.float32),
            pltpu.VMEM((_BPW,), jnp.float32),
            pltpu.VMEM((_BPW,), jnp.float32),
            pltpu.VMEM((_BPW,), jnp.float32),
            pltpu.SemaphoreType.DMA,
            pltpu.SemaphoreType.DMA,
            pltpu.SemaphoreType.DMA,
            pltpu.SemaphoreType.DMA,
        ],
    )(_bpr_body)
    return run(users, items, ua3, ia3, user_beta, item_beta)


def kernel(users, items, user_alpha, item_alpha, user_beta, item_beta):
    users = users.astype(jnp.int32)
    items = items.astype(jnp.int32)
    ua3 = user_alpha.reshape(N_USERS // 8, 8, HIDDEN)
    ia3 = item_alpha.reshape(N_ITEMS // 8, 8, HIDDEN)
    ub = user_beta.reshape(-1)
    ib = item_beta.reshape(-1)
    return _bpr(users, items, ua3, ia3, ub, ib)

# --- scband reference (transcript-rebuilt; emitter-appended) ---
"""Pipeline reference for scband-bpr-58918361367032 (READ-ONLY COPY).

The authoritative reference and input builder live on the scoring server;
editing this copy changes nothing except your own understanding.
"""

import jax, jax.numpy as jnp
import numpy as np

N_USERS = 100000
N_ITEMS = 1000000
HIDDEN = 64
BATCH = 16384


def setup_inputs(seed: int = 0) -> dict:
    key = jax.random.key(seed)
    k1, k2, k3, k4, k5, k6 = jax.random.split(key, 6)
    users = jax.random.randint(k1, (BATCH,), 0, N_USERS, dtype=jnp.int64) if jax.config.jax_enable_x64 else jax.random.randint(k1, (BATCH,), 0, N_USERS, dtype=jnp.int32)
    items = jax.random.randint(k2, (BATCH,), 0, N_ITEMS, dtype=jnp.int32)
    # parameters, matching torch init.uniform_(w, 0, 0.01)
    user_alpha = jax.random.uniform(k3, (N_USERS, HIDDEN), dtype=jnp.float32, minval=0.0, maxval=0.01)
    item_alpha = jax.random.uniform(k4, (N_ITEMS, HIDDEN), dtype=jnp.float32, minval=0.0, maxval=0.01)
    user_beta = jax.random.uniform(k5, (N_USERS, 1), dtype=jnp.float32, minval=0.0, maxval=0.01)
    item_beta = jax.random.uniform(k6, (N_ITEMS, 1), dtype=jnp.float32, minval=0.0, maxval=0.01)
    return {
        "users": users,
        "items": items,
        "user_alpha": user_alpha,
        "item_alpha": item_alpha,
        "user_beta": user_beta,
        "item_beta": item_beta,
    }


def reference(users, items, user_alpha, item_alpha, user_beta, item_beta):
    batchsize = users.shape[0]
    ua = jnp.take(user_alpha, users, axis=0)            # [B, H]
    ub = jnp.take(user_beta, users, axis=0).reshape(batchsize)   # [B]
    ia = jnp.take(item_alpha, items, axis=0)            # [B, H]
    ib = jnp.take(item_beta, items, axis=0).reshape(batchsize)   # [B]
    # bmm of [B,1,H] x [B,H,1] -> per-row dot product
    dot = jnp.sum(ua * ia, axis=1)
    out = ub + ib + dot
    return out

if __name__ == "__main__":
    import jax
    _d = setup_inputs()
    print(jax.jit(kernel)(*tuple(_d.values())))

</pallas_src>

<mosaic_0001>
#map = affine_map<(d0, d1) -> (0)>
#map1 = affine_map<(d0, d1) -> (0, 0, 0)>
module attributes {stable_mosaic.version = 14 : i64} {
  func.func @_bpr_body(%arg0: i32, %arg1: i32, %arg2: memref<16384xi32, #tpu.memory_space<hbm>>, %arg3: memref<16384xi32, #tpu.memory_space<hbm>>, %arg4: memref<12500x8x64xf32, #tpu.memory_space<hbm>>, %arg5: memref<125000x8x64xf32, #tpu.memory_space<hbm>>, %arg6: memref<100000xf32, #tpu.memory_space<hbm>>, %arg7: memref<1000000xf32, #tpu.memory_space<hbm>>, %arg8: memref<16384xf32, #tpu.memory_space<hbm>>, %arg9: memref<512xi32, #tpu.memory_space<vmem>>, %arg10: memref<512xi32, #tpu.memory_space<vmem>>, %arg11: memref<2x32x64xf32, #tpu.memory_space<vmem>>, %arg12: memref<2x32x64xf32, #tpu.memory_space<vmem>>, %arg13: memref<512xf32, #tpu.memory_space<vmem>>, %arg14: memref<512xf32, #tpu.memory_space<vmem>>, %arg15: memref<512xf32, #tpu.memory_space<vmem>>, %arg16: memref<!tpu.dma_semaphore, #tpu.memory_space<semaphore_mem>>, %arg17: memref<!tpu.dma_semaphore, #tpu.memory_space<semaphore_mem>>, %arg18: memref<!tpu.dma_semaphore, #tpu.memory_space<semaphore_mem>>, %arg19: memref<!tpu.dma_semaphore, #tpu.memory_space<semaphore_mem>>) attributes {dimension_semantics = [#tpu.dimension_semantics<core_parallel>, #tpu.dimension_semantics<subcore_parallel>], iteration_bounds = array<i64: 2, 16>, scalar_prefetch = 0 : i64, scratch_operands = 11 : i64, tpu.core_type = #tpu.core_type<sc_vector_subcore>, window_params = [{transform_indices = #map}, {transform_indices = #map}, {transform_indices = #map1}, {transform_indices = #map1}, {transform_indices = #map}, {transform_indices = #map}, {transform_indices = #map}]} {
    %mul3A = arith.constant 2 : i32
    %mul3A_0 = arith.muli %arg1, %mul3A : i32
    %add3A = arith.addi %mul3A_0, %arg0 : i32
    %mul3A_1 = arith.constant 512 : i32
    %mul3A_2 = arith.muli %add3A, %mul3A_1 : i32
    "tpu.region"() ({
      %run_scoped3A = tpu.sem_alloc : memref<!tpu.dma_semaphore, #tpu.memory_space<semaphore_mem>>
      %dma_start3A_1425 = tpu.memref_slice %arg2[%mul3A_2] : memref<16384xi32, #tpu.memory_space<hbm>> -> memref<512xi32, #tpu.memory_space<hbm>>
      %dma_start3A_1426 = tpu.memref_slice %arg2[%mul3A_2] : memref<16384xi32, #tpu.memory_space<hbm>> -> memref<512xi32, #tpu.memory_space<hbm>>
      tpu.enqueue_dma source(%dma_start3A_1426 : memref<512xi32, #tpu.memory_space<hbm>>) target(%arg9 : memref<512xi32, #tpu.memory_space<vmem>>) target_semaphore(%run_scoped3A : memref<!tpu.dma_semaphore, #tpu.memory_space<semaphore_mem>>)
      %dma_wait3A_1427 = tpu.memref_slice %arg2[%mul3A_2] : memref<16384xi32, #tpu.memory_space<hbm>> -> memref<512xi32, #tpu.memory_space<hbm>>
      %dma_wait3A_1428 = tpu.memref_slice %arg2[%mul3A_2] : memref<16384xi32, #tpu.memory_space<hbm>> -> memref<512xi32, #tpu.memory_space<hbm>>
      tpu.wait_dma2 semaphore(%run_scoped3A : memref<!tpu.dma_semaphore, #tpu.memory_space<semaphore_mem>>) src(%dma_wait3A_1428 : memref<512xi32, #tpu.memory_space<hbm>>) dst(%arg9 : memref<512xi32, #tpu.memory_space<vmem>>)
      tpu.yield
    }) : () -> ()
    "tpu.region"() ({
      %run_scoped3A = tpu.sem_alloc : memref<!tpu.dma_semaphore, #tpu.memory_space<semaphore_mem>>
      %dma_start3A_1425 = tpu.memref_slice %arg3[%mul3A_2] : memref<16384xi32, #tpu.memory_space<hbm>> -> memref<512xi32, #tpu.memory_space<hbm>>
      %dma_start3A_1426 = tpu.memref_slice %arg3[%mul3A_2] : memref<16384xi32, #tpu.memory_space<hbm>> -> memref<512xi32, #tpu.memory_space<hbm>>
      tpu.enqueue_dma source(%dma_start3A_1426 : memref<512xi32, #tpu.memory_space<hbm>>) target(%arg10 : memref<512xi32, #tpu.memory_space<vmem>>) target_semaphore(%run_scoped3A : memref<!tpu.dma_semaphore, #tpu.memory_space<semaphore_mem>>)
      %dma_wait3A_1427 = tpu.memref_slice %arg3[%mul3A_2] : memref<16384xi32, #tpu.memory_space<hbm>> -> memref<512xi32, #tpu.memory_space<hbm>>
      %dma_wait3A_1428 = tpu.memref_slice %arg3[%mul3A_2] : memref<16384xi32, #tpu.memory_space<hbm>> -> memref<512xi32, #tpu.memory_space<hbm>>
      tpu.wait_dma2 semaphore(%run_scoped3A : memref<!tpu.dma_semaphore, #tpu.memory_space<semaphore_mem>>) src(%dma_wait3A_1428 : memref<512xi32, #tpu.memory_space<hbm>>) dst(%arg10 : memref<512xi32, #tpu.memory_space<vmem>>)
      tpu.yield
    }) : () -> ()
    %dma_start3A = arith.constant 0 : i32
    %dma_start3A_3 = tpu.memref_slice %arg6[%dma_start3A] : memref<100000xf32, #tpu.memory_space<hbm>> -> memref<100000xf32, #tpu.memory_space<hbm>>
    tpu.enqueue_indirect_dma source(%dma_start3A_3 : memref<100000xf32, #tpu.memory_space<hbm>>) target(%arg13 : memref<512xf32, #tpu.memory_space<vmem>>) offsets(%arg9 : memref<512xi32, #tpu.memory_space<vmem>>) semaphore(%arg18 : memref<!tpu.dma_semaphore, #tpu.memory_space<semaphore_mem>>)
    %dma_start3A_4 = arith.constant 0 : i32
    %dma_start3A_5 = tpu.memref_slice %arg7[%dma_start3A_4] : memref<1000000xf32, #tpu.memory_space<hbm>> -> memref<1000000xf32, #tpu.memory_space<hbm>>
    tpu.enqueue_indirect_dma source(%dma_start3A_5 : memref<1000000xf32, #tpu.memory_space<hbm>>) target(%arg14 : memref<512xf32, #tpu.memory_space<vmem>>) offsets(%arg10 : memref<512xi32, #tpu.memory_space<vmem>>) semaphore(%arg19 : memref<!tpu.dma_semaphore, #tpu.memory_space<semaphore_mem>>)
    %get3A = arith.constant 0 : index
    %get3A_6 = tpu.vector_load %arg9[%get3A] {strides = array<i32>} : memref<512xi32, #tpu.memory_space<vmem>>, vector<16xi32>,
    %get3A_7 = arith.constant 0 : index
    %get3A_8 = tpu.vector_load %arg10[%get3A_7] {strides = array<i32>} : memref<512xi32, #tpu.memory_space<vmem>>, vector<16xi32>,
    %slice3A = vector.extract_strided_slice %get3A_6 {offsets = [0], sizes = [1], strides = [1]} : vector<16xi32> to vector<1xi32>
    %squeeze3A = vector.extract %slice3A[0] : i32 from vector<1xi32>
    %shift_right_arithmetic3A = arith.constant 3 : i32
    %shift_right_arithmetic3A_9 = arith.shrsi %squeeze3A, %shift_right_arithmetic3A : i32
    %slice3A_10 = vector.extract_strided_slice %get3A_6 {offsets = [0], sizes = [1], strides = [1]} : vector<16xi32> to vector<1xi32>
    %squeeze3A_11 = vector.extract %slice3A_10[0] : i32 from vector<1xi32>
    %and3A = arith.constant 7 : i32
    %and3A_12 = arith.andi %squeeze3A_11, %and3A : i32
    %dma_start3A_13 = arith.constant 0 : i32
    %dma_start3A_14 = arith.constant 0 : i32
    %dma_start3A_15 = arith.constant 0 : i32
    %dma_start3A_16 = tpu.memref_slice %arg11[%dma_start3A_13, %dma_start3A_14, %dma_start3A_15] : memref<2x32x64xf32, #tpu.memory_space<vmem>> -> memref<1x1x64xf32, #tpu.memory_space<vmem>>
    %dma_start3A_17 = tpu.memref_squeeze %dma_start3A_16 : memref<1x1x64xf32, #tpu.memory_space<vmem>> -> memref<64xf32, #tpu.memory_space<vmem>>
    %dma_start3A_18 = arith.constant 0 : i32
    %dma_start3A_19 = tpu.memref_slice %arg4[%shift_right_arithmetic3A_9, %and3A_12, %dma_start3A_18] : memref<12500x8x64xf32, #tpu.memory_space<hbm>> -> memref<1x1x64xf32, #tpu.memory_space<hbm>>
    %dma_start3A_20 = tpu.memref_squeeze %dma_start3A_19 : memref<1x1x64xf32, #tpu.memory_space<hbm>> -> memref<64xf32, #tpu.memory_space<hbm>>
    %dma_start3A_21 = arith.constant 0 : i32
    %dma_start3A_22 = tpu.memref_slice %arg11[%dma_start3A_13, %dma_start3A_14, %dma_start3A_21] : memref<2x32x64xf32, #tpu.memory_space<vmem>> -> memref<1x1x64xf32, #tpu.memory_space<vmem>>
    %dma_start3A_23 = tpu.memref_squeeze %dma_start3A_22 : memref<1x1x64xf32, #tpu.memory_space<vmem>> -> memref<64xf32, #tpu.memory_space<vmem>>
    %dma_start3A_24 = arith.constant 0 : i32
    %dma_start3A_25 = tpu.memref_slice %arg4[%shift_right_arithmetic3A_9, %and3A_12, %dma_start3A_24] : memref<12500x8x64xf32, #tpu.memory_space<hbm>> -> memref<1x1x64xf32, #tpu.memory_space<hbm>>
    %dma_start3A_26 = tpu.memref_squeeze %dma_start3A_25 : memref<1x1x64xf32, #tpu.memory_space<hbm>> -> memref<64xf32, #tpu.memory_space<hbm>>
    tpu.enqueue_dma source(%dma_start3A_26 : memref<64xf32, #tpu.memory_space<hbm>>) target(%dma_start3A_23 : memref<64xf32, #tpu.memory_space<vmem>>) target_semaphore(%arg16 : memref<!tpu.dma_semaphore, #tpu.memory_space<semaphore_mem>>)
    %slice3A_27 = vector.extract_strided_slice %get3A_8 {offsets = [0], sizes = [1], strides = [1]} : vector<16xi32> to vector<1xi32>
    %squeeze3A_28 = vector.extract %slice3A_27[0] : i32 from vector<1xi32>
    %shift_right_arithmetic3A_29 = arith.constant 3 : i32
    %shift_right_arithmetic3A_30 = arith.shrsi %squeeze3A_28, %shift_right_arithmetic3A_29 : i32
    %slice3A_31 = vector.extract_strided_slice %get3A_8 {offsets = [0], sizes = [1], strides = [1]} : vector<16xi32> to vector<1xi32>
    %squeeze3A_32 = vector.extract %slice3A_31[0] : i32 from vector<1xi32>
    %and3A_33 = arith.constant 7 : i32
    %and3A_34 = arith.andi %squeeze3A_32, %and3A_33 : i32
    %dma_start3A_35 = arith.constant 0 : i32
    %dma_start3A_36 = arith.constant 0 : i32
    %dma_start3A_37 = arith.constant 0 : i32
    %dma_start3A_38 = tpu.memref_slice %arg12[%dma_start3A_35, %dma_start3A_36, %dma_start3A_37] : memref<2x32x64xf32, #tpu.memory_space<vmem>> -> memref<1x1x64xf32, #tpu.memory_space<vmem>>
    %dma_start3A_39 = tpu.memref_squeeze %dma_start3A_38 : memref<1x1x64xf32, #tpu.memory_space<vmem>> -> memref<64xf32, #tpu.memory_space<vmem>>
    %dma_start3A_40 = arith.constant 0 : i32
    %dma_start3A_41 = tpu.memref_slice %arg5[%shift_right_arithmetic3A_30, %and3A_34, %dma_start3A_40] : memref<125000x8x64xf32, #tpu.memory_space<hbm>> -> memref<1x1x64xf32, #tpu.memory_space<hbm>>
    %dma_start3A_42 = tpu.memref_squeeze %dma_start3A_41 : memref<1x1x64xf32, #tpu.memory_space<hbm>> -> memref<64xf32, #tpu.memory_space<hbm>>
    %dma_start3A_43 = arith.constant 0 : i32
    %dma_start3A_44 = tpu.memref_slice %arg12[%dma_start3A_35, %dma_start3A_36, %dma_start3A_43] : memref<2x32x64xf32, #tpu.memory_space<vmem>> -> memref<1x1x64xf32, #tpu.memory_space<vmem>>
    %dma_start3A_45 = tpu.memref_squeeze %dma_start3A_44 : memref<1x1x64xf32, #tpu.memory_space<vmem>> -> memref<64xf32, #tpu.memory_space<vmem>>
    %dma_start3A_46 = arith.constant 0 : i32
    %dma_start3A_47 = tpu.memref_slice %arg5[%shift_right_arithmetic3A_30, %and3A_34, %dma_start3A_46] : memref<125000x8x64xf32, #tpu.memory_space<hbm>> -> memref<1x1x64xf32, #tpu.memory_space<hbm>>
    %dma_start3A_48 = tpu.memref_squeeze %dma_start3A_47 : memref<1x1x64xf32, #tpu.memory_space<hbm>> -> memref<64xf32, #tpu.memory_space<hbm>>
    tpu.enqueue_dma source(%dma_start3A_48 : memref<64xf32, #tpu.memory_space<hbm>>) target(%dma_start3A_45 : memref<64xf32, #tpu.memory_space<vmem>>) target_semaphore(%arg17 : memref<!tpu.dma_semaphore, #tpu.memory_space<semaphore_mem>>)
    %slice3A_49 = vector.extract_strided_slice %get3A_6 {offsets = [1], sizes = [1], strides = [1]} : vector<16xi32> to vector<1xi32>
    %squeeze3A_50 = vector.extract %slice3A_49[0] : i32 from vector<1xi32>
    %shift_right_arithmetic3A_51 = arith.constant 3 : i32
    %shift_right_arithmetic3A_52 = arith.shrsi %squeeze3A_50, %shift_right_arithmetic3A_51 : i32
    %slice3A_53 = vector.extract_strided_slice %get3A_6 {offsets = [1], sizes = [1], strides = [1]} : vector<16xi32> to vector<1xi32>
    %squeeze3A_54 = vector.extract %slice3A_53[0] : i32 from vector<1xi32>
    %and3A_55 = arith.constant 7 : i32
    %and3A_56 = arith.andi %squeeze3A_54, %and3A_55 : i32
    %dma_start3A_57 = arith.constant 0 : i32
    %dma_start3A_58 = arith.constant 1 : i32
    %dma_start3A_59 = arith.constant 0 : i32
    %dma_start3A_60 = tpu.memref_slice %arg11[%dma_start3A_57, %dma_start3A_58, %dma_start3A_59] : memref<2x32x64xf32, #tpu.memory_space<vmem>> -> memref<1x1x64xf32, #tpu.memory_space<vmem>>
    %dma_start3A_61 = tpu.memref_squeeze %dma_start3A_60 : memref<1x1x64xf32, #tpu.memory_space<vmem>> -> memref<64xf32, #tpu.memory_space<vmem>>
    %dma_start3A_62 = arith.constant 0 : i32
    %dma_start3A_63 = tpu.memref_slice %arg4[%shift_right_arithmetic3A_52, %and3A_56, %dma_start3A_62] : memref<12500x8x64xf32, #tpu.memory_space<hbm>> -> memref<1x1x64xf32, #tpu.memory_space<hbm>>
    %dma_start3A_64 = tpu.memref_squeeze %dma_start3A_63 : memref<1x1x64xf32, #tpu.memory_space<hbm>> -> memref<64xf32, #tpu.memory_space<hbm>>
    %dma_start3A_65 = arith.constant 0 : i32
    %dma_start3A_66 = tpu.memref_slice %arg11[%dma_start3A_57, %dma_start3A_58, %dma_start3A_65] : memref<2x32x64xf32, #tpu.memory_space<vmem>> -> memref<1x1x64xf32, #tpu.memory_space<vmem>>
    %dma_start3A_67 = tpu.memref_squeeze %dma_start3A_66 : memref<1x1x64xf32, #tpu.memory_space<vmem>> -> memref<64xf32, #tpu.memory_space<vmem>>
    %dma_start3A_68 = arith.constant 0 : i32
    %dma_start3A_69 = tpu.memref_slice %arg4[%shift_right_arithmetic3A_52, %and3A_56, %dma_start3A_68] : memref<12500x8x64xf32, #tpu.memory_space<hbm>> -> memref<1x1x64xf32, #tpu.memory_space<hbm>>
    %dma_start3A_70 = tpu.memref_squeeze %dma_start3A_69 : memref<1x1x64xf32, #tpu.memory_space<hbm>> -> memref<64xf32, #tpu.memory_space<hbm>>
    tpu.enqueue_dma source(%dma_start3A_70 : memref<64xf32, #tpu.memory_space<hbm>>) target(%dma_start3A_67 : memref<64xf32, #tpu.memory_space<vmem>>) target_semaphore(%arg16 : memref<!tpu.dma_semaphore, #tpu.memory_space<semaphore_mem>>)
    %slice3A_71 = vector.extract_strided_slice %get3A_8 {offsets = [1], sizes = [1], strides = [1]} : vector<16xi32> to vector<1xi32>
    %squeeze3A_72 = vector.extract %slice3A_71[0] : i32 from vector<1xi32>
    %shift_right_arithmetic3A_73 = arith.constant 3 : i32
    %shift_right_arithmetic3A_74 = arith.shrsi %squeeze3A_72, %shift_right_arithmetic3A_73 : i32
    %slice3A_75 = vector.extract_strided_slice %get3A_8 {offsets = [1], sizes = [1], strides = [1]} : vector<16xi32> to vector<1xi32>
    %squeeze3A_76 = vector.extract %slice3A_75[0] : i32 from vector<1xi32>
    %and3A_77 = arith.constant 7 : i32
    %and3A_78 = arith.andi %squeeze3A_76, %and3A_77 : i32
    %dma_start3A_79 = arith.constant 0 : i32
    %dma_start3A_80 = arith.constant 1 : i32
    %dma_start3A_81 = arith.constant 0 : i32
    %dma_start3A_82 = tpu.memref_slice %arg12[%dma_start3A_79, %dma_start3A_80, %dma_start3A_81] : memref<2x32x64xf32, #tpu.memory_space<vmem>> -> memref<1x1x64xf32, #tpu.memory_space<vmem>>
    %dma_start3A_83 = tpu.memref_squeeze %dma_start3A_82 : memref<1x1x64xf32, #tpu.memory_space<vmem>> -> memref<64xf32, #tpu.memory_space<vmem>>
    %dma_start3A_84 = arith.constant 0 : i32
    %dma_start3A_85 = tpu.memref_slice %arg5[%shift_right_arithmetic3A_74, %and3A_78, %dma_start3A_84] : memref<125000x8x64xf32, #tpu.memory_space<hbm>> -> memref<1x1x64xf32, #tpu.memory_space<hbm>>
    %dma_start3A_86 = tpu.memref_squeeze %dma_start3A_85 : memref<1x1x64xf32, #tpu.memory_space<hbm>> -> memref<64xf32, #tpu.memory_space<hbm>>
    %dma_start3A_87 = arith.constant 0 : i32
    %dma_start3A_88 = tpu.memref_slice %arg12[%dma_start3A_79, %dma_start3A_80, %dma_start3A_87] : memref<2x32x64xf32, #tpu.memory_space<vmem>> -> memref<1x1x64xf32, #tpu.memory_space<vmem>>
    %dma_start3A_89 = tpu.memref_squeeze %dma_start3A_88 : memref<1x1x64xf32, #tpu.memory_space<vmem>> -> memref<64xf32, #tpu.memory_space<vmem>>
    %dma_start3A_90 = arith.constant 0 : i32
    %dma_start3A_91 = tpu.memref_slice %arg5[%shift_right_arithmetic3A_74, %and3A_78, %dma_start3A_90] : memref<125000x8x64xf32, #tpu.memory_space<hbm>> -> memref<1x1x64xf32, #tpu.memory_space<hbm>>
    %dma_start3A_92 = tpu.memref_squeeze %dma_start3A_91 : memref<1x1x64xf32, #tpu.memory_space<hbm>> -> memref<64xf32, #tpu.memory_space<hbm>>
    tpu.enqueue_dma source(%dma_start3A_92 : memref<64xf32, #tpu.memory_space<hbm>>) target(%dma_start3A_89 : memref<64xf32, #tpu.memory_space<vmem>>) target_semaphore(%arg17 : memref<!tpu.dma_semaphore, #tpu.memory_space<semaphore_mem>>)
    %slice3A_93 = vector.extract_strided_slice %get3A_6 {offsets = [2], sizes = [1], strides = [1]} : vector<16xi32> to vector<1xi32>
    %squeeze3A_94 = vector.extract %slice3A_93[0] : i32 from vector<1xi32>
    %shift_right_arithmetic3A_95 = arith.constant 3 : i32
    %shift_right_arithmetic3A_96 = arith.shrsi %squeeze3A_94, %shift_right_arithmetic3A_95 : i32
    %slice3A_97 = vector.extract_strided_slice %get3A_6 {offsets = [2], sizes = [1], strides = [1]} : vector<16xi32> to vector<1xi32>
    %squeeze3A_98 = vector.extract %slice3A_97[0] : i32 from vector<1xi32>
    %and3A_99 = arith.constant 7 : i32
    %and3A_100 = arith.andi %squeeze3A_98, %and3A_99 : i32
    %dma_start3A_101 = arith.constant 0 : i32
    %dma_start3A_102 = arith.constant 2 : i32
    %dma_start3A_103 = arith.constant 0 : i32
    %dma_start3A_104 = tpu.memref_slice %arg11[%dma_start3A_101, %dma_start3A_102, %dma_start3A_103] : memref<2x32x64xf32, #tpu.memory_space<vmem>> -> memref<1x1x64xf32, #tpu.memory_space<vmem>>
    %dma_start3A_105 = tpu.memref_squeeze %dma_start3A_104 : memref<1x1x64xf32, #tpu.memory_space<vmem>> -> memref<64xf32, #tpu.memory_space<vmem>>
    %dma_start3A_106 = arith.constant 0 : i32
    %dma_start3A_107 = tpu.memref_slice %arg4[%shift_right_arithmetic3A_96, %and3A_100, %dma_start3A_106] : memref<12500x8x64xf32, #tpu.memory_space<hbm>> -> memref<1x1x64xf32, #tpu.memory_space<hbm>>
    %dma_start3A_108 = tpu.memref_squeeze %dma_start3A_107 : memref<1x1x64xf32, #tpu.memory_space<hbm>> -> memref<64xf32, #tpu.memory_space<hbm>>
    %dma_start3A_109 = arith.constant 0 : i32
    %dma_start3A_110 = tpu.memref_slice %arg11[%dma_start3A_101, %dma_start3A_102, %dma_start3A_109] : memref<2x32x64xf32, #tpu.memory_space<vmem>> -> memref<1x1x64xf32, #tpu.memory_space<vmem>>
    %dma_start3A_111 = tpu.memref_squeeze %dma_start3A_110 : memref<1x1x64xf32, #tpu.memory_space<vmem>> -> memref<64xf32, #tpu.memory_space<vmem>>
    %dma_start3A_112 = arith.constant 0 : i32
    %dma_start3A_113 = tpu.memref_slice %arg4[%shift_right_arithmetic3A_96, %and3A_100, %dma_start3A_112] : memref<12500x8x64xf32, #tpu.memory_space<hbm>> -> memref<1x1x64xf32, #tpu.memory_space<hbm>>
    %dma_start3A_114 = tpu.memref_squeeze %dma_start3A_113 : memref<1x1x64xf32, #tpu.memory_space<hbm>> -> memref<64xf32, #tpu.memory_space<hbm>>
    tpu.enqueue_dma source(%dma_start3A_114 : memref<64xf32, #tpu.memory_space<hbm>>) target(%dma_start3A_111 : memref<64xf32, #tpu.memory_space<vmem>>) target_semaphore(%arg16 : memref<!tpu.dma_semaphore, #tpu.memory_space<semaphore_mem>>)
    %slice3A_115 = vector.extract_strided_slice %get3A_8 {offsets = [2], sizes = [1], strides = [1]} : vector<16xi32> to vector<1xi32>
    %squeeze3A_116 = vector.extract %slice3A_115[0] : i32 from vector<1xi32>
    %shift_right_arithmetic3A_117 = arith.constant 3 : i32
    %shift_right_arithmetic3A_118 = arith.shrsi %squeeze3A_116, %shift_right_arithmetic3A_117 : i32
    %slice3A_119 = vector.extract_strided_slice %get3A_8 {offsets = [2], sizes = [1], strides = [1]} : vector<16xi32> to vector<1xi32>
    %squeeze3A_120 = vector.extract %slice3A_119[0] : i32 from vector<1xi32>
    %and3A_121 = arith.constant 7 : i32
    %and3A_122 = arith.andi %squeeze3A_120, %and3A_121 : i32
    %dma_start3A_123 = arith.constant 0 : i32
    %dma_start3A_124 = arith.constant 2 : i32
    %dma_start3A_125 = arith.constant 0 : i32
    %dma_start3A_126 = tpu.memref_slice %arg12[%dma_start3A_123, %dma_start3A_124, %dma_start3A_125] : memref<2x32x64xf32, #tpu.memory_space<vmem>> -> memref<1x1x64xf32, #tpu.memory_space<vmem>>
    %dma_start3A_127 = tpu.memref_squeeze %dma_start3A_126 : memref<1x1x64xf32, #tpu.memory_space<vmem>> -> memref<64xf32, #tpu.memory_space<vmem>>
    %dma_start3A_128 = arith.constant 0 : i32
    %dma_start3A_129 = tpu.memref_slice %arg5[%shift_right_arithmetic3A_118, %and3A_122, %dma_start3A_128] : memref<125000x8x64xf32, #tpu.memory_space<hbm>> -> memref<1x1x64xf32, #tpu.memory_space<hbm>>
    %dma_start3A_130 = tpu.memref_squeeze %dma_start3A_129 : memref<1x1x64xf32, #tpu.memory_space<hbm>> -> memref<64xf32, #tpu.memory_space<hbm>>
    %dma_start3A_131 = arith.constant 0 : i32
    %dma_start3A_132 = tpu.memref_slice %arg12[%dma_start3A_123, %dma_start3A_124, %dma_start3A_131] : memref<2x32x64xf32, #tpu.memory_space<vmem>> -> memref<1x1x64xf32, #tpu.memory_space<vmem>>
    %dma_start3A_133 = tpu.memref_squeeze %dma_start3A_132 : memref<1x1x64xf32, #tpu.memory_space<vmem>> -> memref<64xf32, #tpu.memory_space<vmem>>
    %dma_start3A_134 = arith.constant 0 : i32
    %dma_start3A_135 = tpu.memref_slice %arg5[%shift_right_arithmetic3A_118, %and3A_122, %dma_start3A_134] : memref<125000x8x64xf32, #tpu.memory_space<hbm>> -> memref<1x1x64xf32, #tpu.memory_space<hbm>>
    %dma_start3A_136 = tpu.memref_squeeze %dma_start3A_135 : memref<1x1x64xf32, #tpu.memory_space<hbm>> -> memref<64xf32, #tpu.memory_space<hbm>>
    tpu.enqueue_dma source(%dma_start3A_136 : memref<64xf32, #tpu.memory_space<hbm>>) target(%dma_start3A_133 : memref<64xf32, #tpu.memory_space<vmem>>) target_semaphore(%arg17 : memref<!tpu.dma_semaphore, #tpu.memory_space<semaphore_mem>>)
    %slice3A_137 = vector.extract_strided_slice %get3A_6 {offsets = [3], sizes = [1], strides = [1]} : vector<16xi32> to vector<1xi32>
    %squeeze3A_138 = vector.extract %slice3A_137[0] : i32 from vector<1xi32>
    %shift_right_arithmetic3A_139 = arith.constant 3 : i32
    %shift_right_arithmetic3A_140 = arith.shrsi %squeeze3A_138, %shift_right_arithmetic3A_139 : i32
    %slice3A_141 = vector.extract_strided_slice %get3A_6 {offsets = [3], sizes = [1], strides = [1]} : vector<16xi32> to vector<1xi32>
    %squeeze3A_142 = vector.extract %slice3A_141[0] : i32 from vector<1xi32>
    %and3A_143 = arith.constant 7 : i32
    %and3A_144 = arith.andi %squeeze3A_142, %and3A_143 : i32
    %dma_start3A_145 = arith.constant 0 : i32
    %dma_start3A_146 = arith.constant 3 : i32
    %dma_start3A_147 = arith.constant 0 : i32
    %dma_start3A_148 = tpu.memref_slice %arg11[%dma_start3A_145, %dma_start3A_146, %dma_start3A_147] : memref<2x32x64xf32, #tpu.memory_space<vmem>> -> memref<1x1x64xf32, #tpu.memory_space<vmem>>
    %dma_start3A_149 = tpu.memref_squeeze %dma_start3A_148 : memref<1x1x64xf32, #tpu.memory_space<vmem>> -> memref<64xf32, #tpu.memory_space<vmem>>
    %dma_start3A_150 = arith.constant 0 : i32
    %dma_start3A_151 = tpu.memref_slice %arg4[%shift_right_arithmetic3A_140, %and3A_144, %dma_start3A_150] : memref<12500x8x64xf32, #tpu.memory_space<hbm>> -> memref<1x1x64xf32, #tpu.memory_space<hbm>>
    %dma_start3A_152 = tpu.memref_squeeze %dma_start3A_151 : memref<1x1x64xf32, #tpu.memory_space<hbm>> -> memref<64xf32, #tpu.memory_space<hbm>>
    %dma_start3A_153 = arith.constant 0 : i32
    %dma_start3A_154 = tpu.memref_slice %arg11[%dma_start3A_145, %dma_start3A_146, %dma_start3A_153] : memref<2x32x64xf32, #tpu.memory_space<vmem>> -> memref<1x1x64xf32, #tpu.memory_space<vmem>>
    %dma_start3A_155 = tpu.memref_squeeze %dma_start3A_154 : memref<1x1x64xf32, #tpu.memory_space<vmem>> -> memref<64xf32, #tpu.memory_space<vmem>>
    %dma_start3A_156 = arith.constant 0 : i32
    %dma_start3A_157 = tpu.memref_slice %arg4[%shift_right_arithmetic3A_140, %and3A_144, %dma_start3A_156] : memref<12500x8x64xf32, #tpu.memory_space<hbm>> -> memref<1x1x64xf32, #tpu.memory_space<hbm>>
    %dma_start3A_158 = tpu.memref_squeeze %dma_start3A_157 : memref<1x1x64xf32, #tpu.memory_space<hbm>> -> memref<64xf32, #tpu.memory_space<hbm>>
    tpu.enqueue_dma source(%dma_start3A_158 : memref<64xf32, #tpu.memory_space<hbm>>) target(%dma_start3A_155 : memref<64xf32, #tpu.memory_space<vmem>>) target_semaphore(%arg16 : memref<!tpu.dma_semaphore, #tpu.memory_space<semaphore_mem>>)
    %slice3A_159 = vector.extract_strided_slice %get3A_8 {offsets = [3], sizes = [1], strides = [1]} : vector<16xi32> to vector<1xi32>
    %squeeze3A_160 = vector.extract %slice3A_159[0] : i32 from vector<1xi32>
    %shift_right_arithmetic3A_161 = arith.constant 3 : i32
    %shift_right_arithmetic3A_162 = arith.shrsi %squeeze3A_160, %shift_right_arithmetic3A_161 : i32
    %slice3A_163 = vector.extract_strided_slice %get3A_8 {offsets = [3], sizes = [1], strides = [1]} : vector<16xi32> to vector<1xi32>
    %squeeze3A_164 = vector.extract %slice3A_163[0] : i32 from vector<1xi32>
    %and3A_165 = arith.constant 7 : i32
    %and3A_166 = arith.andi %squeeze3A_164, %and3A_165 : i32
    %dma_start3A_167 = arith.constant 0 : i32
    %dma_start3A_168 = arith.constant 3 : i32
    %dma_start3A_169 = arith.constant 0 : i32
    %dma_start3A_170 = tpu.memref_slice %arg12[%dma_start3A_167, %dma_start3A_168, %dma_start3A_169] : memref<2x32x64xf32, #tpu.memory_space<vmem>> -> memref<1x1x64xf32, #tpu.memory_space<vmem>>
    %dma_start3A_171 = tpu.memref_squeeze %dma_start3A_170 : memref<1x1x64xf32, #tpu.memory_space<vmem>> -> memref<64xf32, #tpu.memory_space<vmem>>
    %dma_start3A_172 = arith.constant 0 : i32
    %dma_start3A_173 = tpu.memref_slice %arg5[%shift_right_arithmetic3A_162, %and3A_166, %dma_start3A_172] : memref<125000x8x64xf32, #tpu.memory_space<hbm>> -> memref<1x1x64xf32, #tpu.memory_space<hbm>>
    %dma_start3A_174 = tpu.memref_squeeze %dma_start3A_173 : memref<1x1x64xf32, #tpu.memory_space<hbm>> -> memref<64xf32, #tpu.memory_space<hbm>>
    %dma_start3A_175 = arith.constant 0 : i32
    %dma_start3A_176 = tpu.memref_slice %arg12[%dma_start3A_167, %dma_start3A_168, %dma_start3A_175] : memref<2x32x64xf32, #tpu.memory_space<vmem>> -> memref<1x1x64xf32, #tpu.memory_space<vmem>>
    %dma_start3A_177 = tpu.memref_squeeze %dma_start3A_176 : memref<1x1x64xf32, #tpu.memory_space<vmem>> -> memref<64xf32, #tpu.memory_space<vmem>>
    %dma_start3A_178 = arith.constant 0 : i32
    %dma_start3A_179 = tpu.memref_slice %arg5[%shift_right_arithmetic3A_162, %and3A_166, %dma_start3A_178] : memref<125000x8x64xf32, #tpu.memory_space<hbm>> -> memref<1x1x64xf32, #tpu.memory_space<hbm>>
    %dma_start3A_180 = tpu.memref_squeeze %dma_start3A_179 : memref<1x1x64xf32, #tpu.memory_space<hbm>> -> memref<64xf32, #tpu.memory_space<hbm>>
    tpu.enqueue_dma source(%dma_start3A_180 : memref<64xf32, #tpu.memory_space<hbm>>) target(%dma_start3A_177 : memref<64xf32, #tpu.memory_space<vmem>>) target_semaphore(%arg17 : memref<!tpu.dma_semaphore, #tpu.memory_space<semaphore_mem>>)
    %slice3A_181 = vector.extract_strided_slice %get3A_6 {offsets = [4], sizes = [1], strides = [1]} : vector<16xi32> to vector<1xi32>
    %squeeze3A_182 = vector.extract %slice3A_181[0] : i32 from vector<1xi32>
    %shift_right_arithmetic3A_183 = arith.constant 3 : i32
    %shift_right_arithmetic3A_184 = arith.shrsi %squeeze3A_182, %shift_right_arithmetic3A_183 : i32
    %slice3A_185 = vector.extract_strided_slice %get3A_6 {offsets = [4], sizes = [1], strides = [1]} : vector<16xi32> to vector<1xi32>
    %squeeze3A_186 = vector.extract %slice3A_185[0] : i32 from vector<1xi32>
    %and3A_187 = arith.constant 7 : i32
    %and3A_188 = arith.andi %squeeze3A_186, %and3A_187 : i32
    %dma_start3A_189 = arith.constant 0 : i32
    %dma_start3A_190 = arith.constant 4 : i32
    %dma_start3A_191 = arith.constant 0 : i32
    %dma_start3A_192 = tpu.memref_slice %arg11[%dma_start3A_189, %dma_start3A_190, %dma_start3A_191] : memref<2x32x64xf32, #tpu.memory_space<vmem>> -> memref<1x1x64xf32, #tpu.memory_space<vmem>>
    %dma_start3A_193 = tpu.memref_squeeze %dma_start3A_192 : memref<1x1x64xf32, #tpu.memory_space<vmem>> -> memref<64xf32, #tpu.memory_space<vmem>>
    %dma_start3A_194 = arith.constant 0 : i32
    %dma_start3A_195 = tpu.memref_slice %arg4[%shift_right_arithmetic3A_184, %and3A_188, %dma_start3A_194] : memref<12500x8x64xf32, #tpu.memory_space<hbm>> -> memref<1x1x64xf32, #tpu.memory_space<hbm>>
    %dma_start3A_196 = tpu.memref_squeeze %dma_start3A_195 : memref<1x1x64xf32, #tpu.memory_space<hbm>> -> memref<64xf32, #tpu.memory_space<hbm>>
    %dma_start3A_197 = arith.constant 0 : i32
    %dma_start3A_198 = tpu.memref_slice %arg11[%dma_start3A_189, %dma_start3A_190, %dma_start3A_197] : memref<2x32x64xf32, #tpu.memory_space<vmem>> -> memref<1x1x64xf32, #tpu.memory_space<vmem>>
    %dma_start3A_199 = tpu.memref_squeeze %dma_start3A_198 : memref<1x1x64xf32, #tpu.memory_space<vmem>> -> memref<64xf32, #tpu.memory_space<vmem>>
    %dma_start3A_200 = arith.constant 0 : i32
    %dma_start3A_201 = tpu.memref_slice %arg4[%shift_right_arithmetic3A_184, %and3A_188, %dma_start3A_200] : memref<12500x8x64xf32, #tpu.memory_space<hbm>> -> memref<1x1x64xf32, #tpu.memory_space<hbm>>
    %dma_start3A_202 = tpu.memref_squeeze %dma_start3A_201 : memref<1x1x64xf32, #tpu.memory_space<hbm>> -> memref<64xf32, #tpu.memory_space<hbm>>
    tpu.enqueue_dma source(%dma_start3A_202 : memref<64xf32, #tpu.memory_space<hbm>>) target(%dma_start3A_199 : memref<64xf32, #tpu.memory_space<vmem>>) target_semaphore(%arg16 : memref<!tpu.dma_semaphore, #tpu.memory_space<semaphore_mem>>)
    %slice3A_203 = vector.extract_strided_slice %get3A_8 {offsets = [4], sizes = [1], strides = [1]} : vector<16xi32> to vector<1xi32>
    %squeeze3A_204 = vector.extract %slice3A_203[0] : i32 from vector<1xi32>
    %shift_right_arithmetic3A_205 = arith.constant 3 : i32
    %shift_right_arithmetic3A_206 = arith.shrsi %squeeze3A_204, %shift_right_arithmetic3A_205 : i32
    %slice3A_207 = vector.extract_strided_slice %get3A_8 {offsets = [4], sizes = [1], strides = [1]} : vector<16xi32> to vector<1xi32>
    %squeeze3A_208 = vector.extract %slice3A_207[0] : i32 from vector<1xi32>
    %and3A_209 = arith.constant 7 : i32
    %and3A_210 = arith.andi %squeeze3A_208, %and3A_209 : i32
    %dma_start3A_211 = arith.constant 0 : i32
    %dma_start3A_212 = arith.constant 4 : i32
    %dma_start3A_213 = arith.constant 0 : i32
    %dma_start3A_214 = tpu.memref_slice %arg12[%dma_start3A_211, %dma_start3A_212, %dma_start3A_213] : memref<2x32x64xf32, #tpu.memory_space<vmem>> -> memref<1x1x64xf32, #tpu.memory_space<vmem>>
    %dma_start3A_215 = tpu.memref_squeeze %dma_start3A_214 : memref<1x1x64xf32, #tpu.memory_space<vmem>> -> memref<64xf32, #tpu.memory_space<vmem>>
    %dma_start3A_216 = arith.constant 0 : i32
    %dma_start3A_217 = tpu.memref_slice %arg5[%shift_right_arithmetic3A_206, %and3A_210, %dma_start3A_216] : memref<125000x8x64xf32, #tpu.memory_space<hbm>> -> memref<1x1x64xf32, #tpu.memory_space<hbm>>
    %dma_start3A_218 = tpu.memref_squeeze %dma_start3A_217 : memref<1x1x64xf32, #tpu.memory_space<hbm>> -> memref<64xf32, #tpu.memory_space<hbm>>
    %dma_start3A_219 = arith.constant 0 : i32
    %dma_start3A_220 = tpu.memref_slice %arg12[%dma_start3A_211, %dma_start3A_212, %dma_start3A_219] : memref<2x32x64xf32, #tpu.memory_space<vmem>> -> memref<1x1x64xf32, #tpu.memory_space<vmem>>
    %dma_start3A_221 = tpu.memref_squeeze %dma_start3A_220 : memref<1x1x64xf32, #tpu.memory_space<vmem>> -> memref<64xf32, #tpu.memory_space<vmem>>
    %dma_start3A_222 = arith.constant 0 : i32
    %dma_start3A_223 = tpu.memref_slice %arg5[%shift_right_arithmetic3A_206, %and3A_210, %dma_start3A_222] : memref<125000x8x64xf32, #tpu.memory_space<hbm>> -> memref<1x1x64xf32, #tpu.memory_space<hbm>>
    %dma_start3A_224 = tpu.memref_squeeze %dma_start3A_223 : memref<1x1x64xf32, #tpu.memory_space<hbm>> -> memref<64xf32, #tpu.memory_space<hbm>>
    tpu.enqueue_dma source(%dma_start3A_224 : memref<64xf32, #tpu.memory_space<hbm>>) target(%dma_start3A_221 : memref<64xf32, #tpu.memory_space<vmem>>) target_semaphore(%arg17 : memref<!tpu.dma_semaphore, #tpu.memory_space<semaphore_mem>>)
    %slice3A_225 = vector.extract_strided_slice %get3A_6 {offsets = [5], sizes = [1], strides = [1]} : vector<16xi32> to vector<1xi32>
    %squeeze3A_226 = vector.extract %slice3A_225[0] : i32 from vector<1xi32>
    %shift_right_arithmetic3A_227 = arith.constant 3 : i32
    %shift_right_arithmetic3A_228 = arith.shrsi %squeeze3A_226, %shift_right_arithmetic3A_227 : i32
    %slice3A_229 = vector.extract_strided_slice %get3A_6 {offsets = [5], sizes = [1], strides = [1]} : vector<16xi32> to vector<1xi32>
    %squeeze3A_230 = vector.extract %slice3A_229[0] : i32 from vector<1xi32>
    %and3A_231 = arith.constant 7 : i32
    %and3A_232 = arith.andi %squeeze3A_230, %and3A_231 : i32
    %dma_start3A_233 = arith.constant 0 : i32
    %dma_start3A_234 = arith.constant 5 : i32
    %dma_start3A_235 = arith.constant 0 : i32
    %dma_start3A_236 = tpu.memref_slice %arg11[%dma_start3A_233, %dma_start3A_234, %dma_start3A_235] : memref<2x32x64xf32, #tpu.memory_space<vmem>> -> memref<1x1x64xf32, #tpu.memory_space<vmem>>
    %dma_start3A_237 = tpu.memref_squeeze %dma_start3A_236 : memref<1x1x64xf32, #tpu.memory_space<vmem>> -> memref<64xf32, #tpu.memory_space<vmem>>
    %dma_start3A_238 = arith.constant 0 : i32
    %dma_start3A_239 = tpu.memref_slice %arg4[%shift_right_arithmetic3A_228, %and3A_232, %dma_start3A_238] : memref<12500x8x64xf32, #tpu.memory_space<hbm>> -> memref<1x1x64xf32, #tpu.memory_space<hbm>>
    %dma_start3A_240 = tpu.memref_squeeze %dma_start3A_239 : memref<1x1x64xf32, #tpu.memory_space<hbm>> -> memref<64xf32, #tpu.memory_space<hbm>>
    %dma_start3A_241 = arith.constant 0 : i32
    %dma_start3A_242 = tpu.memref_slice %arg11[%dma_start3A_233, %dma_start3A_234, %dma_start3A_241] : memref<2x32x64xf32, #tpu.memory_space<vmem>> -> memref<1x1x64xf32, #tpu.memory_space<vmem>>
    %dma_start3A_243 = tpu.memref_squeeze %dma_start3A_242 : memref<1x1x64xf32, #tpu.memory_space<vmem>> -> memref<64xf32, #tpu.memory_space<vmem>>
    %dma_start3A_244 = arith.constant 0 : i32
    %dma_start3A_245 = tpu.memref_slice %arg4[%shift_right_arithmetic3A_228, %and3A_232, %dma_start3A_244] : memref<12500x8x64xf32, #tpu.memory_space<hbm>> -> memref<1x1x64xf32, #tpu.memory_space<hbm>>
    %dma_start3A_246 = tpu.memref_squeeze %dma_start3A_245 : memref<1x1x64xf32, #tpu.memory_space<hbm>> -> memref<64xf32, #tpu.memory_space<hbm>>
    tpu.enqueue_dma source(%dma_start3A_246 : memref<64xf32, #tpu.memory_space<hbm>>) target(%dma_start3A_243 : memref<64xf32, #tpu.memory_space<vmem>>) target_semaphore(%arg16 : memref<!tpu.dma_semaphore, #tpu.memory_space<semaphore_mem>>)
    %slice3A_247 = vector.extract_strided_slice %get3A_8 {offsets = [5], sizes = [1], strides = [1]} : vector<16xi32> to vector<1xi32>
    %squeeze3A_248 = vector.extract %slice3A_247[0] : i32 from vector<1xi32>
    %shift_right_arithmetic3A_249 = arith.constant 3 : i32
    %shift_right_arithmetic3A_250 = arith.shrsi %squeeze3A_248, %shift_right_arithmetic3A_249 : i32
    %slice3A_251 = vector.extract_strided_slice %get3A_8 {offsets = [5], sizes = [1], strides = [1]} : vector<16xi32> to vector<1xi32>
    %squeeze3A_252 = vector.extract %slice3A_251[0] : i32 from vector<1xi32>
    %and3A_253 = arith.constant 7 : i32
    %and3A_254 = arith.andi %squeeze3A_252, %and3A_253 : i32
    %dma_start3A_255 = arith.constant 0 : i32
    %dma_start3A_256 = arith.constant 5 : i32
    %dma_start3A_257 = arith.constant 0 : i32
    %dma_start3A_258 = tpu.memref_slice %arg12[%dma_start3A_255, %dma_start3A_256, %dma_start3A_257] : memref<2x32x64xf32, #tpu.memory_space<vmem>> -> memref<1x1x64xf32, #tpu.memory_space<vmem>>
    %dma_start3A_259 = tpu.memref_squeeze %dma_start3A_258 : memref<1x1x64xf32, #tpu.memory_space<vmem>> -> memref<64xf32, #tpu.memory_space<vmem>>
    %dma_start3A_260 = arith.constant 0 : i32
    %dma_start3A_261 = tpu.memref_slice %arg5[%shift_right_arithmetic3A_250, %and3A_254, %dma_start3A_260] : memref<125000x8x64xf32, #tpu.memory_space<hbm>> -> memref<1x1x64xf32, #tpu.memory_space<hbm>>
    %dma_start3A_262 = tpu.memref_squeeze %dma_start3A_261 : memref<1x1x64xf32, #tpu.memory_space<hbm>> -> memref<64xf32, #tpu.memory_space<hbm>>
    %dma_start3A_263 = arith.constant 0 : i32
    %dma_start3A_264 = tpu.memref_slice %arg12[%dma_start3A_255, %dma_start3A_256, %dma_start3A_263] : memref<2x32x64xf32, #tpu.memory_space<vmem>> -> memref<1x1x64xf32, #tpu.memory_space<vmem>>
    %dma_start3A_265 = tpu.memref_squeeze %dma_start3A_264 : memref<1x1x64xf32, #tpu.memory_space<vmem>> -> memref<64xf32, #tpu.memory_space<vmem>>
    %dma_start3A_266 = arith.constant 0 : i32
    %dma_start3A_267 = tpu.memref_slice %arg5[%shift_right_arithmetic3A_250, %and3A_254, %dma_start3A_266] : memref<125000x8x64xf32, #tpu.memory_space<hbm>> -> memref<1x1x64xf32, #tpu.memory_space<hbm>>
    %dma_start3A_268 = tpu.memref_squeeze %dma_start3A_267 : memref<1x1x64xf32, #tpu.memory_space<hbm>> -> memref<64xf32, #tpu.memory_space<hbm>>
    tpu.enqueue_dma source(%dma_start3A_268 : memref<64xf32, #tpu.memory_space<hbm>>) target(%dma_start3A_265 : memref<64xf32, #tpu.memory_space<vmem>>) target_semaphore(%arg17 : memref<!tpu.dma_semaphore, #tpu.memory_space<semaphore_mem>>)
    %slice3A_269 = vector.extract_strided_slice %get3A_6 {offsets = [6], sizes = [1], strides = [1]} : vector<16xi32> to vector<1xi32>
    %squeeze3A_270 = vector.extract %slice3A_269[0] : i32 from vector<1xi32>
    %shift_right_arithmetic3A_271 = arith.constant 3 : i32
    %shift_right_arithmetic3A_272 = arith.shrsi %squeeze3A_270, %shift_right_arithmetic3A_271 : i32
    %slice3A_273 = vector.extract_strided_slice %get3A_6 {offsets = [6], sizes = [1], strides = [1]} : vector<16xi32> to vector<1xi32>
    %squeeze3A_274 = vector.extract %slice3A_273[0] : i32 from vector<1xi32>
    %and3A_275 = arith.constant 7 : i32
    %and3A_276 = arith.andi %squeeze3A_274, %and3A_275 : i32
    %dma_start3A_277 = arith.constant 0 : i32
    %dma_start3A_278 = arith.constant 6 : i32
    %dma_start3A_279 = arith.constant 0 : i32
    %dma_start3A_280 = tpu.memref_slice %arg11[%dma_start3A_277, %dma_start3A_278, %dma_start3A_279] : memref<2x32x64xf32, #tpu.memory_space<vmem>> -> memref<1x1x64xf32, #tpu.memory_space<vmem>>
    %dma_start3A_281 = tpu.memref_squeeze %dma_start3A_280 : memref<1x1x64xf32, #tpu.memory_space<vmem>> -> memref<64xf32, #tpu.memory_space<vmem>>
    %dma_start3A_282 = arith.constant 0 : i32
    %dma_start3A_283 = tpu.memref_slice %arg4[%shift_right_arithmetic3A_272, %and3A_276, %dma_start3A_282] : memref<12500x8x64xf32, #tpu.memory_space<hbm>> -> memref<1x1x64xf32, #tpu.memory_space<hbm>>
    %dma_start3A_284 = tpu.memref_squeeze %dma_start3A_283 : memref<1x1x64xf32, #tpu.memory_space<hbm>> -> memref<64xf32, #tpu.memory_space<hbm>>
    %dma_start3A_285 = arith.constant 0 : i32
    %dma_start3A_286 = tpu.memref_slice %arg11[%dma_start3A_277, %dma_start3A_278, %dma_start3A_285] : memref<2x32x64xf32, #tpu.memory_space<vmem>> -> memref<1x1x64xf32, #tpu.memory_space<vmem>>
    %dma_start3A_287 = tpu.memref_squeeze %dma_start3A_286 : memref<1x1x64xf32, #tpu.memory_space<vmem>> -> memref<64xf32, #tpu.memory_space<vmem>>
    %dma_start3A_288 = arith.constant 0 : i32
    %dma_start3A_289 = tpu.memref_slice %arg4[%shift_right_arithmetic3A_272, %and3A_276, %dma_start3A_288] : memref<12500x8x64xf32, #tpu.memory_space<hbm>> -> memref<1x1x64xf32, #tpu.memory_space<hbm>>
    %dma_start3A_290 = tpu.memref_squeeze %dma_start3A_289 : memref<1x1x64xf32, #tpu.memory_space<hbm>> -> memref<64xf32, #tpu.memory_space<hbm>>
    tpu.enqueue_dma source(%dma_start3A_290 : memref<64xf32, #tpu.memory_space<hbm>>) target(%dma_start3A_287 : memref<64xf32, #tpu.memory_space<vmem>>) target_semaphore(%arg16 : memref<!tpu.dma_semaphore, #tpu.memory_space<semaphore_mem>>)
    %slice3A_291 = vector.extract_strided_slice %get3A_8 {offsets = [6], sizes = [1], strides = [1]} : vector<16xi32> to vector<1xi32>
    %squeeze3A_292 = vector.extract %slice3A_291[0] : i32 from vector<1xi32>
    %shift_right_arithmetic3A_293 = arith.constant 3 : i32
    %shift_right_arithmetic3A_294 = arith.shrsi %squeeze3A_292, %shift_right_arithmetic3A_293 : i32
    %slice3A_295 = vector.extract_strided_slice %get3A_8 {offsets = [6], sizes = [1], strides = [1]} : vector<16xi32> to vector<1xi32>
    %squeeze3A_296 = vector.extract %slice3A_295[0] : i32 from vector<1xi32>
    %and3A_297 = arith.constant 7 : i32
    %and3A_298 = arith.andi %squeeze3A_296, %and3A_297 : i32
    %dma_start3A_299 = arith.constant 0 : i32
    %dma_start3A_300 = arith.constant 6 : i32
    %dma_start3A_301 = arith.constant 0 : i32
    %dma_start3A_302 = tpu.memref_slice %arg12[%dma_start3A_299, %dma_start3A_300, %dma_start3A_301] : memref<2x32x64xf32, #tpu.memory_space<vmem>> -> memref<1x1x64xf32, #tpu.memory_space<vmem>>
    %dma_start3A_303 = tpu.memref_squeeze %dma_start3A_302 : memref<1x1x64xf32, #tpu.memory_space<vmem>> -> memref<64xf32, #tpu.memory_space<vmem>>
    %dma_start3A_304 = arith.constant 0 : i32
    %dma_start3A_305 = tpu.memref_slice %arg5[%shift_right_arithmetic3A_294, %and3A_298, %dma_start3A_304] : memref<125000x8x64xf32, #tpu.memory_space<hbm>> -> memref<1x1x64xf32, #tpu.memory_space<hbm>>
    %dma_start3A_306 = tpu.memref_squeeze %dma_start3A_305 : memref<1x1x64xf32, #tpu.memory_space<hbm>> -> memref<64xf32, #tpu.memory_space<hbm>>
    %dma_start3A_307 = arith.constant 0 : i32
    %dma_start3A_308 = tpu.memref_slice %arg12[%dma_start3A_299, %dma_start3A_300, %dma_start3A_307] : memref<2x32x64xf32, #tpu.memory_space<vmem>> -> memref<1x1x64xf32, #tpu.memory_space<vmem>>
    %dma_start3A_309 = tpu.memref_squeeze %dma_start3A_308 : memref<1x1x64xf32, #tpu.memory_space<vmem>> -> memref<64xf32, #tpu.memory_space<vmem>>
    %dma_start3A_310 = arith.constant 0 : i32
    %dma_start3A_311 = tpu.memref_slice %arg5[%shift_right_arithmetic3A_294, %and3A_298, %dma_start3A_310] : memref<125000x8x64xf32, #tpu.memory_space<hbm>> -> memref<1x1x64xf32, #tpu.memory_space<hbm>>
    %dma_start3A_312 = tpu.memref_squeeze %dma_start3A_311 : memref<1x1x64xf32, #tpu.memory_space<hbm>> -> memref<64xf32, #tpu.memory_space<hbm>>
    tpu.enqueue_dma source(%dma_start3A_312 : memref<64xf32, #tpu.memory_space<hbm>>) target(%dma_start3A_309 : memref<64xf32, #tpu.memory_space<vmem>>) target_semaphore(%arg17 : memref<!tpu.dma_semaphore, #tpu.memory_space<semaphore_mem>>)
    %slice3A_313 = vector.extract_strided_slice %get3A_6 {offsets = [7], sizes = [1], strides = [1]} : vector<16xi32> to vector<1xi32>
    %squeeze3A_314 = vector.extract %slice3A_313[0] : i32 from vector<1xi32>
    %shift_right_arithmetic3A_315 = arith.constant 3 : i32
    %shift_right_arithmetic3A_316 = arith.shrsi %squeeze3A_314, %shift_right_arithmetic3A_315 : i32
    %slice3A_317 = vector.extract_strided_slice %get3A_6 {offsets = [7], sizes = [1], strides = [1]} : vector<16xi32> to vector<1xi32>
    %squeeze3A_318 = vector.extract %slice3A_317[0] : i32 from vector<1xi32>
    %and3A_319 = arith.constant 7 : i32
    %and3A_320 = arith.andi %squeeze3A_318, %and3A_319 : i32
    %dma_start3A_321 = arith.constant 0 : i32
    %dma_start3A_322 = arith.constant 7 : i32
    %dma_start3A_323 = arith.constant 0 : i32
    %dma_start3A_324 = tpu.memref_slice %arg11[%dma_start3A_321, %dma_start3A_322, %dma_start3A_323] : memref<2x32x64xf32, #tpu.memory_space<vmem>> -> memref<1x1x64xf32, #tpu.memory_space<vmem>>
    %dma_start3A_325 = tpu.memref_squeeze %dma_start3A_324 : memref<1x1x64xf32, #tpu.memory_space<vmem>> -> memref<64xf32, #tpu.memory_space<vmem>>
    %dma_start3A_326 = arith.constant 0 : i32
    %dma_start3A_327 = tpu.memref_slice %arg4[%shift_right_arithmetic3A_316, %and3A_320, %dma_start3A_326] : memref<12500x8x64xf32, #tpu.memory_space<hbm>> -> memref<1x1x64xf32, #tpu.memory_space<hbm>>
    %dma_start3A_328 = tpu.memref_squeeze %dma_start3A_327 : memref<1x1x64xf32, #tpu.memory_space<hbm>> -> memref<64xf32, #tpu.memory_space<hbm>>
    %dma_start3A_329 = arith.constant 0 : i32
    %dma_start3A_330 = tpu.memref_slice %arg11[%dma_start3A_321, %dma_start3A_322, %dma_start3A_329] : memref<2x32x64xf32, #tpu.memory_space<vmem>> -> memref<1x1x64xf32, #tpu.memory_space<vmem>>
    %dma_start3A_331 = tpu.memref_squeeze %dma_start3A_330 : memref<1x1x64xf32, #tpu.memory_space<vmem>> -> memref<64xf32, #tpu.memory_space<vmem>>
    %dma_start3A_332 = arith.constant 0 : i32
    %dma_start3A_333 = tpu.memref_slice %arg4[%shift_right_arithmetic3A_316, %and3A_320, %dma_start3A_332] : memref<12500x8x64xf32, #tpu.memory_space<hbm>> -> memref<1x1x64xf32, #tpu.memory_space<hbm>>
    %dma_start3A_334 = tpu.memref_squeeze %dma_start3A_333 : memref<1x1x64xf32, #tpu.memory_space<hbm>> -> memref<64xf32, #tpu.memory_space<hbm>>
    tpu.enqueue_dma source(%dma_start3A_334 : memref<64xf32, #tpu.memory_space<hbm>>) target(%dma_start3A_331 : memref<64xf32, #tpu.memory_space<vmem>>) target_semaphore(%arg16 : memref<!tpu.dma_semaphore, #tpu.memory_space<semaphore_mem>>)
    %slice3A_335 = vector.extract_strided_slice %get3A_8 {offsets = [7], sizes = [1], strides = [1]} : vector<16xi32> to vector<1xi32>
    %squeeze3A_336 = vector.extract %slice3A_335[0] : i32 from vector<1xi32>
    %shift_right_arithmetic3A_337 = arith.constant 3 : i32
    %shift_right_arithmetic3A_338 = arith.shrsi %squeeze3A_336, %shift_right_arithmetic3A_337 : i32
    %slice3A_339 = vector.extract_strided_slice %get3A_8 {offsets = [7], sizes = [1], strides = [1]} : vector<16xi32> to vector<1xi32>
    %squeeze3A_340 = vector.extract %slice3A_339[0] : i32 from vector<1xi32>
    %and3A_341 = arith.constant 7 : i32
    %and3A_342 = arith.andi %squeeze3A_340, %and3A_341 : i32
    %dma_start3A_343 = arith.constant 0 : i32
    %dma_start3A_344 = arith.constant 7 : i32
    %dma_start3A_345 = arith.constant 0 : i32
    %dma_start3A_346 = tpu.memref_slice %arg12[%dma_start3A_343, %dma_start3A_344, %dma_start3A_345] : memref<2x32x64xf32, #tpu.memory_space<vmem>> -> memref<1x1x64xf32, #tpu.memory_space<vmem>>
    %dma_start3A_347 = tpu.memref_squeeze %dma_start3A_346 : memref<1x1x64xf32, #tpu.memory_space<vmem>> -> memref<64xf32, #tpu.memory_space<vmem>>
    %dma_start3A_348 = arith.constant 0 : i32
    %dma_start3A_349 = tpu.memref_slice %arg5[%shift_right_arithmetic3A_338, %and3A_342, %dma_start3A_348] : memref<125000x8x64xf32, #tpu.memory_space<hbm>> -> memref<1x1x64xf32, #tpu.memory_space<hbm>>
    %dma_start3A_350 = tpu.memref_squeeze %dma_start3A_349 : memref<1x1x64xf32, #tpu.memory_space<hbm>> -> memref<64xf32, #tpu.memory_space<hbm>>
    %dma_start3A_351 = arith.constant 0 : i32
    %dma_start3A_352 = tpu.memref_slice %arg12[%dma_start3A_343, %dma_start3A_344, %dma_start3A_351] : memref<2x32x64xf32, #tpu.memory_space<vmem>> -> memref<1x1x64xf32, #tpu.memory_space<vmem>>
    %dma_start3A_353 = tpu.memref_squeeze %dma_start3A_352 : memref<1x1x64xf32, #tpu.memory_space<vmem>> -> memref<64xf32, #tpu.memory_space<vmem>>
    %dma_start3A_354 = arith.constant 0 : i32
    %dma_start3A_355 = tpu.memref_slice %arg5[%shift_right_arithmetic3A_338, %and3A_342, %dma_start3A_354] : memref<125000x8x64xf32, #tpu.memory_space<hbm>> -> memref<1x1x64xf32, #tpu.memory_space<hbm>>
    %dma_start3A_356 = tpu.memref_squeeze %dma_start3A_355 : memref<1x1x64xf32, #tpu.memory_space<hbm>> -> memref<64xf32, #tpu.memory_space<hbm>>
    tpu.enqueue_dma source(%dma_start3A_356 : memref<64xf32, #tpu.memory_space<hbm>>) target(%dma_start3A_353 : memref<64xf32, #tpu.memory_space<vmem>>) target_semaphore(%arg17 : memref<!tpu.dma_semaphore, #tpu.memory_space<semaphore_mem>>)
    %slice3A_357 = vector.extract_strided_slice %get3A_6 {offsets = [8], sizes = [1], strides = [1]} : vector<16xi32> to vector<1xi32>
    %squeeze3A_358 = vector.extract %slice3A_357[0] : i32 from vector<1xi32>
    %shift_right_arithmetic3A_359 = arith.constant 3 : i32
    %shift_right_arithmetic3A_360 = arith.shrsi %squeeze3A_358, %shift_right_arithmetic3A_359 : i32
    %slice3A_361 = vector.extract_strided_slice %get3A_6 {offsets = [8], sizes = [1], strides = [1]} : vector<16xi32> to vector<1xi32>
    %squeeze3A_362 = vector.extract %slice3A_361[0] : i32 from vector<1xi32>
    %and3A_363 = arith.constant 7 : i32
    %and3A_364 = arith.andi %squeeze3A_362, %and3A_363 : i32
    %dma_start3A_365 = arith.constant 0 : i32
    %dma_start3A_366 = arith.constant 8 : i32
    %dma_start3A_367 = arith.constant 0 : i32
    %dma_start3A_368 = tpu.memref_slice %arg11[%dma_start3A_365, %dma_start3A_366, %dma_start3A_367] : memref<2x32x64xf32, #tpu.memory_space<vmem>> -> memref<1x1x64xf32, #tpu.memory_space<vmem>>
    %dma_start3A_369 = tpu.memref_squeeze %dma_start3A_368 : memref<1x1x64xf32, #tpu.memory_space<vmem>> -> memref<64xf32, #tpu.memory_space<vmem>>
    %dma_start3A_370 = arith.constant 0 : i32
    %dma_start3A_371 = tpu.memref_slice %arg4[%shift_right_arithmetic3A_360, %and3A_364, %dma_start3A_370] : memref<12500x8x64xf32, #tpu.memory_space<hbm>> -> memref<1x1x64xf32, #tpu.memory_space<hbm>>
    %dma_start3A_372 = tpu.memref_squeeze %dma_start3A_371 : memref<1x1x64xf32, #tpu.memory_space<hbm>> -> memref<64xf32, #tpu.memory_space<hbm>>
    %dma_start3A_373 = arith.constant 0 : i32
    %dma_start3A_374 = tpu.memref_slice %arg11[%dma_start3A_365, %dma_start3A_366, %dma_start3A_373] : memref<2x32x64xf32, #tpu.memory_space<vmem>> -> memref<1x1x64xf32, #tpu.memory_space<vmem>>
    %dma_start3A_375 = tpu.memref_squeeze %dma_start3A_374 : memref<1x1x64xf32, #tpu.memory_space<vmem>> -> memref<64xf32, #tpu.memory_space<vmem>>
    %dma_start3A_376 = arith.constant 0 : i32
    %dma_start3A_377 = tpu.memref_slice %arg4[%shift_right_arithmetic3A_360, %and3A_364, %dma_start3A_376] : memref<12500x8x64xf32, #tpu.memory_space<hbm>> -> memref<1x1x64xf32, #tpu.memory_space<hbm>>
    %dma_start3A_378 = tpu.memref_squeeze %dma_start3A_377 : memref<1x1x64xf32, #tpu.memory_space<hbm>> -> memref<64xf32, #tpu.memory_space<hbm>>
    tpu.enqueue_dma source(%dma_start3A_378 : memref<64xf32, #tpu.memory_space<hbm>>) target(%dma_start3A_375 : memref<64xf32, #tpu.memory_space<vmem>>) target_semaphore(%arg16 : memref<!tpu.dma_semaphore, #tpu.memory_space<semaphore_mem>>)
    %slice3A_379 = vector.extract_strided_slice %get3A_8 {offsets = [8], sizes = [1], strides = [1]} : vector<16xi32> to vector<1xi32>
    %squeeze3A_380 = vector.extract %slice3A_379[0] : i32 from vector<1xi32>
    %shift_right_arithmetic3A_381 = arith.constant 3 : i32
    %shift_right_arithmetic3A_382 = arith.shrsi %squeeze3A_380, %shift_right_arithmetic3A_381 : i32
    %slice3A_383 = vector.extract_strided_slice %get3A_8 {offsets = [8], sizes = [1], strides = [1]} : vector<16xi32> to vector<1xi32>
    %squeeze3A_384 = vector.extract %slice3A_383[0] : i32 from vector<1xi32>
    %and3A_385 = arith.constant 7 : i32
    %and3A_386 = arith.andi %squeeze3A_384, %and3A_385 : i32
    %dma_start3A_387 = arith.constant 0 : i32
    %dma_start3A_388 = arith.constant 8 : i32
    %dma_start3A_389 = arith.constant 0 : i32
    %dma_start3A_390 = tpu.memref_slice %arg12[%dma_start3A_387, %dma_start3A_388, %dma_start3A_389] : memref<2x32x64xf32, #tpu.memory_space<vmem>> -> memref<1x1x64xf32, #tpu.memory_space<vmem>>
    %dma_start3A_391 = tpu.memref_squeeze %dma_start3A_390 : memref<1x1x64xf32, #tpu.memory_space<vmem>> -> memref<64xf32, #tpu.memory_space<vmem>>
    %dma_start3A_392 = arith.constant 0 : i32
    %dma_start3A_393 = tpu.memref_slice %arg5[%shift_right_arithmetic3A_382, %and3A_386, %dma_start3A_392] : memref<125000x8x64xf32, #tpu.memory_space<hbm>> -> memref<1x1x64xf32, #tpu.memory_space<hbm>>
    %dma_start3A_394 = tpu.memref_squeeze %dma_start3A_393 : memref<1x1x64xf32, #tpu.memory_space<hbm>> -> memref<64xf32, #tpu.memory_space<hbm>>
    %dma_start3A_395 = arith.constant 0 : i32
    %dma_start3A_396 = tpu.memref_slice %arg12[%dma_start3A_387, %dma_start3A_388, %dma_start3A_395] : memref<2x32x64xf32, #tpu.memory_space<vmem>> -> memref<1x1x64xf32, #tpu.memory_space<vmem>>
    %dma_start3A_397 = tpu.memref_squeeze %dma_start3A_396 : memref<1x1x64xf32, #tpu.memory_space<vmem>> -> memref<64xf32, #tpu.memory_space<vmem>>
    %dma_start3A_398 = arith.constant 0 : i32
    %dma_start3A_399 = tpu.memref_slice %arg5[%shift_right_arithmetic3A_382, %and3A_386, %dma_start3A_398] : memref<125000x8x64xf32, #tpu.memory_space<hbm>> -> memref<1x1x64xf32, #tpu.memory_space<hbm>>
    %dma_start3A_400 = tpu.memref_squeeze %dma_start3A_399 : memref<1x1x64xf32, #tpu.memory_space<hbm>> -> memref<64xf32, #tpu.memory_space<hbm>>
    tpu.enqueue_dma source(%dma_start3A_400 : memref<64xf32, #tpu.memory_space<hbm>>) target(%dma_start3A_397 : memref<64xf32, #tpu.memory_space<vmem>>) target_semaphore(%arg17 : memref<!tpu.dma_semaphore, #tpu.memory_space<semaphore_mem>>)
    %slice3A_401 = vector.extract_strided_slice %get3A_6 {offsets = [9], sizes = [1], strides = [1]} : vector<16xi32> to vector<1xi32>
    %squeeze3A_402 = vector.extract %slice3A_401[0] : i32 from vector<1xi32>
    %shift_right_arithmetic3A_403 = arith.constant 3 : i32
    %shift_right_arithmetic3A_404 = arith.shrsi %squeeze3A_402, %shift_right_arithmetic3A_403 : i32
    %slice3A_405 = vector.extract_strided_slice %get3A_6 {offsets = [9], sizes = [1], strides = [1]} : vector<16xi32> to vector<1xi32>
    %squeeze3A_406 = vector.extract %slice3A_405[0] : i32 from vector<1xi32>
    %and3A_407 = arith.constant 7 : i32
    %and3A_408 = arith.andi %squeeze3A_406, %and3A_407 : i32
    %dma_start3A_409 = arith.constant 0 : i32
    %dma_start3A_410 = arith.constant 9 : i32
    %dma_start3A_411 = arith.constant 0 : i32
    %dma_start3A_412 = tpu.memref_slice %arg11[%dma_start3A_409, %dma_start3A_410, %dma_start3A_411] : memref<2x32x64xf32, #tpu.memory_space<vmem>> -> memref<1x1x64xf32, #tpu.memory_space<vmem>>
    %dma_start3A_413 = tpu.memref_squeeze %dma_start3A_412 : memref<1x1x64xf32, #tpu.memory_space<vmem>> -> memref<64xf32, #tpu.memory_space<vmem>>
    %dma_start3A_414 = arith.constant 0 : i32
    %dma_start3A_415 = tpu.memref_slice %arg4[%shift_right_arithmetic3A_404, %and3A_408, %dma_start3A_414] : memref<12500x8x64xf32, #tpu.memory_space<hbm>> -> memref<1x1x64xf32, #tpu.memory_space<hbm>>
    %dma_start3A_416 = tpu.memref_squeeze %dma_start3A_415 : memref<1x1x64xf32, #tpu.memory_space<hbm>> -> memref<64xf32, #tpu.memory_space<hbm>>
    %dma_start3A_417 = arith.constant 0 : i32
    %dma_start3A_418 = tpu.memref_slice %arg11[%dma_start3A_409, %dma_start3A_410, %dma_start3A_417] : memref<2x32x64xf32, #tpu.memory_space<vmem>> -> memref<1x1x64xf32, #tpu.memory_space<vmem>>
    %dma_start3A_419 = tpu.memref_squeeze %dma_start3A_418 : memref<1x1x64xf32, #tpu.memory_space<vmem>> -> memref<64xf32, #tpu.memory_space<vmem>>
    %dma_start3A_420 = arith.constant 0 : i32
    %dma_start3A_421 = tpu.memref_slice %arg4[%shift_right_arithmetic3A_404, %and3A_408, %dma_start3A_420] : memref<12500x8x64xf32, #tpu.memory_space<hbm>> -> memref<1x1x64xf32, #tpu.memory_space<hbm>>
    %dma_start3A_422 = tpu.memref_squeeze %dma_start3A_421 : memref<1x1x64xf32, #tpu.memory_space<hbm>> -> memref<64xf32, #tpu.memory_space<hbm>>
    tpu.enqueue_dma source(%dma_start3A_422 : memref<64xf32, #tpu.memory_space<hbm>>) target(%dma_start3A_419 : memref<64xf32, #tpu.memory_space<vmem>>) target_semaphore(%arg16 : memref<!tpu.dma_semaphore, #tpu.memory_space<semaphore_mem>>)
    %slice3A_423 = vector.extract_strided_slice %get3A_8 {offsets = [9], sizes = [1], strides = [1]} : vector<16xi32> to vector<1xi32>
    %squeeze3A_424 = vector.extract %slice3A_423[0] : i32 from vector<1xi32>
    %shift_right_arithmetic3A_425 = arith.constant 3 : i32
    %shift_right_arithmetic3A_426 = arith.shrsi %squeeze3A_424, %shift_right_arithmetic3A_425 : i32
    %slice3A_427 = vector.extract_strided_slice %get3A_8 {offsets = [9], sizes = [1], strides = [1]} : vector<16xi32> to vector<1xi32>
    %squeeze3A_428 = vector.extract %slice3A_427[0] : i32 from vector<1xi32>
    %and3A_429 = arith.constant 7 : i32
    %and3A_430 = arith.andi %squeeze3A_428, %and3A_429 : i32
    %dma_start3A_431 = arith.constant 0 : i32
    %dma_start3A_432 = arith.constant 9 : i32
    %dma_start3A_433 = arith.constant 0 : i32
    %dma_start3A_434 = tpu.memref_slice %arg12[%dma_start3A_431, %dma_start3A_432, %dma_start3A_433] : memref<2x32x64xf32, #tpu.memory_space<vmem>> -> memref<1x1x64xf32, #tpu.memory_space<vmem>>
    %dma_start3A_435 = tpu.memref_squeeze %dma_start3A_434 : memref<1x1x64xf32, #tpu.memory_space<vmem>> -> memref<64xf32, #tpu.memory_space<vmem>>
    %dma_start3A_436 = arith.constant 0 : i32
    %dma_start3A_437 = tpu.memref_slice %arg5[%shift_right_arithmetic3A_426, %and3A_430, %dma_start3A_436] : memref<125000x8x64xf32, #tpu.memory_space<hbm>> -> memref<1x1x64xf32, #tpu.memory_space<hbm>>
    %dma_start3A_438 = tpu.memref_squeeze %dma_start3A_437 : memref<1x1x64xf32, #tpu.memory_space<hbm>> -> memref<64xf32, #tpu.memory_space<hbm>>
    %dma_start3A_439 = arith.constant 0 : i32
    %dma_start3A_440 = tpu.memref_slice %arg12[%dma_start3A_431, %dma_start3A_432, %dma_start3A_439] : memref<2x32x64xf32, #tpu.memory_space<vmem>> -> memref<1x1x64xf32, #tpu.memory_space<vmem>>
    %dma_start3A_441 = tpu.memref_squeeze %dma_start3A_440 : memref<1x1x64xf32, #tpu.memory_space<vmem>> -> memref<64xf32, #tpu.memory_space<vmem>>
    %dma_start3A_442 = arith.constant 0 : i32
    %dma_start3A_443 = tpu.memref_slice %arg5[%shift_right_arithmetic3A_426, %and3A_430, %dma_start3A_442] : memref<125000x8x64xf32, #tpu.memory_space<hbm>> -> memref<1x1x64xf32, #tpu.memory_space<hbm>>
    %dma_start3A_444 = tpu.memref_squeeze %dma_start3A_443 : memref<1x1x64xf32, #tpu.memory_space<hbm>> -> memref<64xf32, #tpu.memory_space<hbm>>
    tpu.enqueue_dma source(%dma_start3A_444 : memref<64xf32, #tpu.memory_space<hbm>>) target(%dma_start3A_441 : memref<64xf32, #tpu.memory_space<vmem>>) target_semaphore(%arg17 : memref<!tpu.dma_semaphore, #tpu.memory_space<semaphore_mem>>)
    %slice3A_445 = vector.extract_strided_slice %get3A_6 {offsets = [10], sizes = [1], strides = [1]} : vector<16xi32> to vector<1xi32>
    %squeeze3A_446 = vector.extract %slice3A_445[0] : i32 from vector<1xi32>
    %shift_right_arithmetic3A_447 = arith.constant 3 : i32
    %shift_right_arithmetic3A_448 = arith.shrsi %squeeze3A_446, %shift_right_arithmetic3A_447 : i32
    %slice3A_449 = vector.extract_strided_slice %get3A_6 {offsets = [10], sizes = [1], strides = [1]} : vector<16xi32> to vector<1xi32>
    %squeeze3A_450 = vector.extract %slice3A_449[0] : i32 from vector<1xi32>
    %and3A_451 = arith.constant 7 : i32
    %and3A_452 = arith.andi %squeeze3A_450, %and3A_451 : i32
    %dma_start3A_453 = arith.constant 0 : i32
    %dma_start3A_454 = arith.constant 10 : i32
    %dma_start3A_455 = arith.constant 0 : i32
    %dma_start3A_456 = tpu.memref_slice %arg11[%dma_start3A_453, %dma_start3A_454, %dma_start3A_455] : memref<2x32x64xf32, #tpu.memory_space<vmem>> -> memref<1x1x64xf32, #tpu.memory_space<vmem>>
    %dma_start3A_457 = tpu.memref_squeeze %dma_start3A_456 : memref<1x1x64xf32, #tpu.memory_space<vmem>> -> memref<64xf32, #tpu.memory_space<vmem>>
    %dma_start3A_458 = arith.constant 0 : i32
    %dma_start3A_459 = tpu.memref_slice %arg4[%shift_right_arithmetic3A_448, %and3A_452, %dma_start3A_458] : memref<12500x8x64xf32, #tpu.memory_space<hbm>> -> memref<1x1x64xf32, #tpu.memory_space<hbm>>
    %dma_start3A_460 = tpu.memref_squeeze %dma_start3A_459 : memref<1x1x64xf32, #tpu.memory_space<hbm>> -> memref<64xf32, #tpu.memory_space<hbm>>
    %dma_start3A_461 = arith.constant 0 : i32
    %dma_start3A_462 = tpu.memref_slice %arg11[%dma_start3A_453, %dma_start3A_454, %dma_start3A_461] : memref<2x32x64xf32, #tpu.memory_space<vmem>> -> memref<1x1x64xf32, #tpu.memory_space<vmem>>
    %dma_start3A_463 = tpu.memref_squeeze %dma_start3A_462 : memref<1x1x64xf32, #tpu.memory_space<vmem>> -> memref<64xf32, #tpu.memory_space<vmem>>
    %dma_start3A_464 = arith.constant 0 : i32
    %dma_start3A_465 = tpu.memref_slice %arg4[%shift_right_arithmetic3A_448, %and3A_452, %dma_start3A_464] : memref<12500x8x64xf32, #tpu.memory_space<hbm>> -> memref<1x1x64xf32, #tpu.memory_space<hbm>>
    %dma_start3A_466 = tpu.memref_squeeze %dma_start3A_465 : memref<1x1x64xf32, #tpu.memory_space<hbm>> -> memref<64xf32, #tpu.memory_space<hbm>>
    tpu.enqueue_dma source(%dma_start3A_466 : memref<64xf32, #tpu.memory_space<hbm>>) target(%dma_start3A_463 : memref<64xf32, #tpu.memory_space<vmem>>) target_semaphore(%arg16 : memref<!tpu.dma_semaphore, #tpu.memory_space<semaphore_mem>>)
    %slice3A_467 = vector.extract_strided_slice %get3A_8 {offsets = [10], sizes = [1], strides = [1]} : vector<16xi32> to vector<1xi32>
    %squeeze3A_468 = vector.extract %slice3A_467[0] : i32 from vector<1xi32>
    %shift_right_arithmetic3A_469 = arith.constant 3 : i32
    %shift_right_arithmetic3A_470 = arith.shrsi %squeeze3A_468, %shift_right_arithmetic3A_469 : i32
    %slice3A_471 = vector.extract_strided_slice %get3A_8 {offsets = [10], sizes = [1], strides = [1]} : vector<16xi32> to vector<1xi32>
    %squeeze3A_472 = vector.extract %slice3A_471[0] : i32 from vector<1xi32>
    %and3A_473 = arith.constant 7 : i32
    %and3A_474 = arith.andi %squeeze3A_472, %and3A_473 : i32
    %dma_start3A_475 = arith.constant 0 : i32
    %dma_start3A_476 = arith.constant 10 : i32
    %dma_start3A_477 = arith.constant 0 : i32
    %dma_start3A_478 = tpu.memref_slice %arg12[%dma_start3A_475, %dma_start3A_476, %dma_start3A_477] : memref<2x32x64xf32, #tpu.memory_space<vmem>> -> memref<1x1x64xf32, #tpu.memory_space<vmem>>
    %dma_start3A_479 = tpu.memref_squeeze %dma_start3A_478 : memref<1x1x64xf32, #tpu.memory_space<vmem>> -> memref<64xf32, #tpu.memory_space<vmem>>
    %dma_start3A_480 = arith.constant 0 : i32
    %dma_start3A_481 = tpu.memref_slice %arg5[%shift_right_arithmetic3A_470, %and3A_474, %dma_start3A_480] : memref<125000x8x64xf32, #tpu.memory_space<hbm>> -> memref<1x1x64xf32, #tpu.memory_space<hbm>>
    %dma_start3A_482 = tpu.memref_squeeze %dma_start3A_481 : memref<1x1x64xf32, #tpu.memory_space<hbm>> -> memref<64xf32, #tpu.memory_space<hbm>>
    %dma_start3A_483 = arith.constant 0 : i32
    %dma_start3A_484 = tpu.memref_slice %arg12[%dma_start3A_475, %dma_start3A_476, %dma_start3A_483] : memref<2x32x64xf32, #tpu.memory_space<vmem>> -> memref<1x1x64xf32, #tpu.memory_space<vmem>>
    %dma_start3A_485 = tpu.memref_squeeze %dma_start3A_484 : memref<1x1x64xf32, #tpu.memory_space<vmem>> -> memref<64xf32, #tpu.memory_space<vmem>>
    %dma_start3A_486 = arith.constant 0 : i32
    %dma_start3A_487 = tpu.memref_slice %arg5[%shift_right_arithmetic3A_470, %and3A_474, %dma_start3A_486] : memref<125000x8x64xf32, #tpu.memory_space<hbm>> -> memref<1x1x64xf32, #tpu.memory_space<hbm>>
    %dma_start3A_488 = tpu.memref_squeeze %dma_start3A_487 : memref<1x1x64xf32, #tpu.memory_space<hbm>> -> memref<64xf32, #tpu.memory_space<hbm>>
    tpu.enqueue_dma source(%dma_start3A_488 : memref<64xf32, #tpu.memory_space<hbm>>) target(%dma_start3A_485 : memref<64xf32, #tpu.memory_space<vmem>>) target_semaphore(%arg17 : memref<!tpu.dma_semaphore, #tpu.memory_space<semaphore_mem>>)
    %slice3A_489 = vector.extract_strided_slice %get3A_6 {offsets = [11], sizes = [1], strides = [1]} : vector<16xi32> to vector<1xi32>
    %squeeze3A_490 = vector.extract %slice3A_489[0] : i32 from vector<1xi32>
    %shift_right_arithmetic3A_491 = arith.constant 3 : i32
    %shift_right_arithmetic3A_492 = arith.shrsi %squeeze3A_490, %shift_right_arithmetic3A_491 : i32
    %slice3A_493 = vector.extract_strided_slice %get3A_6 {offsets = [11], sizes = [1], strides = [1]} : vector<16xi32> to vector<1xi32>
    %squeeze3A_494 = vector.extract %slice3A_493[0] : i32 from vector<1xi32>
    %and3A_495 = arith.constant 7 : i32
    %and3A_496 = arith.andi %squeeze3A_494, %and3A_495 : i32
    %dma_start3A_497 = arith.constant 0 : i32
    %dma_start3A_498 = arith.constant 11 : i32
    %dma_start3A_499 = arith.constant 0 : i32
    %dma_start3A_500 = tpu.memref_slice %arg11[%dma_start3A_497, %dma_start3A_498, %dma_start3A_499] : memref<2x32x64xf32, #tpu.memory_space<vmem>> -> memref<1x1x64xf32, #tpu.memory_space<vmem>>
    %dma_start3A_501 = tpu.memref_squeeze %dma_start3A_500 : memref<1x1x64xf32, #tpu.memory_space<vmem>> -> memref<64xf32, #tpu.memory_space<vmem>>
    %dma_start3A_502 = arith.constant 0 : i32
    %dma_start3A_503 = tpu.memref_slice %arg4[%shift_right_arithmetic3A_492, %and3A_496, %dma_start3A_502] : memref<12500x8x64xf32, #tpu.memory_space<hbm>> -> memref<1x1x64xf32, #tpu.memory_space<hbm>>
    %dma_start3A_504 = tpu.memref_squeeze %dma_start3A_503 : memref<1x1x64xf32, #tpu.memory_space<hbm>> -> memref<64xf32, #tpu.memory_space<hbm>>
    %dma_start3A_505 = arith.constant 0 : i32
    %dma_start3A_506 = tpu.memref_slice %arg11[%dma_start3A_497, %dma_start3A_498, %dma_start3A_505] : memref<2x32x64xf32, #tpu.memory_space<vmem>> -> memref<1x1x64xf32, #tpu.memory_space<vmem>>
    %dma_start3A_507 = tpu.memref_squeeze %dma_start3A_506 : memref<1x1x64xf32, #tpu.memory_space<vmem>> -> memref<64xf32, #tpu.memory_space<vmem>>
    %dma_start3A_508 = arith.constant 0 : i32
    %dma_start3A_509 = tpu.memref_slice %arg4[%shift_right_arithmetic3A_492, %and3A_496, %dma_start3A_508] : memref<12500x8x64xf32, #tpu.memory_space<hbm>> -> memref<1x1x64xf32, #tpu.memory_space<hbm>>
    %dma_start3A_510 = tpu.memref_squeeze %dma_start3A_509 : memref<1x1x64xf32, #tpu.memory_space<hbm>> -> memref<64xf32, #tpu.memory_space<hbm>>
    tpu.enqueue_dma source(%dma_start3A_510 : memref<64xf32, #tpu.memory_space<hbm>>) target(%dma_start3A_507 : memref<64xf32, #tpu.memory_space<vmem>>) target_semaphore(%arg16 : memref<!tpu.dma_semaphore, #tpu.memory_space<semaphore_mem>>)
    %slice3A_511 = vector.extract_strided_slice %get3A_8 {offsets = [11], sizes = [1], strides = [1]} : vector<16xi32> to vector<1xi32>
    %squeeze3A_512 = vector.extract %slice3A_511[0] : i32 from vector<1xi32>
    %shift_right_arithmetic3A_513 = arith.constant 3 : i32
    %shift_right_arithmetic3A_514 = arith.shrsi %squeeze3A_512, %shift_right_arithmetic3A_513 : i32
    %slice3A_515 = vector.extract_strided_slice %get3A_8 {offsets = [11], sizes = [1], strides = [1]} : vector<16xi32> to vector<1xi32>
    %squeeze3A_516 = vector.extract %slice3A_515[0] : i32 from vector<1xi32>
    %and3A_517 = arith.constant 7 : i32
    %and3A_518 = arith.andi %squeeze3A_516, %and3A_517 : i32
    %dma_start3A_519 = arith.constant 0 : i32
    %dma_start3A_520 = arith.constant 11 : i32
    %dma_start3A_521 = arith.constant 0 : i32
    %dma_start3A_522 = tpu.memref_slice %arg12[%dma_start3A_519, %dma_start3A_520, %dma_start3A_521] : memref<2x32x64xf32, #tpu.memory_space<vmem>> -> memref<1x1x64xf32, #tpu.memory_space<vmem>>
    %dma_start3A_523 = tpu.memref_squeeze %dma_start3A_522 : memref<1x1x64xf32, #tpu.memory_space<vmem>> -> memref<64xf32, #tpu.memory_space<vmem>>
    %dma_start3A_524 = arith.constant 0 : i32
    %dma_start3A_525 = tpu.memref_slice %arg5[%shift_right_arithmetic3A_514, %and3A_518, %dma_start3A_524] : memref<125000x8x64xf32, #tpu.memory_space<hbm>> -> memref<1x1x64xf32, #tpu.memory_space<hbm>>
    %dma_start3A_526 = tpu.memref_squeeze %dma_start3A_525 : memref<1x1x64xf32, #tpu.memory_space<hbm>> -> memref<64xf32, #tpu.memory_space<hbm>>
    %dma_start3A_527 = arith.constant 0 : i32
    %dma_start3A_528 = tpu.memref_slice %arg12[%dma_start3A_519, %dma_start3A_520, %dma_start3A_527] : memref<2x32x64xf32, #tpu.memory_space<vmem>> -> memref<1x1x64xf32, #tpu.memory_space<vmem>>
    %dma_start3A_529 = tpu.memref_squeeze %dma_start3A_528 : memref<1x1x64xf32, #tpu.memory_space<vmem>> -> memref<64xf32, #tpu.memory_space<vmem>>
    %dma_start3A_530 = arith.constant 0 : i32
    %dma_start3A_531 = tpu.memref_slice %arg5[%shift_right_arithmetic3A_514, %and3A_518, %dma_start3A_530] : memref<125000x8x64xf32, #tpu.memory_space<hbm>> -> memref<1x1x64xf32, #tpu.memory_space<hbm>>
    %dma_start3A_532 = tpu.memref_squeeze %dma_start3A_531 : memref<1x1x64xf32, #tpu.memory_space<hbm>> -> memref<64xf32, #tpu.memory_space<hbm>>
    tpu.enqueue_dma source(%dma_start3A_532 : memref<64xf32, #tpu.memory_space<hbm>>) target(%dma_start3A_529 : memref<64xf32, #tpu.memory_space<vmem>>) target_semaphore(%arg17 : memref<!tpu.dma_semaphore, #tpu.memory_space<semaphore_mem>>)
    %slice3A_533 = vector.extract_strided_slice %get3A_6 {offsets = [12], sizes = [1], strides = [1]} : vector<16xi32> to vector<1xi32>
    %squeeze3A_534 = vector.extract %slice3A_533[0] : i32 from vector<1xi32>
    %shift_right_arithmetic3A_535 = arith.constant 3 : i32
    %shift_right_arithmetic3A_536 = arith.shrsi %squeeze3A_534, %shift_right_arithmetic3A_535 : i32
    %slice3A_537 = vector.extract_strided_slice %get3A_6 {offsets = [12], sizes = [1], strides = [1]} : vector<16xi32> to vector<1xi32>
    %squeeze3A_538 = vector.extract %slice3A_537[0] : i32 from vector<1xi32>
    %and3A_539 = arith.constant 7 : i32
    %and3A_540 = arith.andi %squeeze3A_538, %and3A_539 : i32
    %dma_start3A_541 = arith.constant 0 : i32
    %dma_start3A_542 = arith.constant 12 : i32
    %dma_start3A_543 = arith.constant 0 : i32
    %dma_start3A_544 = tpu.memref_slice %arg11[%dma_start3A_541, %dma_start3A_542, %dma_start3A_543] : memref<2x32x64xf32, #tpu.memory_space<vmem>> -> memref<1x1x64xf32, #tpu.memory_space<vmem>>
    %dma_start3A_545 = tpu.memref_squeeze %dma_start3A_544 : memref<1x1x64xf32, #tpu.memory_space<vmem>> -> memref<64xf32, #tpu.memory_space<vmem>>
    %dma_start3A_546 = arith.constant 0 : i32
    %dma_start3A_547 = tpu.memref_slice %arg4[%shift_right_arithmetic3A_536, %and3A_540, %dma_start3A_546] : memref<12500x8x64xf32, #tpu.memory_space<hbm>> -> memref<1x1x64xf32, #tpu.memory_space<hbm>>
    %dma_start3A_548 = tpu.memref_squeeze %dma_start3A_547 : memref<1x1x64xf32, #tpu.memory_space<hbm>> -> memref<64xf32, #tpu.memory_space<hbm>>
    %dma_start3A_549 = arith.constant 0 : i32
    %dma_start3A_550 = tpu.memref_slice %arg11[%dma_start3A_541, %dma_start3A_542, %dma_start3A_549] : memref<2x32x64xf32, #tpu.memory_space<vmem>> -> memref<1x1x64xf32, #tpu.memory_space<vmem>>
    %dma_start3A_551 = tpu.memref_squeeze %dma_start3A_550 : memref<1x1x64xf32, #tpu.memory_space<vmem>> -> memref<64xf32, #tpu.memory_space<vmem>>
    %dma_start3A_552 = arith.constant 0 : i32
    %dma_start3A_553 = tpu.memref_slice %arg4[%shift_right_arithmetic3A_536, %and3A_540, %dma_start3A_552] : memref<12500x8x64xf32, #tpu.memory_space<hbm>> -> memref<1x1x64xf32, #tpu.memory_space<hbm>>
    %dma_start3A_554 = tpu.memref_squeeze %dma_start3A_553 : memref<1x1x64xf32, #tpu.memory_space<hbm>> -> memref<64xf32, #tpu.memory_space<hbm>>
    tpu.enqueue_dma source(%dma_start3A_554 : memref<64xf32, #tpu.memory_space<hbm>>) target(%dma_start3A_551 : memref<64xf32, #tpu.memory_space<vmem>>) target_semaphore(%arg16 : memref<!tpu.dma_semaphore, #tpu.memory_space<semaphore_mem>>)
    %slice3A_555 = vector.extract_strided_slice %get3A_8 {offsets = [12], sizes = [1], strides = [1]} : vector<16xi32> to vector<1xi32>
    %squeeze3A_556 = vector.extract %slice3A_555[0] : i32 from vector<1xi32>
    %shift_right_arithmetic3A_557 = arith.constant 3 : i32
    %shift_right_arithmetic3A_558 = arith.shrsi %squeeze3A_556, %shift_right_arithmetic3A_557 : i32
    %slice3A_559 = vector.extract_strided_slice %get3A_8 {offsets = [12], sizes = [1], strides = [1]} : vector<16xi32> to vector<1xi32>
    %squeeze3A_560 = vector.extract %slice3A_559[0] : i32 from vector<1xi32>
    %and3A_561 = arith.constant 7 : i32
    %and3A_562 = arith.andi %squeeze3A_560, %and3A_561 : i32
    %dma_start3A_563 = arith.constant 0 : i32
    %dma_start3A_564 = arith.constant 12 : i32
    %dma_start3A_565 = arith.constant 0 : i32
    %dma_start3A_566 = tpu.memref_slice %arg12[%dma_start3A_563, %dma_start3A_564, %dma_start3A_565] : memref<2x32x64xf32, #tpu.memory_space<vmem>> -> memref<1x1x64xf32, #tpu.memory_space<vmem>>
    %dma_start3A_567 = tpu.memref_squeeze %dma_start3A_566 : memref<1x1x64xf32, #tpu.memory_space<vmem>> -> memref<64xf32, #tpu.memory_space<vmem>>
    %dma_start3A_568 = arith.constant 0 : i32
    %dma_start3A_569 = tpu.memref_slice %arg5[%shift_right_arithmetic3A_558, %and3A_562, %dma_start3A_568] : memref<125000x8x64xf32, #tpu.memory_space<hbm>> -> memref<1x1x64xf32, #tpu.memory_space<hbm>>
    %dma_start3A_570 = tpu.memref_squeeze %dma_start3A_569 : memref<1x1x64xf32, #tpu.memory_space<hbm>> -> memref<64xf32, #tpu.memory_space<hbm>>
    %dma_start3A_571 = arith.constant 0 : i32
    %dma_start3A_572 = tpu.memref_slice %arg12[%dma_start3A_563, %dma_start3A_564, %dma_start3A_571] : memref<2x32x64xf32, #tpu.memory_space<vmem>> -> memref<1x1x64xf32, #tpu.memory_space<vmem>>
    %dma_start3A_573 = tpu.memref_squeeze %dma_start3A_572 : memref<1x1x64xf32, #tpu.memory_space<vmem>> -> memref<64xf32, #tpu.memory_space<vmem>>
    %dma_start3A_574 = arith.constant 0 : i32
    %dma_start3A_575 = tpu.memref_slice %arg5[%shift_right_arithmetic3A_558, %and3A_562, %dma_start3A_574] : memref<125000x8x64xf32, #tpu.memory_space<hbm>> -> memref<1x1x64xf32, #tpu.memory_space<hbm>>
    %dma_start3A_576 = tpu.memref_squeeze %dma_start3A_575 : memref<1x1x64xf32, #tpu.memory_space<hbm>> -> memref<64xf32, #tpu.memory_space<hbm>>
    tpu.enqueue_dma source(%dma_start3A_576 : memref<64xf32, #tpu.memory_space<hbm>>) target(%dma_start3A_573 : memref<64xf32, #tpu.memory_space<vmem>>) target_semaphore(%arg17 : memref<!tpu.dma_semaphore, #tpu.memory_space<semaphore_mem>>)
    %slice3A_577 = vector.extract_strided_slice %get3A_6 {offsets = [13], sizes = [1], strides = [1]} : vector<16xi32> to vector<1xi32>
    %squeeze3A_578 = vector.extract %slice3A_577[0] : i32 from vector<1xi32>
    %shift_right_arithmetic3A_579 = arith.constant 3 : i32
    %shift_right_arithmetic3A_580 = arith.shrsi %squeeze3A_578, %shift_right_arithmetic3A_579 : i32
    %slice3A_581 = vector.extract_strided_slice %get3A_6 {offsets = [13], sizes = [1], strides = [1]} : vector<16xi32> to vector<1xi32>
    %squeeze3A_582 = vector.extract %slice3A_581[0] : i32 from vector<1xi32>
    %and3A_583 = arith.constant 7 : i32
    %and3A_584 = arith.andi %squeeze3A_582, %and3A_583 : i32
    %dma_start3A_585 = arith.constant 0 : i32
    %dma_start3A_586 = arith.constant 13 : i32
    %dma_start3A_587 = arith.constant 0 : i32
    %dma_start3A_588 = tpu.memref_slice %arg11[%dma_start3A_585, %dma_start3A_586, %dma_start3A_587] : memref<2x32x64xf32, #tpu.memory_space<vmem>> -> memref<1x1x64xf32, #tpu.memory_space<vmem>>
    %dma_start3A_589 = tpu.memref_squeeze %dma_start3A_588 : memref<1x1x64xf32, #tpu.memory_space<vmem>> -> memref<64xf32, #tpu.memory_space<vmem>>
    %dma_start3A_590 = arith.constant 0 : i32
    %dma_start3A_591 = tpu.memref_slice %arg4[%shift_right_arithmetic3A_580, %and3A_584, %dma_start3A_590] : memref<12500x8x64xf32, #tpu.memory_space<hbm>> -> memref<1x1x64xf32, #tpu.memory_space<hbm>>
    %dma_start3A_592 = tpu.memref_squeeze %dma_start3A_591 : memref<1x1x64xf32, #tpu.memory_space<hbm>> -> memref<64xf32, #tpu.memory_space<hbm>>
    %dma_start3A_593 = arith.constant 0 : i32
    %dma_start3A_594 = tpu.memref_slice %arg11[%dma_start3A_585, %dma_start3A_586, %dma_start3A_593] : memref<2x32x64xf32, #tpu.memory_space<vmem>> -> memref<1x1x64xf32, #tpu.memory_space<vmem>>
    %dma_start3A_595 = tpu.memref_squeeze %dma_start3A_594 : memref<1x1x64xf32, #tpu.memory_space<vmem>> -> memref<64xf32, #tpu.memory_space<vmem>>
    %dma_start3A_596 = arith.constant 0 : i32
    %dma_start3A_597 = tpu.memref_slice %arg4[%shift_right_arithmetic3A_580, %and3A_584, %dma_start3A_596] : memref<12500x8x64xf32, #tpu.memory_space<hbm>> -> memref<1x1x64xf32, #tpu.memory_space<hbm>>
    %dma_start3A_598 = tpu.memref_squeeze %dma_start3A_597 : memref<1x1x64xf32, #tpu.memory_space<hbm>> -> memref<64xf32, #tpu.memory_space<hbm>>
    tpu.enqueue_dma source(%dma_start3A_598 : memref<64xf32, #tpu.memory_space<hbm>>) target(%dma_start3A_595 : memref<64xf32, #tpu.memory_space<vmem>>) target_semaphore(%arg16 : memref<!tpu.dma_semaphore, #tpu.memory_space<semaphore_mem>>)
    %slice3A_599 = vector.extract_strided_slice %get3A_8 {offsets = [13], sizes = [1], strides = [1]} : vector<16xi32> to vector<1xi32>
    %squeeze3A_600 = vector.extract %slice3A_599[0] : i32 from vector<1xi32>
    %shift_right_arithmetic3A_601 = arith.constant 3 : i32
    %shift_right_arithmetic3A_602 = arith.shrsi %squeeze3A_600, %shift_right_arithmetic3A_601 : i32
    %slice3A_603 = vector.extract_strided_slice %get3A_8 {offsets = [13], sizes = [1], strides = [1]} : vector<16xi32> to vector<1xi32>
    %squeeze3A_604 = vector.extract %slice3A_603[0] : i32 from vector<1xi32>
    %and3A_605 = arith.constant 7 : i32
    %and3A_606 = arith.andi %squeeze3A_604, %and3A_605 : i32
    %dma_start3A_607 = arith.constant 0 : i32
    %dma_start3A_608 = arith.constant 13 : i32
    %dma_start3A_609 = arith.constant 0 : i32
    %dma_start3A_610 = tpu.memref_slice %arg12[%dma_start3A_607, %dma_start3A_608, %dma_start3A_609] : memref<2x32x64xf32, #tpu.memory_space<vmem>> -> memref<1x1x64xf32, #tpu.memory_space<vmem>>
    %dma_start3A_611 = tpu.memref_squeeze %dma_start3A_610 : memref<1x1x64xf32, #tpu.memory_space<vmem>> -> memref<64xf32, #tpu.memory_space<vmem>>
    %dma_start3A_612 = arith.constant 0 : i32
    %dma_start3A_613 = tpu.memref_slice %arg5[%shift_right_arithmetic3A_602, %and3A_606, %dma_start3A_612] : memref<125000x8x64xf32, #tpu.memory_space<hbm>> -> memref<1x1x64xf32, #tpu.memory_space<hbm>>
    %dma_start3A_614 = tpu.memref_squeeze %dma_start3A_613 : memref<1x1x64xf32, #tpu.memory_space<hbm>> -> memref<64xf32, #tpu.memory_space<hbm>>
    %dma_start3A_615 = arith.constant 0 : i32
    %dma_start3A_616 = tpu.memref_slice %arg12[%dma_start3A_607, %dma_start3A_608, %dma_start3A_615] : memref<2x32x64xf32, #tpu.memory_space<vmem>> -> memref<1x1x64xf32, #tpu.memory_space<vmem>>
    %dma_start3A_617 = tpu.memref_squeeze %dma_start3A_616 : memref<1x1x64xf32, #tpu.memory_space<vmem>> -> memref<64xf32, #tpu.memory_space<vmem>>
    %dma_start3A_618 = arith.constant 0 : i32
    %dma_start3A_619 = tpu.memref_slice %arg5[%shift_right_arithmetic3A_602, %and3A_606, %dma_start3A_618] : memref<125000x8x64xf32, #tpu.memory_space<hbm>> -> memref<1x1x64xf32, #tpu.memory_space<hbm>>
    %dma_start3A_620 = tpu.memref_squeeze %dma_start3A_619 : memref<1x1x64xf32, #tpu.memory_space<hbm>> -> memref<64xf32, #tpu.memory_space<hbm>>
    tpu.enqueue_dma source(%dma_start3A_620 : memref<64xf32, #tpu.memory_space<hbm>>) target(%dma_start3A_617 : memref<64xf32, #tpu.memory_space<vmem>>) target_semaphore(%arg17 : memref<!tpu.dma_semaphore, #tpu.memory_space<semaphore_mem>>)
    %slice3A_621 = vector.extract_strided_slice %get3A_6 {offsets = [14], sizes = [1], strides = [1]} : vector<16xi32> to vector<1xi32>
    %squeeze3A_622 = vector.extract %slice3A_621[0] : i32 from vector<1xi32>
    %shift_right_arithmetic3A_623 = arith.constant 3 : i32
    %shift_right_arithmetic3A_624 = arith.shrsi %squeeze3A_622, %shift_right_arithmetic3A_623 : i32
    %slice3A_625 = vector.extract_strided_slice %get3A_6 {offsets = [14], sizes = [1], strides = [1]} : vector<16xi32> to vector<1xi32>
    %squeeze3A_626 = vector.extract %slice3A_625[0] : i32 from vector<1xi32>
    %and3A_627 = arith.constant 7 : i32
    %and3A_628 = arith.andi %squeeze3A_626, %and3A_627 : i32
    %dma_start3A_629 = arith.constant 0 : i32
    %dma_start3A_630 = arith.constant 14 : i32
    %dma_start3A_631 = arith.constant 0 : i32
    %dma_start3A_632 = tpu.memref_slice %arg11[%dma_start3A_629, %dma_start3A_630, %dma_start3A_631] : memref<2x32x64xf32, #tpu.memory_space<vmem>> -> memref<1x1x64xf32, #tpu.memory_space<vmem>>
    %dma_start3A_633 = tpu.memref_squeeze %dma_start3A_632 : memref<1x1x64xf32, #tpu.memory_space<vmem>> -> memref<64xf32, #tpu.memory_space<vmem>>
    %dma_start3A_634 = arith.constant 0 : i32
    %dma_start3A_635 = tpu.memref_slice %arg4[%shift_right_arithmetic3A_624, %and3A_628, %dma_start3A_634] : memref<12500x8x64xf32, #tpu.memory_space<hbm>> -> memref<1x1x64xf32, #tpu.memory_space<hbm>>
    %dma_start3A_636 = tpu.memref_squeeze %dma_start3A_635 : memref<1x1x64xf32, #tpu.memory_space<hbm>> -> memref<64xf32, #tpu.memory_space<hbm>>
    %dma_start3A_637 = arith.constant 0 : i32
    %dma_start3A_638 = tpu.memref_slice %arg11[%dma_start3A_629, %dma_start3A_630, %dma_start3A_637] : memref<2x32x64xf32, #tpu.memory_space<vmem>> -> memref<1x1x64xf32, #tpu.memory_space<vmem>>
    %dma_start3A_639 = tpu.memref_squeeze %dma_start3A_638 : memref<1x1x64xf32, #tpu.memory_space<vmem>> -> memref<64xf32, #tpu.memory_space<vmem>>
    %dma_start3A_640 = arith.constant 0 : i32
    %dma_start3A_641 = tpu.memref_slice %arg4[%shift_right_arithmetic3A_624, %and3A_628, %dma_start3A_640] : memref<12500x8x64xf32, #tpu.memory_space<hbm>> -> memref<1x1x64xf32, #tpu.memory_space<hbm>>
    %dma_start3A_642 = tpu.memref_squeeze %dma_start3A_641 : memref<1x1x64xf32, #tpu.memory_space<hbm>> -> memref<64xf32, #tpu.memory_space<hbm>>
    tpu.enqueue_dma source(%dma_start3A_642 : memref<64xf32, #tpu.memory_space<hbm>>) target(%dma_start3A_639 : memref<64xf32, #tpu.memory_space<vmem>>) target_semaphore(%arg16 : memref<!tpu.dma_semaphore, #tpu.memory_space<semaphore_mem>>)
    %slice3A_643 = vector.extract_strided_slice %get3A_8 {offsets = [14], sizes = [1], strides = [1]} : vector<16xi32> to vector<1xi32>
    %squeeze3A_644 = vector.extract %slice3A_643[0] : i32 from vector<1xi32>
    %shift_right_arithmetic3A_645 = arith.constant 3 : i32
    %shift_right_arithmetic3A_646 = arith.shrsi %squeeze3A_644, %shift_right_arithmetic3A_645 : i32
    %slice3A_647 = vector.extract_strided_slice %get3A_8 {offsets = [14], sizes = [1], strides = [1]} : vector<16xi32> to vector<1xi32>
    %squeeze3A_648 = vector.extract %slice3A_647[0] : i32 from vector<1xi32>
    %and3A_649 = arith.constant 7 : i32
    %and3A_650 = arith.andi %squeeze3A_648, %and3A_649 : i32
    %dma_start3A_651 = arith.constant 0 : i32
    %dma_start3A_652 = arith.constant 14 : i32
    %dma_start3A_653 = arith.constant 0 : i32
    %dma_start3A_654 = tpu.memref_slice %arg12[%dma_start3A_651, %dma_start3A_652, %dma_start3A_653] : memref<2x32x64xf32, #tpu.memory_space<vmem>> -> memref<1x1x64xf32, #tpu.memory_space<vmem>>
    %dma_start3A_655 = tpu.memref_squeeze %dma_start3A_654 : memref<1x1x64xf32, #tpu.memory_space<vmem>> -> memref<64xf32, #tpu.memory_space<vmem>>
    %dma_start3A_656 = arith.constant 0 : i32
    %dma_start3A_657 = tpu.memref_slice %arg5[%shift_right_arithmetic3A_646, %and3A_650, %dma_start3A_656] : memref<125000x8x64xf32, #tpu.memory_space<hbm>> -> memref<1x1x64xf32, #tpu.memory_space<hbm>>
    %dma_start3A_658 = tpu.memref_squeeze %dma_start3A_657 : memref<1x1x64xf32, #tpu.memory_space<hbm>> -> memref<64xf32, #tpu.memory_space<hbm>>
    %dma_start3A_659 = arith.constant 0 : i32
    %dma_start3A_660 = tpu.memref_slice %arg12[%dma_start3A_651, %dma_start3A_652, %dma_start3A_659] : memref<2x32x64xf32, #tpu.memory_space<vmem>> -> memref<1x1x64xf32, #tpu.memory_space<vmem>>
    %dma_start3A_661 = tpu.memref_squeeze %dma_start3A_660 : memref<1x1x64xf32, #tpu.memory_space<vmem>> -> memref<64xf32, #tpu.memory_space<vmem>>
    %dma_start3A_662 = arith.constant 0 : i32
    %dma_start3A_663 = tpu.memref_slice %arg5[%shift_right_arithmetic3A_646, %and3A_650, %dma_start3A_662] : memref<125000x8x64xf32, #tpu.memory_space<hbm>> -> memref<1x1x64xf32, #tpu.memory_space<hbm>>
    %dma_start3A_664 = tpu.memref_squeeze %dma_start3A_663 : memref<1x1x64xf32, #tpu.memory_space<hbm>> -> memref<64xf32, #tpu.memory_space<hbm>>
    tpu.enqueue_dma source(%dma_start3A_664 : memref<64xf32, #tpu.memory_space<hbm>>) target(%dma_start3A_661 : memref<64xf32, #tpu.memory_space<vmem>>) target_semaphore(%arg17 : memref<!tpu.dma_semaphore, #tpu.memory_space<semaphore_mem>>)
    %slice3A_665 = vector.extract_strided_slice %get3A_6 {offsets = [15], sizes = [1], strides = [1]} : vector<16xi32> to vector<1xi32>
    %squeeze3A_666 = vector.extract %slice3A_665[0] : i32 from vector<1xi32>
    %shift_right_arithmetic3A_667 = arith.constant 3 : i32
    %shift_right_arithmetic3A_668 = arith.shrsi %squeeze3A_666, %shift_right_arithmetic3A_667 : i32
    %slice3A_669 = vector.extract_strided_slice %get3A_6 {offsets = [15], sizes = [1], strides = [1]} : vector<16xi32> to vector<1xi32>
    %squeeze3A_670 = vector.extract %slice3A_669[0] : i32 from vector<1xi32>
    %and3A_671 = arith.constant 7 : i32
    %and3A_672 = arith.andi %squeeze3A_670, %and3A_671 : i32
    %dma_start3A_673 = arith.constant 0 : i32
    %dma_start3A_674 = arith.constant 15 : i32
    %dma_start3A_675 = arith.constant 0 : i32
    %dma_start3A_676 = tpu.memref_slice %arg11[%dma_start3A_673, %dma_start3A_674, %dma_start3A_675] : memref<2x32x64xf32, #tpu.memory_space<vmem>> -> memref<1x1x64xf32, #tpu.memory_space<vmem>>
    %dma_start3A_677 = tpu.memref_squeeze %dma_start3A_676 : memref<1x1x64xf32, #tpu.memory_space<vmem>> -> memref<64xf32, #tpu.memory_space<vmem>>
    %dma_start3A_678 = arith.constant 0 : i32
    %dma_start3A_679 = tpu.memref_slice %arg4[%shift_right_arithmetic3A_668, %and3A_672, %dma_start3A_678] : memref<12500x8x64xf32, #tpu.memory_space<hbm>> -> memref<1x1x64xf32, #tpu.memory_space<hbm>>
    %dma_start3A_680 = tpu.memref_squeeze %dma_start3A_679 : memref<1x1x64xf32, #tpu.memory_space<hbm>> -> memref<64xf32, #tpu.memory_space<hbm>>
    %dma_start3A_681 = arith.constant 0 : i32
    %dma_start3A_682 = tpu.memref_slice %arg11[%dma_start3A_673, %dma_start3A_674, %dma_start3A_681] : memref<2x32x64xf32, #tpu.memory_space<vmem>> -> memref<1x1x64xf32, #tpu.memory_space<vmem>>
    %dma_start3A_683 = tpu.memref_squeeze %dma_start3A_682 : memref<1x1x64xf32, #tpu.memory_space<vmem>> -> memref<64xf32, #tpu.memory_space<vmem>>
    %dma_start3A_684 = arith.constant 0 : i32
    %dma_start3A_685 = tpu.memref_slice %arg4[%shift_right_arithmetic3A_668, %and3A_672, %dma_start3A_684] : memref<12500x8x64xf32, #tpu.memory_space<hbm>> -> memref<1x1x64xf32, #tpu.memory_space<hbm>>
    %dma_start3A_686 = tpu.memref_squeeze %dma_start3A_685 : memref<1x1x64xf32, #tpu.memory_space<hbm>> -> memref<64xf32, #tpu.memory_space<hbm>>
    tpu.enqueue_dma source(%dma_start3A_686 : memref<64xf32, #tpu.memory_space<hbm>>) target(%dma_start3A_683 : memref<64xf32, #tpu.memory_space<vmem>>) target_semaphore(%arg16 : memref<!tpu.dma_semaphore, #tpu.memory_space<semaphore_mem>>)
    %slice3A_687 = vector.extract_strided_slice %get3A_8 {offsets = [15], sizes = [1], strides = [1]} : vector<16xi32> to vector<1xi32>
    %squeeze3A_688 = vector.extract %slice3A_687[0] : i32 from vector<1xi32>
    %shift_right_arithmetic3A_689 = arith.constant 3 : i32
    %shift_right_arithmetic3A_690 = arith.shrsi %squeeze3A_688, %shift_right_arithmetic3A_689 : i32
    %slice3A_691 = vector.extract_strided_slice %get3A_8 {offsets = [15], sizes = [1], strides = [1]} : vector<16xi32> to vector<1xi32>
    %squeeze3A_692 = vector.extract %slice3A_691[0] : i32 from vector<1xi32>
    %and3A_693 = arith.constant 7 : i32
    %and3A_694 = arith.andi %squeeze3A_692, %and3A_693 : i32
    %dma_start3A_695 = arith.constant 0 : i32
    %dma_start3A_696 = arith.constant 15 : i32
    %dma_start3A_697 = arith.constant 0 : i32
    %dma_start3A_698 = tpu.memref_slice %arg12[%dma_start3A_695, %dma_start3A_696, %dma_start3A_697] : memref<2x32x64xf32, #tpu.memory_space<vmem>> -> memref<1x1x64xf32, #tpu.memory_space<vmem>>
    %dma_start3A_699 = tpu.memref_squeeze %dma_start3A_698 : memref<1x1x64xf32, #tpu.memory_space<vmem>> -> memref<64xf32, #tpu.memory_space<vmem>>
    %dma_start3A_700 = arith.constant 0 : i32
    %dma_start3A_701 = tpu.memref_slice %arg5[%shift_right_arithmetic3A_690, %and3A_694, %dma_start3A_700] : memref<125000x8x64xf32, #tpu.memory_space<hbm>> -> memref<1x1x64xf32, #tpu.memory_space<hbm>>
    %dma_start3A_702 = tpu.memref_squeeze %dma_start3A_701 : memref<1x1x64xf32, #tpu.memory_space<hbm>> -> memref<64xf32, #tpu.memory_space<hbm>>
    %dma_start3A_703 = arith.constant 0 : i32
    %dma_start3A_704 = tpu.memref_slice %arg12[%dma_start3A_695, %dma_start3A_696, %dma_start3A_703] : memref<2x32x64xf32, #tpu.memory_space<vmem>> -> memref<1x1x64xf32, #tpu.memory_space<vmem>>
    %dma_start3A_705 = tpu.memref_squeeze %dma_start3A_704 : memref<1x1x64xf32, #tpu.memory_space<vmem>> -> memref<64xf32, #tpu.memory_space<vmem>>
    %dma_start3A_706 = arith.constant 0 : i32
    %dma_start3A_707 = tpu.memref_slice %arg5[%shift_right_arithmetic3A_690, %and3A_694, %dma_start3A_706] : memref<125000x8x64xf32, #tpu.memory_space<hbm>> -> memref<1x1x64xf32, #tpu.memory_space<hbm>>
    %dma_start3A_708 = tpu.memref_squeeze %dma_start3A_707 : memref<1x1x64xf32, #tpu.memory_space<hbm>> -> memref<64xf32, #tpu.memory_space<hbm>>
    tpu.enqueue_dma source(%dma_start3A_708 : memref<64xf32, #tpu.memory_space<hbm>>) target(%dma_start3A_705 : memref<64xf32, #tpu.memory_space<vmem>>) target_semaphore(%arg17 : memref<!tpu.dma_semaphore, #tpu.memory_space<semaphore_mem>>)
    %get3A_709 = arith.constant 16 : index
    %get3A_710 = tpu.vector_load %arg9[%get3A_709] {strides = array<i32>} : memref<512xi32, #tpu.memory_space<vmem>>, vector<16xi32>,
    %get3A_711 = arith.constant 16 : index
    %get3A_712 = tpu.vector_load %arg10[%get3A_711] {strides = array<i32>} : memref<512xi32, #tpu.memory_space<vmem>>, vector<16xi32>,
    %slice3A_713 = vector.extract_strided_slice %get3A_710 {offsets = [0], sizes = [1], strides = [1]} : vector<16xi32> to vector<1xi32>
    %squeeze3A_714 = vector.extract %slice3A_713[0] : i32 from vector<1xi32>
    %shift_right_arithmetic3A_715 = arith.constant 3 : i32
    %shift_right_arithmetic3A_716 = arith.shrsi %squeeze3A_714, %shift_right_arithmetic3A_715 : i32
    %slice3A_717 = vector.extract_strided_slice %get3A_710 {offsets = [0], sizes = [1], strides = [1]} : vector<16xi32> to vector<1xi32>
    %squeeze3A_718 = vector.extract %slice3A_717[0] : i32 from vector<1xi32>
    %and3A_719 = arith.constant 7 : i32
    %and3A_720 = arith.andi %squeeze3A_718, %and3A_719 : i32
    %dma_start3A_721 = arith.constant 0 : i32
    %dma_start3A_722 = arith.constant 16 : i32
    %dma_start3A_723 = arith.constant 0 : i32
    %dma_start3A_724 = tpu.memref_slice %arg11[%dma_start3A_721, %dma_start3A_722, %dma_start3A_723] : memref<2x32x64xf32, #tpu.memory_space<vmem>> -> memref<1x1x64xf32, #tpu.memory_space<vmem>>
    %dma_start3A_725 = tpu.memref_squeeze %dma_start3A_724 : memref<1x1x64xf32, #tpu.memory_space<vmem>> -> memref<64xf32, #tpu.memory_space<vmem>>
    %dma_start3A_726 = arith.constant 0 : i32
    %dma_start3A_727 = tpu.memref_slice %arg4[%shift_right_arithmetic3A_716, %and3A_720, %dma_start3A_726] : memref<12500x8x64xf32, #tpu.memory_space<hbm>> -> memref<1x1x64xf32, #tpu.memory_space<hbm>>
    %dma_start3A_728 = tpu.memref_squeeze %dma_start3A_727 : memref<1x1x64xf32, #tpu.memory_space<hbm>> -> memref<64xf32, #tpu.memory_space<hbm>>
    %dma_start3A_729 = arith.constant 0 : i32
    %dma_start3A_730 = tpu.memref_slice %arg11[%dma_start3A_721, %dma_start3A_722, %dma_start3A_729] : memref<2x32x64xf32, #tpu.memory_space<vmem>> -> memref<1x1x64xf32, #tpu.memory_space<vmem>>
    %dma_start3A_731 = tpu.memref_squeeze %dma_start3A_730 : memref<1x1x64xf32, #tpu.memory_space<vmem>> -> memref<64xf32, #tpu.memory_space<vmem>>
    %dma_start3A_732 = arith.constant 0 : i32
    %dma_start3A_733 = tpu.memref_slice %arg4[%shift_right_arithmetic3A_716, %and3A_720, %dma_start3A_732] : memref<12500x8x64xf32, #tpu.memory_space<hbm>> -> memref<1x1x64xf32, #tpu.memory_space<hbm>>
    %dma_start3A_734 = tpu.memref_squeeze %dma_start3A_733 : memref<1x1x64xf32, #tpu.memory_space<hbm>> -> memref<64xf32, #tpu.memory_space<hbm>>
    tpu.enqueue_dma source(%dma_start3A_734 : memref<64xf32, #tpu.memory_space<hbm>>) target(%dma_start3A_731 : memref<64xf32, #tpu.memory_space<vmem>>) target_semaphore(%arg16 : memref<!tpu.dma_semaphore, #tpu.memory_space<semaphore_mem>>)
    %slice3A_735 = vector.extract_strided_slice %get3A_712 {offsets = [0], sizes = [1], strides = [1]} : vector<16xi32> to vector<1xi32>
    %squeeze3A_736 = vector.extract %slice3A_735[0] : i32 from vector<1xi32>
    %shift_right_arithmetic3A_737 = arith.constant 3 : i32
    %shift_right_arithmetic3A_738 = arith.shrsi %squeeze3A_736, %shift_right_arithmetic3A_737 : i32
    %slice3A_739 = vector.extract_strided_slice %get3A_712 {offsets = [0], sizes = [1], strides = [1]} : vector<16xi32> to vector<1xi32>
    %squeeze3A_740 = vector.extract %slice3A_739[0] : i32 from vector<1xi32>
    %and3A_741 = arith.constant 7 : i32
    %and3A_742 = arith.andi %squeeze3A_740, %and3A_741 : i32
    %dma_start3A_743 = arith.constant 0 : i32
    %dma_start3A_744 = arith.constant 16 : i32
    %dma_start3A_745 = arith.constant 0 : i32
    %dma_start3A_746 = tpu.memref_slice %arg12[%dma_start3A_743, %dma_start3A_744, %dma_start3A_745] : memref<2x32x64xf32, #tpu.memory_space<vmem>> -> memref<1x1x64xf32, #tpu.memory_space<vmem>>
    %dma_start3A_747 = tpu.memref_squeeze %dma_start3A_746 : memref<1x1x64xf32, #tpu.memory_space<vmem>> -> memref<64xf32, #tpu.memory_space<vmem>>
    %dma_start3A_748 = arith.constant 0 : i32
    %dma_start3A_749 = tpu.memref_slice %arg5[%shift_right_arithmetic3A_738, %and3A_742, %dma_start3A_748] : memref<125000x8x64xf32, #tpu.memory_space<hbm>> -> memref<1x1x64xf32, #tpu.memory_space<hbm>>
    %dma_start3A_750 = tpu.memref_squeeze %dma_start3A_749 : memref<1x1x64xf32, #tpu.memory_space<hbm>> -> memref<64xf32, #tpu.memory_space<hbm>>
    %dma_start3A_751 = arith.constant 0 : i32
    %dma_start3A_752 = tpu.memref_slice %arg12[%dma_start3A_743, %dma_start3A_744, %dma_start3A_751] : memref<2x32x64xf32, #tpu.memory_space<vmem>> -> memref<1x1x64xf32, #tpu.memory_space<vmem>>
    %dma_start3A_753 = tpu.memref_squeeze %dma_start3A_752 : memref<1x1x64xf32, #tpu.memory_space<vmem>> -> memref<64xf32, #tpu.memory_space<vmem>>
    %dma_start3A_754 = arith.constant 0 : i32
    %dma_start3A_755 = tpu.memref_slice %arg5[%shift_right_arithmetic3A_738, %and3A_742, %dma_start3A_754] : memref<125000x8x64xf32, #tpu.memory_space<hbm>> -> memref<1x1x64xf32, #tpu.memory_space<hbm>>
    %dma_start3A_756 = tpu.memref_squeeze %dma_start3A_755 : memref<1x1x64xf32, #tpu.memory_space<hbm>> -> memref<64xf32, #tpu.memory_space<hbm>>
    tpu.enqueue_dma source(%dma_start3A_756 : memref<64xf32, #tpu.memory_space<hbm>>) target(%dma_start3A_753 : memref<64xf32, #tpu.memory_space<vmem>>) target_semaphore(%arg17 : memref<!tpu.dma_semaphore, #tpu.memory_space<semaphore_mem>>)
    %slice3A_757 = vector.extract_strided_slice %get3A_710 {offsets = [1], sizes = [1], strides = [1]} : vector<16xi32> to vector<1xi32>
    %squeeze3A_758 = vector.extract %slice3A_757[0] : i32 from vector<1xi32>
    %shift_right_arithmetic3A_759 = arith.constant 3 : i32
    %shift_right_arithmetic3A_760 = arith.shrsi %squeeze3A_758, %shift_right_arithmetic3A_759 : i32
    %slice3A_761 = vector.extract_strided_slice %get3A_710 {offsets = [1], sizes = [1], strides = [1]} : vector<16xi32> to vector<1xi32>
    %squeeze3A_762 = vector.extract %slice3A_761[0] : i32 from vector<1xi32>
    %and3A_763 = arith.constant 7 : i32
    %and3A_764 = arith.andi %squeeze3A_762, %and3A_763 : i32
    %dma_start3A_765 = arith.constant 0 : i32
    %dma_start3A_766 = arith.constant 17 : i32
    %dma_start3A_767 = arith.constant 0 : i32
    %dma_start3A_768 = tpu.memref_slice %arg11[%dma_start3A_765, %dma_start3A_766, %dma_start3A_767] : memref<2x32x64xf32, #tpu.memory_space<vmem>> -> memref<1x1x64xf32, #tpu.memory_space<vmem>>
    %dma_start3A_769 = tpu.memref_squeeze %dma_start3A_768 : memref<1x1x64xf32, #tpu.memory_space<vmem>> -> memref<64xf32, #tpu.memory_space<vmem>>
    %dma_start3A_770 = arith.constant 0 : i32
    %dma_start3A_771 = tpu.memref_slice %arg4[%shift_right_arithmetic3A_760, %and3A_764, %dma_start3A_770] : memref<12500x8x64xf32, #tpu.memory_space<hbm>> -> memref<1x1x64xf32, #tpu.memory_space<hbm>>
    %dma_start3A_772 = tpu.memref_squeeze %dma_start3A_771 : memref<1x1x64xf32, #tpu.memory_space<hbm>> -> memref<64xf32, #tpu.memory_space<hbm>>
    %dma_start3A_773 = arith.constant 0 : i32
    %dma_start3A_774 = tpu.memref_slice %arg11[%dma_start3A_765, %dma_start3A_766, %dma_start3A_773] : memref<2x32x64xf32, #tpu.memory_space<vmem>> -> memref<1x1x64xf32, #tpu.memory_space<vmem>>
    %dma_start3A_775 = tpu.memref_squeeze %dma_start3A_774 : memref<1x1x64xf32, #tpu.memory_space<vmem>> -> memref<64xf32, #tpu.memory_space<vmem>>
    %dma_start3A_776 = arith.constant 0 : i32
    %dma_start3A_777 = tpu.memref_slice %arg4[%shift_right_arithmetic3A_760, %and3A_764, %dma_start3A_776] : memref<12500x8x64xf32, #tpu.memory_space<hbm>> -> memref<1x1x64xf32, #tpu.memory_space<hbm>>
    %dma_start3A_778 = tpu.memref_squeeze %dma_start3A_777 : memref<1x1x64xf32, #tpu.memory_space<hbm>> -> memref<64xf32, #tpu.memory_space<hbm>>
    tpu.enqueue_dma source(%dma_start3A_778 : memref<64xf32, #tpu.memory_space<hbm>>) target(%dma_start3A_775 : memref<64xf32, #tpu.memory_space<vmem>>) target_semaphore(%arg16 : memref<!tpu.dma_semaphore, #tpu.memory_space<semaphore_mem>>)
    %slice3A_779 = vector.extract_strided_slice %get3A_712 {offsets = [1], sizes = [1], strides = [1]} : vector<16xi32> to vector<1xi32>
    %squeeze3A_780 = vector.extract %slice3A_779[0] : i32 from vector<1xi32>
    %shift_right_arithmetic3A_781 = arith.constant 3 : i32
    %shift_right_arithmetic3A_782 = arith.shrsi %squeeze3A_780, %shift_right_arithmetic3A_781 : i32
    %slice3A_783 = vector.extract_strided_slice %get3A_712 {offsets = [1], sizes = [1], strides = [1]} : vector<16xi32> to vector<1xi32>
    %squeeze3A_784 = vector.extract %slice3A_783[0] : i32 from vector<1xi32>
    %and3A_785 = arith.constant 7 : i32
    %and3A_786 = arith.andi %squeeze3A_784, %and3A_785 : i32
    %dma_start3A_787 = arith.constant 0 : i32
    %dma_start3A_788 = arith.constant 17 : i32
    %dma_start3A_789 = arith.constant 0 : i32
    %dma_start3A_790 = tpu.memref_slice %arg12[%dma_start3A_787, %dma_start3A_788, %dma_start3A_789] : memref<2x32x64xf32, #tpu.memory_space<vmem>> -> memref<1x1x64xf32, #tpu.memory_space<vmem>>
    %dma_start3A_791 = tpu.memref_squeeze %dma_start3A_790 : memref<1x1x64xf32, #tpu.memory_space<vmem>> -> memref<64xf32, #tpu.memory_space<vmem>>
    %dma_start3A_792 = arith.constant 0 : i32
    %dma_start3A_793 = tpu.memref_slice %arg5[%shift_right_arithmetic3A_782, %and3A_786, %dma_start3A_792] : memref<125000x8x64xf32, #tpu.memory_space<hbm>> -> memref<1x1x64xf32, #tpu.memory_space<hbm>>
    %dma_start3A_794 = tpu.memref_squeeze %dma_start3A_793 : memref<1x1x64xf32, #tpu.memory_space<hbm>> -> memref<64xf32, #tpu.memory_space<hbm>>
    %dma_start3A_795 = arith.constant 0 : i32
    %dma_start3A_796 = tpu.memref_slice %arg12[%dma_start3A_787, %dma_start3A_788, %dma_start3A_795] : memref<2x32x64xf32, #tpu.memory_space<vmem>> -> memref<1x1x64xf32, #tpu.memory_space<vmem>>
    %dma_start3A_797 = tpu.memref_squeeze %dma_start3A_796 : memref<1x1x64xf32, #tpu.memory_space<vmem>> -> memref<64xf32, #tpu.memory_space<vmem>>
    %dma_start3A_798 = arith.constant 0 : i32
    %dma_start3A_799 = tpu.memref_slice %arg5[%shift_right_arithmetic3A_782, %and3A_786, %dma_start3A_798] : memref<125000x8x64xf32, #tpu.memory_space<hbm>> -> memref<1x1x64xf32, #tpu.memory_space<hbm>>
    %dma_start3A_800 = tpu.memref_squeeze %dma_start3A_799 : memref<1x1x64xf32, #tpu.memory_space<hbm>> -> memref<64xf32, #tpu.memory_space<hbm>>
    tpu.enqueue_dma source(%dma_start3A_800 : memref<64xf32, #tpu.memory_space<hbm>>) target(%dma_start3A_797 : memref<64xf32, #tpu.memory_space<vmem>>) target_semaphore(%arg17 : memref<!tpu.dma_semaphore, #tpu.memory_space<semaphore_mem>>)
    %slice3A_801 = vector.extract_strided_slice %get3A_710 {offsets = [2], sizes = [1], strides = [1]} : vector<16xi32> to vector<1xi32>
    %squeeze3A_802 = vector.extract %slice3A_801[0] : i32 from vector<1xi32>
    %shift_right_arithmetic3A_803 = arith.constant 3 : i32
    %shift_right_arithmetic3A_804 = arith.shrsi %squeeze3A_802, %shift_right_arithmetic3A_803 : i32
    %slice3A_805 = vector.extract_strided_slice %get3A_710 {offsets = [2], sizes = [1], strides = [1]} : vector<16xi32> to vector<1xi32>
    %squeeze3A_806 = vector.extract %slice3A_805[0] : i32 from vector<1xi32>
    %and3A_807 = arith.constant 7 : i32
    %and3A_808 = arith.andi %squeeze3A_806, %and3A_807 : i32
    %dma_start3A_809 = arith.constant 0 : i32
    %dma_start3A_810 = arith.constant 18 : i32
    %dma_start3A_811 = arith.constant 0 : i32
    %dma_start3A_812 = tpu.memref_slice %arg11[%dma_start3A_809, %dma_start3A_810, %dma_start3A_811] : memref<2x32x64xf32, #tpu.memory_space<vmem>> -> memref<1x1x64xf32, #tpu.memory_space<vmem>>
    %dma_start3A_813 = tpu.memref_squeeze %dma_start3A_812 : memref<1x1x64xf32, #tpu.memory_space<vmem>> -> memref<64xf32, #tpu.memory_space<vmem>>
    %dma_start3A_814 = arith.constant 0 : i32
    %dma_start3A_815 = tpu.memref_slice %arg4[%shift_right_arithmetic3A_804, %and3A_808, %dma_start3A_814] : memref<12500x8x64xf32, #tpu.memory_space<hbm>> -> memref<1x1x64xf32, #tpu.memory_space<hbm>>
    %dma_start3A_816 = tpu.memref_squeeze %dma_start3A_815 : memref<1x1x64xf32, #tpu.memory_space<hbm>> -> memref<64xf32, #tpu.memory_space<hbm>>
    %dma_start3A_817 = arith.constant 0 : i32
    %dma_start3A_818 = tpu.memref_slice %arg11[%dma_start3A_809, %dma_start3A_810, %dma_start3A_817] : memref<2x32x64xf32, #tpu.memory_space<vmem>> -> memref<1x1x64xf32, #tpu.memory_space<vmem>>
    %dma_start3A_819 = tpu.memref_squeeze %dma_start3A_818 : memref<1x1x64xf32, #tpu.memory_space<vmem>> -> memref<64xf32, #tpu.memory_space<vmem>>
    %dma_start3A_820 = arith.constant 0 : i32
    %dma_start3A_821 = tpu.memref_slice %arg4[%shift_right_arithmetic3A_804, %and3A_808, %dma_start3A_820] : memref<12500x8x64xf32, #tpu.memory_space<hbm>> -> memref<1x1x64xf32, #tpu.memory_space<hbm>>
    %dma_start3A_822 = tpu.memref_squeeze %dma_start3A_821 : memref<1x1x64xf32, #tpu.memory_space<hbm>> -> memref<64xf32, #tpu.memory_space<hbm>>
    tpu.enqueue_dma source(%dma_start3A_822 : memref<64xf32, #tpu.memory_space<hbm>>) target(%dma_start3A_819 : memref<64xf32, #tpu.memory_space<vmem>>) target_semaphore(%arg16 : memref<!tpu.dma_semaphore, #tpu.memory_space<semaphore_mem>>)
    %slice3A_823 = vector.extract_strided_slice %get3A_712 {offsets = [2], sizes = [1], strides = [1]} : vector<16xi32> to vector<1xi32>
    %squeeze3A_824 = vector.extract %slice3A_823[0] : i32 from vector<1xi32>
    %shift_right_arithmetic3A_825 = arith.constant 3 : i32
    %shift_right_arithmetic3A_826 = arith.shrsi %squeeze3A_824, %shift_right_arithmetic3A_825 : i32
    %slice3A_827 = vector.extract_strided_slice %get3A_712 {offsets = [2], sizes = [1], strides = [1]} : vector<16xi32> to vector<1xi32>
    %squeeze3A_828 = vector.extract %slice3A_827[0] : i32 from vector<1xi32>
    %and3A_829 = arith.constant 7 : i32
    %and3A_830 = arith.andi %squeeze3A_828, %and3A_829 : i32
    %dma_start3A_831 = arith.constant 0 : i32
    %dma_start3A_832 = arith.constant 18 : i32
    %dma_start3A_833 = arith.constant 0 : i32
    %dma_start3A_834 = tpu.memref_slice %arg12[%dma_start3A_831, %dma_start3A_832, %dma_start3A_833] : memref<2x32x64xf32, #tpu.memory_space<vmem>> -> memref<1x1x64xf32, #tpu.memory_space<vmem>>
    %dma_start3A_835 = tpu.memref_squeeze %dma_start3A_834 : memref<1x1x64xf32, #tpu.memory_space<vmem>> -> memref<64xf32, #tpu.memory_space<vmem>>
    %dma_start3A_836 = arith.constant 0 : i32
    %dma_start3A_837 = tpu.memref_slice %arg5[%shift_right_arithmetic3A_826, %and3A_830, %dma_start3A_836] : memref<125000x8x64xf32, #tpu.memory_space<hbm>> -> memref<1x1x64xf32, #tpu.memory_space<hbm>>
    %dma_start3A_838 = tpu.memref_squeeze %dma_start3A_837 : memref<1x1x64xf32, #tpu.memory_space<hbm>> -> memref<64xf32, #tpu.memory_space<hbm>>
    %dma_start3A_839 = arith.constant 0 : i32
    %dma_start3A_840 = tpu.memref_slice %arg12[%dma_start3A_831, %dma_start3A_832, %dma_start3A_839] : memref<2x32x64xf32, #tpu.memory_space<vmem>> -> memref<1x1x64xf32, #tpu.memory_space<vmem>>
    %dma_start3A_841 = tpu.memref_squeeze %dma_start3A_840 : memref<1x1x64xf32, #tpu.memory_space<vmem>> -> memref<64xf32, #tpu.memory_space<vmem>>
    %dma_start3A_842 = arith.constant 0 : i32
    %dma_start3A_843 = tpu.memref_slice %arg5[%shift_right_arithmetic3A_826, %and3A_830, %dma_start3A_842] : memref<125000x8x64xf32, #tpu.memory_space<hbm>> -> memref<1x1x64xf32, #tpu.memory_space<hbm>>
    %dma_start3A_844 = tpu.memref_squeeze %dma_start3A_843 : memref<1x1x64xf32, #tpu.memory_space<hbm>> -> memref<64xf32, #tpu.memory_space<hbm>>
    tpu.enqueue_dma source(%dma_start3A_844 : memref<64xf32, #tpu.memory_space<hbm>>) target(%dma_start3A_841 : memref<64xf32, #tpu.memory_space<vmem>>) target_semaphore(%arg17 : memref<!tpu.dma_semaphore, #tpu.memory_space<semaphore_mem>>)
    %slice3A_845 = vector.extract_strided_slice %get3A_710 {offsets = [3], sizes = [1], strides = [1]} : vector<16xi32> to vector<1xi32>
    %squeeze3A_846 = vector.extract %slice3A_845[0] : i32 from vector<1xi32>
    %shift_right_arithmetic3A_847 = arith.constant 3 : i32
    %shift_right_arithmetic3A_848 = arith.shrsi %squeeze3A_846, %shift_right_arithmetic3A_847 : i32
    %slice3A_849 = vector.extract_strided_slice %get3A_710 {offsets = [3], sizes = [1], strides = [1]} : vector<16xi32> to vector<1xi32>
    %squeeze3A_850 = vector.extract %slice3A_849[0] : i32 from vector<1xi32>
    %and3A_851 = arith.constant 7 : i32
    %and3A_852 = arith.andi %squeeze3A_850, %and3A_851 : i32
    %dma_start3A_853 = arith.constant 0 : i32
    %dma_start3A_854 = arith.constant 19 : i32
    %dma_start3A_855 = arith.constant 0 : i32
    %dma_start3A_856 = tpu.memref_slice %arg11[%dma_start3A_853, %dma_start3A_854, %dma_start3A_855] : memref<2x32x64xf32, #tpu.memory_space<vmem>> -> memref<1x1x64xf32, #tpu.memory_space<vmem>>
    %dma_start3A_857 = tpu.memref_squeeze %dma_start3A_856 : memref<1x1x64xf32, #tpu.memory_space<vmem>> -> memref<64xf32, #tpu.memory_space<vmem>>
    %dma_start3A_858 = arith.constant 0 : i32
    %dma_start3A_859 = tpu.memref_slice %arg4[%shift_right_arithmetic3A_848, %and3A_852, %dma_start3A_858] : memref<12500x8x64xf32, #tpu.memory_space<hbm>> -> memref<1x1x64xf32, #tpu.memory_space<hbm>>
    %dma_start3A_860 = tpu.memref_squeeze %dma_start3A_859 : memref<1x1x64xf32, #tpu.memory_space<hbm>> -> memref<64xf32, #tpu.memory_space<hbm>>
    %dma_start3A_861 = arith.constant 0 : i32
    %dma_start3A_862 = tpu.memref_slice %arg11[%dma_start3A_853, %dma_start3A_854, %dma_start3A_861] : memref<2x32x64xf32, #tpu.memory_space<vmem>> -> memref<1x1x64xf32, #tpu.memory_space<vmem>>
    %dma_start3A_863 = tpu.memref_squeeze %dma_start3A_862 : memref<1x1x64xf32, #tpu.memory_space<vmem>> -> memref<64xf32, #tpu.memory_space<vmem>>
    %dma_start3A_864 = arith.constant 0 : i32
    %dma_start3A_865 = tpu.memref_slice %arg4[%shift_right_arithmetic3A_848, %and3A_852, %dma_start3A_864] : memref<12500x8x64xf32, #tpu.memory_space<hbm>> -> memref<1x1x64xf32, #tpu.memory_space<hbm>>
    %dma_start3A_866 = tpu.memref_squeeze %dma_start3A_865 : memref<1x1x64xf32, #tpu.memory_space<hbm>> -> memref<64xf32, #tpu.memory_space<hbm>>
    tpu.enqueue_dma source(%dma_start3A_866 : memref<64xf32, #tpu.memory_space<hbm>>) target(%dma_start3A_863 : memref<64xf32, #tpu.memory_space<vmem>>) target_semaphore(%arg16 : memref<!tpu.dma_semaphore, #tpu.memory_space<semaphore_mem>>)
    %slice3A_867 = vector.extract_strided_slice %get3A_712 {offsets = [3], sizes = [1], strides = [1]} : vector<16xi32> to vector<1xi32>
    %squeeze3A_868 = vector.extract %slice3A_867[0] : i32 from vector<1xi32>
    %shift_right_arithmetic3A_869 = arith.constant 3 : i32
    %shift_right_arithmetic3A_870 = arith.shrsi %squeeze3A_868, %shift_right_arithmetic3A_869 : i32
    %slice3A_871 = vector.extract_strided_slice %get3A_712 {offsets = [3], sizes = [1], strides = [1]} : vector<16xi32> to vector<1xi32>
    %squeeze3A_872 = vector.extract %slice3A_871[0] : i32 from vector<1xi32>
    %and3A_873 = arith.constant 7 : i32
    %and3A_874 = arith.andi %squeeze3A_872, %and3A_873 : i32
    %dma_start3A_875 = arith.constant 0 : i32
    %dma_start3A_876 = arith.constant 19 : i32
    %dma_start3A_877 = arith.constant 0 : i32
    %dma_start3A_878 = tpu.memref_slice %arg12[%dma_start3A_875, %dma_start3A_876, %dma_start3A_877] : memref<2x32x64xf32, #tpu.memory_space<vmem>> -> memref<1x1x64xf32, #tpu.memory_space<vmem>>
    %dma_start3A_879 = tpu.memref_squeeze %dma_start3A_878 : memref<1x1x64xf32, #tpu.memory_space<vmem>> -> memref<64xf32, #tpu.memory_space<vmem>>
    %dma_start3A_880 = arith.constant 0 : i32
    %dma_start3A_881 = tpu.memref_slice %arg5[%shift_right_arithmetic3A_870, %and3A_874, %dma_start3A_880] : memref<125000x8x64xf32, #tpu.memory_space<hbm>> -> memref<1x1x64xf32, #tpu.memory_space<hbm>>
    %dma_start3A_882 = tpu.memref_squeeze %dma_start3A_881 : memref<1x1x64xf32, #tpu.memory_space<hbm>> -> memref<64xf32, #tpu.memory_space<hbm>>
    %dma_start3A_883 = arith.constant 0 : i32
    %dma_start3A_884 = tpu.memref_slice %arg12[%dma_start3A_875, %dma_start3A_876, %dma_start3A_883] : memref<2x32x64xf32, #tpu.memory_space<vmem>> -> memref<1x1x64xf32, #tpu.memory_space<vmem>>
    %dma_start3A_885 = tpu.memref_squeeze %dma_start3A_884 : memref<1x1x64xf32, #tpu.memory_space<vmem>> -> memref<64xf32, #tpu.memory_space<vmem>>
    %dma_start3A_886 = arith.constant 0 : i32
    %dma_start3A_887 = tpu.memref_slice %arg5[%shift_right_arithmetic3A_870, %and3A_874, %dma_start3A_886] : memref<125000x8x64xf32, #tpu.memory_space<hbm>> -> memref<1x1x64xf32, #tpu.memory_space<hbm>>
    %dma_start3A_888 = tpu.memref_squeeze %dma_start3A_887 : memref<1x1x64xf32, #tpu.memory_space<hbm>> -> memref<64xf32, #tpu.memory_space<hbm>>
    tpu.enqueue_dma source(%dma_start3A_888 : memref<64xf32, #tpu.memory_space<hbm>>) target(%dma_start3A_885 : memref<64xf32, #tpu.memory_space<vmem>>) target_semaphore(%arg17 : memref<!tpu.dma_semaphore, #tpu.memory_space<semaphore_mem>>)
    %slice3A_889 = vector.extract_strided_slice %get3A_710 {offsets = [4], sizes = [1], strides = [1]} : vector<16xi32> to vector<1xi32>
    %squeeze3A_890 = vector.extract %slice3A_889[0] : i32 from vector<1xi32>
    %shift_right_arithmetic3A_891 = arith.constant 3 : i32
    %shift_right_arithmetic3A_892 = arith.shrsi %squeeze3A_890, %shift_right_arithmetic3A_891 : i32
    %slice3A_893 = vector.extract_strided_slice %get3A_710 {offsets = [4], sizes = [1], strides = [1]} : vector<16xi32> to vector<1xi32>
    %squeeze3A_894 = vector.extract %slice3A_893[0] : i32 from vector<1xi32>
    %and3A_895 = arith.constant 7 : i32
    %and3A_896 = arith.andi %squeeze3A_894, %and3A_895 : i32
    %dma_start3A_897 = arith.constant 0 : i32
    %dma_start3A_898 = arith.constant 20 : i32
    %dma_start3A_899 = arith.constant 0 : i32
    %dma_start3A_900 = tpu.memref_slice %arg11[%dma_start3A_897, %dma_start3A_898, %dma_start3A_899] : memref<2x32x64xf32, #tpu.memory_space<vmem>> -> memref<1x1x64xf32, #tpu.memory_space<vmem>>
    %dma_start3A_901 = tpu.memref_squeeze %dma_start3A_900 : memref<1x1x64xf32, #tpu.memory_space<vmem>> -> memref<64xf32, #tpu.memory_space<vmem>>
    %dma_start3A_902 = arith.constant 0 : i32
    %dma_start3A_903 = tpu.memref_slice %arg4[%shift_right_arithmetic3A_892, %and3A_896, %dma_start3A_902] : memref<12500x8x64xf32, #tpu.memory_space<hbm>> -> memref<1x1x64xf32, #tpu.memory_space<hbm>>
    %dma_start3A_904 = tpu.memref_squeeze %dma_start3A_903 : memref<1x1x64xf32, #tpu.memory_space<hbm>> -> memref<64xf32, #tpu.memory_space<hbm>>
    %dma_start3A_905 = arith.constant 0 : i32
    %dma_start3A_906 = tpu.memref_slice %arg11[%dma_start3A_897, %dma_start3A_898, %dma_start3A_905] : memref<2x32x64xf32, #tpu.memory_space<vmem>> -> memref<1x1x64xf32, #tpu.memory_space<vmem>>
    %dma_start3A_907 = tpu.memref_squeeze %dma_start3A_906 : memref<1x1x64xf32, #tpu.memory_space<vmem>> -> memref<64xf32, #tpu.memory_space<vmem>>
    %dma_start3A_908 = arith.constant 0 : i32
    %dma_start3A_909 = tpu.memref_slice %arg4[%shift_right_arithmetic3A_892, %and3A_896, %dma_start3A_908] : memref<12500x8x64xf32, #tpu.memory_space<hbm>> -> memref<1x1x64xf32, #tpu.memory_space<hbm>>
    %dma_start3A_910 = tpu.memref_squeeze %dma_start3A_909 : memref<1x1x64xf32, #tpu.memory_space<hbm>> -> memref<64xf32, #tpu.memory_space<hbm>>
    tpu.enqueue_dma source(%dma_start3A_910 : memref<64xf32, #tpu.memory_space<hbm>>) target(%dma_start3A_907 : memref<64xf32, #tpu.memory_space<vmem>>) target_semaphore(%arg16 : memref<!tpu.dma_semaphore, #tpu.memory_space<semaphore_mem>>)
    %slice3A_911 = vector.extract_strided_slice %get3A_712 {offsets = [4], sizes = [1], strides = [1]} : vector<16xi32> to vector<1xi32>
    %squeeze3A_912 = vector.extract %slice3A_911[0] : i32 from vector<1xi32>
    %shift_right_arithmetic3A_913 = arith.constant 3 : i32
    %shift_right_arithmetic3A_914 = arith.shrsi %squeeze3A_912, %shift_right_arithmetic3A_913 : i32
    %slice3A_915 = vector.extract_strided_slice %get3A_712 {offsets = [4], sizes = [1], strides = [1]} : vector<16xi32> to vector<1xi32>
    %squeeze3A_916 = vector.extract %slice3A_915[0] : i32 from vector<1xi32>
    %and3A_917 = arith.constant 7 : i32
    %and3A_918 = arith.andi %squeeze3A_916, %and3A_917 : i32
    %dma_start3A_919 = arith.constant 0 : i32
    %dma_start3A_920 = arith.constant 20 : i32
    %dma_start3A_921 = arith.constant 0 : i32
    %dma_start3A_922 = tpu.memref_slice %arg12[%dma_start3A_919, %dma_start3A_920, %dma_start3A_921] : memref<2x32x64xf32, #tpu.memory_space<vmem>> -> memref<1x1x64xf32, #tpu.memory_space<vmem>>
    %dma_start3A_923 = tpu.memref_squeeze %dma_start3A_922 : memref<1x1x64xf32, #tpu.memory_space<vmem>> -> memref<64xf32, #tpu.memory_space<vmem>>
    %dma_start3A_924 = arith.constant 0 : i32
    %dma_start3A_925 = tpu.memref_slice %arg5[%shift_right_arithmetic3A_914, %and3A_918, %dma_start3A_924] : memref<125000x8x64xf32, #tpu.memory_space<hbm>> -> memref<1x1x64xf32, #tpu.memory_space<hbm>>
    %dma_start3A_926 = tpu.memref_squeeze %dma_start3A_925 : memref<1x1x64xf32, #tpu.memory_space<hbm>> -> memref<64xf32, #tpu.memory_space<hbm>>
    %dma_start3A_927 = arith.constant 0 : i32
    %dma_start3A_928 = tpu.memref_slice %arg12[%dma_start3A_919, %dma_start3A_920, %dma_start3A_927] : memref<2x32x64xf32, #tpu.memory_space<vmem>> -> memref<1x1x64xf32, #tpu.memory_space<vmem>>
    %dma_start3A_929 = tpu.memref_squeeze %dma_start3A_928 : memref<1x1x64xf32, #tpu.memory_space<vmem>> -> memref<64xf32, #tpu.memory_space<vmem>>
    %dma_start3A_930 = arith.constant 0 : i32
    %dma_start3A_931 = tpu.memref_slice %arg5[%shift_right_arithmetic3A_914, %and3A_918, %dma_start3A_930] : memref<125000x8x64xf32, #tpu.memory_space<hbm>> -> memref<1x1x64xf32, #tpu.memory_space<hbm>>
    %dma_start3A_932 = tpu.memref_squeeze %dma_start3A_931 : memref<1x1x64xf32, #tpu.memory_space<hbm>> -> memref<64xf32, #tpu.memory_space<hbm>>
    tpu.enqueue_dma source(%dma_start3A_932 : memref<64xf32, #tpu.memory_space<hbm>>) target(%dma_start3A_929 : memref<64xf32, #tpu.memory_space<vmem>>) target_semaphore(%arg17 : memref<!tpu.dma_semaphore, #tpu.memory_space<semaphore_mem>>)
    %slice3A_933 = vector.extract_strided_slice %get3A_710 {offsets = [5], sizes = [1], strides = [1]} : vector<16xi32> to vector<1xi32>
    %squeeze3A_934 = vector.extract %slice3A_933[0] : i32 from vector<1xi32>
    %shift_right_arithmetic3A_935 = arith.constant 3 : i32
    %shift_right_arithmetic3A_936 = arith.shrsi %squeeze3A_934, %shift_right_arithmetic3A_935 : i32
    %slice3A_937 = vector.extract_strided_slice %get3A_710 {offsets = [5], sizes = [1], strides = [1]} : vector<16xi32> to vector<1xi32>
    %squeeze3A_938 = vector.extract %slice3A_937[0] : i32 from vector<1xi32>
    %and3A_939 = arith.constant 7 : i32
    %and3A_940 = arith.andi %squeeze3A_938, %and3A_939 : i32
    %dma_start3A_941 = arith.constant 0 : i32
    %dma_start3A_942 = arith.constant 21 : i32
    %dma_start3A_943 = arith.constant 0 : i32
    %dma_start3A_944 = tpu.memref_slice %arg11[%dma_start3A_941, %dma_start3A_942, %dma_start3A_943] : memref<2x32x64xf32, #tpu.memory_space<vmem>> -> memref<1x1x64xf32, #tpu.memory_space<vmem>>
    %dma_start3A_945 = tpu.memref_squeeze %dma_start3A_944 : memref<1x1x64xf32, #tpu.memory_space<vmem>> -> memref<64xf32, #tpu.memory_space<vmem>>
    %dma_start3A_946 = arith.constant 0 : i32
    %dma_start3A_947 = tpu.memref_slice %arg4[%shift_right_arithmetic3A_936, %and3A_940, %dma_start3A_946] : memref<12500x8x64xf32, #tpu.memory_space<hbm>> -> memref<1x1x64xf32, #tpu.memory_space<hbm>>
    %dma_start3A_948 = tpu.memref_squeeze %dma_start3A_947 : memref<1x1x64xf32, #tpu.memory_space<hbm>> -> memref<64xf32, #tpu.memory_space<hbm>>
    %dma_start3A_949 = arith.constant 0 : i32
    %dma_start3A_950 = tpu.memref_slice %arg11[%dma_start3A_941, %dma_start3A_942, %dma_start3A_949] : memref<2x32x64xf32, #tpu.memory_space<vmem>> -> memref<1x1x64xf32, #tpu.memory_space<vmem>>
    %dma_start3A_951 = tpu.memref_squeeze %dma_start3A_950 : memref<1x1x64xf32, #tpu.memory_space<vmem>> -> memref<64xf32, #tpu.memory_space<vmem>>
    %dma_start3A_952 = arith.constant 0 : i32
    %dma_start3A_953 = tpu.memref_slice %arg4[%shift_right_arithmetic3A_936, %and3A_940, %dma_start3A_952] : memref<12500x8x64xf32, #tpu.memory_space<hbm>> -> memref<1x1x64xf32, #tpu.memory_space<hbm>>
    %dma_start3A_954 = tpu.memref_squeeze %dma_start3A_953 : memref<1x1x64xf32, #tpu.memory_space<hbm>> -> memref<64xf32, #tpu.memory_space<hbm>>
    tpu.enqueue_dma source(%dma_start3A_954 : memref<64xf32, #tpu.memory_space<hbm>>) target(%dma_start3A_951 : memref<64xf32, #tpu.memory_space<vmem>>) target_semaphore(%arg16 : memref<!tpu.dma_semaphore, #tpu.memory_space<semaphore_mem>>)
    %slice3A_955 = vector.extract_strided_slice %get3A_712 {offsets = [5], sizes = [1], strides = [1]} : vector<16xi32> to vector<1xi32>
    %squeeze3A_956 = vector.extract %slice3A_955[0] : i32 from vector<1xi32>
    %shift_right_arithmetic3A_957 = arith.constant 3 : i32
    %shift_right_arithmetic3A_958 = arith.shrsi %squeeze3A_956, %shift_right_arithmetic3A_957 : i32
    %slice3A_959 = vector.extract_strided_slice %get3A_712 {offsets = [5], sizes = [1], strides = [1]} : vector<16xi32> to vector<1xi32>
    %squeeze3A_960 = vector.extract %slice3A_959[0] : i32 from vector<1xi32>
    %and3A_961 = arith.constant 7 : i32
    %and3A_962 = arith.andi %squeeze3A_960, %and3A_961 : i32
    %dma_start3A_963 = arith.constant 0 : i32
    %dma_start3A_964 = arith.constant 21 : i32
    %dma_start3A_965 = arith.constant 0 : i32
    %dma_start3A_966 = tpu.memref_slice %arg12[%dma_start3A_963, %dma_start3A_964, %dma_start3A_965] : memref<2x32x64xf32, #tpu.memory_space<vmem>> -> memref<1x1x64xf32, #tpu.memory_space<vmem>>
    %dma_start3A_967 = tpu.memref_squeeze %dma_start3A_966 : memref<1x1x64xf32, #tpu.memory_space<vmem>> -> memref<64xf32, #tpu.memory_space<vmem>>
    %dma_start3A_968 = arith.constant 0 : i32
    %dma_start3A_969 = tpu.memref_slice %arg5[%shift_right_arithmetic3A_958, %and3A_962, %dma_start3A_968] : memref<125000x8x64xf32, #tpu.memory_space<hbm>> -> memref<1x1x64xf32, #tpu.memory_space<hbm>>
    %dma_start3A_970 = tpu.memref_squeeze %dma_start3A_969 : memref<1x1x64xf32, #tpu.memory_space<hbm>> -> memref<64xf32, #tpu.memory_space<hbm>>
    %dma_start3A_971 = arith.constant 0 : i32
    %dma_start3A_972 = tpu.memref_slice %arg12[%dma_start3A_963, %dma_start3A_964, %dma_start3A_971] : memref<2x32x64xf32, #tpu.memory_space<vmem>> -> memref<1x1x64xf32, #tpu.memory_space<vmem>>
    %dma_start3A_973 = tpu.memref_squeeze %dma_start3A_972 : memref<1x1x64xf32, #tpu.memory_space<vmem>> -> memref<64xf32, #tpu.memory_space<vmem>>
    %dma_start3A_974 = arith.constant 0 : i32
    %dma_start3A_975 = tpu.memref_slice %arg5[%shift_right_arithmetic3A_958, %and3A_962, %dma_start3A_974] : memref<125000x8x64xf32, #tpu.memory_space<hbm>> -> memref<1x1x64xf32, #tpu.memory_space<hbm>>
    %dma_start3A_976 = tpu.memref_squeeze %dma_start3A_975 : memref<1x1x64xf32, #tpu.memory_space<hbm>> -> memref<64xf32, #tpu.memory_space<hbm>>
    tpu.enqueue_dma source(%dma_start3A_976 : memref<64xf32, #tpu.memory_space<hbm>>) target(%dma_start3A_973 : memref<64xf32, #tpu.memory_space<vmem>>) target_semaphore(%arg17 : memref<!tpu.dma_semaphore, #tpu.memory_space<semaphore_mem>>)
    %slice3A_977 = vector.extract_strided_slice %get3A_710 {offsets = [6], sizes = [1], strides = [1]} : vector<16xi32> to vector<1xi32>
    %squeeze3A_978 = vector.extract %slice3A_977[0] : i32 from vector<1xi32>
    %shift_right_arithmetic3A_979 = arith.constant 3 : i32
    %shift_right_arithmetic3A_980 = arith.shrsi %squeeze3A_978, %shift_right_arithmetic3A_979 : i32
    %slice3A_981 = vector.extract_strided_slice %get3A_710 {offsets = [6], sizes = [1], strides = [1]} : vector<16xi32> to vector<1xi32>
    %squeeze3A_982 = vector.extract %slice3A_981[0] : i32 from vector<1xi32>
    %and3A_983 = arith.constant 7 : i32
    %and3A_984 = arith.andi %squeeze3A_982, %and3A_983 : i32
    %dma_start3A_985 = arith.constant 0 : i32
    %dma_start3A_986 = arith.constant 22 : i32
    %dma_start3A_987 = arith.constant 0 : i32
    %dma_start3A_988 = tpu.memref_slice %arg11[%dma_start3A_985, %dma_start3A_986, %dma_start3A_987] : memref<2x32x64xf32, #tpu.memory_space<vmem>> -> memref<1x1x64xf32, #tpu.memory_space<vmem>>
    %dma_start3A_989 = tpu.memref_squeeze %dma_start3A_988 : memref<1x1x64xf32, #tpu.memory_space<vmem>> -> memref<64xf32, #tpu.memory_space<vmem>>
    %dma_start3A_990 = arith.constant 0 : i32
    %dma_start3A_991 = tpu.memref_slice %arg4[%shift_right_arithmetic3A_980, %and3A_984, %dma_start3A_990] : memref<12500x8x64xf32, #tpu.memory_space<hbm>> -> memref<1x1x64xf32, #tpu.memory_space<hbm>>
    %dma_start3A_992 = tpu.memref_squeeze %dma_start3A_991 : memref<1x1x64xf32, #tpu.memory_space<hbm>> -> memref<64xf32, #tpu.memory_space<hbm>>
    %dma_start3A_993 = arith.constant 0 : i32
    %dma_start3A_994 = tpu.memref_slice %arg11[%dma_start3A_985, %dma_start3A_986, %dma_start3A_993] : memref<2x32x64xf32, #tpu.memory_space<vmem>> -> memref<1x1x64xf32, #tpu.memory_space<vmem>>
    %dma_start3A_995 = tpu.memref_squeeze %dma_start3A_994 : memref<1x1x64xf32, #tpu.memory_space<vmem>> -> memref<64xf32, #tpu.memory_space<vmem>>
    %dma_start3A_996 = arith.constant 0 : i32
    %dma_start3A_997 = tpu.memref_slice %arg4[%shift_right_arithmetic3A_980, %and3A_984, %dma_start3A_996] : memref<12500x8x64xf32, #tpu.memory_space<hbm>> -> memref<1x1x64xf32, #tpu.memory_space<hbm>>
    %dma_start3A_998 = tpu.memref_squeeze %dma_start3A_997 : memref<1x1x64xf32, #tpu.memory_space<hbm>> -> memref<64xf32, #tpu.memory_space<hbm>>
    tpu.enqueue_dma source(%dma_start3A_998 : memref<64xf32, #tpu.memory_space<hbm>>) target(%dma_start3A_995 : memref<64xf32, #tpu.memory_space<vmem>>) target_semaphore(%arg16 : memref<!tpu.dma_semaphore, #tpu.memory_space<semaphore_mem>>)
    %slice3A_999 = vector.extract_strided_slice %get3A_712 {offsets = [6], sizes = [1], strides = [1]} : vector<16xi32> to vector<1xi32>
    %squeeze3A_1000 = vector.extract %slice3A_999[0] : i32 from vector<1xi32>
    %shift_right_arithmetic3A_1001 = arith.constant 3 : i32
    %shift_right_arithmetic3A_1002 = arith.shrsi %squeeze3A_1000, %shift_right_arithmetic3A_1001 : i32
    %slice3A_1003 = vector.extract_strided_slice %get3A_712 {offsets = [6], sizes = [1], strides = [1]} : vector<16xi32> to vector<1xi32>
    %squeeze3A_1004 = vector.extract %slice3A_1003[0] : i32 from vector<1xi32>
    %and3A_1005 = arith.constant 7 : i32
    %and3A_1006 = arith.andi %squeeze3A_1004, %and3A_1005 : i32
    %dma_start3A_1007 = arith.constant 0 : i32
    %dma_start3A_1008 = arith.constant 22 : i32
    %dma_start3A_1009 = arith.constant 0 : i32
    %dma_start3A_1010 = tpu.memref_slice %arg12[%dma_start3A_1007, %dma_start3A_1008, %dma_start3A_1009] : memref<2x32x64xf32, #tpu.memory_space<vmem>> -> memref<1x1x64xf32, #tpu.memory_space<vmem>>
    %dma_start3A_1011 = tpu.memref_squeeze %dma_start3A_1010 : memref<1x1x64xf32, #tpu.memory_space<vmem>> -> memref<64xf32, #tpu.memory_space<vmem>>
    %dma_start3A_1012 = arith.constant 0 : i32
    %dma_start3A_1013 = tpu.memref_slice %arg5[%shift_right_arithmetic3A_1002, %and3A_1006, %dma_start3A_1012] : memref<125000x8x64xf32, #tpu.memory_space<hbm>> -> memref<1x1x64xf32, #tpu.memory_space<hbm>>
    %dma_start3A_1014 = tpu.memref_squeeze %dma_start3A_1013 : memref<1x1x64xf32, #tpu.memory_space<hbm>> -> memref<64xf32, #tpu.memory_space<hbm>>
    %dma_start3A_1015 = arith.constant 0 : i32
    %dma_start3A_1016 = tpu.memref_slice %arg12[%dma_start3A_1007, %dma_start3A_1008, %dma_start3A_1015] : memref<2x32x64xf32, #tpu.memory_space<vmem>> -> memref<1x1x64xf32, #tpu.memory_space<vmem>>
    %dma_start3A_1017 = tpu.memref_squeeze %dma_start3A_1016 : memref<1x1x64xf32, #tpu.memory_space<vmem>> -> memref<64xf32, #tpu.memory_space<vmem>>
    %dma_start3A_1018 = arith.constant 0 : i32
    %dma_start3A_1019 = tpu.memref_slice %arg5[%shift_right_arithmetic3A_1002, %and3A_1006, %dma_start3A_1018] : memref<125000x8x64xf32, #tpu.memory_space<hbm>> -> memref<1x1x64xf32, #tpu.memory_space<hbm>>
    %dma_start3A_1020 = tpu.memref_squeeze %dma_start3A_1019 : memref<1x1x64xf32, #tpu.memory_space<hbm>> -> memref<64xf32, #tpu.memory_space<hbm>>
    tpu.enqueue_dma source(%dma_start3A_1020 : memref<64xf32, #tpu.memory_space<hbm>>) target(%dma_start3A_1017 : memref<64xf32, #tpu.memory_space<vmem>>) target_semaphore(%arg17 : memref<!tpu.dma_semaphore, #tpu.memory_space<semaphore_mem>>)
    %slice3A_1021 = vector.extract_strided_slice %get3A_710 {offsets = [7], sizes = [1], strides = [1]} : vector<16xi32> to vector<1xi32>
    %squeeze3A_1022 = vector.extract %slice3A_1021[0] : i32 from vector<1xi32>
    %shift_right_arithmetic3A_1023 = arith.constant 3 : i32
    %shift_right_arithmetic3A_1024 = arith.shrsi %squeeze3A_1022, %shift_right_arithmetic3A_1023 : i32
    %slice3A_1025 = vector.extract_strided_slice %get3A_710 {offsets = [7], sizes = [1], strides = [1]} : vector<16xi32> to vector<1xi32>
    %squeeze3A_1026 = vector.extract %slice3A_1025[0] : i32 from vector<1xi32>
    %and3A_1027 = arith.constant 7 : i32
    %and3A_1028 = arith.andi %squeeze3A_1026, %and3A_1027 : i32
    %dma_start3A_1029 = arith.constant 0 : i32
    %dma_start3A_1030 = arith.constant 23 : i32
    %dma_start3A_1031 = arith.constant 0 : i32
    %dma_start3A_1032 = tpu.memref_slice %arg11[%dma_start3A_1029, %dma_start3A_1030, %dma_start3A_1031] : memref<2x32x64xf32, #tpu.memory_space<vmem>> -> memref<1x1x64xf32, #tpu.memory_space<vmem>>
    %dma_start3A_1033 = tpu.memref_squeeze %dma_start3A_1032 : memref<1x1x64xf32, #tpu.memory_space<vmem>> -> memref<64xf32, #tpu.memory_space<vmem>>
    %dma_start3A_1034 = arith.constant 0 : i32
    %dma_start3A_1035 = tpu.memref_slice %arg4[%shift_right_arithmetic3A_1024, %and3A_1028, %dma_start3A_1034] : memref<12500x8x64xf32, #tpu.memory_space<hbm>> -> memref<1x1x64xf32, #tpu.memory_space<hbm>>
    %dma_start3A_1036 = tpu.memref_squeeze %dma_start3A_1035 : memref<1x1x64xf32, #tpu.memory_space<hbm>> -> memref<64xf32, #tpu.memory_space<hbm>>
    %dma_start3A_1037 = arith.constant 0 : i32
    %dma_start3A_1038 = tpu.memref_slice %arg11[%dma_start3A_1029, %dma_start3A_1030, %dma_start3A_1037] : memref<2x32x64xf32, #tpu.memory_space<vmem>> -> memref<1x1x64xf32, #tpu.memory_space<vmem>>
    %dma_start3A_1039 = tpu.memref_squeeze %dma_start3A_1038 : memref<1x1x64xf32, #tpu.memory_space<vmem>> -> memref<64xf32, #tpu.memory_space<vmem>>
    %dma_start3A_1040 = arith.constant 0 : i32
    %dma_start3A_1041 = tpu.memref_slice %arg4[%shift_right_arithmetic3A_1024, %and3A_1028, %dma_start3A_1040] : memref<12500x8x64xf32, #tpu.memory_space<hbm>> -> memref<1x1x64xf32, #tpu.memory_space<hbm>>
    %dma_start3A_1042 = tpu.memref_squeeze %dma_start3A_1041 : memref<1x1x64xf32, #tpu.memory_space<hbm>> -> memref<64xf32, #tpu.memory_space<hbm>>
    tpu.enqueue_dma source(%dma_start3A_1042 : memref<64xf32, #tpu.memory_space<hbm>>) target(%dma_start3A_1039 : memref<64xf32, #tpu.memory_space<vmem>>) target_semaphore(%arg16 : memref<!tpu.dma_semaphore, #tpu.memory_space<semaphore_mem>>)
    %slice3A_1043 = vector.extract_strided_slice %get3A_712 {offsets = [7], sizes = [1], strides = [1]} : vector<16xi32> to vector<1xi32>
    %squeeze3A_1044 = vector.extract %slice3A_1043[0] : i32 from vector<1xi32>
    %shift_right_arithmetic3A_1045 = arith.constant 3 : i32
    %shift_right_arithmetic3A_1046 = arith.shrsi %squeeze3A_1044, %shift_right_arithmetic3A_1045 : i32
    %slice3A_1047 = vector.extract_strided_slice %get3A_712 {offsets = [7], sizes = [1], strides = [1]} : vector<16xi32> to vector<1xi32>
    %squeeze3A_1048 = vector.extract %slice3A_1047[0] : i32 from vector<1xi32>
    %and3A_1049 = arith.constant 7 : i32
    %and3A_1050 = arith.andi %squeeze3A_1048, %and3A_1049 : i32
    %dma_start3A_1051 = arith.constant 0 : i32
    %dma_start3A_1052 = arith.constant 23 : i32
    %dma_start3A_1053 = arith.constant 0 : i32
    %dma_start3A_1054 = tpu.memref_slice %arg12[%dma_start3A_1051, %dma_start3A_1052, %dma_start3A_1053] : memref<2x32x64xf32, #tpu.memory_space<vmem>> -> memref<1x1x64xf32, #tpu.memory_space<vmem>>
    %dma_start3A_1055 = tpu.memref_squeeze %dma_start3A_1054 : memref<1x1x64xf32, #tpu.memory_space<vmem>> -> memref<64xf32, #tpu.memory_space<vmem>>
    %dma_start3A_1056 = arith.constant 0 : i32
    %dma_start3A_1057 = tpu.memref_slice %arg5[%shift_right_arithmetic3A_1046, %and3A_1050, %dma_start3A_1056] : memref<125000x8x64xf32, #tpu.memory_space<hbm>> -> memref<1x1x64xf32, #tpu.memory_space<hbm>>
    %dma_start3A_1058 = tpu.memref_squeeze %dma_start3A_1057 : memref<1x1x64xf32, #tpu.memory_space<hbm>> -> memref<64xf32, #tpu.memory_space<hbm>>
    %dma_start3A_1059 = arith.constant 0 : i32
    %dma_start3A_1060 = tpu.memref_slice %arg12[%dma_start3A_1051, %dma_start3A_1052, %dma_start3A_1059] : memref<2x32x64xf32, #tpu.memory_space<vmem>> -> memref<1x1x64xf32, #tpu.memory_space<vmem>>
    %dma_start3A_1061 = tpu.memref_squeeze %dma_start3A_1060 : memref<1x1x64xf32, #tpu.memory_space<vmem>> -> memref<64xf32, #tpu.memory_space<vmem>>
    %dma_start3A_1062 = arith.constant 0 : i32
    %dma_start3A_1063 = tpu.memref_slice %arg5[%shift_right_arithmetic3A_1046, %and3A_1050, %dma_start3A_1062] : memref<125000x8x64xf32, #tpu.memory_space<hbm>> -> memref<1x1x64xf32, #tpu.memory_space<hbm>>
    %dma_start3A_1064 = tpu.memref_squeeze %dma_start3A_1063 : memref<1x1x64xf32, #tpu.memory_space<hbm>> -> memref<64xf32, #tpu.memory_space<hbm>>
    tpu.enqueue_dma source(%dma_start3A_1064 : memref<64xf32, #tpu.memory_space<hbm>>) target(%dma_start3A_1061 : memref<64xf32, #tpu.memory_space<vmem>>) target_semaphore(%arg17 : memref<!tpu.dma_semaphore, #tpu.memory_space<semaphore_mem>>)
    %slice3A_1065 = vector.extract_strided_slice %get3A_710 {offsets = [8], sizes = [1], strides = [1]} : vector<16xi32> to vector<1xi32>
    %squeeze3A_1066 = vector.extract %slice3A_1065[0] : i32 from vector<1xi32>
    %shift_right_arithmetic3A_1067 = arith.constant 3 : i32
    %shift_right_arithmetic3A_1068 = arith.shrsi %squeeze3A_1066, %shift_right_arithmetic3A_1067 : i32
    %slice3A_1069 = vector.extract_strided_slice %get3A_710 {offsets = [8], sizes = [1], strides = [1]} : vector<16xi32> to vector<1xi32>
    %squeeze3A_1070 = vector.extract %slice3A_1069[0] : i32 from vector<1xi32>
    %and3A_1071 = arith.constant 7 : i32
    %and3A_1072 = arith.andi %squeeze3A_1070, %and3A_1071 : i32
    %dma_start3A_1073 = arith.constant 0 : i32
    %dma_start3A_1074 = arith.constant 24 : i32
    %dma_start3A_1075 = arith.constant 0 : i32
    %dma_start3A_1076 = tpu.memref_slice %arg11[%dma_start3A_1073, %dma_start3A_1074, %dma_start3A_1075] : memref<2x32x64xf32, #tpu.memory_space<vmem>> -> memref<1x1x64xf32, #tpu.memory_space<vmem>>
    %dma_start3A_1077 = tpu.memref_squeeze %dma_start3A_1076 : memref<1x1x64xf32, #tpu.memory_space<vmem>> -> memref<64xf32, #tpu.memory_space<vmem>>
    %dma_start3A_1078 = arith.constant 0 : i32
    %dma_start3A_1079 = tpu.memref_slice %arg4[%shift_right_arithmetic3A_1068, %and3A_1072, %dma_start3A_1078] : memref<12500x8x64xf32, #tpu.memory_space<hbm>> -> memref<1x1x64xf32, #tpu.memory_space<hbm>>
    %dma_start3A_1080 = tpu.memref_squeeze %dma_start3A_1079 : memref<1x1x64xf32, #tpu.memory_space<hbm>> -> memref<64xf32, #tpu.memory_space<hbm>>
    %dma_start3A_1081 = arith.constant 0 : i32
    %dma_start3A_1082 = tpu.memref_slice %arg11[%dma_start3A_1073, %dma_start3A_1074, %dma_start3A_1081] : memref<2x32x64xf32, #tpu.memory_space<vmem>> -> memref<1x1x64xf32, #tpu.memory_space<vmem>>
    %dma_start3A_1083 = tpu.memref_squeeze %dma_start3A_1082 : memref<1x1x64xf32, #tpu.memory_space<vmem>> -> memref<64xf32, #tpu.memory_space<vmem>>
    %dma_start3A_1084 = arith.constant 0 : i32
    %dma_start3A_1085 = tpu.memref_slice %arg4[%shift_right_arithmetic3A_1068, %and3A_1072, %dma_start3A_1084] : memref<12500x8x64xf32, #tpu.memory_space<hbm>> -> memref<1x1x64xf32, #tpu.memory_space<hbm>>
    %dma_start3A_1086 = tpu.memref_squeeze %dma_start3A_1085 : memref<1x1x64xf32, #tpu.memory_space<hbm>> -> memref<64xf32, #tpu.memory_space<hbm>>
    tpu.enqueue_dma source(%dma_start3A_1086 : memref<64xf32, #tpu.memory_space<hbm>>) target(%dma_start3A_1083 : memref<64xf32, #tpu.memory_space<vmem>>) target_semaphore(%arg16 : memref<!tpu.dma_semaphore, #tpu.memory_space<semaphore_mem>>)
    %slice3A_1087 = vector.extract_strided_slice %get3A_712 {offsets = [8], sizes = [1], strides = [1]} : vector<16xi32> to vector<1xi32>
    %squeeze3A_1088 = vector.extract %slice3A_1087[0] : i32 from vector<1xi32>
    %shift_right_arithmetic3A_1089 = arith.constant 3 : i32
    %shift_right_arithmetic3A_1090 = arith.shrsi %squeeze3A_1088, %shift_right_arithmetic3A_1089 : i32
    %slice3A_1091 = vector.extract_strided_slice %get3A_712 {offsets = [8], sizes = [1], strides = [1]} : vector<16xi32> to vector<1xi32>
    %squeeze3A_1092 = vector.extract %slice3A_1091[0] : i32 from vector<1xi32>
    %and3A_1093 = arith.constant 7 : i32
    %and3A_1094 = arith.andi %squeeze3A_1092, %and3A_1093 : i32
    %dma_start3A_1095 = arith.constant 0 : i32
    %dma_start3A_1096 = arith.constant 24 : i32
    %dma_start3A_1097 = arith.constant 0 : i32
    %dma_start3A_1098 = tpu.memref_slice %arg12[%dma_start3A_1095, %dma_start3A_1096, %dma_start3A_1097] : memref<2x32x64xf32, #tpu.memory_space<vmem>> -> memref<1x1x64xf32, #tpu.memory_space<vmem>>
    %dma_start3A_1099 = tpu.memref_squeeze %dma_start3A_1098 : memref<1x1x64xf32, #tpu.memory_space<vmem>> -> memref<64xf32, #tpu.memory_space<vmem>>
    %dma_start3A_1100 = arith.constant 0 : i32
    %dma_start3A_1101 = tpu.memref_slice %arg5[%shift_right_arithmetic3A_1090, %and3A_1094, %dma_start3A_1100] : memref<125000x8x64xf32, #tpu.memory_space<hbm>> -> memref<1x1x64xf32, #tpu.memory_space<hbm>>
    %dma_start3A_1102 = tpu.memref_squeeze %dma_start3A_1101 : memref<1x1x64xf32, #tpu.memory_space<hbm>> -> memref<64xf32, #tpu.memory_space<hbm>>
    %dma_start3A_1103 = arith.constant 0 : i32
    %dma_start3A_1104 = tpu.memref_slice %arg12[%dma_start3A_1095, %dma_start3A_1096, %dma_start3A_1103] : memref<2x32x64xf32, #tpu.memory_space<vmem>> -> memref<1x1x64xf32, #tpu.memory_space<vmem>>
    %dma_start3A_1105 = tpu.memref_squeeze %dma_start3A_1104 : memref<1x1x64xf32, #tpu.memory_space<vmem>> -> memref<64xf32, #tpu.memory_space<vmem>>
    %dma_start3A_1106 = arith.constant 0 : i32
    %dma_start3A_1107 = tpu.memref_slice %arg5[%shift_right_arithmetic3A_1090, %and3A_1094, %dma_start3A_1106] : memref<125000x8x64xf32, #tpu.memory_space<hbm>> -> memref<1x1x64xf32, #tpu.memory_space<hbm>>
    %dma_start3A_1108 = tpu.memref_squeeze %dma_start3A_1107 : memref<1x1x64xf32, #tpu.memory_space<hbm>> -> memref<64xf32, #tpu.memory_space<hbm>>
    tpu.enqueue_dma source(%dma_start3A_1108 : memref<64xf32, #tpu.memory_space<hbm>>) target(%dma_start3A_1105 : memref<64xf32, #tpu.memory_space<vmem>>) target_semaphore(%arg17 : memref<!tpu.dma_semaphore, #tpu.memory_space<semaphore_mem>>)
    %slice3A_1109 = vector.extract_strided_slice %get3A_710 {offsets = [9], sizes = [1], strides = [1]} : vector<16xi32> to vector<1xi32>
    %squeeze3A_1110 = vector.extract %slice3A_1109[0] : i32 from vector<1xi32>
    %shift_right_arithmetic3A_1111 = arith.constant 3 : i32
    %shift_right_arithmetic3A_1112 = arith.shrsi %squeeze3A_1110, %shift_right_arithmetic3A_1111 : i32
    %slice3A_1113 = vector.extract_strided_slice %get3A_710 {offsets = [9], sizes = [1], strides = [1]} : vector<16xi32> to vector<1xi32>
    %squeeze3A_1114 = vector.extract %slice3A_1113[0] : i32 from vector<1xi32>
    %and3A_1115 = arith.constant 7 : i32
    %and3A_1116 = arith.andi %squeeze3A_1114, %and3A_1115 : i32
    %dma_start3A_1117 = arith.constant 0 : i32
    %dma_start3A_1118 = arith.constant 25 : i32
    %dma_start3A_1119 = arith.constant 0 : i32
    %dma_start3A_1120 = tpu.memref_slice %arg11[%dma_start3A_1117, %dma_start3A_1118, %dma_start3A_1119] : memref<2x32x64xf32, #tpu.memory_space<vmem>> -> memref<1x1x64xf32, #tpu.memory_space<vmem>>
    %dma_start3A_1121 = tpu.memref_squeeze %dma_start3A_1120 : memref<1x1x64xf32, #tpu.memory_space<vmem>> -> memref<64xf32, #tpu.memory_space<vmem>>
    %dma_start3A_1122 = arith.constant 0 : i32
    %dma_start3A_1123 = tpu.memref_slice %arg4[%shift_right_arithmetic3A_1112, %and3A_1116, %dma_start3A_1122] : memref<12500x8x64xf32, #tpu.memory_space<hbm>> -> memref<1x1x64xf32, #tpu.memory_space<hbm>>
    %dma_start3A_1124 = tpu.memref_squeeze %dma_start3A_1123 : memref<1x1x64xf32, #tpu.memory_space<hbm>> -> memref<64xf32, #tpu.memory_space<hbm>>
    %dma_start3A_1125 = arith.constant 0 : i32
    %dma_start3A_1126 = tpu.memref_slice %arg11[%dma_start3A_1117, %dma_start3A_1118, %dma_start3A_1125] : memref<2x32x64xf32, #tpu.memory_space<vmem>> -> memref<1x1x64xf32, #tpu.memory_space<vmem>>
    %dma_start3A_1127 = tpu.memref_squeeze %dma_start3A_1126 : memref<1x1x64xf32, #tpu.memory_space<vmem>> -> memref<64xf32, #tpu.memory_space<vmem>>
    %dma_start3A_1128 = arith.constant 0 : i32
    %dma_start3A_1129 = tpu.memref_slice %arg4[%shift_right_arithmetic3A_1112, %and3A_1116, %dma_start3A_1128] : memref<12500x8x64xf32, #tpu.memory_space<hbm>> -> memref<1x1x64xf32, #tpu.memory_space<hbm>>
    %dma_start3A_1130 = tpu.memref_squeeze %dma_start3A_1129 : memref<1x1x64xf32, #tpu.memory_space<hbm>> -> memref<64xf32, #tpu.memory_space<hbm>>
    tpu.enqueue_dma source(%dma_start3A_1130 : memref<64xf32, #tpu.memory_space<hbm>>) target(%dma_start3A_1127 : memref<64xf32, #tpu.memory_space<vmem>>) target_semaphore(%arg16 : memref<!tpu.dma_semaphore, #tpu.memory_space<semaphore_mem>>)
    %slice3A_1131 = vector.extract_strided_slice %get3A_712 {offsets = [9], sizes = [1], strides = [1]} : vector<16xi32> to vector<1xi32>
    %squeeze3A_1132 = vector.extract %slice3A_1131[0] : i32 from vector<1xi32>
    %shift_right_arithmetic3A_1133 = arith.constant 3 : i32
    %shift_right_arithmetic3A_1134 = arith.shrsi %squeeze3A_1132, %shift_right_arithmetic3A_1133 : i32
    %slice3A_1135 = vector.extract_strided_slice %get3A_712 {offsets = [9], sizes = [1], strides = [1]} : vector<16xi32> to vector<1xi32>
    %squeeze3A_1136 = vector.extract %slice3A_1135[0] : i32 from vector<1xi32>
    %and3A_1137 = arith.constant 7 : i32
    %and3A_1138 = arith.andi %squeeze3A_1136, %and3A_1137 : i32
    %dma_start3A_1139 = arith.constant 0 : i32
    %dma_start3A_1140 = arith.constant 25 : i32
    %dma_start3A_1141 = arith.constant 0 : i32
    %dma_start3A_1142 = tpu.memref_slice %arg12[%dma_start3A_1139, %dma_start3A_1140, %dma_start3A_1141] : memref<2x32x64xf32, #tpu.memory_space<vmem>> -> memref<1x1x64xf32, #tpu.memory_space<vmem>>
    %dma_start3A_1143 = tpu.memref_squeeze %dma_start3A_1142 : memref<1x1x64xf32, #tpu.memory_space<vmem>> -> memref<64xf32, #tpu.memory_space<vmem>>
    %dma_start3A_1144 = arith.constant 0 : i32
    %dma_start3A_1145 = tpu.memref_slice %arg5[%shift_right_arithmetic3A_1134, %and3A_1138, %dma_start3A_1144] : memref<125000x8x64xf32, #tpu.memory_space<hbm>> -> memref<1x1x64xf32, #tpu.memory_space<hbm>>
    %dma_start3A_1146 = tpu.memref_squeeze %dma_start3A_1145 : memref<1x1x64xf32, #tpu.memory_space<hbm>> -> memref<64xf32, #tpu.memory_space<hbm>>
    %dma_start3A_1147 = arith.constant 0 : i32
    %dma_start3A_1148 = tpu.memref_slice %arg12[%dma_start3A_1139, %dma_start3A_1140, %dma_start3A_1147] : memref<2x32x64xf32, #tpu.memory_space<vmem>> -> memref<1x1x64xf32, #tpu.memory_space<vmem>>
    %dma_start3A_1149 = tpu.memref_squeeze %dma_start3A_1148 : memref<1x1x64xf32, #tpu.memory_space<vmem>> -> memref<64xf32, #tpu.memory_space<vmem>>
    %dma_start3A_1150 = arith.constant 0 : i32
    %dma_start3A_1151 = tpu.memref_slice %arg5[%shift_right_arithmetic3A_1134, %and3A_1138, %dma_start3A_1150] : memref<125000x8x64xf32, #tpu.memory_space<hbm>> -> memref<1x1x64xf32, #tpu.memory_space<hbm>>
    %dma_start3A_1152 = tpu.memref_squeeze %dma_start3A_1151 : memref<1x1x64xf32, #tpu.memory_space<hbm>> -> memref<64xf32, #tpu.memory_space<hbm>>
    tpu.enqueue_dma source(%dma_start3A_1152 : memref<64xf32, #tpu.memory_space<hbm>>) target(%dma_start3A_1149 : memref<64xf32, #tpu.memory_space<vmem>>) target_semaphore(%arg17 : memref<!tpu.dma_semaphore, #tpu.memory_space<semaphore_mem>>)
    %slice3A_1153 = vector.extract_strided_slice %get3A_710 {offsets = [10], sizes = [1], strides = [1]} : vector<16xi32> to vector<1xi32>
    %squeeze3A_1154 = vector.extract %slice3A_1153[0] : i32 from vector<1xi32>
    %shift_right_arithmetic3A_1155 = arith.constant 3 : i32
    %shift_right_arithmetic3A_1156 = arith.shrsi %squeeze3A_1154, %shift_right_arithmetic3A_1155 : i32
    %slice3A_1157 = vector.extract_strided_slice %get3A_710 {offsets = [10], sizes = [1], strides = [1]} : vector<16xi32> to vector<1xi32>
    %squeeze3A_1158 = vector.extract %slice3A_1157[0] : i32 from vector<1xi32>
    %and3A_1159 = arith.constant 7 : i32
    %and3A_1160 = arith.andi %squeeze3A_1158, %and3A_1159 : i32
    %dma_start3A_1161 = arith.constant 0 : i32
    %dma_start3A_1162 = arith.constant 26 : i32
    %dma_start3A_1163 = arith.constant 0 : i32
    %dma_start3A_1164 = tpu.memref_slice %arg11[%dma_start3A_1161, %dma_start3A_1162, %dma_start3A_1163] : memref<2x32x64xf32, #tpu.memory_space<vmem>> -> memref<1x1x64xf32, #tpu.memory_space<vmem>>
    %dma_start3A_1165 = tpu.memref_squeeze %dma_start3A_1164 : memref<1x1x64xf32, #tpu.memory_space<vmem>> -> memref<64xf32, #tpu.memory_space<vmem>>
    %dma_start3A_1166 = arith.constant 0 : i32
    %dma_start3A_1167 = tpu.memref_slice %arg4[%shift_right_arithmetic3A_1156, %and3A_1160, %dma_start3A_1166] : memref<12500x8x64xf32, #tpu.memory_space<hbm>> -> memref<1x1x64xf32, #tpu.memory_space<hbm>>
    %dma_start3A_1168 = tpu.memref_squeeze %dma_start3A_1167 : memref<1x1x64xf32, #tpu.memory_space<hbm>> -> memref<64xf32, #tpu.memory_space<hbm>>
    %dma_start3A_1169 = arith.constant 0 : i32
    %dma_start3A_1170 = tpu.memref_slice %arg11[%dma_start3A_1161, %dma_start3A_1162, %dma_start3A_1169] : memref<2x32x64xf32, #tpu.memory_space<vmem>> -> memref<1x1x64xf32, #tpu.memory_space<vmem>>
    %dma_start3A_1171 = tpu.memref_squeeze %dma_start3A_1170 : memref<1x1x64xf32, #tpu.memory_space<vmem>> -> memref<64xf32, #tpu.memory_space<vmem>>
    %dma_start3A_1172 = arith.constant 0 : i32
    %dma_start3A_1173 = tpu.memref_slice %arg4[%shift_right_arithmetic3A_1156, %and3A_1160, %dma_start3A_1172] : memref<12500x8x64xf32, #tpu.memory_space<hbm>> -> memref<1x1x64xf32, #tpu.memory_space<hbm>>
    %dma_start3A_1174 = tpu.memref_squeeze %dma_start3A_1173 : memref<1x1x64xf32, #tpu.memory_space<hbm>> -> memref<64xf32, #tpu.memory_space<hbm>>
    tpu.enqueue_dma source(%dma_start3A_1174 : memref<64xf32, #tpu.memory_space<hbm>>) target(%dma_start3A_1171 : memref<64xf32, #tpu.memory_space<vmem>>) target_semaphore(%arg16 : memref<!tpu.dma_semaphore, #tpu.memory_space<semaphore_mem>>)
    %slice3A_1175 = vector.extract_strided_slice %get3A_712 {offsets = [10], sizes = [1], strides = [1]} : vector<16xi32> to vector<1xi32>
    %squeeze3A_1176 = vector.extract %slice3A_1175[0] : i32 from vector<1xi32>
    %shift_right_arithmetic3A_1177 = arith.constant 3 : i32
    %shift_right_arithmetic3A_1178 = arith.shrsi %squeeze3A_1176, %shift_right_arithmetic3A_1177 : i32
    %slice3A_1179 = vector.extract_strided_slice %get3A_712 {offsets = [10], sizes = [1], strides = [1]} : vector<16xi32> to vector<1xi32>
    %squeeze3A_1180 = vector.extract %slice3A_1179[0] : i32 from vector<1xi32>
    %and3A_1181 = arith.constant 7 : i32
    %and3A_1182 = arith.andi %squeeze3A_1180, %and3A_1181 : i32
    %dma_start3A_1183 = arith.constant 0 : i32
    %dma_start3A_1184 = arith.constant 26 : i32
    %dma_start3A_1185 = arith.constant 0 : i32
    %dma_start3A_1186 = tpu.memref_slice %arg12[%dma_start3A_1183, %dma_start3A_1184, %dma_start3A_1185] : memref<2x32x64xf32, #tpu.memory_space<vmem>> -> memref<1x1x64xf32, #tpu.memory_space<vmem>>
    %dma_start3A_1187 = tpu.memref_squeeze %dma_start3A_1186 : memref<1x1x64xf32, #tpu.memory_space<vmem>> -> memref<64xf32, #tpu.memory_space<vmem>>
    %dma_start3A_1188 = arith.constant 0 : i32
    %dma_start3A_1189 = tpu.memref_slice %arg5[%shift_right_arithmetic3A_1178, %and3A_1182, %dma_start3A_1188] : memref<125000x8x64xf32, #tpu.memory_space<hbm>> -> memref<1x1x64xf32, #tpu.memory_space<hbm>>
    %dma_start3A_1190 = tpu.memref_squeeze %dma_start3A_1189 : memref<1x1x64xf32, #tpu.memory_space<hbm>> -> memref<64xf32, #tpu.memory_space<hbm>>
    %dma_start3A_1191 = arith.constant 0 : i32
    %dma_start3A_1192 = tpu.memref_slice %arg12[%dma_start3A_1183, %dma_start3A_1184, %dma_start3A_1191] : memref<2x32x64xf32, #tpu.memory_space<vmem>> -> memref<1x1x64xf32, #tpu.memory_space<vmem>>
    %dma_start3A_1193 = tpu.memref_squeeze %dma_start3A_1192 : memref<1x1x64xf32, #tpu.memory_space<vmem>> -> memref<64xf32, #tpu.memory_space<vmem>>
    %dma_start3A_1194 = arith.constant 0 : i32
    %dma_start3A_1195 = tpu.memref_slice %arg5[%shift_right_arithmetic3A_1178, %and3A_1182, %dma_start3A_1194] : memref<125000x8x64xf32, #tpu.memory_space<hbm>> -> memref<1x1x64xf32, #tpu.memory_space<hbm>>
    %dma_start3A_1196 = tpu.memref_squeeze %dma_start3A_1195 : memref<1x1x64xf32, #tpu.memory_space<hbm>> -> memref<64xf32, #tpu.memory_space<hbm>>
    tpu.enqueue_dma source(%dma_start3A_1196 : memref<64xf32, #tpu.memory_space<hbm>>) target(%dma_start3A_1193 : memref<64xf32, #tpu.memory_space<vmem>>) target_semaphore(%arg17 : memref<!tpu.dma_semaphore, #tpu.memory_space<semaphore_mem>>)
    %slice3A_1197 = vector.extract_strided_slice %get3A_710 {offsets = [11], sizes = [1], strides = [1]} : vector<16xi32> to vector<1xi32>
    %squeeze3A_1198 = vector.extract %slice3A_1197[0] : i32 from vector<1xi32>
    %shift_right_arithmetic3A_1199 = arith.constant 3 : i32
    %shift_right_arithmetic3A_1200 = arith.shrsi %squeeze3A_1198, %shift_right_arithmetic3A_1199 : i32
    %slice3A_1201 = vector.extract_strided_slice %get3A_710 {offsets = [11], sizes = [1], strides = [1]} : vector<16xi32> to vector<1xi32>
    %squeeze3A_1202 = vector.extract %slice3A_1201[0] : i32 from vector<1xi32>
    %and3A_1203 = arith.constant 7 : i32
    %and3A_1204 = arith.andi %squeeze3A_1202, %and3A_1203 : i32
    %dma_start3A_1205 = arith.constant 0 : i32
    %dma_start3A_1206 = arith.constant 27 : i32
    %dma_start3A_1207 = arith.constant 0 : i32
    %dma_start3A_1208 = tpu.memref_slice %arg11[%dma_start3A_1205, %dma_start3A_1206, %dma_start3A_1207] : memref<2x32x64xf32, #tpu.memory_space<vmem>> -> memref<1x1x64xf32, #tpu.memory_space<vmem>>
    %dma_start3A_1209 = tpu.memref_squeeze %dma_start3A_1208 : memref<1x1x64xf32, #tpu.memory_space<vmem>> -> memref<64xf32, #tpu.memory_space<vmem>>
    %dma_start3A_1210 = arith.constant 0 : i32
    %dma_start3A_1211 = tpu.memref_slice %arg4[%shift_right_arithmetic3A_1200, %and3A_1204, %dma_start3A_1210] : memref<12500x8x64xf32, #tpu.memory_space<hbm>> -> memref<1x1x64xf32, #tpu.memory_space<hbm>>
    %dma_start3A_1212 = tpu.memref_squeeze %dma_start3A_1211 : memref<1x1x64xf32, #tpu.memory_space<hbm>> -> memref<64xf32, #tpu.memory_space<hbm>>
    %dma_start3A_1213 = arith.constant 0 : i32
    %dma_start3A_1214 = tpu.memref_slice %arg11[%dma_start3A_1205, %dma_start3A_1206, %dma_start3A_1213] : memref<2x32x64xf32, #tpu.memory_space<vmem>> -> memref<1x1x64xf32, #tpu.memory_space<vmem>>
    %dma_start3A_1215 = tpu.memref_squeeze %dma_start3A_1214 : memref<1x1x64xf32, #tpu.memory_space<vmem>> -> memref<64xf32, #tpu.memory_space<vmem>>
    %dma_start3A_1216 = arith.constant 0 : i32
    %dma_start3A_1217 = tpu.memref_slice %arg4[%shift_right_arithmetic3A_1200, %and3A_1204, %dma_start3A_1216] : memref<12500x8x64xf32, #tpu.memory_space<hbm>> -> memref<1x1x64xf32, #tpu.memory_space<hbm>>
    %dma_start3A_1218 = tpu.memref_squeeze %dma_start3A_1217 : memref<1x1x64xf32, #tpu.memory_space<hbm>> -> memref<64xf32, #tpu.memory_space<hbm>>
    tpu.enqueue_dma source(%dma_start3A_1218 : memref<64xf32, #tpu.memory_space<hbm>>) target(%dma_start3A_1215 : memref<64xf32, #tpu.memory_space<vmem>>) target_semaphore(%arg16 : memref<!tpu.dma_semaphore, #tpu.memory_space<semaphore_mem>>)
    %slice3A_1219 = vector.extract_strided_slice %get3A_712 {offsets = [11], sizes = [1], strides = [1]} : vector<16xi32> to vector<1xi32>
    %squeeze3A_1220 = vector.extract %slice3A_1219[0] : i32 from vector<1xi32>
    %shift_right_arithmetic3A_1221 = arith.constant 3 : i32
    %shift_right_arithmetic3A_1222 = arith.shrsi %squeeze3A_1220, %shift_right_arithmetic3A_1221 : i32
    %slice3A_1223 = vector.extract_strided_slice %get3A_712 {offsets = [11], sizes = [1], strides = [1]} : vector<16xi32> to vector<1xi32>
    %squeeze3A_1224 = vector.extract %slice3A_1223[0] : i32 from vector<1xi32>
    %and3A_1225 = arith.constant 7 : i32
    %and3A_1226 = arith.andi %squeeze3A_1224, %and3A_1225 : i32
    %dma_start3A_1227 = arith.constant 0 : i32
    %dma_start3A_1228 = arith.constant 27 : i32
    %dma_start3A_1229 = arith.constant 0 : i32
    %dma_start3A_1230 = tpu.memref_slice %arg12[%dma_start3A_1227, %dma_start3A_1228, %dma_start3A_1229] : memref<2x32x64xf32, #tpu.memory_space<vmem>> -> memref<1x1x64xf32, #tpu.memory_space<vmem>>
    %dma_start3A_1231 = tpu.memref_squeeze %dma_start3A_1230 : memref<1x1x64xf32, #tpu.memory_space<vmem>> -> memref<64xf32, #tpu.memory_space<vmem>>
    %dma_start3A_1232 = arith.constant 0 : i32
    %dma_start3A_1233 = tpu.memref_slice %arg5[%shift_right_arithmetic3A_1222, %and3A_1226, %dma_start3A_1232] : memref<125000x8x64xf32, #tpu.memory_space<hbm>> -> memref<1x1x64xf32, #tpu.memory_space<hbm>>
    %dma_start3A_1234 = tpu.memref_squeeze %dma_start3A_1233 : memref<1x1x64xf32, #tpu.memory_space<hbm>> -> memref<64xf32, #tpu.memory_space<hbm>>
    %dma_start3A_1235 = arith.constant 0 : i32
    %dma_start3A_1236 = tpu.memref_slice %arg12[%dma_start3A_1227, %dma_start3A_1228, %dma_start3A_1235] : memref<2x32x64xf32, #tpu.memory_space<vmem>> -> memref<1x1x64xf32, #tpu.memory_space<vmem>>
    %dma_start3A_1237 = tpu.memref_squeeze %dma_start3A_1236 : memref<1x1x64xf32, #tpu.memory_space<vmem>> -> memref<64xf32, #tpu.memory_space<vmem>>
    %dma_start3A_1238 = arith.constant 0 : i32
    %dma_start3A_1239 = tpu.memref_slice %arg5[%shift_right_arithmetic3A_1222, %and3A_1226, %dma_start3A_1238] : memref<125000x8x64xf32, #tpu.memory_space<hbm>> -> memref<1x1x64xf32, #tpu.memory_space<hbm>>
    %dma_start3A_1240 = tpu.memref_squeeze %dma_start3A_1239 : memref<1x1x64xf32, #tpu.memory_space<hbm>> -> memref<64xf32, #tpu.memory_space<hbm>>
    tpu.enqueue_dma source(%dma_start3A_1240 : memref<64xf32, #tpu.memory_space<hbm>>) target(%dma_start3A_1237 : memref<64xf32, #tpu.memory_space<vmem>>) target_semaphore(%arg17 : memref<!tpu.dma_semaphore, #tpu.memory_space<semaphore_mem>>)
    %slice3A_1241 = vector.extract_strided_slice %get3A_710 {offsets = [12], sizes = [1], strides = [1]} : vector<16xi32> to vector<1xi32>
    %squeeze3A_1242 = vector.extract %slice3A_1241[0] : i32 from vector<1xi32>
    %shift_right_arithmetic3A_1243 = arith.constant 3 : i32
    %shift_right_arithmetic3A_1244 = arith.shrsi %squeeze3A_1242, %shift_right_arithmetic3A_1243 : i32
    %slice3A_1245 = vector.extract_strided_slice %get3A_710 {offsets = [12], sizes = [1], strides = [1]} : vector<16xi32> to vector<1xi32>
    %squeeze3A_1246 = vector.extract %slice3A_1245[0] : i32 from vector<1xi32>
    %and3A_1247 = arith.constant 7 : i32
    %and3A_1248 = arith.andi %squeeze3A_1246, %and3A_1247 : i32
    %dma_start3A_1249 = arith.constant 0 : i32
    %dma_start3A_1250 = arith.constant 28 : i32
    %dma_start3A_1251 = arith.constant 0 : i32
    %dma_start3A_1252 = tpu.memref_slice %arg11[%dma_start3A_1249, %dma_start3A_1250, %dma_start3A_1251] : memref<2x32x64xf32, #tpu.memory_space<vmem>> -> memref<1x1x64xf32, #tpu.memory_space<vmem>>
    %dma_start3A_1253 = tpu.memref_squeeze %dma_start3A_1252 : memref<1x1x64xf32, #tpu.memory_space<vmem>> -> memref<64xf32, #tpu.memory_space<vmem>>
    %dma_start3A_1254 = arith.constant 0 : i32
    %dma_start3A_1255 = tpu.memref_slice %arg4[%shift_right_arithmetic3A_1244, %and3A_1248, %dma_start3A_1254] : memref<12500x8x64xf32, #tpu.memory_space<hbm>> -> memref<1x1x64xf32, #tpu.memory_space<hbm>>
    %dma_start3A_1256 = tpu.memref_squeeze %dma_start3A_1255 : memref<1x1x64xf32, #tpu.memory_space<hbm>> -> memref<64xf32, #tpu.memory_space<hbm>>
    %dma_start3A_1257 = arith.constant 0 : i32
    %dma_start3A_1258 = tpu.memref_slice %arg11[%dma_start3A_1249, %dma_start3A_1250, %dma_start3A_1257] : memref<2x32x64xf32, #tpu.memory_space<vmem>> -> memref<1x1x64xf32, #tpu.memory_space<vmem>>
    %dma_start3A_1259 = tpu.memref_squeeze %dma_start3A_1258 : memref<1x1x64xf32, #tpu.memory_space<vmem>> -> memref<64xf32, #tpu.memory_space<vmem>>
    %dma_start3A_1260 = arith.constant 0 : i32
    %dma_start3A_1261 = tpu.memref_slice %arg4[%shift_right_arithmetic3A_1244, %and3A_1248, %dma_start3A_1260] : memref<12500x8x64xf32, #tpu.memory_space<hbm>> -> memref<1x1x64xf32, #tpu.memory_space<hbm>>
    %dma_start3A_1262 = tpu.memref_squeeze %dma_start3A_1261 : memref<1x1x64xf32, #tpu.memory_space<hbm>> -> memref<64xf32, #tpu.memory_space<hbm>>
    tpu.enqueue_dma source(%dma_start3A_1262 : memref<64xf32, #tpu.memory_space<hbm>>) target(%dma_start3A_1259 : memref<64xf32, #tpu.memory_space<vmem>>) target_semaphore(%arg16 : memref<!tpu.dma_semaphore, #tpu.memory_space<semaphore_mem>>)
    %slice3A_1263 = vector.extract_strided_slice %get3A_712 {offsets = [12], sizes = [1], strides = [1]} : vector<16xi32> to vector<1xi32>
    %squeeze3A_1264 = vector.extract %slice3A_1263[0] : i32 from vector<1xi32>
    %shift_right_arithmetic3A_1265 = arith.constant 3 : i32
    %shift_right_arithmetic3A_1266 = arith.shrsi %squeeze3A_1264, %shift_right_arithmetic3A_1265 : i32
    %slice3A_1267 = vector.extract_strided_slice %get3A_712 {offsets = [12], sizes = [1], strides = [1]} : vector<16xi32> to vector<1xi32>
    %squeeze3A_1268 = vector.extract %slice3A_1267[0] : i32 from vector<1xi32>
    %and3A_1269 = arith.constant 7 : i32
    %and3A_1270 = arith.andi %squeeze3A_1268, %and3A_1269 : i32
    %dma_start3A_1271 = arith.constant 0 : i32
    %dma_start3A_1272 = arith.constant 28 : i32
    %dma_start3A_1273 = arith.constant 0 : i32
    %dma_start3A_1274 = tpu.memref_slice %arg12[%dma_start3A_1271, %dma_start3A_1272, %dma_start3A_1273] : memref<2x32x64xf32, #tpu.memory_space<vmem>> -> memref<1x1x64xf32, #tpu.memory_space<vmem>>
    %dma_start3A_1275 = tpu.memref_squeeze %dma_start3A_1274 : memref<1x1x64xf32, #tpu.memory_space<vmem>> -> memref<64xf32, #tpu.memory_space<vmem>>
    %dma_start3A_1276 = arith.constant 0 : i32
    %dma_start3A_1277 = tpu.memref_slice %arg5[%shift_right_arithmetic3A_1266, %and3A_1270, %dma_start3A_1276] : memref<125000x8x64xf32, #tpu.memory_space<hbm>> -> memref<1x1x64xf32, #tpu.memory_space<hbm>>
    %dma_start3A_1278 = tpu.memref_squeeze %dma_start3A_1277 : memref<1x1x64xf32, #tpu.memory_space<hbm>> -> memref<64xf32, #tpu.memory_space<hbm>>
    %dma_start3A_1279 = arith.constant 0 : i32
    %dma_start3A_1280 = tpu.memref_slice %arg12[%dma_start3A_1271, %dma_start3A_1272, %dma_start3A_1279] : memref<2x32x64xf32, #tpu.memory_space<vmem>> -> memref<1x1x64xf32, #tpu.memory_space<vmem>>
    %dma_start3A_1281 = tpu.memref_squeeze %dma_start3A_1280 : memref<1x1x64xf32, #tpu.memory_space<vmem>> -> memref<64xf32, #tpu.memory_space<vmem>>
    %dma_start3A_1282 = arith.constant 0 : i32
    %dma_start3A_1283 = tpu.memref_slice %arg5[%shift_right_arithmetic3A_1266, %and3A_1270, %dma_start3A_1282] : memref<125000x8x64xf32, #tpu.memory_space<hbm>> -> memref<1x1x64xf32, #tpu.memory_space<hbm>>
    %dma_start3A_1284 = tpu.memref_squeeze %dma_start3A_1283 : memref<1x1x64xf32, #tpu.memory_space<hbm>> -> memref<64xf32, #tpu.memory_space<hbm>>
    tpu.enqueue_dma source(%dma_start3A_1284 : memref<64xf32, #tpu.memory_space<hbm>>) target(%dma_start3A_1281 : memref<64xf32, #tpu.memory_space<vmem>>) target_semaphore(%arg17 : memref<!tpu.dma_semaphore, #tpu.memory_space<semaphore_mem>>)
    %slice3A_1285 = vector.extract_strided_slice %get3A_710 {offsets = [13], sizes = [1], strides = [1]} : vector<16xi32> to vector<1xi32>
    %squeeze3A_1286 = vector.extract %slice3A_1285[0] : i32 from vector<1xi32>
    %shift_right_arithmetic3A_1287 = arith.constant 3 : i32
    %shift_right_arithmetic3A_1288 = arith.shrsi %squeeze3A_1286, %shift_right_arithmetic3A_1287 : i32
    %slice3A_1289 = vector.extract_strided_slice %get3A_710 {offsets = [13], sizes = [1], strides = [1]} : vector<16xi32> to vector<1xi32>
    %squeeze3A_1290 = vector.extract %slice3A_1289[0] : i32 from vector<1xi32>
    %and3A_1291 = arith.constant 7 : i32
    %and3A_1292 = arith.andi %squeeze3A_1290, %and3A_1291 : i32
    %dma_start3A_1293 = arith.constant 0 : i32
    %dma_start3A_1294 = arith.constant 29 : i32
    %dma_start3A_1295 = arith.constant 0 : i32
    %dma_start3A_1296 = tpu.memref_slice %arg11[%dma_start3A_1293, %dma_start3A_1294, %dma_start3A_1295] : memref<2x32x64xf32, #tpu.memory_space<vmem>> -> memref<1x1x64xf32, #tpu.memory_space<vmem>>
    %dma_start3A_1297 = tpu.memref_squeeze %dma_start3A_1296 : memref<1x1x64xf32, #tpu.memory_space<vmem>> -> memref<64xf32, #tpu.memory_space<vmem>>
    %dma_start3A_1298 = arith.constant 0 : i32
    %dma_start3A_1299 = tpu.memref_slice %arg4[%shift_right_arithmetic3A_1288, %and3A_1292, %dma_start3A_1298] : memref<12500x8x64xf32, #tpu.memory_space<hbm>> -> memref<1x1x64xf32, #tpu.memory_space<hbm>>
    %dma_start3A_1300 = tpu.memref_squeeze %dma_start3A_1299 : memref<1x1x64xf32, #tpu.memory_space<hbm>> -> memref<64xf32, #tpu.memory_space<hbm>>
    %dma_start3A_1301 = arith.constant 0 : i32
    %dma_start3A_1302 = tpu.memref_slice %arg11[%dma_start3A_1293, %dma_start3A_1294, %dma_start3A_1301] : memref<2x32x64xf32, #tpu.memory_space<vmem>> -> memref<1x1x64xf32, #tpu.memory_space<vmem>>
    %dma_start3A_1303 = tpu.memref_squeeze %dma_start3A_1302 : memref<1x1x64xf32, #tpu.memory_space<vmem>> -> memref<64xf32, #tpu.memory_space<vmem>>
    %dma_start3A_1304 = arith.constant 0 : i32
    %dma_start3A_1305 = tpu.memref_slice %arg4[%shift_right_arithmetic3A_1288, %and3A_1292, %dma_start3A_1304] : memref<12500x8x64xf32, #tpu.memory_space<hbm>> -> memref<1x1x64xf32, #tpu.memory_space<hbm>>
    %dma_start3A_1306 = tpu.memref_squeeze %dma_start3A_1305 : memref<1x1x64xf32, #tpu.memory_space<hbm>> -> memref<64xf32, #tpu.memory_space<hbm>>
    tpu.enqueue_dma source(%dma_start3A_1306 : memref<64xf32, #tpu.memory_space<hbm>>) target(%dma_start3A_1303 : memref<64xf32, #tpu.memory_space<vmem>>) target_semaphore(%arg16 : memref<!tpu.dma_semaphore, #tpu.memory_space<semaphore_mem>>)
    %slice3A_1307 = vector.extract_strided_slice %get3A_712 {offsets = [13], sizes = [1], strides = [1]} : vector<16xi32> to vector<1xi32>
    %squeeze3A_1308 = vector.extract %slice3A_1307[0] : i32 from vector<1xi32>
    %shift_right_arithmetic3A_1309 = arith.constant 3 : i32
    %shift_right_arithmetic3A_1310 = arith.shrsi %squeeze3A_1308, %shift_right_arithmetic3A_1309 : i32
    %slice3A_1311 = vector.extract_strided_slice %get3A_712 {offsets = [13], sizes = [1], strides = [1]} : vector<16xi32> to vector<1xi32>
    %squeeze3A_1312 = vector.extract %slice3A_1311[0] : i32 from vector<1xi32>
    %and3A_1313 = arith.constant 7 : i32
    %and3A_1314 = arith.andi %squeeze3A_1312, %and3A_1313 : i32
    %dma_start3A_1315 = arith.constant 0 : i32
    %dma_start3A_1316 = arith.constant 29 : i32
    %dma_start3A_1317 = arith.constant 0 : i32
    %dma_start3A_1318 = tpu.memref_slice %arg12[%dma_start3A_1315, %dma_start3A_1316, %dma_start3A_1317] : memref<2x32x64xf32, #tpu.memory_space<vmem>> -> memref<1x1x64xf32, #tpu.memory_space<vmem>>
    %dma_start3A_1319 = tpu.memref_squeeze %dma_start3A_1318 : memref<1x1x64xf32, #tpu.memory_space<vmem>> -> memref<64xf32, #tpu.memory_space<vmem>>
    %dma_start3A_1320 = arith.constant 0 : i32
    %dma_start3A_1321 = tpu.memref_slice %arg5[%shift_right_arithmetic3A_1310, %and3A_1314, %dma_start3A_1320] : memref<125000x8x64xf32, #tpu.memory_space<hbm>> -> memref<1x1x64xf32, #tpu.memory_space<hbm>>
    %dma_start3A_1322 = tpu.memref_squeeze %dma_start3A_1321 : memref<1x1x64xf32, #tpu.memory_space<hbm>> -> memref<64xf32, #tpu.memory_space<hbm>>
    %dma_start3A_1323 = arith.constant 0 : i32
    %dma_start3A_1324 = tpu.memref_slice %arg12[%dma_start3A_1315, %dma_start3A_1316, %dma_start3A_1323] : memref<2x32x64xf32, #tpu.memory_space<vmem>> -> memref<1x1x64xf32, #tpu.memory_space<vmem>>
    %dma_start3A_1325 = tpu.memref_squeeze %dma_start3A_1324 : memref<1x1x64xf32, #tpu.memory_space<vmem>> -> memref<64xf32, #tpu.memory_space<vmem>>
    %dma_start3A_1326 = arith.constant 0 : i32
    %dma_start3A_1327 = tpu.memref_slice %arg5[%shift_right_arithmetic3A_1310, %and3A_1314, %dma_start3A_1326] : memref<125000x8x64xf32, #tpu.memory_space<hbm>> -> memref<1x1x64xf32, #tpu.memory_space<hbm>>
    %dma_start3A_1328 = tpu.memref_squeeze %dma_start3A_1327 : memref<1x1x64xf32, #tpu.memory_space<hbm>> -> memref<64xf32, #tpu.memory_space<hbm>>
    tpu.enqueue_dma source(%dma_start3A_1328 : memref<64xf32, #tpu.memory_space<hbm>>) target(%dma_start3A_1325 : memref<64xf32, #tpu.memory_space<vmem>>) target_semaphore(%arg17 : memref<!tpu.dma_semaphore, #tpu.memory_space<semaphore_mem>>)
    %slice3A_1329 = vector.extract_strided_slice %get3A_710 {offsets = [14], sizes = [1], strides = [1]} : vector<16xi32> to vector<1xi32>
    %squeeze3A_1330 = vector.extract %slice3A_1329[0] : i32 from vector<1xi32>
    %shift_right_arithmetic3A_1331 = arith.constant 3 : i32
    %shift_right_arithmetic3A_1332 = arith.shrsi %squeeze3A_1330, %shift_right_arithmetic3A_1331 : i32
    %slice3A_1333 = vector.extract_strided_slice %get3A_710 {offsets = [14], sizes = [1], strides = [1]} : vector<16xi32> to vector<1xi32>
    %squeeze3A_1334 = vector.extract %slice3A_1333[0] : i32 from vector<1xi32>
    %and3A_1335 = arith.constant 7 : i32
    %and3A_1336 = arith.andi %squeeze3A_1334, %and3A_1335 : i32
    %dma_start3A_1337 = arith.constant 0 : i32
    %dma_start3A_1338 = arith.constant 30 : i32
    %dma_start3A_1339 = arith.constant 0 : i32
    %dma_start3A_1340 = tpu.memref_slice %arg11[%dma_start3A_1337, %dma_start3A_1338, %dma_start3A_1339] : memref<2x32x64xf32, #tpu.memory_space<vmem>> -> memref<1x1x64xf32, #tpu.memory_space<vmem>>
    %dma_start3A_1341 = tpu.memref_squeeze %dma_start3A_1340 : memref<1x1x64xf32, #tpu.memory_space<vmem>> -> memref<64xf32, #tpu.memory_space<vmem>>
    %dma_start3A_1342 = arith.constant 0 : i32
    %dma_start3A_1343 = tpu.memref_slice %arg4[%shift_right_arithmetic3A_1332, %and3A_1336, %dma_start3A_1342] : memref<12500x8x64xf32, #tpu.memory_space<hbm>> -> memref<1x1x64xf32, #tpu.memory_space<hbm>>
    %dma_start3A_1344 = tpu.memref_squeeze %dma_start3A_1343 : memref<1x1x64xf32, #tpu.memory_space<hbm>> -> memref<64xf32, #tpu.memory_space<hbm>>
    %dma_start3A_1345 = arith.constant 0 : i32
    %dma_start3A_1346 = tpu.memref_slice %arg11[%dma_start3A_1337, %dma_start3A_1338, %dma_start3A_1345] : memref<2x32x64xf32, #tpu.memory_space<vmem>> -> memref<1x1x64xf32, #tpu.memory_space<vmem>>
    %dma_start3A_1347 = tpu.memref_squeeze %dma_start3A_1346 : memref<1x1x64xf32, #tpu.memory_space<vmem>> -> memref<64xf32, #tpu.memory_space<vmem>>
    %dma_start3A_1348 = arith.constant 0 : i32
    %dma_start3A_1349 = tpu.memref_slice %arg4[%shift_right_arithmetic3A_1332, %and3A_1336, %dma_start3A_1348] : memref<12500x8x64xf32, #tpu.memory_space<hbm>> -> memref<1x1x64xf32, #tpu.memory_space<hbm>>
    %dma_start3A_1350 = tpu.memref_squeeze %dma_start3A_1349 : memref<1x1x64xf32, #tpu.memory_space<hbm>> -> memref<64xf32, #tpu.memory_space<hbm>>
    tpu.enqueue_dma source(%dma_start3A_1350 : memref<64xf32, #tpu.memory_space<hbm>>) target(%dma_start3A_1347 : memref<64xf32, #tpu.memory_space<vmem>>) target_semaphore(%arg16 : memref<!tpu.dma_semaphore, #tpu.memory_space<semaphore_mem>>)
    %slice3A_1351 = vector.extract_strided_slice %get3A_712 {offsets = [14], sizes = [1], strides = [1]} : vector<16xi32> to vector<1xi32>
    %squeeze3A_1352 = vector.extract %slice3A_1351[0] : i32 from vector<1xi32>
    %shift_right_arithmetic3A_1353 = arith.constant 3 : i32
    %shift_right_arithmetic3A_1354 = arith.shrsi %squeeze3A_1352, %shift_right_arithmetic3A_1353 : i32
    %slice3A_1355 = vector.extract_strided_slice %get3A_712 {offsets = [14], sizes = [1], strides = [1]} : vector<16xi32> to vector<1xi32>
    %squeeze3A_1356 = vector.extract %slice3A_1355[0] : i32 from vector<1xi32>
    %and3A_1357 = arith.constant 7 : i32
    %and3A_1358 = arith.andi %squeeze3A_1356, %and3A_1357 : i32
    %dma_start3A_1359 = arith.constant 0 : i32
    %dma_start3A_1360 = arith.constant 30 : i32
    %dma_start3A_1361 = arith.constant 0 : i32
    %dma_start3A_1362 = tpu.memref_slice %arg12[%dma_start3A_1359, %dma_start3A_1360, %dma_start3A_1361] : memref<2x32x64xf32, #tpu.memory_space<vmem>> -> memref<1x1x64xf32, #tpu.memory_space<vmem>>
    %dma_start3A_1363 = tpu.memref_squeeze %dma_start3A_1362 : memref<1x1x64xf32, #tpu.memory_space<vmem>> -> memref<64xf32, #tpu.memory_space<vmem>>
    %dma_start3A_1364 = arith.constant 0 : i32
    %dma_start3A_1365 = tpu.memref_slice %arg5[%shift_right_arithmetic3A_1354, %and3A_1358, %dma_start3A_1364] : memref<125000x8x64xf32, #tpu.memory_space<hbm>> -> memref<1x1x64xf32, #tpu.memory_space<hbm>>
    %dma_start3A_1366 = tpu.memref_squeeze %dma_start3A_1365 : memref<1x1x64xf32, #tpu.memory_space<hbm>> -> memref<64xf32, #tpu.memory_space<hbm>>
    %dma_start3A_1367 = arith.constant 0 : i32
    %dma_start3A_1368 = tpu.memref_slice %arg12[%dma_start3A_1359, %dma_start3A_1360, %dma_start3A_1367] : memref<2x32x64xf32, #tpu.memory_space<vmem>> -> memref<1x1x64xf32, #tpu.memory_space<vmem>>
    %dma_start3A_1369 = tpu.memref_squeeze %dma_start3A_1368 : memref<1x1x64xf32, #tpu.memory_space<vmem>> -> memref<64xf32, #tpu.memory_space<vmem>>
    %dma_start3A_1370 = arith.constant 0 : i32
    %dma_start3A_1371 = tpu.memref_slice %arg5[%shift_right_arithmetic3A_1354, %and3A_1358, %dma_start3A_1370] : memref<125000x8x64xf32, #tpu.memory_space<hbm>> -> memref<1x1x64xf32, #tpu.memory_space<hbm>>
    %dma_start3A_1372 = tpu.memref_squeeze %dma_start3A_1371 : memref<1x1x64xf32, #tpu.memory_space<hbm>> -> memref<64xf32, #tpu.memory_space<hbm>>
    tpu.enqueue_dma source(%dma_start3A_1372 : memref<64xf32, #tpu.memory_space<hbm>>) target(%dma_start3A_1369 : memref<64xf32, #tpu.memory_space<vmem>>) target_semaphore(%arg17 : memref<!tpu.dma_semaphore, #tpu.memory_space<semaphore_mem>>)
    %slice3A_1373 = vector.extract_strided_slice %get3A_710 {offsets = [15], sizes = [1], strides = [1]} : vector<16xi32> to vector<1xi32>
    %squeeze3A_1374 = vector.extract %slice3A_1373[0] : i32 from vector<1xi32>
    %shift_right_arithmetic3A_1375 = arith.constant 3 : i32
    %shift_right_arithmetic3A_1376 = arith.shrsi %squeeze3A_1374, %shift_right_arithmetic3A_1375 : i32
    %slice3A_1377 = vector.extract_strided_slice %get3A_710 {offsets = [15], sizes = [1], strides = [1]} : vector<16xi32> to vector<1xi32>
    %squeeze3A_1378 = vector.extract %slice3A_1377[0] : i32 from vector<1xi32>
    %and3A_1379 = arith.constant 7 : i32
    %and3A_1380 = arith.andi %squeeze3A_1378, %and3A_1379 : i32
    %dma_start3A_1381 = arith.constant 0 : i32
    %dma_start3A_1382 = arith.constant 31 : i32
    %dma_start3A_1383 = arith.constant 0 : i32
    %dma_start3A_1384 = tpu.memref_slice %arg11[%dma_start3A_1381, %dma_start3A_1382, %dma_start3A_1383] : memref<2x32x64xf32, #tpu.memory_space<vmem>> -> memref<1x1x64xf32, #tpu.memory_space<vmem>>
    %dma_start3A_1385 = tpu.memref_squeeze %dma_start3A_1384 : memref<1x1x64xf32, #tpu.memory_space<vmem>> -> memref<64xf32, #tpu.memory_space<vmem>>
    %dma_start3A_1386 = arith.constant 0 : i32
    %dma_start3A_1387 = tpu.memref_slice %arg4[%shift_right_arithmetic3A_1376, %and3A_1380, %dma_start3A_1386] : memref<12500x8x64xf32, #tpu.memory_space<hbm>> -> memref<1x1x64xf32, #tpu.memory_space<hbm>>
    %dma_start3A_1388 = tpu.memref_squeeze %dma_start3A_1387 : memref<1x1x64xf32, #tpu.memory_space<hbm>> -> memref<64xf32, #tpu.memory_space<hbm>>
    %dma_start3A_1389 = arith.constant 0 : i32
    %dma_start3A_1390 = tpu.memref_slice %arg11[%dma_start3A_1381, %dma_start3A_1382, %dma_start3A_1389] : memref<2x32x64xf32, #tpu.memory_space<vmem>> -> memref<1x1x64xf32, #tpu.memory_space<vmem>>
    %dma_start3A_1391 = tpu.memref_squeeze %dma_start3A_1390 : memref<1x1x64xf32, #tpu.memory_space<vmem>> -> memref<64xf32, #tpu.memory_space<vmem>>
    %dma_start3A_1392 = arith.constant 0 : i32
    %dma_start3A_1393 = tpu.memref_slice %arg4[%shift_right_arithmetic3A_1376, %and3A_1380, %dma_start3A_1392] : memref<12500x8x64xf32, #tpu.memory_space<hbm>> -> memref<1x1x64xf32, #tpu.memory_space<hbm>>
    %dma_start3A_1394 = tpu.memref_squeeze %dma_start3A_1393 : memref<1x1x64xf32, #tpu.memory_space<hbm>> -> memref<64xf32, #tpu.memory_space<hbm>>
    tpu.enqueue_dma source(%dma_start3A_1394 : memref<64xf32, #tpu.memory_space<hbm>>) target(%dma_start3A_1391 : memref<64xf32, #tpu.memory_space<vmem>>) target_semaphore(%arg16 : memref<!tpu.dma_semaphore, #tpu.memory_space<semaphore_mem>>)
    %slice3A_1395 = vector.extract_strided_slice %get3A_712 {offsets = [15], sizes = [1], strides = [1]} : vector<16xi32> to vector<1xi32>
    %squeeze3A_1396 = vector.extract %slice3A_1395[0] : i32 from vector<1xi32>
    %shift_right_arithmetic3A_1397 = arith.constant 3 : i32
    %shift_right_arithmetic3A_1398 = arith.shrsi %squeeze3A_1396, %shift_right_arithmetic3A_1397 : i32
    %slice3A_1399 = vector.extract_strided_slice %get3A_712 {offsets = [15], sizes = [1], strides = [1]} : vector<16xi32> to vector<1xi32>
    %squeeze3A_1400 = vector.extract %slice3A_1399[0] : i32 from vector<1xi32>
    %and3A_1401 = arith.constant 7 : i32
    %and3A_1402 = arith.andi %squeeze3A_1400, %and3A_1401 : i32
    %dma_start3A_1403 = arith.constant 0 : i32
    %dma_start3A_1404 = arith.constant 31 : i32
    %dma_start3A_1405 = arith.constant 0 : i32
    %dma_start3A_1406 = tpu.memref_slice %arg12[%dma_start3A_1403, %dma_start3A_1404, %dma_start3A_1405] : memref<2x32x64xf32, #tpu.memory_space<vmem>> -> memref<1x1x64xf32, #tpu.memory_space<vmem>>
    %dma_start3A_1407 = tpu.memref_squeeze %dma_start3A_1406 : memref<1x1x64xf32, #tpu.memory_space<vmem>> -> memref<64xf32, #tpu.memory_space<vmem>>
    %dma_start3A_1408 = arith.constant 0 : i32
    %dma_start3A_1409 = tpu.memref_slice %arg5[%shift_right_arithmetic3A_1398, %and3A_1402, %dma_start3A_1408] : memref<125000x8x64xf32, #tpu.memory_space<hbm>> -> memref<1x1x64xf32, #tpu.memory_space<hbm>>
    %dma_start3A_1410 = tpu.memref_squeeze %dma_start3A_1409 : memref<1x1x64xf32, #tpu.memory_space<hbm>> -> memref<64xf32, #tpu.memory_space<hbm>>
    %dma_start3A_1411 = arith.constant 0 : i32
    %dma_start3A_1412 = tpu.memref_slice %arg12[%dma_start3A_1403, %dma_start3A_1404, %dma_start3A_1411] : memref<2x32x64xf32, #tpu.memory_space<vmem>> -> memref<1x1x64xf32, #tpu.memory_space<vmem>>
    %dma_start3A_1413 = tpu.memref_squeeze %dma_start3A_1412 : memref<1x1x64xf32, #tpu.memory_space<vmem>> -> memref<64xf32, #tpu.memory_space<vmem>>
    %dma_start3A_1414 = arith.constant 0 : i32
    %dma_start3A_1415 = tpu.memref_slice %arg5[%shift_right_arithmetic3A_1398, %and3A_1402, %dma_start3A_1414] : memref<125000x8x64xf32, #tpu.memory_space<hbm>> -> memref<1x1x64xf32, #tpu.memory_space<hbm>>
    %dma_start3A_1416 = tpu.memref_squeeze %dma_start3A_1415 : memref<1x1x64xf32, #tpu.memory_space<hbm>> -> memref<64xf32, #tpu.memory_space<hbm>>
    tpu.enqueue_dma source(%dma_start3A_1416 : memref<64xf32, #tpu.memory_space<hbm>>) target(%dma_start3A_1413 : memref<64xf32, #tpu.memory_space<vmem>>) target_semaphore(%arg17 : memref<!tpu.dma_semaphore, #tpu.memory_space<semaphore_mem>>)
    %dma_wait3A = arith.constant 0 : i32
    %dma_wait3A_1417 = tpu.memref_slice %arg6[%dma_wait3A] : memref<100000xf32, #tpu.memory_space<hbm>> -> memref<100000xf32, #tpu.memory_space<hbm>>
    tpu.wait_indirect_dma semaphore(%arg18 : memref<!tpu.dma_semaphore, #tpu.memory_space<semaphore_mem>>) src(%dma_wait3A_1417 : memref<100000xf32, #tpu.memory_space<hbm>>) dst(%arg13 : memref<512xf32, #tpu.memory_space<vmem>>)
    %dma_wait3A_1418 = arith.constant 0 : i32
    %dma_wait3A_1419 = tpu.memref_slice %arg7[%dma_wait3A_1418] : memref<1000000xf32, #tpu.memory_space<hbm>> -> memref<1000000xf32, #tpu.memory_space<hbm>>
    tpu.wait_indirect_dma semaphore(%arg19 : memref<!tpu.dma_semaphore, #tpu.memory_space<semaphore_mem>>) src(%dma_wait3A_1419 : memref<1000000xf32, #tpu.memory_space<hbm>>) dst(%arg14 : memref<512xf32, #tpu.memory_space<vmem>>)
    %scan3A = arith.constant 0 : i32
    %scan3A_1420 = arith.constant 0 : i32
    %scan3A_1421 = arith.constant 16 : i32
    %scan3A_1422 = arith.addi %scan3A_1420, %scan3A_1421 : i32
    %scan3A_1423 = arith.constant 1 : i32
    scf.for %scan3A_1425 = %scan3A_1420 to %scan3A_1422 step %scan3A_1423  : i32 {
      %rem3A = arith.constant 2 : i32
      %rem3A_1426 = arith.remsi %scan3A_1425, %rem3A : i32
      %add3A_1427 = arith.constant 1 : i32
      %add3A_1428 = arith.addi %scan3A_1425, %add3A_1427 : i32
      %lt3A = arith.constant 16 : i32
      %lt3A_1429 = arith.cmpi slt, %add3A_1428, %lt3A : i32
      %convert_element_type3A = arith.extui %lt3A_1429 : i1 to i32
      %cond3A = arith.constant 0 : i32
      %cond3A_1430 = arith.cmpi ne, %convert_element_type3A, %cond3A : i32
      scf.if %cond3A_1430 {
        %add3A_1573 = arith.constant 1 : i32
        %add3A_1574 = arith.addi %scan3A_1425, %add3A_1573 : i32
        %sub3A = arith.constant 1 : i32
        %sub3A_1575 = arith.subi %sub3A, %rem3A_1426 : i32
        %mul3A_1576 = arith.constant 32 : i32
        %mul3A_1577 = arith.muli %add3A_1574, %mul3A_1576 : i32
        %add3A_1578 = arith.constant 0 : i32
        %add3A_1579 = arith.addi %mul3A_1577, %add3A_1578 : i32
        %get3A_1580 = arith.index_cast %add3A_1579 : i32 to index
        %get3A_1581 = tpu.vector_load %arg9[%get3A_1580] {strides = array<i32>} : memref<512xi32, #tpu.memory_space<vmem>>, vector<16xi32>,
        %mul3A_1582 = arith.constant 32 : i32
        %mul3A_1583 = arith.muli %add3A_1574, %mul3A_1582 : i32
        %add3A_1584 = arith.constant 0 : i32
        %add3A_1585 = arith.addi %mul3A_1583, %add3A_1584 : i32
        %get3A_1586 = arith.index_cast %add3A_1585 : i32 to index
        %get3A_1587 = tpu.vector_load %arg10[%get3A_1586] {strides = array<i32>} : memref<512xi32, #tpu.memory_space<vmem>>, vector<16xi32>,
        %slice3A_1588 = vector.extract_strided_slice %get3A_1581 {offsets = [0], sizes = [1], strides = [1]} : vector<16xi32> to vector<1xi32>
        %squeeze3A_1589 = vector.extract %slice3A_1588[0] : i32 from vector<1xi32>
        %shift_right_arithmetic3A_1590 = arith.constant 3 : i32
        %shift_right_arithmetic3A_1591 = arith.shrsi %squeeze3A_1589, %shift_right_arithmetic3A_1590 : i32
        %slice3A_1592 = vector.extract_strided_slice %get3A_1581 {offsets = [0], sizes = [1], strides = [1]} : vector<16xi32> to vector<1xi32>
        %squeeze3A_1593 = vector.extract %slice3A_1592[0] : i32 from vector<1xi32>
        %and3A_1594 = arith.constant 7 : i32
        %and3A_1595 = arith.andi %squeeze3A_1593, %and3A_1594 : i32
        %dma_start3A_1596 = arith.constant 0 : i32
        %dma_start3A_1597 = arith.constant 0 : i32
        %dma_start3A_1598 = tpu.memref_slice %arg11[%sub3A_1575, %dma_start3A_1596, %dma_start3A_1597] : memref<2x32x64xf32, #tpu.memory_space<vmem>> -> memref<1x1x64xf32, #tpu.memory_space<vmem>>
        %dma_start3A_1599 = tpu.memref_squeeze %dma_start3A_1598 : memref<1x1x64xf32, #tpu.memory_space<vmem>> -> memref<64xf32, #tpu.memory_space<vmem>>
        %dma_start3A_1600 = arith.constant 0 : i32
        %dma_start3A_1601 = tpu.memref_slice %arg4[%shift_right_arithmetic3A_1591, %and3A_1595, %dma_start3A_1600] : memref<12500x8x64xf32, #tpu.memory_space<hbm>> -> memref<1x1x64xf32, #tpu.memory_space<hbm>>
        %dma_start3A_1602 = tpu.memref_squeeze %dma_start3A_1601 : memref<1x1x64xf32, #tpu.memory_space<hbm>> -> memref<64xf32, #tpu.memory_space<hbm>>
        %dma_start3A_1603 = arith.constant 0 : i32
        %dma_start3A_1604 = tpu.memref_slice %arg11[%sub3A_1575, %dma_start3A_1596, %dma_start3A_1603] : memref<2x32x64xf32, #tpu.memory_space<vmem>> -> memref<1x1x64xf32, #tpu.memory_space<vmem>>
        %dma_start3A_1605 = tpu.memref_squeeze %dma_start3A_1604 : memref<1x1x64xf32, #tpu.memory_space<vmem>> -> memref<64xf32, #tpu.memory_space<vmem>>
        %dma_start3A_1606 = arith.constant 0 : i32
        %dma_start3A_1607 = tpu.memref_slice %arg4[%shift_right_arithmetic3A_1591, %and3A_1595, %dma_start3A_1606] : memref<12500x8x64xf32, #tpu.memory_space<hbm>> -> memref<1x1x64xf32, #tpu.memory_space<hbm>>
        %dma_start3A_1608 = tpu.memref_squeeze %dma_start3A_1607 : memref<1x1x64xf32, #tpu.memory_space<hbm>> -> memref<64xf32, #tpu.memory_space<hbm>>
        tpu.enqueue_dma source(%dma_start3A_1608 : memref<64xf32, #tpu.memory_space<hbm>>) target(%dma_start3A_1605 : memref<64xf32, #tpu.memory_space<vmem>>) target_semaphore(%arg16 : memref<!tpu.dma_semaphore, #tpu.memory_space<semaphore_mem>>)
        %slice3A_1609 = vector.extract_strided_slice %get3A_1587 {offsets = [0], sizes = [1], strides = [1]} : vector<16xi32> to vector<1xi32>
        %squeeze3A_1610 = vector.extract %slice3A_1609[0] : i32 from vector<1xi32>
        %shift_right_arithmetic3A_1611 = arith.constant 3 : i32
        %shift_right_arithmetic3A_1612 = arith.shrsi %squeeze3A_1610, %shift_right_arithmetic3A_1611 : i32
        %slice3A_1613 = vector.extract_strided_slice %get3A_1587 {offsets = [0], sizes = [1], strides = [1]} : vector<16xi32> to vector<1xi32>
        %squeeze3A_1614 = vector.extract %slice3A_1613[0] : i32 from vector<1xi32>
        %and3A_1615 = arith.constant 7 : i32
        %and3A_1616 = arith.andi %squeeze3A_1614, %and3A_1615 : i32
        %dma_start3A_1617 = arith.constant 0 : i32
        %dma_start3A_1618 = arith.constant 0 : i32
        %dma_start3A_1619 = tpu.memref_slice %arg12[%sub3A_1575, %dma_start3A_1617, %dma_start3A_1618] : memref<2x32x64xf32, #tpu.memory_space<vmem>> -> memref<1x1x64xf32, #tpu.memory_space<vmem>>
        %dma_start3A_1620 = tpu.memref_squeeze %dma_start3A_1619 : memref<1x1x64xf32, #tpu.memory_space<vmem>> -> memref<64xf32, #tpu.memory_space<vmem>>
        %dma_start3A_1621 = arith.constant 0 : i32
        %dma_start3A_1622 = tpu.memref_slice %arg5[%shift_right_arithmetic3A_1612, %and3A_1616, %dma_start3A_1621] : memref<125000x8x64xf32, #tpu.memory_space<hbm>> -> memref<1x1x64xf32, #tpu.memory_space<hbm>>
        %dma_start3A_1623 = tpu.memref_squeeze %dma_start3A_1622 : memref<1x1x64xf32, #tpu.memory_space<hbm>> -> memref<64xf32, #tpu.memory_space<hbm>>
        %dma_start3A_1624 = arith.constant 0 : i32
        %dma_start3A_1625 = tpu.memref_slice %arg12[%sub3A_1575, %dma_start3A_1617, %dma_start3A_1624] : memref<2x32x64xf32, #tpu.memory_space<vmem>> -> memref<1x1x64xf32, #tpu.memory_space<vmem>>
        %dma_start3A_1626 = tpu.memref_squeeze %dma_start3A_1625 : memref<1x1x64xf32, #tpu.memory_space<vmem>> -> memref<64xf32, #tpu.memory_space<vmem>>
        %dma_start3A_1627 = arith.constant 0 : i32
        %dma_start3A_1628 = tpu.memref_slice %arg5[%shift_right_arithmetic3A_1612, %and3A_1616, %dma_start3A_1627] : memref<125000x8x64xf32, #tpu.memory_space<hbm>> -> memref<1x1x64xf32, #tpu.memory_space<hbm>>
        %dma_start3A_1629 = tpu.memref_squeeze %dma_start3A_1628 : memref<1x1x64xf32, #tpu.memory_space<hbm>> -> memref<64xf32, #tpu.memory_space<hbm>>
        tpu.enqueue_dma source(%dma_start3A_1629 : memref<64xf32, #tpu.memory_space<hbm>>) target(%dma_start3A_1626 : memref<64xf32, #tpu.memory_space<vmem>>) target_semaphore(%arg17 : memref<!tpu.dma_semaphore, #tpu.memory_space<semaphore_mem>>)
        %slice3A_1630 = vector.extract_strided_slice %get3A_1581 {offsets = [1], sizes = [1], strides = [1]} : vector<16xi32> to vector<1xi32>
        %squeeze3A_1631 = vector.extract %slice3A_1630[0] : i32 from vector<1xi32>
        %shift_right_arithmetic3A_1632 = arith.constant 3 : i32
        %shift_right_arithmetic3A_1633 = arith.shrsi %squeeze3A_1631, %shift_right_arithmetic3A_1632 : i32
        %slice3A_1634 = vector.extract_strided_slice %get3A_1581 {offsets = [1], sizes = [1], strides = [1]} : vector<16xi32> to vector<1xi32>
        %squeeze3A_1635 = vector.extract %slice3A_1634[0] : i32 from vector<1xi32>
        %and3A_1636 = arith.constant 7 : i32
        %and3A_1637 = arith.andi %squeeze3A_1635, %and3A_1636 : i32
        %dma_start3A_1638 = arith.constant 1 : i32
        %dma_start3A_1639 = arith.constant 0 : i32
        %dma_start3A_1640 = tpu.memref_slice %arg11[%sub3A_1575, %dma_start3A_1638, %dma_start3A_1639] : memref<2x32x64xf32, #tpu.memory_space<vmem>> -> memref<1x1x64xf32, #tpu.memory_space<vmem>>
        %dma_start3A_1641 = tpu.memref_squeeze %dma_start3A_1640 : memref<1x1x64xf32, #tpu.memory_space<vmem>> -> memref<64xf32, #tpu.memory_space<vmem>>
        %dma_start3A_1642 = arith.constant 0 : i32
        %dma_start3A_1643 = tpu.memref_slice %arg4[%shift_right_arithmetic3A_1633, %and3A_1637, %dma_start3A_1642] : memref<12500x8x64xf32, #tpu.memory_space<hbm>> -> memref<1x1x64xf32, #tpu.memory_space<hbm>>
        %dma_start3A_1644 = tpu.memref_squeeze %dma_start3A_1643 : memref<1x1x64xf32, #tpu.memory_space<hbm>> -> memref<64xf32, #tpu.memory_space<hbm>>
        %dma_start3A_1645 = arith.constant 0 : i32
        %dma_start3A_1646 = tpu.memref_slice %arg11[%sub3A_1575, %dma_start3A_1638, %dma_start3A_1645] : memref<2x32x64xf32, #tpu.memory_space<vmem>> -> memref<1x1x64xf32, #tpu.memory_space<vmem>>
        %dma_start3A_1647 = tpu.memref_squeeze %dma_start3A_1646 : memref<1x1x64xf32, #tpu.memory_space<vmem>> -> memref<64xf32, #tpu.memory_space<vmem>>
        %dma_start3A_1648 = arith.constant 0 : i32
        %dma_start3A_1649 = tpu.memref_slice %arg4[%shift_right_arithmetic3A_1633, %and3A_1637, %dma_start3A_1648] : memref<12500x8x64xf32, #tpu.memory_space<hbm>> -> memref<1x1x64xf32, #tpu.memory_space<hbm>>
        %dma_start3A_1650 = tpu.memref_squeeze %dma_start3A_1649 : memref<1x1x64xf32, #tpu.memory_space<hbm>> -> memref<64xf32, #tpu.memory_space<hbm>>
        tpu.enqueue_dma source(%dma_start3A_1650 : memref<64xf32, #tpu.memory_space<hbm>>) target(%dma_start3A_1647 : memref<64xf32, #tpu.memory_space<vmem>>) target_semaphore(%arg16 : memref<!tpu.dma_semaphore, #tpu.memory_space<semaphore_mem>>)
        %slice3A_1651 = vector.extract_strided_slice %get3A_1587 {offsets = [1], sizes = [1], strides = [1]} : vector<16xi32> to vector<1xi32>
        %squeeze3A_1652 = vector.extract %slice3A_1651[0] : i32 from vector<1xi32>
        %shift_right_arithmetic3A_1653 = arith.constant 3 : i32
        %shift_right_arithmetic3A_1654 = arith.shrsi %squeeze3A_1652, %shift_right_arithmetic3A_1653 : i32
        %slice3A_1655 = vector.extract_strided_slice %get3A_1587 {offsets = [1], sizes = [1], strides = [1]} : vector<16xi32> to vector<1xi32>
        %squeeze3A_1656 = vector.extract %slice3A_1655[0] : i32 from vector<1xi32>
        %and3A_1657 = arith.constant 7 : i32
        %and3A_1658 = arith.andi %squeeze3A_1656, %and3A_1657 : i32
        %dma_start3A_1659 = arith.constant 1 : i32
        %dma_start3A_1660 = arith.constant 0 : i32
        %dma_start3A_1661 = tpu.memref_slice %arg12[%sub3A_1575, %dma_start3A_1659, %dma_start3A_1660] : memref<2x32x64xf32, #tpu.memory_space<vmem>> -> memref<1x1x64xf32, #tpu.memory_space<vmem>>
        %dma_start3A_1662 = tpu.memref_squeeze %dma_start3A_1661 : memref<1x1x64xf32, #tpu.memory_space<vmem>> -> memref<64xf32, #tpu.memory_space<vmem>>
        %dma_start3A_1663 = arith.constant 0 : i32
        %dma_start3A_1664 = tpu.memref_slice %arg5[%shift_right_arithmetic3A_1654, %and3A_1658, %dma_start3A_1663] : memref<125000x8x64xf32, #tpu.memory_space<hbm>> -> memref<1x1x64xf32, #tpu.memory_space<hbm>>
        %dma_start3A_1665 = tpu.memref_squeeze %dma_start3A_1664 : memref<1x1x64xf32, #tpu.memory_space<hbm>> -> memref<64xf32, #tpu.memory_space<hbm>>
        %dma_start3A_1666 = arith.constant 0 : i32
        %dma_start3A_1667 = tpu.memref_slice %arg12[%sub3A_1575, %dma_start3A_1659, %dma_start3A_1666] : memref<2x32x64xf32, #tpu.memory_space<vmem>> -> memref<1x1x64xf32, #tpu.memory_space<vmem>>
        %dma_start3A_1668 = tpu.memref_squeeze %dma_start3A_1667 : memref<1x1x64xf32, #tpu.memory_space<vmem>> -> memref<64xf32, #tpu.memory_space<vmem>>
        %dma_start3A_1669 = arith.constant 0 : i32
        %dma_start3A_1670 = tpu.memref_slice %arg5[%shift_right_arithmetic3A_1654, %and3A_1658, %dma_start3A_1669] : memref<125000x8x64xf32, #tpu.memory_space<hbm>> -> memref<1x1x64xf32, #tpu.memory_space<hbm>>
        %dma_start3A_1671 = tpu.memref_squeeze %dma_start3A_1670 : memref<1x1x64xf32, #tpu.memory_space<hbm>> -> memref<64xf32, #tpu.memory_space<hbm>>
        tpu.enqueue_dma source(%dma_start3A_1671 : memref<64xf32, #tpu.memory_space<hbm>>) target(%dma_start3A_1668 : memref<64xf32, #tpu.memory_space<vmem>>) target_semaphore(%arg17 : memref<!tpu.dma_semaphore, #tpu.memory_space<semaphore_mem>>)
        %slice3A_1672 = vector.extract_strided_slice %get3A_1581 {offsets = [2], sizes = [1], strides = [1]} : vector<16xi32> to vector<1xi32>
        %squeeze3A_1673 = vector.extract %slice3A_1672[0] : i32 from vector<1xi32>
        %shift_right_arithmetic3A_1674 = arith.constant 3 : i32
        %shift_right_arithmetic3A_1675 = arith.shrsi %squeeze3A_1673, %shift_right_arithmetic3A_1674 : i32
        %slice3A_1676 = vector.extract_strided_slice %get3A_1581 {offsets = [2], sizes = [1], strides = [1]} : vector<16xi32> to vector<1xi32>
        %squeeze3A_1677 = vector.extract %slice3A_1676[0] : i32 from vector<1xi32>
        %and3A_1678 = arith.constant 7 : i32
        %and3A_1679 = arith.andi %squeeze3A_1677, %and3A_1678 : i32
        %dma_start3A_1680 = arith.constant 2 : i32
        %dma_start3A_1681 = arith.constant 0 : i32
        %dma_start3A_1682 = tpu.memref_slice %arg11[%sub3A_1575, %dma_start3A_1680, %dma_start3A_1681] : memref<2x32x64xf32, #tpu.memory_space<vmem>> -> memref<1x1x64xf32, #tpu.memory_space<vmem>>
        %dma_start3A_1683 = tpu.memref_squeeze %dma_start3A_1682 : memref<1x1x64xf32, #tpu.memory_space<vmem>> -> memref<64xf32, #tpu.memory_space<vmem>>
        %dma_start3A_1684 = arith.constant 0 : i32
        %dma_start3A_1685 = tpu.memref_slice %arg4[%shift_right_arithmetic3A_1675, %and3A_1679, %dma_start3A_1684] : memref<12500x8x64xf32, #tpu.memory_space<hbm>> -> memref<1x1x64xf32, #tpu.memory_space<hbm>>
        %dma_start3A_1686 = tpu.memref_squeeze %dma_start3A_1685 : memref<1x1x64xf32, #tpu.memory_space<hbm>> -> memref<64xf32, #tpu.memory_space<hbm>>
        %dma_start3A_1687 = arith.constant 0 : i32
        %dma_start3A_1688 = tpu.memref_slice %arg11[%sub3A_1575, %dma_start3A_1680, %dma_start3A_1687] : memref<2x32x64xf32, #tpu.memory_space<vmem>> -> memref<1x1x64xf32, #tpu.memory_space<vmem>>
        %dma_start3A_1689 = tpu.memref_squeeze %dma_start3A_1688 : memref<1x1x64xf32, #tpu.memory_space<vmem>> -> memref<64xf32, #tpu.memory_space<vmem>>
        %dma_start3A_1690 = arith.constant 0 : i32
        %dma_start3A_1691 = tpu.memref_slice %arg4[%shift_right_arithmetic3A_1675, %and3A_1679, %dma_start3A_1690] : memref<12500x8x64xf32, #tpu.memory_space<hbm>> -> memref<1x1x64xf32, #tpu.memory_space<hbm>>
        %dma_start3A_1692 = tpu.memref_squeeze %dma_start3A_1691 : memref<1x1x64xf32, #tpu.memory_space<hbm>> -> memref<64xf32, #tpu.memory_space<hbm>>
        tpu.enqueue_dma source(%dma_start3A_1692 : memref<64xf32, #tpu.memory_space<hbm>>) target(%dma_start3A_1689 : memref<64xf32, #tpu.memory_space<vmem>>) target_semaphore(%arg16 : memref<!tpu.dma_semaphore, #tpu.memory_space<semaphore_mem>>)
        %slice3A_1693 = vector.extract_strided_slice %get3A_1587 {offsets = [2], sizes = [1], strides = [1]} : vector<16xi32> to vector<1xi32>
        %squeeze3A_1694 = vector.extract %slice3A_1693[0] : i32 from vector<1xi32>
        %shift_right_arithmetic3A_1695 = arith.constant 3 : i32
        %shift_right_arithmetic3A_1696 = arith.shrsi %squeeze3A_1694, %shift_right_arithmetic3A_1695 : i32
        %slice3A_1697 = vector.extract_strided_slice %get3A_1587 {offsets = [2], sizes = [1], strides = [1]} : vector<16xi32> to vector<1xi32>
        %squeeze3A_1698 = vector.extract %slice3A_1697[0] : i32 from vector<1xi32>
        %and3A_1699 = arith.constant 7 : i32
        %and3A_1700 = arith.andi %squeeze3A_1698, %and3A_1699 : i32
        %dma_start3A_1701 = arith.constant 2 : i32
        %dma_start3A_1702 = arith.constant 0 : i32
        %dma_start3A_1703 = tpu.memref_slice %arg12[%sub3A_1575, %dma_start3A_1701, %dma_start3A_1702] : memref<2x32x64xf32, #tpu.memory_space<vmem>> -> memref<1x1x64xf32, #tpu.memory_space<vmem>>
        %dma_start3A_1704 = tpu.memref_squeeze %dma_start3A_1703 : memref<1x1x64xf32, #tpu.memory_space<vmem>> -> memref<64xf32, #tpu.memory_space<vmem>>
        %dma_start3A_1705 = arith.constant 0 : i32
        %dma_start3A_1706 = tpu.memref_slice %arg5[%shift_right_arithmetic3A_1696, %and3A_1700, %dma_start3A_1705] : memref<125000x8x64xf32, #tpu.memory_space<hbm>> -> memref<1x1x64xf32, #tpu.memory_space<hbm>>
        %dma_start3A_1707 = tpu.memref_squeeze %dma_start3A_1706 : memref<1x1x64xf32, #tpu.memory_space<hbm>> -> memref<64xf32, #tpu.memory_space<hbm>>
        %dma_start3A_1708 = arith.constant 0 : i32
        %dma_start3A_1709 = tpu.memref_slice %arg12[%sub3A_1575, %dma_start3A_1701, %dma_start3A_1708] : memref<2x32x64xf32, #tpu.memory_space<vmem>> -> memref<1x1x64xf32, #tpu.memory_space<vmem>>
        %dma_start3A_1710 = tpu.memref_squeeze %dma_start3A_1709 : memref<1x1x64xf32, #tpu.memory_space<vmem>> -> memref<64xf32, #tpu.memory_space<vmem>>
        %dma_start3A_1711 = arith.constant 0 : i32
        %dma_start3A_1712 = tpu.memref_slice %arg5[%shift_right_arithmetic3A_1696, %and3A_1700, %dma_start3A_1711] : memref<125000x8x64xf32, #tpu.memory_space<hbm>> -> memref<1x1x64xf32, #tpu.memory_space<hbm>>
        %dma_start3A_1713 = tpu.memref_squeeze %dma_start3A_1712 : memref<1x1x64xf32, #tpu.memory_space<hbm>> -> memref<64xf32, #tpu.memory_space<hbm>>
        tpu.enqueue_dma source(%dma_start3A_1713 : memref<64xf32, #tpu.memory_space<hbm>>) target(%dma_start3A_1710 : memref<64xf32, #tpu.memory_space<vmem>>) target_semaphore(%arg17 : memref<!tpu.dma_semaphore, #tpu.memory_space<semaphore_mem>>)
        %slice3A_1714 = vector.extract_strided_slice %get3A_1581 {offsets = [3], sizes = [1], strides = [1]} : vector<16xi32> to vector<1xi32>
        %squeeze3A_1715 = vector.extract %slice3A_1714[0] : i32 from vector<1xi32>
        %shift_right_arithmetic3A_1716 = arith.constant 3 : i32
        %shift_right_arithmetic3A_1717 = arith.shrsi %squeeze3A_1715, %shift_right_arithmetic3A_1716 : i32
        %slice3A_1718 = vector.extract_strided_slice %get3A_1581 {offsets = [3], sizes = [1], strides = [1]} : vector<16xi32> to vector<1xi32>
        %squeeze3A_1719 = vector.extract %slice3A_1718[0] : i32 from vector<1xi32>
        %and3A_1720 = arith.constant 7 : i32
        %and3A_1721 = arith.andi %squeeze3A_1719, %and3A_1720 : i32
        %dma_start3A_1722 = arith.constant 3 : i32
        %dma_start3A_1723 = arith.constant 0 : i32
        %dma_start3A_1724 = tpu.memref_slice %arg11[%sub3A_1575, %dma_start3A_1722, %dma_start3A_1723] : memref<2x32x64xf32, #tpu.memory_space<vmem>> -> memref<1x1x64xf32, #tpu.memory_space<vmem>>
        %dma_start3A_1725 = tpu.memref_squeeze %dma_start3A_1724 : memref<1x1x64xf32, #tpu.memory_space<vmem>> -> memref<64xf32, #tpu.memory_space<vmem>>
        %dma_start3A_1726 = arith.constant 0 : i32
        %dma_start3A_1727 = tpu.memref_slice %arg4[%shift_right_arithmetic3A_1717, %and3A_1721, %dma_start3A_1726] : memref<12500x8x64xf32, #tpu.memory_space<hbm>> -> memref<1x1x64xf32, #tpu.memory_space<hbm>>
        %dma_start3A_1728 = tpu.memref_squeeze %dma_start3A_1727 : memref<1x1x64xf32, #tpu.memory_space<hbm>> -> memref<64xf32, #tpu.memory_space<hbm>>
        %dma_start3A_1729 = arith.constant 0 : i32
        %dma_start3A_1730 = tpu.memref_slice %arg11[%sub3A_1575, %dma_start3A_1722, %dma_start3A_1729] : memref<2x32x64xf32, #tpu.memory_space<vmem>> -> memref<1x1x64xf32, #tpu.memory_space<vmem>>
        %dma_start3A_1731 = tpu.memref_squeeze %dma_start3A_1730 : memref<1x1x64xf32, #tpu.memory_space<vmem>> -> memref<64xf32, #tpu.memory_space<vmem>>
        %dma_start3A_1732 = arith.constant 0 : i32
        %dma_start3A_1733 = tpu.memref_slice %arg4[%shift_right_arithmetic3A_1717, %and3A_1721, %dma_start3A_1732] : memref<12500x8x64xf32, #tpu.memory_space<hbm>> -> memref<1x1x64xf32, #tpu.memory_space<hbm>>
        %dma_start3A_1734 = tpu.memref_squeeze %dma_start3A_1733 : memref<1x1x64xf32, #tpu.memory_space<hbm>> -> memref<64xf32, #tpu.memory_space<hbm>>
        tpu.enqueue_dma source(%dma_start3A_1734 : memref<64xf32, #tpu.memory_space<hbm>>) target(%dma_start3A_1731 : memref<64xf32, #tpu.memory_space<vmem>>) target_semaphore(%arg16 : memref<!tpu.dma_semaphore, #tpu.memory_space<semaphore_mem>>)
        %slice3A_1735 = vector.extract_strided_slice %get3A_1587 {offsets = [3], sizes = [1], strides = [1]} : vector<16xi32> to vector<1xi32>
        %squeeze3A_1736 = vector.extract %slice3A_1735[0] : i32 from vector<1xi32>
        %shift_right_arithmetic3A_1737 = arith.constant 3 : i32
        %shift_right_arithmetic3A_1738 = arith.shrsi %squeeze3A_1736, %shift_right_arithmetic3A_1737 : i32
        %slice3A_1739 = vector.extract_strided_slice %get3A_1587 {offsets = [3], sizes = [1], strides = [1]} : vector<16xi32> to vector<1xi32>
        %squeeze3A_1740 = vector.extract %slice3A_1739[0] : i32 from vector<1xi32>
        %and3A_1741 = arith.constant 7 : i32
        %and3A_1742 = arith.andi %squeeze3A_1740, %and3A_1741 : i32
        %dma_start3A_1743 = arith.constant 3 : i32
        %dma_start3A_1744 = arith.constant 0 : i32
        %dma_start3A_1745 = tpu.memref_slice %arg12[%sub3A_1575, %dma_start3A_1743, %dma_start3A_1744] : memref<2x32x64xf32, #tpu.memory_space<vmem>> -> memref<1x1x64xf32, #tpu.memory_space<vmem>>
        %dma_start3A_1746 = tpu.memref_squeeze %dma_start3A_1745 : memref<1x1x64xf32, #tpu.memory_space<vmem>> -> memref<64xf32, #tpu.memory_space<vmem>>
        %dma_start3A_1747 = arith.constant 0 : i32
        %dma_start3A_1748 = tpu.memref_slice %arg5[%shift_right_arithmetic3A_1738, %and3A_1742, %dma_start3A_1747] : memref<125000x8x64xf32, #tpu.memory_space<hbm>> -> memref<1x1x64xf32, #tpu.memory_space<hbm>>
        %dma_start3A_1749 = tpu.memref_squeeze %dma_start3A_1748 : memref<1x1x64xf32, #tpu.memory_space<hbm>> -> memref<64xf32, #tpu.memory_space<hbm>>
        %dma_start3A_1750 = arith.constant 0 : i32
        %dma_start3A_1751 = tpu.memref_slice %arg12[%sub3A_1575, %dma_start3A_1743, %dma_start3A_1750] : memref<2x32x64xf32, #tpu.memory_space<vmem>> -> memref<1x1x64xf32, #tpu.memory_space<vmem>>
        %dma_start3A_1752 = tpu.memref_squeeze %dma_start3A_1751 : memref<1x1x64xf32, #tpu.memory_space<vmem>> -> memref<64xf32, #tpu.memory_space<vmem>>
        %dma_start3A_1753 = arith.constant 0 : i32
        %dma_start3A_1754 = tpu.memref_slice %arg5[%shift_right_arithmetic3A_1738, %and3A_1742, %dma_start3A_1753] : memref<125000x8x64xf32, #tpu.memory_space<hbm>> -> memref<1x1x64xf32, #tpu.memory_space<hbm>>
        %dma_start3A_1755 = tpu.memref_squeeze %dma_start3A_1754 : memref<1x1x64xf32, #tpu.memory_space<hbm>> -> memref<64xf32, #tpu.memory_space<hbm>>
        tpu.enqueue_dma source(%dma_start3A_1755 : memref<64xf32, #tpu.memory_space<hbm>>) target(%dma_start3A_1752 : memref<64xf32, #tpu.memory_space<vmem>>) target_semaphore(%arg17 : memref<!tpu.dma_semaphore, #tpu.memory_space<semaphore_mem>>)
        %slice3A_1756 = vector.extract_strided_slice %get3A_1581 {offsets = [4], sizes = [1], strides = [1]} : vector<16xi32> to vector<1xi32>
        %squeeze3A_1757 = vector.extract %slice3A_1756[0] : i32 from vector<1xi32>
        %shift_right_arithmetic3A_1758 = arith.constant 3 : i32
        %shift_right_arithmetic3A_1759 = arith.shrsi %squeeze3A_1757, %shift_right_arithmetic3A_1758 : i32
        %slice3A_1760 = vector.extract_strided_slice %get3A_1581 {offsets = [4], sizes = [1], strides = [1]} : vector<16xi32> to vector<1xi32>
        %squeeze3A_1761 = vector.extract %slice3A_1760[0] : i32 from vector<1xi32>
        %and3A_1762 = arith.constant 7 : i32
        %and3A_1763 = arith.andi %squeeze3A_1761, %and3A_1762 : i32
        %dma_start3A_1764 = arith.constant 4 : i32
        %dma_start3A_1765 = arith.constant 0 : i32
        %dma_start3A_1766 = tpu.memref_slice %arg11[%sub3A_1575, %dma_start3A_1764, %dma_start3A_1765] : memref<2x32x64xf32, #tpu.memory_space<vmem>> -> memref<1x1x64xf32, #tpu.memory_space<vmem>>
        %dma_start3A_1767 = tpu.memref_squeeze %dma_start3A_1766 : memref<1x1x64xf32, #tpu.memory_space<vmem>> -> memref<64xf32, #tpu.memory_space<vmem>>
        %dma_start3A_1768 = arith.constant 0 : i32
        %dma_start3A_1769 = tpu.memref_slice %arg4[%shift_right_arithmetic3A_1759, %and3A_1763, %dma_start3A_1768] : memref<12500x8x64xf32, #tpu.memory_space<hbm>> -> memref<1x1x64xf32, #tpu.memory_space<hbm>>
        %dma_start3A_1770 = tpu.memref_squeeze %dma_start3A_1769 : memref<1x1x64xf32, #tpu.memory_space<hbm>> -> memref<64xf32, #tpu.memory_space<hbm>>
        %dma_start3A_1771 = arith.constant 0 : i32
        %dma_start3A_1772 = tpu.memref_slice %arg11[%sub3A_1575, %dma_start3A_1764, %dma_start3A_1771] : memref<2x32x64xf32, #tpu.memory_space<vmem>> -> memref<1x1x64xf32, #tpu.memory_space<vmem>>
        %dma_start3A_1773 = tpu.memref_squeeze %dma_start3A_1772 : memref<1x1x64xf32, #tpu.memory_space<vmem>> -> memref<64xf32, #tpu.memory_space<vmem>>
        %dma_start3A_1774 = arith.constant 0 : i32
        %dma_start3A_1775 = tpu.memref_slice %arg4[%shift_right_arithmetic3A_1759, %and3A_1763, %dma_start3A_1774] : memref<12500x8x64xf32, #tpu.memory_space<hbm>> -> memref<1x1x64xf32, #tpu.memory_space<hbm>>
        %dma_start3A_1776 = tpu.memref_squeeze %dma_start3A_1775 : memref<1x1x64xf32, #tpu.memory_space<hbm>> -> memref<64xf32, #tpu.memory_space<hbm>>
        tpu.enqueue_dma source(%dma_start3A_1776 : memref<64xf32, #tpu.memory_space<hbm>>) target(%dma_start3A_1773 : memref<64xf32, #tpu.memory_space<vmem>>) target_semaphore(%arg16 : memref<!tpu.dma_semaphore, #tpu.memory_space<semaphore_mem>>)
        %slice3A_1777 = vector.extract_strided_slice %get3A_1587 {offsets = [4], sizes = [1], strides = [1]} : vector<16xi32> to vector<1xi32>
        %squeeze3A_1778 = vector.extract %slice3A_1777[0] : i32 from vector<1xi32>
        %shift_right_arithmetic3A_1779 = arith.constant 3 : i32
        %shift_right_arithmetic3A_1780 = arith.shrsi %squeeze3A_1778, %shift_right_arithmetic3A_1779 : i32
        %slice3A_1781 = vector.extract_strided_slice %get3A_1587 {offsets = [4], sizes = [1], strides = [1]} : vector<16xi32> to vector<1xi32>
        %squeeze3A_1782 = vector.extract %slice3A_1781[0] : i32 from vector<1xi32>
        %and3A_1783 = arith.constant 7 : i32
        %and3A_1784 = arith.andi %squeeze3A_1782, %and3A_1783 : i32
        %dma_start3A_1785 = arith.constant 4 : i32
        %dma_start3A_1786 = arith.constant 0 : i32
        %dma_start3A_1787 = tpu.memref_slice %arg12[%sub3A_1575, %dma_start3A_1785, %dma_start3A_1786] : memref<2x32x64xf32, #tpu.memory_space<vmem>> -> memref<1x1x64xf32, #tpu.memory_space<vmem>>
        %dma_start3A_1788 = tpu.memref_squeeze %dma_start3A_1787 : memref<1x1x64xf32, #tpu.memory_space<vmem>> -> memref<64xf32, #tpu.memory_space<vmem>>
        %dma_start3A_1789 = arith.constant 0 : i32
        %dma_start3A_1790 = tpu.memref_slice %arg5[%shift_right_arithmetic3A_1780, %and3A_1784, %dma_start3A_1789] : memref<125000x8x64xf32, #tpu.memory_space<hbm>> -> memref<1x1x64xf32, #tpu.memory_space<hbm>>
        %dma_start3A_1791 = tpu.memref_squeeze %dma_start3A_1790 : memref<1x1x64xf32, #tpu.memory_space<hbm>> -> memref<64xf32, #tpu.memory_space<hbm>>
        %dma_start3A_1792 = arith.constant 0 : i32
        %dma_start3A_1793 = tpu.memref_slice %arg12[%sub3A_1575, %dma_start3A_1785, %dma_start3A_1792] : memref<2x32x64xf32, #tpu.memory_space<vmem>> -> memref<1x1x64xf32, #tpu.memory_space<vmem>>
        %dma_start3A_1794 = tpu.memref_squeeze %dma_start3A_1793 : memref<1x1x64xf32, #tpu.memory_space<vmem>> -> memref<64xf32, #tpu.memory_space<vmem>>
        %dma_start3A_1795 = arith.constant 0 : i32
        %dma_start3A_1796 = tpu.memref_slice %arg5[%shift_right_arithmetic3A_1780, %and3A_1784, %dma_start3A_1795] : memref<125000x8x64xf32, #tpu.memory_space<hbm>> -> memref<1x1x64xf32, #tpu.memory_space<hbm>>
        %dma_start3A_1797 = tpu.memref_squeeze %dma_start3A_1796 : memref<1x1x64xf32, #tpu.memory_space<hbm>> -> memref<64xf32, #tpu.memory_space<hbm>>
        tpu.enqueue_dma source(%dma_start3A_1797 : memref<64xf32, #tpu.memory_space<hbm>>) target(%dma_start3A_1794 : memref<64xf32, #tpu.memory_space<vmem>>) target_semaphore(%arg17 : memref<!tpu.dma_semaphore, #tpu.memory_space<semaphore_mem>>)
        %slice3A_1798 = vector.extract_strided_slice %get3A_1581 {offsets = [5], sizes = [1], strides = [1]} : vector<16xi32> to vector<1xi32>
        %squeeze3A_1799 = vector.extract %slice3A_1798[0] : i32 from vector<1xi32>
        %shift_right_arithmetic3A_1800 = arith.constant 3 : i32
        %shift_right_arithmetic3A_1801 = arith.shrsi %squeeze3A_1799, %shift_right_arithmetic3A_1800 : i32
        %slice3A_1802 = vector.extract_strided_slice %get3A_1581 {offsets = [5], sizes = [1], strides = [1]} : vector<16xi32> to vector<1xi32>
        %squeeze3A_1803 = vector.extract %slice3A_1802[0] : i32 from vector<1xi32>
        %and3A_1804 = arith.constant 7 : i32
        %and3A_1805 = arith.andi %squeeze3A_1803, %and3A_1804 : i32
        %dma_start3A_1806 = arith.constant 5 : i32
        %dma_start3A_1807 = arith.constant 0 : i32
        %dma_start3A_1808 = tpu.memref_slice %arg11[%sub3A_1575, %dma_start3A_1806, %dma_start3A_1807] : memref<2x32x64xf32, #tpu.memory_space<vmem>> -> memref<1x1x64xf32, #tpu.memory_space<vmem>>
        %dma_start3A_1809 = tpu.memref_squeeze %dma_start3A_1808 : memref<1x1x64xf32, #tpu.memory_space<vmem>> -> memref<64xf32, #tpu.memory_space<vmem>>
        %dma_start3A_1810 = arith.constant 0 : i32
        %dma_start3A_1811 = tpu.memref_slice %arg4[%shift_right_arithmetic3A_1801, %and3A_1805, %dma_start3A_1810] : memref<12500x8x64xf32, #tpu.memory_space<hbm>> -> memref<1x1x64xf32, #tpu.memory_space<hbm>>
        %dma_start3A_1812 = tpu.memref_squeeze %dma_start3A_1811 : memref<1x1x64xf32, #tpu.memory_space<hbm>> -> memref<64xf32, #tpu.memory_space<hbm>>
        %dma_start3A_1813 = arith.constant 0 : i32
        %dma_start3A_1814 = tpu.memref_slice %arg11[%sub3A_1575, %dma_start3A_1806, %dma_start3A_1813] : memref<2x32x64xf32, #tpu.memory_space<vmem>> -> memref<1x1x64xf32, #tpu.memory_space<vmem>>
        %dma_start3A_1815 = tpu.memref_squeeze %dma_start3A_1814 : memref<1x1x64xf32, #tpu.memory_space<vmem>> -> memref<64xf32, #tpu.memory_space<vmem>>
        %dma_start3A_1816 = arith.constant 0 : i32
        %dma_start3A_1817 = tpu.memref_slice %arg4[%shift_right_arithmetic3A_1801, %and3A_1805, %dma_start3A_1816] : memref<12500x8x64xf32, #tpu.memory_space<hbm>> -> memref<1x1x64xf32, #tpu.memory_space<hbm>>
        %dma_start3A_1818 = tpu.memref_squeeze %dma_start3A_1817 : memref<1x1x64xf32, #tpu.memory_space<hbm>> -> memref<64xf32, #tpu.memory_space<hbm>>
        tpu.enqueue_dma source(%dma_start3A_1818 : memref<64xf32, #tpu.memory_space<hbm>>) target(%dma_start3A_1815 : memref<64xf32, #tpu.memory_space<vmem>>) target_semaphore(%arg16 : memref<!tpu.dma_semaphore, #tpu.memory_space<semaphore_mem>>)
        %slice3A_1819 = vector.extract_strided_slice %get3A_1587 {offsets = [5], sizes = [1], strides = [1]} : vector<16xi32> to vector<1xi32>
        %squeeze3A_1820 = vector.extract %slice3A_1819[0] : i32 from vector<1xi32>
        %shift_right_arithmetic3A_1821 = arith.constant 3 : i32
        %shift_right_arithmetic3A_1822 = arith.shrsi %squeeze3A_1820, %shift_right_arithmetic3A_1821 : i32
        %slice3A_1823 = vector.extract_strided_slice %get3A_1587 {offsets = [5], sizes = [1], strides = [1]} : vector<16xi32> to vector<1xi32>
        %squeeze3A_1824 = vector.extract %slice3A_1823[0] : i32 from vector<1xi32>
        %and3A_1825 = arith.constant 7 : i32
        %and3A_1826 = arith.andi %squeeze3A_1824, %and3A_1825 : i32
        %dma_start3A_1827 = arith.constant 5 : i32
        %dma_start3A_1828 = arith.constant 0 : i32
        %dma_start3A_1829 = tpu.memref_slice %arg12[%sub3A_1575, %dma_start3A_1827, %dma_start3A_1828] : memref<2x32x64xf32, #tpu.memory_space<vmem>> -> memref<1x1x64xf32, #tpu.memory_space<vmem>>
        %dma_start3A_1830 = tpu.memref_squeeze %dma_start3A_1829 : memref<1x1x64xf32, #tpu.memory_space<vmem>> -> memref<64xf32, #tpu.memory_space<vmem>>
        %dma_start3A_1831 = arith.constant 0 : i32
        %dma_start3A_1832 = tpu.memref_slice %arg5[%shift_right_arithmetic3A_1822, %and3A_1826, %dma_start3A_1831] : memref<125000x8x64xf32, #tpu.memory_space<hbm>> -> memref<1x1x64xf32, #tpu.memory_space<hbm>>
        %dma_start3A_1833 = tpu.memref_squeeze %dma_start3A_1832 : memref<1x1x64xf32, #tpu.memory_space<hbm>> -> memref<64xf32, #tpu.memory_space<hbm>>
        %dma_start3A_1834 = arith.constant 0 : i32
        %dma_start3A_1835 = tpu.memref_slice %arg12[%sub3A_1575, %dma_start3A_1827, %dma_start3A_1834] : memref<2x32x64xf32, #tpu.memory_space<vmem>> -> memref<1x1x64xf32, #tpu.memory_space<vmem>>
        %dma_start3A_1836 = tpu.memref_squeeze %dma_start3A_1835 : memref<1x1x64xf32, #tpu.memory_space<vmem>> -> memref<64xf32, #tpu.memory_space<vmem>>
        %dma_start3A_1837 = arith.constant 0 : i32
        %dma_start3A_1838 = tpu.memref_slice %arg5[%shift_right_arithmetic3A_1822, %and3A_1826, %dma_start3A_1837] : memref<125000x8x64xf32, #tpu.memory_space<hbm>> -> memref<1x1x64xf32, #tpu.memory_space<hbm>>
        %dma_start3A_1839 = tpu.memref_squeeze %dma_start3A_1838 : memref<1x1x64xf32, #tpu.memory_space<hbm>> -> memref<64xf32, #tpu.memory_space<hbm>>
        tpu.enqueue_dma source(%dma_start3A_1839 : memref<64xf32, #tpu.memory_space<hbm>>) target(%dma_start3A_1836 : memref<64xf32, #tpu.memory_space<vmem>>) target_semaphore(%arg17 : memref<!tpu.dma_semaphore, #tpu.memory_space<semaphore_mem>>)
        %slice3A_1840 = vector.extract_strided_slice %get3A_1581 {offsets = [6], sizes = [1], strides = [1]} : vector<16xi32> to vector<1xi32>
        %squeeze3A_1841 = vector.extract %slice3A_1840[0] : i32 from vector<1xi32>
        %shift_right_arithmetic3A_1842 = arith.constant 3 : i32
        %shift_right_arithmetic3A_1843 = arith.shrsi %squeeze3A_1841, %shift_right_arithmetic3A_1842 : i32
        %slice3A_1844 = vector.extract_strided_slice %get3A_1581 {offsets = [6], sizes = [1], strides = [1]} : vector<16xi32> to vector<1xi32>
        %squeeze3A_1845 = vector.extract %slice3A_1844[0] : i32 from vector<1xi32>
        %and3A_1846 = arith.constant 7 : i32
        %and3A_1847 = arith.andi %squeeze3A_1845, %and3A_1846 : i32
        %dma_start3A_1848 = arith.constant 6 : i32
        %dma_start3A_1849 = arith.constant 0 : i32
        %dma_start3A_1850 = tpu.memref_slice %arg11[%sub3A_1575, %dma_start3A_1848, %dma_start3A_1849] : memref<2x32x64xf32, #tpu.memory_space<vmem>> -> memref<1x1x64xf32, #tpu.memory_space<vmem>>
        %dma_start3A_1851 = tpu.memref_squeeze %dma_start3A_1850 : memref<1x1x64xf32, #tpu.memory_space<vmem>> -> memref<64xf32, #tpu.memory_space<vmem>>
        %dma_start3A_1852 = arith.constant 0 : i32
        %dma_start3A_1853 = tpu.memref_slice %arg4[%shift_right_arithmetic3A_1843, %and3A_1847, %dma_start3A_1852] : memref<12500x8x64xf32, #tpu.memory_space<hbm>> -> memref<1x1x64xf32, #tpu.memory_space<hbm>>
        %dma_start3A_1854 = tpu.memref_squeeze %dma_start3A_1853 : memref<1x1x64xf32, #tpu.memory_space<hbm>> -> memref<64xf32, #tpu.memory_space<hbm>>
        %dma_start3A_1855 = arith.constant 0 : i32
        %dma_start3A_1856 = tpu.memref_slice %arg11[%sub3A_1575, %dma_start3A_1848, %dma_start3A_1855] : memref<2x32x64xf32, #tpu.memory_space<vmem>> -> memref<1x1x64xf32, #tpu.memory_space<vmem>>
        %dma_start3A_1857 = tpu.memref_squeeze %dma_start3A_1856 : memref<1x1x64xf32, #tpu.memory_space<vmem>> -> memref<64xf32, #tpu.memory_space<vmem>>
        %dma_start3A_1858 = arith.constant 0 : i32
        %dma_start3A_1859 = tpu.memref_slice %arg4[%shift_right_arithmetic3A_1843, %and3A_1847, %dma_start3A_1858] : memref<12500x8x64xf32, #tpu.memory_space<hbm>> -> memref<1x1x64xf32, #tpu.memory_space<hbm>>
        %dma_start3A_1860 = tpu.memref_squeeze %dma_start3A_1859 : memref<1x1x64xf32, #tpu.memory_space<hbm>> -> memref<64xf32, #tpu.memory_space<hbm>>
        tpu.enqueue_dma source(%dma_start3A_1860 : memref<64xf32, #tpu.memory_space<hbm>>) target(%dma_start3A_1857 : memref<64xf32, #tpu.memory_space<vmem>>) target_semaphore(%arg16 : memref<!tpu.dma_semaphore, #tpu.memory_space<semaphore_mem>>)
        %slice3A_1861 = vector.extract_strided_slice %get3A_1587 {offsets = [6], sizes = [1], strides = [1]} : vector<16xi32> to vector<1xi32>
        %squeeze3A_1862 = vector.extract %slice3A_1861[0] : i32 from vector<1xi32>
        %shift_right_arithmetic3A_1863 = arith.constant 3 : i32
        %shift_right_arithmetic3A_1864 = arith.shrsi %squeeze3A_1862, %shift_right_arithmetic3A_1863 : i32
        %slice3A_1865 = vector.extract_strided_slice %get3A_1587 {offsets = [6], sizes = [1], strides = [1]} : vector<16xi32> to vector<1xi32>
        %squeeze3A_1866 = vector.extract %slice3A_1865[0] : i32 from vector<1xi32>
        %and3A_1867 = arith.constant 7 : i32
        %and3A_1868 = arith.andi %squeeze3A_1866, %and3A_1867 : i32
        %dma_start3A_1869 = arith.constant 6 : i32
        %dma_start3A_1870 = arith.constant 0 : i32
        %dma_start3A_1871 = tpu.memref_slice %arg12[%sub3A_1575, %dma_start3A_1869, %dma_start3A_1870] : memref<2x32x64xf32, #tpu.memory_space<vmem>> -> memref<1x1x64xf32, #tpu.memory_space<vmem>>
        %dma_start3A_1872 = tpu.memref_squeeze %dma_start3A_1871 : memref<1x1x64xf32, #tpu.memory_space<vmem>> -> memref<64xf32, #tpu.memory_space<vmem>>
        %dma_start3A_1873 = arith.constant 0 : i32
        %dma_start3A_1874 = tpu.memref_slice %arg5[%shift_right_arithmetic3A_1864, %and3A_1868, %dma_start3A_1873] : memref<125000x8x64xf32, #tpu.memory_space<hbm>> -> memref<1x1x64xf32, #tpu.memory_space<hbm>>
        %dma_start3A_1875 = tpu.memref_squeeze %dma_start3A_1874 : memref<1x1x64xf32, #tpu.memory_space<hbm>> -> memref<64xf32, #tpu.memory_space<hbm>>
        %dma_start3A_1876 = arith.constant 0 : i32
        %dma_start3A_1877 = tpu.memref_slice %arg12[%sub3A_1575, %dma_start3A_1869, %dma_start3A_1876] : memref<2x32x64xf32, #tpu.memory_space<vmem>> -> memref<1x1x64xf32, #tpu.memory_space<vmem>>
        %dma_start3A_1878 = tpu.memref_squeeze %dma_start3A_1877 : memref<1x1x64xf32, #tpu.memory_space<vmem>> -> memref<64xf32, #tpu.memory_space<vmem>>
        %dma_start3A_1879 = arith.constant 0 : i32
        %dma_start3A_1880 = tpu.memref_slice %arg5[%shift_right_arithmetic3A_1864, %and3A_1868, %dma_start3A_1879] : memref<125000x8x64xf32, #tpu.memory_space<hbm>> -> memref<1x1x64xf32, #tpu.memory_space<hbm>>
        %dma_start3A_1881 = tpu.memref_squeeze %dma_start3A_1880 : memref<1x1x64xf32, #tpu.memory_space<hbm>> -> memref<64xf32, #tpu.memory_space<hbm>>
        tpu.enqueue_dma source(%dma_start3A_1881 : memref<64xf32, #tpu.memory_space<hbm>>) target(%dma_start3A_1878 : memref<64xf32, #tpu.memory_space<vmem>>) target_semaphore(%arg17 : memref<!tpu.dma_semaphore, #tpu.memory_space<semaphore_mem>>)
        %slice3A_1882 = vector.extract_strided_slice %get3A_1581 {offsets = [7], sizes = [1], strides = [1]} : vector<16xi32> to vector<1xi32>
        %squeeze3A_1883 = vector.extract %slice3A_1882[0] : i32 from vector<1xi32>
        %shift_right_arithmetic3A_1884 = arith.constant 3 : i32
        %shift_right_arithmetic3A_1885 = arith.shrsi %squeeze3A_1883, %shift_right_arithmetic3A_1884 : i32
        %slice3A_1886 = vector.extract_strided_slice %get3A_1581 {offsets = [7], sizes = [1], strides = [1]} : vector<16xi32> to vector<1xi32>
        %squeeze3A_1887 = vector.extract %slice3A_1886[0] : i32 from vector<1xi32>
        %and3A_1888 = arith.constant 7 : i32
        %and3A_1889 = arith.andi %squeeze3A_1887, %and3A_1888 : i32
        %dma_start3A_1890 = arith.constant 7 : i32
        %dma_start3A_1891 = arith.constant 0 : i32
        %dma_start3A_1892 = tpu.memref_slice %arg11[%sub3A_1575, %dma_start3A_1890, %dma_start3A_1891] : memref<2x32x64xf32, #tpu.memory_space<vmem>> -> memref<1x1x64xf32, #tpu.memory_space<vmem>>
        %dma_start3A_1893 = tpu.memref_squeeze %dma_start3A_1892 : memref<1x1x64xf32, #tpu.memory_space<vmem>> -> memref<64xf32, #tpu.memory_space<vmem>>
        %dma_start3A_1894 = arith.constant 0 : i32
        %dma_start3A_1895 = tpu.memref_slice %arg4[%shift_right_arithmetic3A_1885, %and3A_1889, %dma_start3A_1894] : memref<12500x8x64xf32, #tpu.memory_space<hbm>> -> memref<1x1x64xf32, #tpu.memory_space<hbm>>
        %dma_start3A_1896 = tpu.memref_squeeze %dma_start3A_1895 : memref<1x1x64xf32, #tpu.memory_space<hbm>> -> memref<64xf32, #tpu.memory_space<hbm>>
        %dma_start3A_1897 = arith.constant 0 : i32
        %dma_start3A_1898 = tpu.memref_slice %arg11[%sub3A_1575, %dma_start3A_1890, %dma_start3A_1897] : memref<2x32x64xf32, #tpu.memory_space<vmem>> -> memref<1x1x64xf32, #tpu.memory_space<vmem>>
        %dma_start3A_1899 = tpu.memref_squeeze %dma_start3A_1898 : memref<1x1x64xf32, #tpu.memory_space<vmem>> -> memref<64xf32, #tpu.memory_space<vmem>>
        %dma_start3A_1900 = arith.constant 0 : i32
        %dma_start3A_1901 = tpu.memref_slice %arg4[%shift_right_arithmetic3A_1885, %and3A_1889, %dma_start3A_1900] : memref<12500x8x64xf32, #tpu.memory_space<hbm>> -> memref<1x1x64xf32, #tpu.memory_space<hbm>>
        %dma_start3A_1902 = tpu.memref_squeeze %dma_start3A_1901 : memref<1x1x64xf32, #tpu.memory_space<hbm>> -> memref<64xf32, #tpu.memory_space<hbm>>
        tpu.enqueue_dma source(%dma_start3A_1902 : memref<64xf32, #tpu.memory_space<hbm>>) target(%dma_start3A_1899 : memref<64xf32, #tpu.memory_space<vmem>>) target_semaphore(%arg16 : memref<!tpu.dma_semaphore, #tpu.memory_space<semaphore_mem>>)
        %slice3A_1903 = vector.extract_strided_slice %get3A_1587 {offsets = [7], sizes = [1], strides = [1]} : vector<16xi32> to vector<1xi32>
        %squeeze3A_1904 = vector.extract %slice3A_1903[0] : i32 from vector<1xi32>
        %shift_right_arithmetic3A_1905 = arith.constant 3 : i32
        %shift_right_arithmetic3A_1906 = arith.shrsi %squeeze3A_1904, %shift_right_arithmetic3A_1905 : i32
        %slice3A_1907 = vector.extract_strided_slice %get3A_1587 {offsets = [7], sizes = [1], strides = [1]} : vector<16xi32> to vector<1xi32>
        %squeeze3A_1908 = vector.extract %slice3A_1907[0] : i32 from vector<1xi32>
        %and3A_1909 = arith.constant 7 : i32
        %and3A_1910 = arith.andi %squeeze3A_1908, %and3A_1909 : i32
        %dma_start3A_1911 = arith.constant 7 : i32
        %dma_start3A_1912 = arith.constant 0 : i32
        %dma_start3A_1913 = tpu.memref_slice %arg12[%sub3A_1575, %dma_start3A_1911, %dma_start3A_1912] : memref<2x32x64xf32, #tpu.memory_space<vmem>> -> memref<1x1x64xf32, #tpu.memory_space<vmem>>
        %dma_start3A_1914 = tpu.memref_squeeze %dma_start3A_1913 : memref<1x1x64xf32, #tpu.memory_space<vmem>> -> memref<64xf32, #tpu.memory_space<vmem>>
        %dma_start3A_1915 = arith.constant 0 : i32
        %dma_start3A_1916 = tpu.memref_slice %arg5[%shift_right_arithmetic3A_1906, %and3A_1910, %dma_start3A_1915] : memref<125000x8x64xf32, #tpu.memory_space<hbm>> -> memref<1x1x64xf32, #tpu.memory_space<hbm>>
        %dma_start3A_1917 = tpu.memref_squeeze %dma_start3A_1916 : memref<1x1x64xf32, #tpu.memory_space<hbm>> -> memref<64xf32, #tpu.memory_space<hbm>>
        %dma_start3A_1918 = arith.constant 0 : i32
        %dma_start3A_1919 = tpu.memref_slice %arg12[%sub3A_1575, %dma_start3A_1911, %dma_start3A_1918] : memref<2x32x64xf32, #tpu.memory_space<vmem>> -> memref<1x1x64xf32, #tpu.memory_space<vmem>>
        %dma_start3A_1920 = tpu.memref_squeeze %dma_start3A_1919 : memref<1x1x64xf32, #tpu.memory_space<vmem>> -> memref<64xf32, #tpu.memory_space<vmem>>
        %dma_start3A_1921 = arith.constant 0 : i32
        %dma_start3A_1922 = tpu.memref_slice %arg5[%shift_right_arithmetic3A_1906, %and3A_1910, %dma_start3A_1921] : memref<125000x8x64xf32, #tpu.memory_space<hbm>> -> memref<1x1x64xf32, #tpu.memory_space<hbm>>
        %dma_start3A_1923 = tpu.memref_squeeze %dma_start3A_1922 : memref<1x1x64xf32, #tpu.memory_space<hbm>> -> memref<64xf32, #tpu.memory_space<hbm>>
        tpu.enqueue_dma source(%dma_start3A_1923 : memref<64xf32, #tpu.memory_space<hbm>>) target(%dma_start3A_1920 : memref<64xf32, #tpu.memory_space<vmem>>) target_semaphore(%arg17 : memref<!tpu.dma_semaphore, #tpu.memory_space<semaphore_mem>>)
        %slice3A_1924 = vector.extract_strided_slice %get3A_1581 {offsets = [8], sizes = [1], strides = [1]} : vector<16xi32> to vector<1xi32>
        %squeeze3A_1925 = vector.extract %slice3A_1924[0] : i32 from vector<1xi32>
        %shift_right_arithmetic3A_1926 = arith.constant 3 : i32
        %shift_right_arithmetic3A_1927 = arith.shrsi %squeeze3A_1925, %shift_right_arithmetic3A_1926 : i32
        %slice3A_1928 = vector.extract_strided_slice %get3A_1581 {offsets = [8], sizes = [1], strides = [1]} : vector<16xi32> to vector<1xi32>
        %squeeze3A_1929 = vector.extract %slice3A_1928[0] : i32 from vector<1xi32>
        %and3A_1930 = arith.constant 7 : i32
        %and3A_1931 = arith.andi %squeeze3A_1929, %and3A_1930 : i32
        %dma_start3A_1932 = arith.constant 8 : i32
        %dma_start3A_1933 = arith.constant 0 : i32
        %dma_start3A_1934 = tpu.memref_slice %arg11[%sub3A_1575, %dma_start3A_1932, %dma_start3A_1933] : memref<2x32x64xf32, #tpu.memory_space<vmem>> -> memref<1x1x64xf32, #tpu.memory_space<vmem>>
        %dma_start3A_1935 = tpu.memref_squeeze %dma_start3A_1934 : memref<1x1x64xf32, #tpu.memory_space<vmem>> -> memref<64xf32, #tpu.memory_space<vmem>>
        %dma_start3A_1936 = arith.constant 0 : i32
        %dma_start3A_1937 = tpu.memref_slice %arg4[%shift_right_arithmetic3A_1927, %and3A_1931, %dma_start3A_1936] : memref<12500x8x64xf32, #tpu.memory_space<hbm>> -> memref<1x1x64xf32, #tpu.memory_space<hbm>>
        %dma_start3A_1938 = tpu.memref_squeeze %dma_start3A_1937 : memref<1x1x64xf32, #tpu.memory_space<hbm>> -> memref<64xf32, #tpu.memory_space<hbm>>
        %dma_start3A_1939 = arith.constant 0 : i32
        %dma_start3A_1940 = tpu.memref_slice %arg11[%sub3A_1575, %dma_start3A_1932, %dma_start3A_1939] : memref<2x32x64xf32, #tpu.memory_space<vmem>> -> memref<1x1x64xf32, #tpu.memory_space<vmem>>
        %dma_start3A_1941 = tpu.memref_squeeze %dma_start3A_1940 : memref<1x1x64xf32, #tpu.memory_space<vmem>> -> memref<64xf32, #tpu.memory_space<vmem>>
        %dma_start3A_1942 = arith.constant 0 : i32
        %dma_start3A_1943 = tpu.memref_slice %arg4[%shift_right_arithmetic3A_1927, %and3A_1931, %dma_start3A_1942] : memref<12500x8x64xf32, #tpu.memory_space<hbm>> -> memref<1x1x64xf32, #tpu.memory_space<hbm>>
        %dma_start3A_1944 = tpu.memref_squeeze %dma_start3A_1943 : memref<1x1x64xf32, #tpu.memory_space<hbm>> -> memref<64xf32, #tpu.memory_space<hbm>>
        tpu.enqueue_dma source(%dma_start3A_1944 : memref<64xf32, #tpu.memory_space<hbm>>) target(%dma_start3A_1941 : memref<64xf32, #tpu.memory_space<vmem>>) target_semaphore(%arg16 : memref<!tpu.dma_semaphore, #tpu.memory_space<semaphore_mem>>)
        %slice3A_1945 = vector.extract_strided_slice %get3A_1587 {offsets = [8], sizes = [1], strides = [1]} : vector<16xi32> to vector<1xi32>
        %squeeze3A_1946 = vector.extract %slice3A_1945[0] : i32 from vector<1xi32>
        %shift_right_arithmetic3A_1947 = arith.constant 3 : i32
        %shift_right_arithmetic3A_1948 = arith.shrsi %squeeze3A_1946, %shift_right_arithmetic3A_1947 : i32
        %slice3A_1949 = vector.extract_strided_slice %get3A_1587 {offsets = [8], sizes = [1], strides = [1]} : vector<16xi32> to vector<1xi32>
        %squeeze3A_1950 = vector.extract %slice3A_1949[0] : i32 from vector<1xi32>
        %and3A_1951 = arith.constant 7 : i32
        %and3A_1952 = arith.andi %squeeze3A_1950, %and3A_1951 : i32
        %dma_start3A_1953 = arith.constant 8 : i32
        %dma_start3A_1954 = arith.constant 0 : i32
        %dma_start3A_1955 = tpu.memref_slice %arg12[%sub3A_1575, %dma_start3A_1953, %dma_start3A_1954] : memref<2x32x64xf32, #tpu.memory_space<vmem>> -> memref<1x1x64xf32, #tpu.memory_space<vmem>>
        %dma_start3A_1956 = tpu.memref_squeeze %dma_start3A_1955 : memref<1x1x64xf32, #tpu.memory_space<vmem>> -> memref<64xf32, #tpu.memory_space<vmem>>
        %dma_start3A_1957 = arith.constant 0 : i32
        %dma_start3A_1958 = tpu.memref_slice %arg5[%shift_right_arithmetic3A_1948, %and3A_1952, %dma_start3A_1957] : memref<125000x8x64xf32, #tpu.memory_space<hbm>> -> memref<1x1x64xf32, #tpu.memory_space<hbm>>
        %dma_start3A_1959 = tpu.memref_squeeze %dma_start3A_1958 : memref<1x1x64xf32, #tpu.memory_space<hbm>> -> memref<64xf32, #tpu.memory_space<hbm>>
        %dma_start3A_1960 = arith.constant 0 : i32
        %dma_start3A_1961 = tpu.memref_slice %arg12[%sub3A_1575, %dma_start3A_1953, %dma_start3A_1960] : memref<2x32x64xf32, #tpu.memory_space<vmem>> -> memref<1x1x64xf32, #tpu.memory_space<vmem>>
        %dma_start3A_1962 = tpu.memref_squeeze %dma_start3A_1961 : memref<1x1x64xf32, #tpu.memory_space<vmem>> -> memref<64xf32, #tpu.memory_space<vmem>>
        %dma_start3A_1963 = arith.constant 0 : i32
        %dma_start3A_1964 = tpu.memref_slice %arg5[%shift_right_arithmetic3A_1948, %and3A_1952, %dma_start3A_1963] : memref<125000x8x64xf32, #tpu.memory_space<hbm>> -> memref<1x1x64xf32, #tpu.memory_space<hbm>>
        %dma_start3A_1965 = tpu.memref_squeeze %dma_start3A_1964 : memref<1x1x64xf32, #tpu.memory_space<hbm>> -> memref<64xf32, #tpu.memory_space<hbm>>
        tpu.enqueue_dma source(%dma_start3A_1965 : memref<64xf32, #tpu.memory_space<hbm>>) target(%dma_start3A_1962 : memref<64xf32, #tpu.memory_space<vmem>>) target_semaphore(%arg17 : memref<!tpu.dma_semaphore, #tpu.memory_space<semaphore_mem>>)
        %slice3A_1966 = vector.extract_strided_slice %get3A_1581 {offsets = [9], sizes = [1], strides = [1]} : vector<16xi32> to vector<1xi32>
        %squeeze3A_1967 = vector.extract %slice3A_1966[0] : i32 from vector<1xi32>
        %shift_right_arithmetic3A_1968 = arith.constant 3 : i32
        %shift_right_arithmetic3A_1969 = arith.shrsi %squeeze3A_1967, %shift_right_arithmetic3A_1968 : i32
        %slice3A_1970 = vector.extract_strided_slice %get3A_1581 {offsets = [9], sizes = [1], strides = [1]} : vector<16xi32> to vector<1xi32>
        %squeeze3A_1971 = vector.extract %slice3A_1970[0] : i32 from vector<1xi32>
        %and3A_1972 = arith.constant 7 : i32
        %and3A_1973 = arith.andi %squeeze3A_1971, %and3A_1972 : i32
        %dma_start3A_1974 = arith.constant 9 : i32
        %dma_start3A_1975 = arith.constant 0 : i32
        %dma_start3A_1976 = tpu.memref_slice %arg11[%sub3A_1575, %dma_start3A_1974, %dma_start3A_1975] : memref<2x32x64xf32, #tpu.memory_space<vmem>> -> memref<1x1x64xf32, #tpu.memory_space<vmem>>
        %dma_start3A_1977 = tpu.memref_squeeze %dma_start3A_1976 : memref<1x1x64xf32, #tpu.memory_space<vmem>> -> memref<64xf32, #tpu.memory_space<vmem>>
        %dma_start3A_1978 = arith.constant 0 : i32
        %dma_start3A_1979 = tpu.memref_slice %arg4[%shift_right_arithmetic3A_1969, %and3A_1973, %dma_start3A_1978] : memref<12500x8x64xf32, #tpu.memory_space<hbm>> -> memref<1x1x64xf32, #tpu.memory_space<hbm>>
        %dma_start3A_1980 = tpu.memref_squeeze %dma_start3A_1979 : memref<1x1x64xf32, #tpu.memory_space<hbm>> -> memref<64xf32, #tpu.memory_space<hbm>>
        %dma_start3A_1981 = arith.constant 0 : i32
        %dma_start3A_1982 = tpu.memref_slice %arg11[%sub3A_1575, %dma_start3A_1974, %dma_start3A_1981] : memref<2x32x64xf32, #tpu.memory_space<vmem>> -> memref<1x1x64xf32, #tpu.memory_space<vmem>>
        %dma_start3A_1983 = tpu.memref_squeeze %dma_start3A_1982 : memref<1x1x64xf32, #tpu.memory_space<vmem>> -> memref<64xf32, #tpu.memory_space<vmem>>
        %dma_start3A_1984 = arith.constant 0 : i32
        %dma_start3A_1985 = tpu.memref_slice %arg4[%shift_right_arithmetic3A_1969, %and3A_1973, %dma_start3A_1984] : memref<12500x8x64xf32, #tpu.memory_space<hbm>> -> memref<1x1x64xf32, #tpu.memory_space<hbm>>
        %dma_start3A_1986 = tpu.memref_squeeze %dma_start3A_1985 : memref<1x1x64xf32, #tpu.memory_space<hbm>> -> memref<64xf32, #tpu.memory_space<hbm>>
        tpu.enqueue_dma source(%dma_start3A_1986 : memref<64xf32, #tpu.memory_space<hbm>>) target(%dma_start3A_1983 : memref<64xf32, #tpu.memory_space<vmem>>) target_semaphore(%arg16 : memref<!tpu.dma_semaphore, #tpu.memory_space<semaphore_mem>>)
        %slice3A_1987 = vector.extract_strided_slice %get3A_1587 {offsets = [9], sizes = [1], strides = [1]} : vector<16xi32> to vector<1xi32>
        %squeeze3A_1988 = vector.extract %slice3A_1987[0] : i32 from vector<1xi32>
        %shift_right_arithmetic3A_1989 = arith.constant 3 : i32
        %shift_right_arithmetic3A_1990 = arith.shrsi %squeeze3A_1988, %shift_right_arithmetic3A_1989 : i32
        %slice3A_1991 = vector.extract_strided_slice %get3A_1587 {offsets = [9], sizes = [1], strides = [1]} : vector<16xi32> to vector<1xi32>
        %squeeze3A_1992 = vector.extract %slice3A_1991[0] : i32 from vector<1xi32>
        %and3A_1993 = arith.constant 7 : i32
        %and3A_1994 = arith.andi %squeeze3A_1992, %and3A_1993 : i32
        %dma_start3A_1995 = arith.constant 9 : i32
        %dma_start3A_1996 = arith.constant 0 : i32
        %dma_start3A_1997 = tpu.memref_slice %arg12[%sub3A_1575, %dma_start3A_1995, %dma_start3A_1996] : memref<2x32x64xf32, #tpu.memory_space<vmem>> -> memref<1x1x64xf32, #tpu.memory_space<vmem>>
        %dma_start3A_1998 = tpu.memref_squeeze %dma_start3A_1997 : memref<1x1x64xf32, #tpu.memory_space<vmem>> -> memref<64xf32, #tpu.memory_space<vmem>>
        %dma_start3A_1999 = arith.constant 0 : i32
        %dma_start3A_2000 = tpu.memref_slice %arg5[%shift_right_arithmetic3A_1990, %and3A_1994, %dma_start3A_1999] : memref<125000x8x64xf32, #tpu.memory_space<hbm>> -> memref<1x1x64xf32, #tpu.memory_space<hbm>>
        %dma_start3A_2001 = tpu.memref_squeeze %dma_start3A_2000 : memref<1x1x64xf32, #tpu.memory_space<hbm>> -> memref<64xf32, #tpu.memory_space<hbm>>
        %dma_start3A_2002 = arith.constant 0 : i32
        %dma_start3A_2003 = tpu.memref_slice %arg12[%sub3A_1575, %dma_start3A_1995, %dma_start3A_2002] : memref<2x32x64xf32, #tpu.memory_space<vmem>> -> memref<1x1x64xf32, #tpu.memory_space<vmem>>
        %dma_start3A_2004 = tpu.memref_squeeze %dma_start3A_2003 : memref<1x1x64xf32, #tpu.memory_space<vmem>> -> memref<64xf32, #tpu.memory_space<vmem>>
        %dma_start3A_2005 = arith.constant 0 : i32
        %dma_start3A_2006 = tpu.memref_slice %arg5[%shift_right_arithmetic3A_1990, %and3A_1994, %dma_start3A_2005] : memref<125000x8x64xf32, #tpu.memory_space<hbm>> -> memref<1x1x64xf32, #tpu.memory_space<hbm>>
        %dma_start3A_2007 = tpu.memref_squeeze %dma_start3A_2006 : memref<1x1x64xf32, #tpu.memory_space<hbm>> -> memref<64xf32, #tpu.memory_space<hbm>>
        tpu.enqueue_dma source(%dma_start3A_2007 : memref<64xf32, #tpu.memory_space<hbm>>) target(%dma_start3A_2004 : memref<64xf32, #tpu.memory_space<vmem>>) target_semaphore(%arg17 : memref<!tpu.dma_semaphore, #tpu.memory_space<semaphore_mem>>)
        %slice3A_2008 = vector.extract_strided_slice %get3A_1581 {offsets = [10], sizes = [1], strides = [1]} : vector<16xi32> to vector<1xi32>
        %squeeze3A_2009 = vector.extract %slice3A_2008[0] : i32 from vector<1xi32>
        %shift_right_arithmetic3A_2010 = arith.constant 3 : i32
        %shift_right_arithmetic3A_2011 = arith.shrsi %squeeze3A_2009, %shift_right_arithmetic3A_2010 : i32
        %slice3A_2012 = vector.extract_strided_slice %get3A_1581 {offsets = [10], sizes = [1], strides = [1]} : vector<16xi32> to vector<1xi32>
        %squeeze3A_2013 = vector.extract %slice3A_2012[0] : i32 from vector<1xi32>
        %and3A_2014 = arith.constant 7 : i32
        %and3A_2015 = arith.andi %squeeze3A_2013, %and3A_2014 : i32
        %dma_start3A_2016 = arith.constant 10 : i32
        %dma_start3A_2017 = arith.constant 0 : i32
        %dma_start3A_2018 = tpu.memref_slice %arg11[%sub3A_1575, %dma_start3A_2016, %dma_start3A_2017] : memref<2x32x64xf32, #tpu.memory_space<vmem>> -> memref<1x1x64xf32, #tpu.memory_space<vmem>>
        %dma_start3A_2019 = tpu.memref_squeeze %dma_start3A_2018 : memref<1x1x64xf32, #tpu.memory_space<vmem>> -> memref<64xf32, #tpu.memory_space<vmem>>
        %dma_start3A_2020 = arith.constant 0 : i32
        %dma_start3A_2021 = tpu.memref_slice %arg4[%shift_right_arithmetic3A_2011, %and3A_2015, %dma_start3A_2020] : memref<12500x8x64xf32, #tpu.memory_space<hbm>> -> memref<1x1x64xf32, #tpu.memory_space<hbm>>
        %dma_start3A_2022 = tpu.memref_squeeze %dma_start3A_2021 : memref<1x1x64xf32, #tpu.memory_space<hbm>> -> memref<64xf32, #tpu.memory_space<hbm>>
        %dma_start3A_2023 = arith.constant 0 : i32
        %dma_start3A_2024 = tpu.memref_slice %arg11[%sub3A_1575, %dma_start3A_2016, %dma_start3A_2023] : memref<2x32x64xf32, #tpu.memory_space<vmem>> -> memref<1x1x64xf32, #tpu.memory_space<vmem>>
        %dma_start3A_2025 = tpu.memref_squeeze %dma_start3A_2024 : memref<1x1x64xf32, #tpu.memory_space<vmem>> -> memref<64xf32, #tpu.memory_space<vmem>>
        %dma_start3A_2026 = arith.constant 0 : i32
        %dma_start3A_2027 = tpu.memref_slice %arg4[%shift_right_arithmetic3A_2011, %and3A_2015, %dma_start3A_2026] : memref<12500x8x64xf32, #tpu.memory_space<hbm>> -> memref<1x1x64xf32, #tpu.memory_space<hbm>>
        %dma_start3A_2028 = tpu.memref_squeeze %dma_start3A_2027 : memref<1x1x64xf32, #tpu.memory_space<hbm>> -> memref<64xf32, #tpu.memory_space<hbm>>
        tpu.enqueue_dma source(%dma_start3A_2028 : memref<64xf32, #tpu.memory_space<hbm>>) target(%dma_start3A_2025 : memref<64xf32, #tpu.memory_space<vmem>>) target_semaphore(%arg16 : memref<!tpu.dma_semaphore, #tpu.memory_space<semaphore_mem>>)
        %slice3A_2029 = vector.extract_strided_slice %get3A_1587 {offsets = [10], sizes = [1], strides = [1]} : vector<16xi32> to vector<1xi32>
        %squeeze3A_2030 = vector.extract %slice3A_2029[0] : i32 from vector<1xi32>
        %shift_right_arithmetic3A_2031 = arith.constant 3 : i32
        %shift_right_arithmetic3A_2032 = arith.shrsi %squeeze3A_2030, %shift_right_arithmetic3A_2031 : i32
        %slice3A_2033 = vector.extract_strided_slice %get3A_1587 {offsets = [10], sizes = [1], strides = [1]} : vector<16xi32> to vector<1xi32>
        %squeeze3A_2034 = vector.extract %slice3A_2033[0] : i32 from vector<1xi32>
        %and3A_2035 = arith.constant 7 : i32
        %and3A_2036 = arith.andi %squeeze3A_2034, %and3A_2035 : i32
        %dma_start3A_2037 = arith.constant 10 : i32
        %dma_start3A_2038 = arith.constant 0 : i32
        %dma_start3A_2039 = tpu.memref_slice %arg12[%sub3A_1575, %dma_start3A_2037, %dma_start3A_2038] : memref<2x32x64xf32, #tpu.memory_space<vmem>> -> memref<1x1x64xf32, #tpu.memory_space<vmem>>
        %dma_start3A_2040 = tpu.memref_squeeze %dma_start3A_2039 : memref<1x1x64xf32, #tpu.memory_space<vmem>> -> memref<64xf32, #tpu.memory_space<vmem>>
        %dma_start3A_2041 = arith.constant 0 : i32
        %dma_start3A_2042 = tpu.memref_slice %arg5[%shift_right_arithmetic3A_2032, %and3A_2036, %dma_start3A_2041] : memref<125000x8x64xf32, #tpu.memory_space<hbm>> -> memref<1x1x64xf32, #tpu.memory_space<hbm>>
        %dma_start3A_2043 = tpu.memref_squeeze %dma_start3A_2042 : memref<1x1x64xf32, #tpu.memory_space<hbm>> -> memref<64xf32, #tpu.memory_space<hbm>>
        %dma_start3A_2044 = arith.constant 0 : i32
        %dma_start3A_2045 = tpu.memref_slice %arg12[%sub3A_1575, %dma_start3A_2037, %dma_start3A_2044] : memref<2x32x64xf32, #tpu.memory_space<vmem>> -> memref<1x1x64xf32, #tpu.memory_space<vmem>>
        %dma_start3A_2046 = tpu.memref_squeeze %dma_start3A_2045 : memref<1x1x64xf32, #tpu.memory_space<vmem>> -> memref<64xf32, #tpu.memory_space<vmem>>
        %dma_start3A_2047 = arith.constant 0 : i32
        %dma_start3A_2048 = tpu.memref_slice %arg5[%shift_right_arithmetic3A_2032, %and3A_2036, %dma_start3A_2047] : memref<125000x8x64xf32, #tpu.memory_space<hbm>> -> memref<1x1x64xf32, #tpu.memory_space<hbm>>
        %dma_start3A_2049 = tpu.memref_squeeze %dma_start3A_2048 : memref<1x1x64xf32, #tpu.memory_space<hbm>> -> memref<64xf32, #tpu.memory_space<hbm>>
        tpu.enqueue_dma source(%dma_start3A_2049 : memref<64xf32, #tpu.memory_space<hbm>>) target(%dma_start3A_2046 : memref<64xf32, #tpu.memory_space<vmem>>) target_semaphore(%arg17 : memref<!tpu.dma_semaphore, #tpu.memory_space<semaphore_mem>>)
        %slice3A_2050 = vector.extract_strided_slice %get3A_1581 {offsets = [11], sizes = [1], strides = [1]} : vector<16xi32> to vector<1xi32>
        %squeeze3A_2051 = vector.extract %slice3A_2050[0] : i32 from vector<1xi32>
        %shift_right_arithmetic3A_2052 = arith.constant 3 : i32
        %shift_right_arithmetic3A_2053 = arith.shrsi %squeeze3A_2051, %shift_right_arithmetic3A_2052 : i32
        %slice3A_2054 = vector.extract_strided_slice %get3A_1581 {offsets = [11], sizes = [1], strides = [1]} : vector<16xi32> to vector<1xi32>
        %squeeze3A_2055 = vector.extract %slice3A_2054[0] : i32 from vector<1xi32>
        %and3A_2056 = arith.constant 7 : i32
        %and3A_2057 = arith.andi %squeeze3A_2055, %and3A_2056 : i32
        %dma_start3A_2058 = arith.constant 11 : i32
        %dma_start3A_2059 = arith.constant 0 : i32
        %dma_start3A_2060 = tpu.memref_slice %arg11[%sub3A_1575, %dma_start3A_2058, %dma_start3A_2059] : memref<2x32x64xf32, #tpu.memory_space<vmem>> -> memref<1x1x64xf32, #tpu.memory_space<vmem>>
        %dma_start3A_2061 = tpu.memref_squeeze %dma_start3A_2060 : memref<1x1x64xf32, #tpu.memory_space<vmem>> -> memref<64xf32, #tpu.memory_space<vmem>>
        %dma_start3A_2062 = arith.constant 0 : i32
        %dma_start3A_2063 = tpu.memref_slice %arg4[%shift_right_arithmetic3A_2053, %and3A_2057, %dma_start3A_2062] : memref<12500x8x64xf32, #tpu.memory_space<hbm>> -> memref<1x1x64xf32, #tpu.memory_space<hbm>>
        %dma_start3A_2064 = tpu.memref_squeeze %dma_start3A_2063 : memref<1x1x64xf32, #tpu.memory_space<hbm>> -> memref<64xf32, #tpu.memory_space<hbm>>
        %dma_start3A_2065 = arith.constant 0 : i32
        %dma_start3A_2066 = tpu.memref_slice %arg11[%sub3A_1575, %dma_start3A_2058, %dma_start3A_2065] : memref<2x32x64xf32, #tpu.memory_space<vmem>> -> memref<1x1x64xf32, #tpu.memory_space<vmem>>
        %dma_start3A_2067 = tpu.memref_squeeze %dma_start3A_2066 : memref<1x1x64xf32, #tpu.memory_space<vmem>> -> memref<64xf32, #tpu.memory_space<vmem>>
        %dma_start3A_2068 = arith.constant 0 : i32
        %dma_start3A_2069 = tpu.memref_slice %arg4[%shift_right_arithmetic3A_2053, %and3A_2057, %dma_start3A_2068] : memref<12500x8x64xf32, #tpu.memory_space<hbm>> -> memref<1x1x64xf32, #tpu.memory_space<hbm>>
        %dma_start3A_2070 = tpu.memref_squeeze %dma_start3A_2069 : memref<1x1x64xf32, #tpu.memory_space<hbm>> -> memref<64xf32, #tpu.memory_space<hbm>>
        tpu.enqueue_dma source(%dma_start3A_2070 : memref<64xf32, #tpu.memory_space<hbm>>) target(%dma_start3A_2067 : memref<64xf32, #tpu.memory_space<vmem>>) target_semaphore(%arg16 : memref<!tpu.dma_semaphore, #tpu.memory_space<semaphore_mem>>)
        %slice3A_2071 = vector.extract_strided_slice %get3A_1587 {offsets = [11], sizes = [1], strides = [1]} : vector<16xi32> to vector<1xi32>
        %squeeze3A_2072 = vector.extract %slice3A_2071[0] : i32 from vector<1xi32>
        %shift_right_arithmetic3A_2073 = arith.constant 3 : i32
        %shift_right_arithmetic3A_2074 = arith.shrsi %squeeze3A_2072, %shift_right_arithmetic3A_2073 : i32
        %slice3A_2075 = vector.extract_strided_slice %get3A_1587 {offsets = [11], sizes = [1], strides = [1]} : vector<16xi32> to vector<1xi32>
        %squeeze3A_2076 = vector.extract %slice3A_2075[0] : i32 from vector<1xi32>
        %and3A_2077 = arith.constant 7 : i32
        %and3A_2078 = arith.andi %squeeze3A_2076, %and3A_2077 : i32
        %dma_start3A_2079 = arith.constant 11 : i32
        %dma_start3A_2080 = arith.constant 0 : i32
        %dma_start3A_2081 = tpu.memref_slice %arg12[%sub3A_1575, %dma_start3A_2079, %dma_start3A_2080] : memref<2x32x64xf32, #tpu.memory_space<vmem>> -> memref<1x1x64xf32, #tpu.memory_space<vmem>>
        %dma_start3A_2082 = tpu.memref_squeeze %dma_start3A_2081 : memref<1x1x64xf32, #tpu.memory_space<vmem>> -> memref<64xf32, #tpu.memory_space<vmem>>
        %dma_start3A_2083 = arith.constant 0 : i32
        %dma_start3A_2084 = tpu.memref_slice %arg5[%shift_right_arithmetic3A_2074, %and3A_2078, %dma_start3A_2083] : memref<125000x8x64xf32, #tpu.memory_space<hbm>> -> memref<1x1x64xf32, #tpu.memory_space<hbm>>
        %dma_start3A_2085 = tpu.memref_squeeze %dma_start3A_2084 : memref<1x1x64xf32, #tpu.memory_space<hbm>> -> memref<64xf32, #tpu.memory_space<hbm>>
        %dma_start3A_2086 = arith.constant 0 : i32
        %dma_start3A_2087 = tpu.memref_slice %arg12[%sub3A_1575, %dma_start3A_2079, %dma_start3A_2086] : memref<2x32x64xf32, #tpu.memory_space<vmem>> -> memref<1x1x64xf32, #tpu.memory_space<vmem>>
        %dma_start3A_2088 = tpu.memref_squeeze %dma_start3A_2087 : memref<1x1x64xf32, #tpu.memory_space<vmem>> -> memref<64xf32, #tpu.memory_space<vmem>>
        %dma_start3A_2089 = arith.constant 0 : i32
        %dma_start3A_2090 = tpu.memref_slice %arg5[%shift_right_arithmetic3A_2074, %and3A_2078, %dma_start3A_2089] : memref<125000x8x64xf32, #tpu.memory_space<hbm>> -> memref<1x1x64xf32, #tpu.memory_space<hbm>>
        %dma_start3A_2091 = tpu.memref_squeeze %dma_start3A_2090 : memref<1x1x64xf32, #tpu.memory_space<hbm>> -> memref<64xf32, #tpu.memory_space<hbm>>
        tpu.enqueue_dma source(%dma_start3A_2091 : memref<64xf32, #tpu.memory_space<hbm>>) target(%dma_start3A_2088 : memref<64xf32, #tpu.memory_space<vmem>>) target_semaphore(%arg17 : memref<!tpu.dma_semaphore, #tpu.memory_space<semaphore_mem>>)
        %slice3A_2092 = vector.extract_strided_slice %get3A_1581 {offsets = [12], sizes = [1], strides = [1]} : vector<16xi32> to vector<1xi32>
        %squeeze3A_2093 = vector.extract %slice3A_2092[0] : i32 from vector<1xi32>
        %shift_right_arithmetic3A_2094 = arith.constant 3 : i32
        %shift_right_arithmetic3A_2095 = arith.shrsi %squeeze3A_2093, %shift_right_arithmetic3A_2094 : i32
        %slice3A_2096 = vector.extract_strided_slice %get3A_1581 {offsets = [12], sizes = [1], strides = [1]} : vector<16xi32> to vector<1xi32>
        %squeeze3A_2097 = vector.extract %slice3A_2096[0] : i32 from vector<1xi32>
        %and3A_2098 = arith.constant 7 : i32
        %and3A_2099 = arith.andi %squeeze3A_2097, %and3A_2098 : i32
        %dma_start3A_2100 = arith.constant 12 : i32
        %dma_start3A_2101 = arith.constant 0 : i32
        %dma_start3A_2102 = tpu.memref_slice %arg11[%sub3A_1575, %dma_start3A_2100, %dma_start3A_2101] : memref<2x32x64xf32, #tpu.memory_space<vmem>> -> memref<1x1x64xf32, #tpu.memory_space<vmem>>
        %dma_start3A_2103 = tpu.memref_squeeze %dma_start3A_2102 : memref<1x1x64xf32, #tpu.memory_space<vmem>> -> memref<64xf32, #tpu.memory_space<vmem>>
        %dma_start3A_2104 = arith.constant 0 : i32
        %dma_start3A_2105 = tpu.memref_slice %arg4[%shift_right_arithmetic3A_2095, %and3A_2099, %dma_start3A_2104] : memref<12500x8x64xf32, #tpu.memory_space<hbm>> -> memref<1x1x64xf32, #tpu.memory_space<hbm>>
        %dma_start3A_2106 = tpu.memref_squeeze %dma_start3A_2105 : memref<1x1x64xf32, #tpu.memory_space<hbm>> -> memref<64xf32, #tpu.memory_space<hbm>>
        %dma_start3A_2107 = arith.constant 0 : i32
        %dma_start3A_2108 = tpu.memref_slice %arg11[%sub3A_1575, %dma_start3A_2100, %dma_start3A_2107] : memref<2x32x64xf32, #tpu.memory_space<vmem>> -> memref<1x1x64xf32, #tpu.memory_space<vmem>>
        %dma_start3A_2109 = tpu.memref_squeeze %dma_start3A_2108 : memref<1x1x64xf32, #tpu.memory_space<vmem>> -> memref<64xf32, #tpu.memory_space<vmem>>
        %dma_start3A_2110 = arith.constant 0 : i32
        %dma_start3A_2111 = tpu.memref_slice %arg4[%shift_right_arithmetic3A_2095, %and3A_2099, %dma_start3A_2110] : memref<12500x8x64xf32, #tpu.memory_space<hbm>> -> memref<1x1x64xf32, #tpu.memory_space<hbm>>
        %dma_start3A_2112 = tpu.memref_squeeze %dma_start3A_2111 : memref<1x1x64xf32, #tpu.memory_space<hbm>> -> memref<64xf32, #tpu.memory_space<hbm>>
        tpu.enqueue_dma source(%dma_start3A_2112 : memref<64xf32, #tpu.memory_space<hbm>>) target(%dma_start3A_2109 : memref<64xf32, #tpu.memory_space<vmem>>) target_semaphore(%arg16 : memref<!tpu.dma_semaphore, #tpu.memory_space<semaphore_mem>>)
        %slice3A_2113 = vector.extract_strided_slice %get3A_1587 {offsets = [12], sizes = [1], strides = [1]} : vector<16xi32> to vector<1xi32>
        %squeeze3A_2114 = vector.extract %slice3A_2113[0] : i32 from vector<1xi32>
        %shift_right_arithmetic3A_2115 = arith.constant 3 : i32
        %shift_right_arithmetic3A_2116 = arith.shrsi %squeeze3A_2114, %shift_right_arithmetic3A_2115 : i32
        %slice3A_2117 = vector.extract_strided_slice %get3A_1587 {offsets = [12], sizes = [1], strides = [1]} : vector<16xi32> to vector<1xi32>
        %squeeze3A_2118 = vector.extract %slice3A_2117[0] : i32 from vector<1xi32>
        %and3A_2119 = arith.constant 7 : i32
        %and3A_2120 = arith.andi %squeeze3A_2118, %and3A_2119 : i32
        %dma_start3A_2121 = arith.constant 12 : i32
        %dma_start3A_2122 = arith.constant 0 : i32
        %dma_start3A_2123 = tpu.memref_slice %arg12[%sub3A_1575, %dma_start3A_2121, %dma_start3A_2122] : memref<2x32x64xf32, #tpu.memory_space<vmem>> -> memref<1x1x64xf32, #tpu.memory_space<vmem>>
        %dma_start3A_2124 = tpu.memref_squeeze %dma_start3A_2123 : memref<1x1x64xf32, #tpu.memory_space<vmem>> -> memref<64xf32, #tpu.memory_space<vmem>>
        %dma_start3A_2125 = arith.constant 0 : i32
        %dma_start3A_2126 = tpu.memref_slice %arg5[%shift_right_arithmetic3A_2116, %and3A_2120, %dma_start3A_2125] : memref<125000x8x64xf32, #tpu.memory_space<hbm>> -> memref<1x1x64xf32, #tpu.memory_space<hbm>>
        %dma_start3A_2127 = tpu.memref_squeeze %dma_start3A_2126 : memref<1x1x64xf32, #tpu.memory_space<hbm>> -> memref<64xf32, #tpu.memory_space<hbm>>
        %dma_start3A_2128 = arith.constant 0 : i32
        %dma_start3A_2129 = tpu.memref_slice %arg12[%sub3A_1575, %dma_start3A_2121, %dma_start3A_2128] : memref<2x32x64xf32, #tpu.memory_space<vmem>> -> memref<1x1x64xf32, #tpu.memory_space<vmem>>
        %dma_start3A_2130 = tpu.memref_squeeze %dma_start3A_2129 : memref<1x1x64xf32, #tpu.memory_space<vmem>> -> memref<64xf32, #tpu.memory_space<vmem>>
        %dma_start3A_2131 = arith.constant 0 : i32
        %dma_start3A_2132 = tpu.memref_slice %arg5[%shift_right_arithmetic3A_2116, %and3A_2120, %dma_start3A_2131] : memref<125000x8x64xf32, #tpu.memory_space<hbm>> -> memref<1x1x64xf32, #tpu.memory_space<hbm>>
        %dma_start3A_2133 = tpu.memref_squeeze %dma_start3A_2132 : memref<1x1x64xf32, #tpu.memory_space<hbm>> -> memref<64xf32, #tpu.memory_space<hbm>>
        tpu.enqueue_dma source(%dma_start3A_2133 : memref<64xf32, #tpu.memory_space<hbm>>) target(%dma_start3A_2130 : memref<64xf32, #tpu.memory_space<vmem>>) target_semaphore(%arg17 : memref<!tpu.dma_semaphore, #tpu.memory_space<semaphore_mem>>)
        %slice3A_2134 = vector.extract_strided_slice %get3A_1581 {offsets = [13], sizes = [1], strides = [1]} : vector<16xi32> to vector<1xi32>
        %squeeze3A_2135 = vector.extract %slice3A_2134[0] : i32 from vector<1xi32>
        %shift_right_arithmetic3A_2136 = arith.constant 3 : i32
        %shift_right_arithmetic3A_2137 = arith.shrsi %squeeze3A_2135, %shift_right_arithmetic3A_2136 : i32
        %slice3A_2138 = vector.extract_strided_slice %get3A_1581 {offsets = [13], sizes = [1], strides = [1]} : vector<16xi32> to vector<1xi32>
        %squeeze3A_2139 = vector.extract %slice3A_2138[0] : i32 from vector<1xi32>
        %and3A_2140 = arith.constant 7 : i32
        %and3A_2141 = arith.andi %squeeze3A_2139, %and3A_2140 : i32
        %dma_start3A_2142 = arith.constant 13 : i32
        %dma_start3A_2143 = arith.constant 0 : i32
        %dma_start3A_2144 = tpu.memref_slice %arg11[%sub3A_1575, %dma_start3A_2142, %dma_start3A_2143] : memref<2x32x64xf32, #tpu.memory_space<vmem>> -> memref<1x1x64xf32, #tpu.memory_space<vmem>>
        %dma_start3A_2145 = tpu.memref_squeeze %dma_start3A_2144 : memref<1x1x64xf32, #tpu.memory_space<vmem>> -> memref<64xf32, #tpu.memory_space<vmem>>
        %dma_start3A_2146 = arith.constant 0 : i32
        %dma_start3A_2147 = tpu.memref_slice %arg4[%shift_right_arithmetic3A_2137, %and3A_2141, %dma_start3A_2146] : memref<12500x8x64xf32, #tpu.memory_space<hbm>> -> memref<1x1x64xf32, #tpu.memory_space<hbm>>
        %dma_start3A_2148 = tpu.memref_squeeze %dma_start3A_2147 : memref<1x1x64xf32, #tpu.memory_space<hbm>> -> memref<64xf32, #tpu.memory_space<hbm>>
        %dma_start3A_2149 = arith.constant 0 : i32
        %dma_start3A_2150 = tpu.memref_slice %arg11[%sub3A_1575, %dma_start3A_2142, %dma_start3A_2149] : memref<2x32x64xf32, #tpu.memory_space<vmem>> -> memref<1x1x64xf32, #tpu.memory_space<vmem>>
        %dma_start3A_2151 = tpu.memref_squeeze %dma_start3A_2150 : memref<1x1x64xf32, #tpu.memory_space<vmem>> -> memref<64xf32, #tpu.memory_space<vmem>>
        %dma_start3A_2152 = arith.constant 0 : i32
        %dma_start3A_2153 = tpu.memref_slice %arg4[%shift_right_arithmetic3A_2137, %and3A_2141, %dma_start3A_2152] : memref<12500x8x64xf32, #tpu.memory_space<hbm>> -> memref<1x1x64xf32, #tpu.memory_space<hbm>>
        %dma_start3A_2154 = tpu.memref_squeeze %dma_start3A_2153 : memref<1x1x64xf32, #tpu.memory_space<hbm>> -> memref<64xf32, #tpu.memory_space<hbm>>
        tpu.enqueue_dma source(%dma_start3A_2154 : memref<64xf32, #tpu.memory_space<hbm>>) target(%dma_start3A_2151 : memref<64xf32, #tpu.memory_space<vmem>>) target_semaphore(%arg16 : memref<!tpu.dma_semaphore, #tpu.memory_space<semaphore_mem>>)
        %slice3A_2155 = vector.extract_strided_slice %get3A_1587 {offsets = [13], sizes = [1], strides = [1]} : vector<16xi32> to vector<1xi32>
        %squeeze3A_2156 = vector.extract %slice3A_2155[0] : i32 from vector<1xi32>
        %shift_right_arithmetic3A_2157 = arith.constant 3 : i32
        %shift_right_arithmetic3A_2158 = arith.shrsi %squeeze3A_2156, %shift_right_arithmetic3A_2157 : i32
        %slice3A_2159 = vector.extract_strided_slice %get3A_1587 {offsets = [13], sizes = [1], strides = [1]} : vector<16xi32> to vector<1xi32>
        %squeeze3A_2160 = vector.extract %slice3A_2159[0] : i32 from vector<1xi32>
        %and3A_2161 = arith.constant 7 : i32
        %and3A_2162 = arith.andi %squeeze3A_2160, %and3A_2161 : i32
        %dma_start3A_2163 = arith.constant 13 : i32
        %dma_start3A_2164 = arith.constant 0 : i32
        %dma_start3A_2165 = tpu.memref_slice %arg12[%sub3A_1575, %dma_start3A_2163, %dma_start3A_2164] : memref<2x32x64xf32, #tpu.memory_space<vmem>> -> memref<1x1x64xf32, #tpu.memory_space<vmem>>
        %dma_start3A_2166 = tpu.memref_squeeze %dma_start3A_2165 : memref<1x1x64xf32, #tpu.memory_space<vmem>> -> memref<64xf32, #tpu.memory_space<vmem>>
        %dma_start3A_2167 = arith.constant 0 : i32
        %dma_start3A_2168 = tpu.memref_slice %arg5[%shift_right_arithmetic3A_2158, %and3A_2162, %dma_start3A_2167] : memref<125000x8x64xf32, #tpu.memory_space<hbm>> -> memref<1x1x64xf32, #tpu.memory_space<hbm>>
        %dma_start3A_2169 = tpu.memref_squeeze %dma_start3A_2168 : memref<1x1x64xf32, #tpu.memory_space<hbm>> -> memref<64xf32, #tpu.memory_space<hbm>>
        %dma_start3A_2170 = arith.constant 0 : i32
        %dma_start3A_2171 = tpu.memref_slice %arg12[%sub3A_1575, %dma_start3A_2163, %dma_start3A_2170] : memref<2x32x64xf32, #tpu.memory_space<vmem>> -> memref<1x1x64xf32, #tpu.memory_space<vmem>>
        %dma_start3A_2172 = tpu.memref_squeeze %dma_start3A_2171 : memref<1x1x64xf32, #tpu.memory_space<vmem>> -> memref<64xf32, #tpu.memory_space<vmem>>
        %dma_start3A_2173 = arith.constant 0 : i32
        %dma_start3A_2174 = tpu.memref_slice %arg5[%shift_right_arithmetic3A_2158, %and3A_2162, %dma_start3A_2173] : memref<125000x8x64xf32, #tpu.memory_space<hbm>> -> memref<1x1x64xf32, #tpu.memory_space<hbm>>
        %dma_start3A_2175 = tpu.memref_squeeze %dma_start3A_2174 : memref<1x1x64xf32, #tpu.memory_space<hbm>> -> memref<64xf32, #tpu.memory_space<hbm>>
        tpu.enqueue_dma source(%dma_start3A_2175 : memref<64xf32, #tpu.memory_space<hbm>>) target(%dma_start3A_2172 : memref<64xf32, #tpu.memory_space<vmem>>) target_semaphore(%arg17 : memref<!tpu.dma_semaphore, #tpu.memory_space<semaphore_mem>>)
        %slice3A_2176 = vector.extract_strided_slice %get3A_1581 {offsets = [14], sizes = [1], strides = [1]} : vector<16xi32> to vector<1xi32>
        %squeeze3A_2177 = vector.extract %slice3A_2176[0] : i32 from vector<1xi32>
        %shift_right_arithmetic3A_2178 = arith.constant 3 : i32
        %shift_right_arithmetic3A_2179 = arith.shrsi %squeeze3A_2177, %shift_right_arithmetic3A_2178 : i32
        %slice3A_2180 = vector.extract_strided_slice %get3A_1581 {offsets = [14], sizes = [1], strides = [1]} : vector<16xi32> to vector<1xi32>
        %squeeze3A_2181 = vector.extract %slice3A_2180[0] : i32 from vector<1xi32>
        %and3A_2182 = arith.constant 7 : i32
        %and3A_2183 = arith.andi %squeeze3A_2181, %and3A_2182 : i32
        %dma_start3A_2184 = arith.constant 14 : i32
        %dma_start3A_2185 = arith.constant 0 : i32
        %dma_start3A_2186 = tpu.memref_slice %arg11[%sub3A_1575, %dma_start3A_2184, %dma_start3A_2185] : memref<2x32x64xf32, #tpu.memory_space<vmem>> -> memref<1x1x64xf32, #tpu.memory_space<vmem>>
        %dma_start3A_2187 = tpu.memref_squeeze %dma_start3A_2186 : memref<1x1x64xf32, #tpu.memory_space<vmem>> -> memref<64xf32, #tpu.memory_space<vmem>>
        %dma_start3A_2188 = arith.constant 0 : i32
        %dma_start3A_2189 = tpu.memref_slice %arg4[%shift_right_arithmetic3A_2179, %and3A_2183, %dma_start3A_2188] : memref<12500x8x64xf32, #tpu.memory_space<hbm>> -> memref<1x1x64xf32, #tpu.memory_space<hbm>>
        %dma_start3A_2190 = tpu.memref_squeeze %dma_start3A_2189 : memref<1x1x64xf32, #tpu.memory_space<hbm>> -> memref<64xf32, #tpu.memory_space<hbm>>
        %dma_start3A_2191 = arith.constant 0 : i32
        %dma_start3A_2192 = tpu.memref_slice %arg11[%sub3A_1575, %dma_start3A_2184, %dma_start3A_2191] : memref<2x32x64xf32, #tpu.memory_space<vmem>> -> memref<1x1x64xf32, #tpu.memory_space<vmem>>
        %dma_start3A_2193 = tpu.memref_squeeze %dma_start3A_2192 : memref<1x1x64xf32, #tpu.memory_space<vmem>> -> memref<64xf32, #tpu.memory_space<vmem>>
        %dma_start3A_2194 = arith.constant 0 : i32
        %dma_start3A_2195 = tpu.memref_slice %arg4[%shift_right_arithmetic3A_2179, %and3A_2183, %dma_start3A_2194] : memref<12500x8x64xf32, #tpu.memory_space<hbm>> -> memref<1x1x64xf32, #tpu.memory_space<hbm>>
        %dma_start3A_2196 = tpu.memref_squeeze %dma_start3A_2195 : memref<1x1x64xf32, #tpu.memory_space<hbm>> -> memref<64xf32, #tpu.memory_space<hbm>>
        tpu.enqueue_dma source(%dma_start3A_2196 : memref<64xf32, #tpu.memory_space<hbm>>) target(%dma_start3A_2193 : memref<64xf32, #tpu.memory_space<vmem>>) target_semaphore(%arg16 : memref<!tpu.dma_semaphore, #tpu.memory_space<semaphore_mem>>)
        %slice3A_2197 = vector.extract_strided_slice %get3A_1587 {offsets = [14], sizes = [1], strides = [1]} : vector<16xi32> to vector<1xi32>
        %squeeze3A_2198 = vector.extract %slice3A_2197[0] : i32 from vector<1xi32>
        %shift_right_arithmetic3A_2199 = arith.constant 3 : i32
        %shift_right_arithmetic3A_2200 = arith.shrsi %squeeze3A_2198, %shift_right_arithmetic3A_2199 : i32
        %slice3A_2201 = vector.extract_strided_slice %get3A_1587 {offsets = [14], sizes = [1], strides = [1]} : vector<16xi32> to vector<1xi32>
        %squeeze3A_2202 = vector.extract %slice3A_2201[0] : i32 from vector<1xi32>
        %and3A_2203 = arith.constant 7 : i32
        %and3A_2204 = arith.andi %squeeze3A_2202, %and3A_2203 : i32
        %dma_start3A_2205 = arith.constant 14 : i32
        %dma_start3A_2206 = arith.constant 0 : i32
        %dma_start3A_2207 = tpu.memref_slice %arg12[%sub3A_1575, %dma_start3A_2205, %dma_start3A_2206] : memref<2x32x64xf32, #tpu.memory_space<vmem>> -> memref<1x1x64xf32, #tpu.memory_space<vmem>>
        %dma_start3A_2208 = tpu.memref_squeeze %dma_start3A_2207 : memref<1x1x64xf32, #tpu.memory_space<vmem>> -> memref<64xf32, #tpu.memory_space<vmem>>
        %dma_start3A_2209 = arith.constant 0 : i32
        %dma_start3A_2210 = tpu.memref_slice %arg5[%shift_right_arithmetic3A_2200, %and3A_2204, %dma_start3A_2209] : memref<125000x8x64xf32, #tpu.memory_space<hbm>> -> memref<1x1x64xf32, #tpu.memory_space<hbm>>
        %dma_start3A_2211 = tpu.memref_squeeze %dma_start3A_2210 : memref<1x1x64xf32, #tpu.memory_space<hbm>> -> memref<64xf32, #tpu.memory_space<hbm>>
        %dma_start3A_2212 = arith.constant 0 : i32
        %dma_start3A_2213 = tpu.memref_slice %arg12[%sub3A_1575, %dma_start3A_2205, %dma_start3A_2212] : memref<2x32x64xf32, #tpu.memory_space<vmem>> -> memref<1x1x64xf32, #tpu.memory_space<vmem>>
        %dma_start3A_2214 = tpu.memref_squeeze %dma_start3A_2213 : memref<1x1x64xf32, #tpu.memory_space<vmem>> -> memref<64xf32, #tpu.memory_space<vmem>>
        %dma_start3A_2215 = arith.constant 0 : i32
        %dma_start3A_2216 = tpu.memref_slice %arg5[%shift_right_arithmetic3A_2200, %and3A_2204, %dma_start3A_2215] : memref<125000x8x64xf32, #tpu.memory_space<hbm>> -> memref<1x1x64xf32, #tpu.memory_space<hbm>>
        %dma_start3A_2217 = tpu.memref_squeeze %dma_start3A_2216 : memref<1x1x64xf32, #tpu.memory_space<hbm>> -> memref<64xf32, #tpu.memory_space<hbm>>
        tpu.enqueue_dma source(%dma_start3A_2217 : memref<64xf32, #tpu.memory_space<hbm>>) target(%dma_start3A_2214 : memref<64xf32, #tpu.memory_space<vmem>>) target_semaphore(%arg17 : memref<!tpu.dma_semaphore, #tpu.memory_space<semaphore_mem>>)
        %slice3A_2218 = vector.extract_strided_slice %get3A_1581 {offsets = [15], sizes = [1], strides = [1]} : vector<16xi32> to vector<1xi32>
        %squeeze3A_2219 = vector.extract %slice3A_2218[0] : i32 from vector<1xi32>
        %shift_right_arithmetic3A_2220 = arith.constant 3 : i32
        %shift_right_arithmetic3A_2221 = arith.shrsi %squeeze3A_2219, %shift_right_arithmetic3A_2220 : i32
        %slice3A_2222 = vector.extract_strided_slice %get3A_1581 {offsets = [15], sizes = [1], strides = [1]} : vector<16xi32> to vector<1xi32>
        %squeeze3A_2223 = vector.extract %slice3A_2222[0] : i32 from vector<1xi32>
        %and3A_2224 = arith.constant 7 : i32
        %and3A_2225 = arith.andi %squeeze3A_2223, %and3A_2224 : i32
        %dma_start3A_2226 = arith.constant 15 : i32
        %dma_start3A_2227 = arith.constant 0 : i32
        %dma_start3A_2228 = tpu.memref_slice %arg11[%sub3A_1575, %dma_start3A_2226, %dma_start3A_2227] : memref<2x32x64xf32, #tpu.memory_space<vmem>> -> memref<1x1x64xf32, #tpu.memory_space<vmem>>
        %dma_start3A_2229 = tpu.memref_squeeze %dma_start3A_2228 : memref<1x1x64xf32, #tpu.memory_space<vmem>> -> memref<64xf32, #tpu.memory_space<vmem>>
        %dma_start3A_2230 = arith.constant 0 : i32
        %dma_start3A_2231 = tpu.memref_slice %arg4[%shift_right_arithmetic3A_2221, %and3A_2225, %dma_start3A_2230] : memref<12500x8x64xf32, #tpu.memory_space<hbm>> -> memref<1x1x64xf32, #tpu.memory_space<hbm>>
        %dma_start3A_2232 = tpu.memref_squeeze %dma_start3A_2231 : memref<1x1x64xf32, #tpu.memory_space<hbm>> -> memref<64xf32, #tpu.memory_space<hbm>>
        %dma_start3A_2233 = arith.constant 0 : i32
        %dma_start3A_2234 = tpu.memref_slice %arg11[%sub3A_1575, %dma_start3A_2226, %dma_start3A_2233] : memref<2x32x64xf32, #tpu.memory_space<vmem>> -> memref<1x1x64xf32, #tpu.memory_space<vmem>>
        %dma_start3A_2235 = tpu.memref_squeeze %dma_start3A_2234 : memref<1x1x64xf32, #tpu.memory_space<vmem>> -> memref<64xf32, #tpu.memory_space<vmem>>
        %dma_start3A_2236 = arith.constant 0 : i32
        %dma_start3A_2237 = tpu.memref_slice %arg4[%shift_right_arithmetic3A_2221, %and3A_2225, %dma_start3A_2236] : memref<12500x8x64xf32, #tpu.memory_space<hbm>> -> memref<1x1x64xf32, #tpu.memory_space<hbm>>
        %dma_start3A_2238 = tpu.memref_squeeze %dma_start3A_2237 : memref<1x1x64xf32, #tpu.memory_space<hbm>> -> memref<64xf32, #tpu.memory_space<hbm>>
        tpu.enqueue_dma source(%dma_start3A_2238 : memref<64xf32, #tpu.memory_space<hbm>>) target(%dma_start3A_2235 : memref<64xf32, #tpu.memory_space<vmem>>) target_semaphore(%arg16 : memref<!tpu.dma_semaphore, #tpu.memory_space<semaphore_mem>>)
        %slice3A_2239 = vector.extract_strided_slice %get3A_1587 {offsets = [15], sizes = [1], strides = [1]} : vector<16xi32> to vector<1xi32>
        %squeeze3A_2240 = vector.extract %slice3A_2239[0] : i32 from vector<1xi32>
        %shift_right_arithmetic3A_2241 = arith.constant 3 : i32
        %shift_right_arithmetic3A_2242 = arith.shrsi %squeeze3A_2240, %shift_right_arithmetic3A_2241 : i32
        %slice3A_2243 = vector.extract_strided_slice %get3A_1587 {offsets = [15], sizes = [1], strides = [1]} : vector<16xi32> to vector<1xi32>
        %squeeze3A_2244 = vector.extract %slice3A_2243[0] : i32 from vector<1xi32>
        %and3A_2245 = arith.constant 7 : i32
        %and3A_2246 = arith.andi %squeeze3A_2244, %and3A_2245 : i32
        %dma_start3A_2247 = arith.constant 15 : i32
        %dma_start3A_2248 = arith.constant 0 : i32
        %dma_start3A_2249 = tpu.memref_slice %arg12[%sub3A_1575, %dma_start3A_2247, %dma_start3A_2248] : memref<2x32x64xf32, #tpu.memory_space<vmem>> -> memref<1x1x64xf32, #tpu.memory_space<vmem>>
        %dma_start3A_2250 = tpu.memref_squeeze %dma_start3A_2249 : memref<1x1x64xf32, #tpu.memory_space<vmem>> -> memref<64xf32, #tpu.memory_space<vmem>>
        %dma_start3A_2251 = arith.constant 0 : i32
        %dma_start3A_2252 = tpu.memref_slice %arg5[%shift_right_arithmetic3A_2242, %and3A_2246, %dma_start3A_2251] : memref<125000x8x64xf32, #tpu.memory_space<hbm>> -> memref<1x1x64xf32, #tpu.memory_space<hbm>>
        %dma_start3A_2253 = tpu.memref_squeeze %dma_start3A_2252 : memref<1x1x64xf32, #tpu.memory_space<hbm>> -> memref<64xf32, #tpu.memory_space<hbm>>
        %dma_start3A_2254 = arith.constant 0 : i32
        %dma_start3A_2255 = tpu.memref_slice %arg12[%sub3A_1575, %dma_start3A_2247, %dma_start3A_2254] : memref<2x32x64xf32, #tpu.memory_space<vmem>> -> memref<1x1x64xf32, #tpu.memory_space<vmem>>
        %dma_start3A_2256 = tpu.memref_squeeze %dma_start3A_2255 : memref<1x1x64xf32, #tpu.memory_space<vmem>> -> memref<64xf32, #tpu.memory_space<vmem>>
        %dma_start3A_2257 = arith.constant 0 : i32
        %dma_start3A_2258 = tpu.memref_slice %arg5[%shift_right_arithmetic3A_2242, %and3A_2246, %dma_start3A_2257] : memref<125000x8x64xf32, #tpu.memory_space<hbm>> -> memref<1x1x64xf32, #tpu.memory_space<hbm>>
        %dma_start3A_2259 = tpu.memref_squeeze %dma_start3A_2258 : memref<1x1x64xf32, #tpu.memory_space<hbm>> -> memref<64xf32, #tpu.memory_space<hbm>>
        tpu.enqueue_dma source(%dma_start3A_2259 : memref<64xf32, #tpu.memory_space<hbm>>) target(%dma_start3A_2256 : memref<64xf32, #tpu.memory_space<vmem>>) target_semaphore(%arg17 : memref<!tpu.dma_semaphore, #tpu.memory_space<semaphore_mem>>)
        %mul3A_2260 = arith.constant 32 : i32
        %mul3A_2261 = arith.muli %add3A_1574, %mul3A_2260 : i32
        %add3A_2262 = arith.constant 16 : i32
        %add3A_2263 = arith.addi %mul3A_2261, %add3A_2262 : i32
        %get3A_2264 = arith.index_cast %add3A_2263 : i32 to index
        %get3A_2265 = tpu.vector_load %arg9[%get3A_2264] {strides = array<i32>} : memref<512xi32, #tpu.memory_space<vmem>>, vector<16xi32>,
        %mul3A_2266 = arith.constant 32 : i32
        %mul3A_2267 = arith.muli %add3A_1574, %mul3A_2266 : i32
        %add3A_2268 = arith.constant 16 : i32
        %add3A_2269 = arith.addi %mul3A_2267, %add3A_2268 : i32
        %get3A_2270 = arith.index_cast %add3A_2269 : i32 to index
        %get3A_2271 = tpu.vector_load %arg10[%get3A_2270] {strides = array<i32>} : memref<512xi32, #tpu.memory_space<vmem>>, vector<16xi32>,
        %slice3A_2272 = vector.extract_strided_slice %get3A_2265 {offsets = [0], sizes = [1], strides = [1]} : vector<16xi32> to vector<1xi32>
        %squeeze3A_2273 = vector.extract %slice3A_2272[0] : i32 from vector<1xi32>
        %shift_right_arithmetic3A_2274 = arith.constant 3 : i32
        %shift_right_arithmetic3A_2275 = arith.shrsi %squeeze3A_2273, %shift_right_arithmetic3A_2274 : i32
        %slice3A_2276 = vector.extract_strided_slice %get3A_2265 {offsets = [0], sizes = [1], strides = [1]} : vector<16xi32> to vector<1xi32>
        %squeeze3A_2277 = vector.extract %slice3A_2276[0] : i32 from vector<1xi32>
        %and3A_2278 = arith.constant 7 : i32
        %and3A_2279 = arith.andi %squeeze3A_2277, %and3A_2278 : i32
        %dma_start3A_2280 = arith.constant 16 : i32
        %dma_start3A_2281 = arith.constant 0 : i32
        %dma_start3A_2282 = tpu.memref_slice %arg11[%sub3A_1575, %dma_start3A_2280, %dma_start3A_2281] : memref<2x32x64xf32, #tpu.memory_space<vmem>> -> memref<1x1x64xf32, #tpu.memory_space<vmem>>
        %dma_start3A_2283 = tpu.memref_squeeze %dma_start3A_2282 : memref<1x1x64xf32, #tpu.memory_space<vmem>> -> memref<64xf32, #tpu.memory_space<vmem>>
        %dma_start3A_2284 = arith.constant 0 : i32
        %dma_start3A_2285 = tpu.memref_slice %arg4[%shift_right_arithmetic3A_2275, %and3A_2279, %dma_start3A_2284] : memref<12500x8x64xf32, #tpu.memory_space<hbm>> -> memref<1x1x64xf32, #tpu.memory_space<hbm>>
        %dma_start3A_2286 = tpu.memref_squeeze %dma_start3A_2285 : memref<1x1x64xf32, #tpu.memory_space<hbm>> -> memref<64xf32, #tpu.memory_space<hbm>>
        %dma_start3A_2287 = arith.constant 0 : i32
        %dma_start3A_2288 = tpu.memref_slice %arg11[%sub3A_1575, %dma_start3A_2280, %dma_start3A_2287] : memref<2x32x64xf32, #tpu.memory_space<vmem>> -> memref<1x1x64xf32, #tpu.memory_space<vmem>>
        %dma_start3A_2289 = tpu.memref_squeeze %dma_start3A_2288 : memref<1x1x64xf32, #tpu.memory_space<vmem>> -> memref<64xf32, #tpu.memory_space<vmem>>
        %dma_start3A_2290 = arith.constant 0 : i32
        %dma_start3A_2291 = tpu.memref_slice %arg4[%shift_right_arithmetic3A_2275, %and3A_2279, %dma_start3A_2290] : memref<12500x8x64xf32, #tpu.memory_space<hbm>> -> memref<1x1x64xf32, #tpu.memory_space<hbm>>
        %dma_start3A_2292 = tpu.memref_squeeze %dma_start3A_2291 : memref<1x1x64xf32, #tpu.memory_space<hbm>> -> memref<64xf32, #tpu.memory_space<hbm>>
        tpu.enqueue_dma source(%dma_start3A_2292 : memref<64xf32, #tpu.memory_space<hbm>>) target(%dma_start3A_2289 : memref<64xf32, #tpu.memory_space<vmem>>) target_semaphore(%arg16 : memref<!tpu.dma_semaphore, #tpu.memory_space<semaphore_mem>>)
        %slice3A_2293 = vector.extract_strided_slice %get3A_2271 {offsets = [0], sizes = [1], strides = [1]} : vector<16xi32> to vector<1xi32>
        %squeeze3A_2294 = vector.extract %slice3A_2293[0] : i32 from vector<1xi32>
        %shift_right_arithmetic3A_2295 = arith.constant 3 : i32
        %shift_right_arithmetic3A_2296 = arith.shrsi %squeeze3A_2294, %shift_right_arithmetic3A_2295 : i32
        %slice3A_2297 = vector.extract_strided_slice %get3A_2271 {offsets = [0], sizes = [1], strides = [1]} : vector<16xi32> to vector<1xi32>
        %squeeze3A_2298 = vector.extract %slice3A_2297[0] : i32 from vector<1xi32>
        %and3A_2299 = arith.constant 7 : i32
        %and3A_2300 = arith.andi %squeeze3A_2298, %and3A_2299 : i32
        %dma_start3A_2301 = arith.constant 16 : i32
        %dma_start3A_2302 = arith.constant 0 : i32
        %dma_start3A_2303 = tpu.memref_slice %arg12[%sub3A_1575, %dma_start3A_2301, %dma_start3A_2302] : memref<2x32x64xf32, #tpu.memory_space<vmem>> -> memref<1x1x64xf32, #tpu.memory_space<vmem>>
        %dma_start3A_2304 = tpu.memref_squeeze %dma_start3A_2303 : memref<1x1x64xf32, #tpu.memory_space<vmem>> -> memref<64xf32, #tpu.memory_space<vmem>>
        %dma_start3A_2305 = arith.constant 0 : i32
        %dma_start3A_2306 = tpu.memref_slice %arg5[%shift_right_arithmetic3A_2296, %and3A_2300, %dma_start3A_2305] : memref<125000x8x64xf32, #tpu.memory_space<hbm>> -> memref<1x1x64xf32, #tpu.memory_space<hbm>>
        %dma_start3A_2307 = tpu.memref_squeeze %dma_start3A_2306 : memref<1x1x64xf32, #tpu.memory_space<hbm>> -> memref<64xf32, #tpu.memory_space<hbm>>
        %dma_start3A_2308 = arith.constant 0 : i32
        %dma_start3A_2309 = tpu.memref_slice %arg12[%sub3A_1575, %dma_start3A_2301, %dma_start3A_2308] : memref<2x32x64xf32, #tpu.memory_space<vmem>> -> memref<1x1x64xf32, #tpu.memory_space<vmem>>
        %dma_start3A_2310 = tpu.memref_squeeze %dma_start3A_2309 : memref<1x1x64xf32, #tpu.memory_space<vmem>> -> memref<64xf32, #tpu.memory_space<vmem>>
        %dma_start3A_2311 = arith.constant 0 : i32
        %dma_start3A_2312 = tpu.memref_slice %arg5[%shift_right_arithmetic3A_2296, %and3A_2300, %dma_start3A_2311] : memref<125000x8x64xf32, #tpu.memory_space<hbm>> -> memref<1x1x64xf32, #tpu.memory_space<hbm>>
        %dma_start3A_2313 = tpu.memref_squeeze %dma_start3A_2312 : memref<1x1x64xf32, #tpu.memory_space<hbm>> -> memref<64xf32, #tpu.memory_space<hbm>>
        tpu.enqueue_dma source(%dma_start3A_2313 : memref<64xf32, #tpu.memory_space<hbm>>) target(%dma_start3A_2310 : memref<64xf32, #tpu.memory_space<vmem>>) target_semaphore(%arg17 : memref<!tpu.dma_semaphore, #tpu.memory_space<semaphore_mem>>)
        %slice3A_2314 = vector.extract_strided_slice %get3A_2265 {offsets = [1], sizes = [1], strides = [1]} : vector<16xi32> to vector<1xi32>
        %squeeze3A_2315 = vector.extract %slice3A_2314[0] : i32 from vector<1xi32>
        %shift_right_arithmetic3A_2316 = arith.constant 3 : i32
        %shift_right_arithmetic3A_2317 = arith.shrsi %squeeze3A_2315, %shift_right_arithmetic3A_2316 : i32
        %slice3A_2318 = vector.extract_strided_slice %get3A_2265 {offsets = [1], sizes = [1], strides = [1]} : vector<16xi32> to vector<1xi32>
        %squeeze3A_2319 = vector.extract %slice3A_2318[0] : i32 from vector<1xi32>
        %and3A_2320 = arith.constant 7 : i32
        %and3A_2321 = arith.andi %squeeze3A_2319, %and3A_2320 : i32
        %dma_start3A_2322 = arith.constant 17 : i32
        %dma_start3A_2323 = arith.constant 0 : i32
        %dma_start3A_2324 = tpu.memref_slice %arg11[%sub3A_1575, %dma_start3A_2322, %dma_start3A_2323] : memref<2x32x64xf32, #tpu.memory_space<vmem>> -> memref<1x1x64xf32, #tpu.memory_space<vmem>>
        %dma_start3A_2325 = tpu.memref_squeeze %dma_start3A_2324 : memref<1x1x64xf32, #tpu.memory_space<vmem>> -> memref<64xf32, #tpu.memory_space<vmem>>
        %dma_start3A_2326 = arith.constant 0 : i32
        %dma_start3A_2327 = tpu.memref_slice %arg4[%shift_right_arithmetic3A_2317, %and3A_2321, %dma_start3A_2326] : memref<12500x8x64xf32, #tpu.memory_space<hbm>> -> memref<1x1x64xf32, #tpu.memory_space<hbm>>
        %dma_start3A_2328 = tpu.memref_squeeze %dma_start3A_2327 : memref<1x1x64xf32, #tpu.memory_space<hbm>> -> memref<64xf32, #tpu.memory_space<hbm>>
        %dma_start3A_2329 = arith.constant 0 : i32
        %dma_start3A_2330 = tpu.memref_slice %arg11[%sub3A_1575, %dma_start3A_2322, %dma_start3A_2329] : memref<2x32x64xf32, #tpu.memory_space<vmem>> -> memref<1x1x64xf32, #tpu.memory_space<vmem>>
        %dma_start3A_2331 = tpu.memref_squeeze %dma_start3A_2330 : memref<1x1x64xf32, #tpu.memory_space<vmem>> -> memref<64xf32, #tpu.memory_space<vmem>>
        %dma_start3A_2332 = arith.constant 0 : i32
        %dma_start3A_2333 = tpu.memref_slice %arg4[%shift_right_arithmetic3A_2317, %and3A_2321, %dma_start3A_2332] : memref<12500x8x64xf32, #tpu.memory_space<hbm>> -> memref<1x1x64xf32, #tpu.memory_space<hbm>>
        %dma_start3A_2334 = tpu.memref_squeeze %dma_start3A_2333 : memref<1x1x64xf32, #tpu.memory_space<hbm>> -> memref<64xf32, #tpu.memory_space<hbm>>
        tpu.enqueue_dma source(%dma_start3A_2334 : memref<64xf32, #tpu.memory_space<hbm>>) target(%dma_start3A_2331 : memref<64xf32, #tpu.memory_space<vmem>>) target_semaphore(%arg16 : memref<!tpu.dma_semaphore, #tpu.memory_space<semaphore_mem>>)
        %slice3A_2335 = vector.extract_strided_slice %get3A_2271 {offsets = [1], sizes = [1], strides = [1]} : vector<16xi32> to vector<1xi32>
        %squeeze3A_2336 = vector.extract %slice3A_2335[0] : i32 from vector<1xi32>
        %shift_right_arithmetic3A_2337 = arith.constant 3 : i32
        %shift_right_arithmetic3A_2338 = arith.shrsi %squeeze3A_2336, %shift_right_arithmetic3A_2337 : i32
        %slice3A_2339 = vector.extract_strided_slice %get3A_2271 {offsets = [1], sizes = [1], strides = [1]} : vector<16xi32> to vector<1xi32>
        %squeeze3A_2340 = vector.extract %slice3A_2339[0] : i32 from vector<1xi32>
        %and3A_2341 = arith.constant 7 : i32
        %and3A_2342 = arith.andi %squeeze3A_2340, %and3A_2341 : i32
        %dma_start3A_2343 = arith.constant 17 : i32
        %dma_start3A_2344 = arith.constant 0 : i32
        %dma_start3A_2345 = tpu.memref_slice %arg12[%sub3A_1575, %dma_start3A_2343, %dma_start3A_2344] : memref<2x32x64xf32, #tpu.memory_space<vmem>> -> memref<1x1x64xf32, #tpu.memory_space<vmem>>
        %dma_start3A_2346 = tpu.memref_squeeze %dma_start3A_2345 : memref<1x1x64xf32, #tpu.memory_space<vmem>> -> memref<64xf32, #tpu.memory_space<vmem>>
        %dma_start3A_2347 = arith.constant 0 : i32
        %dma_start3A_2348 = tpu.memref_slice %arg5[%shift_right_arithmetic3A_2338, %and3A_2342, %dma_start3A_2347] : memref<125000x8x64xf32, #tpu.memory_space<hbm>> -> memref<1x1x64xf32, #tpu.memory_space<hbm>>
        %dma_start3A_2349 = tpu.memref_squeeze %dma_start3A_2348 : memref<1x1x64xf32, #tpu.memory_space<hbm>> -> memref<64xf32, #tpu.memory_space<hbm>>
        %dma_start3A_2350 = arith.constant 0 : i32
        %dma_start3A_2351 = tpu.memref_slice %arg12[%sub3A_1575, %dma_start3A_2343, %dma_start3A_2350] : memref<2x32x64xf32, #tpu.memory_space<vmem>> -> memref<1x1x64xf32, #tpu.memory_space<vmem>>
        %dma_start3A_2352 = tpu.memref_squeeze %dma_start3A_2351 : memref<1x1x64xf32, #tpu.memory_space<vmem>> -> memref<64xf32, #tpu.memory_space<vmem>>
        %dma_start3A_2353 = arith.constant 0 : i32
        %dma_start3A_2354 = tpu.memref_slice %arg5[%shift_right_arithmetic3A_2338, %and3A_2342, %dma_start3A_2353] : memref<125000x8x64xf32, #tpu.memory_space<hbm>> -> memref<1x1x64xf32, #tpu.memory_space<hbm>>
        %dma_start3A_2355 = tpu.memref_squeeze %dma_start3A_2354 : memref<1x1x64xf32, #tpu.memory_space<hbm>> -> memref<64xf32, #tpu.memory_space<hbm>>
        tpu.enqueue_dma source(%dma_start3A_2355 : memref<64xf32, #tpu.memory_space<hbm>>) target(%dma_start3A_2352 : memref<64xf32, #tpu.memory_space<vmem>>) target_semaphore(%arg17 : memref<!tpu.dma_semaphore, #tpu.memory_space<semaphore_mem>>)
        %slice3A_2356 = vector.extract_strided_slice %get3A_2265 {offsets = [2], sizes = [1], strides = [1]} : vector<16xi32> to vector<1xi32>
        %squeeze3A_2357 = vector.extract %slice3A_2356[0] : i32 from vector<1xi32>
        %shift_right_arithmetic3A_2358 = arith.constant 3 : i32
        %shift_right_arithmetic3A_2359 = arith.shrsi %squeeze3A_2357, %shift_right_arithmetic3A_2358 : i32
        %slice3A_2360 = vector.extract_strided_slice %get3A_2265 {offsets = [2], sizes = [1], strides = [1]} : vector<16xi32> to vector<1xi32>
        %squeeze3A_2361 = vector.extract %slice3A_2360[0] : i32 from vector<1xi32>
        %and3A_2362 = arith.constant 7 : i32
        %and3A_2363 = arith.andi %squeeze3A_2361, %and3A_2362 : i32
        %dma_start3A_2364 = arith.constant 18 : i32
        %dma_start3A_2365 = arith.constant 0 : i32
        %dma_start3A_2366 = tpu.memref_slice %arg11[%sub3A_1575, %dma_start3A_2364, %dma_start3A_2365] : memref<2x32x64xf32, #tpu.memory_space<vmem>> -> memref<1x1x64xf32, #tpu.memory_space<vmem>>
        %dma_start3A_2367 = tpu.memref_squeeze %dma_start3A_2366 : memref<1x1x64xf32, #tpu.memory_space<vmem>> -> memref<64xf32, #tpu.memory_space<vmem>>
        %dma_start3A_2368 = arith.constant 0 : i32
        %dma_start3A_2369 = tpu.memref_slice %arg4[%shift_right_arithmetic3A_2359, %and3A_2363, %dma_start3A_2368] : memref<12500x8x64xf32, #tpu.memory_space<hbm>> -> memref<1x1x64xf32, #tpu.memory_space<hbm>>
        %dma_start3A_2370 = tpu.memref_squeeze %dma_start3A_2369 : memref<1x1x64xf32, #tpu.memory_space<hbm>> -> memref<64xf32, #tpu.memory_space<hbm>>
        %dma_start3A_2371 = arith.constant 0 : i32
        %dma_start3A_2372 = tpu.memref_slice %arg11[%sub3A_1575, %dma_start3A_2364, %dma_start3A_2371] : memref<2x32x64xf32, #tpu.memory_space<vmem>> -> memref<1x1x64xf32, #tpu.memory_space<vmem>>
        %dma_start3A_2373 = tpu.memref_squeeze %dma_start3A_2372 : memref<1x1x64xf32, #tpu.memory_space<vmem>> -> memref<64xf32, #tpu.memory_space<vmem>>
        %dma_start3A_2374 = arith.constant 0 : i32
        %dma_start3A_2375 = tpu.memref_slice %arg4[%shift_right_arithmetic3A_2359, %and3A_2363, %dma_start3A_2374] : memref<12500x8x64xf32, #tpu.memory_space<hbm>> -> memref<1x1x64xf32, #tpu.memory_space<hbm>>
        %dma_start3A_2376 = tpu.memref_squeeze %dma_start3A_2375 : memref<1x1x64xf32, #tpu.memory_space<hbm>> -> memref<64xf32, #tpu.memory_space<hbm>>
        tpu.enqueue_dma source(%dma_start3A_2376 : memref<64xf32, #tpu.memory_space<hbm>>) target(%dma_start3A_2373 : memref<64xf32, #tpu.memory_space<vmem>>) target_semaphore(%arg16 : memref<!tpu.dma_semaphore, #tpu.memory_space<semaphore_mem>>)
        %slice3A_2377 = vector.extract_strided_slice %get3A_2271 {offsets = [2], sizes = [1], strides = [1]} : vector<16xi32> to vector<1xi32>
        %squeeze3A_2378 = vector.extract %slice3A_2377[0] : i32 from vector<1xi32>
        %shift_right_arithmetic3A_2379 = arith.constant 3 : i32
        %shift_right_arithmetic3A_2380 = arith.shrsi %squeeze3A_2378, %shift_right_arithmetic3A_2379 : i32
        %slice3A_2381 = vector.extract_strided_slice %get3A_2271 {offsets = [2], sizes = [1], strides = [1]} : vector<16xi32> to vector<1xi32>
        %squeeze3A_2382 = vector.extract %slice3A_2381[0] : i32 from vector<1xi32>
        %and3A_2383 = arith.constant 7 : i32
        %and3A_2384 = arith.andi %squeeze3A_2382, %and3A_2383 : i32
        %dma_start3A_2385 = arith.constant 18 : i32
        %dma_start3A_2386 = arith.constant 0 : i32
        %dma_start3A_2387 = tpu.memref_slice %arg12[%sub3A_1575, %dma_start3A_2385, %dma_start3A_2386] : memref<2x32x64xf32, #tpu.memory_space<vmem>> -> memref<1x1x64xf32, #tpu.memory_space<vmem>>
        %dma_start3A_2388 = tpu.memref_squeeze %dma_start3A_2387 : memref<1x1x64xf32, #tpu.memory_space<vmem>> -> memref<64xf32, #tpu.memory_space<vmem>>
        %dma_start3A_2389 = arith.constant 0 : i32
        %dma_start3A_2390 = tpu.memref_slice %arg5[%shift_right_arithmetic3A_2380, %and3A_2384, %dma_start3A_2389] : memref<125000x8x64xf32, #tpu.memory_space<hbm>> -> memref<1x1x64xf32, #tpu.memory_space<hbm>>
        %dma_start3A_2391 = tpu.memref_squeeze %dma_start3A_2390 : memref<1x1x64xf32, #tpu.memory_space<hbm>> -> memref<64xf32, #tpu.memory_space<hbm>>
        %dma_start3A_2392 = arith.constant 0 : i32
        %dma_start3A_2393 = tpu.memref_slice %arg12[%sub3A_1575, %dma_start3A_2385, %dma_start3A_2392] : memref<2x32x64xf32, #tpu.memory_space<vmem>> -> memref<1x1x64xf32, #tpu.memory_space<vmem>>
        %dma_start3A_2394 = tpu.memref_squeeze %dma_start3A_2393 : memref<1x1x64xf32, #tpu.memory_space<vmem>> -> memref<64xf32, #tpu.memory_space<vmem>>
        %dma_start3A_2395 = arith.constant 0 : i32
        %dma_start3A_2396 = tpu.memref_slice %arg5[%shift_right_arithmetic3A_2380, %and3A_2384, %dma_start3A_2395] : memref<125000x8x64xf32, #tpu.memory_space<hbm>> -> memref<1x1x64xf32, #tpu.memory_space<hbm>>
        %dma_start3A_2397 = tpu.memref_squeeze %dma_start3A_2396 : memref<1x1x64xf32, #tpu.memory_space<hbm>> -> memref<64xf32, #tpu.memory_space<hbm>>
        tpu.enqueue_dma source(%dma_start3A_2397 : memref<64xf32, #tpu.memory_space<hbm>>) target(%dma_start3A_2394 : memref<64xf32, #tpu.memory_space<vmem>>) target_semaphore(%arg17 : memref<!tpu.dma_semaphore, #tpu.memory_space<semaphore_mem>>)
        %slice3A_2398 = vector.extract_strided_slice %get3A_2265 {offsets = [3], sizes = [1], strides = [1]} : vector<16xi32> to vector<1xi32>
        %squeeze3A_2399 = vector.extract %slice3A_2398[0] : i32 from vector<1xi32>
        %shift_right_arithmetic3A_2400 = arith.constant 3 : i32
        %shift_right_arithmetic3A_2401 = arith.shrsi %squeeze3A_2399, %shift_right_arithmetic3A_2400 : i32
        %slice3A_2402 = vector.extract_strided_slice %get3A_2265 {offsets = [3], sizes = [1], strides = [1]} : vector<16xi32> to vector<1xi32>
        %squeeze3A_2403 = vector.extract %slice3A_2402[0] : i32 from vector<1xi32>
        %and3A_2404 = arith.constant 7 : i32
        %and3A_2405 = arith.andi %squeeze3A_2403, %and3A_2404 : i32
        %dma_start3A_2406 = arith.constant 19 : i32
        %dma_start3A_2407 = arith.constant 0 : i32
        %dma_start3A_2408 = tpu.memref_slice %arg11[%sub3A_1575, %dma_start3A_2406, %dma_start3A_2407] : memref<2x32x64xf32, #tpu.memory_space<vmem>> -> memref<1x1x64xf32, #tpu.memory_space<vmem>>
        %dma_start3A_2409 = tpu.memref_squeeze %dma_start3A_2408 : memref<1x1x64xf32, #tpu.memory_space<vmem>> -> memref<64xf32, #tpu.memory_space<vmem>>
        %dma_start3A_2410 = arith.constant 0 : i32
        %dma_start3A_2411 = tpu.memref_slice %arg4[%shift_right_arithmetic3A_2401, %and3A_2405, %dma_start3A_2410] : memref<12500x8x64xf32, #tpu.memory_space<hbm>> -> memref<1x1x64xf32, #tpu.memory_space<hbm>>
        %dma_start3A_2412 = tpu.memref_squeeze %dma_start3A_2411 : memref<1x1x64xf32, #tpu.memory_space<hbm>> -> memref<64xf32, #tpu.memory_space<hbm>>
        %dma_start3A_2413 = arith.constant 0 : i32
        %dma_start3A_2414 = tpu.memref_slice %arg11[%sub3A_1575, %dma_start3A_2406, %dma_start3A_2413] : memref<2x32x64xf32, #tpu.memory_space<vmem>> -> memref<1x1x64xf32, #tpu.memory_space<vmem>>
        %dma_start3A_2415 = tpu.memref_squeeze %dma_start3A_2414 : memref<1x1x64xf32, #tpu.memory_space<vmem>> -> memref<64xf32, #tpu.memory_space<vmem>>
        %dma_start3A_2416 = arith.constant 0 : i32
        %dma_start3A_2417 = tpu.memref_slice %arg4[%shift_right_arithmetic3A_2401, %and3A_2405, %dma_start3A_2416] : memref<12500x8x64xf32, #tpu.memory_space<hbm>> -> memref<1x1x64xf32, #tpu.memory_space<hbm>>
        %dma_start3A_2418 = tpu.memref_squeeze %dma_start3A_2417 : memref<1x1x64xf32, #tpu.memory_space<hbm>> -> memref<64xf32, #tpu.memory_space<hbm>>
        tpu.enqueue_dma source(%dma_start3A_2418 : memref<64xf32, #tpu.memory_space<hbm>>) target(%dma_start3A_2415 : memref<64xf32, #tpu.memory_space<vmem>>) target_semaphore(%arg16 : memref<!tpu.dma_semaphore, #tpu.memory_space<semaphore_mem>>)
        %slice3A_2419 = vector.extract_strided_slice %get3A_2271 {offsets = [3], sizes = [1], strides = [1]} : vector<16xi32> to vector<1xi32>
        %squeeze3A_2420 = vector.extract %slice3A_2419[0] : i32 from vector<1xi32>
        %shift_right_arithmetic3A_2421 = arith.constant 3 : i32
        %shift_right_arithmetic3A_2422 = arith.shrsi %squeeze3A_2420, %shift_right_arithmetic3A_2421 : i32
        %slice3A_2423 = vector.extract_strided_slice %get3A_2271 {offsets = [3], sizes = [1], strides = [1]} : vector<16xi32> to vector<1xi32>
        %squeeze3A_2424 = vector.extract %slice3A_2423[0] : i32 from vector<1xi32>
        %and3A_2425 = arith.constant 7 : i32
        %and3A_2426 = arith.andi %squeeze3A_2424, %and3A_2425 : i32
        %dma_start3A_2427 = arith.constant 19 : i32
        %dma_start3A_2428 = arith.constant 0 : i32
        %dma_start3A_2429 = tpu.memref_slice %arg12[%sub3A_1575, %dma_start3A_2427, %dma_start3A_2428] : memref<2x32x64xf32, #tpu.memory_space<vmem>> -> memref<1x1x64xf32, #tpu.memory_space<vmem>>
        %dma_start3A_2430 = tpu.memref_squeeze %dma_start3A_2429 : memref<1x1x64xf32, #tpu.memory_space<vmem>> -> memref<64xf32, #tpu.memory_space<vmem>>
        %dma_start3A_2431 = arith.constant 0 : i32
        %dma_start3A_2432 = tpu.memref_slice %arg5[%shift_right_arithmetic3A_2422, %and3A_2426, %dma_start3A_2431] : memref<125000x8x64xf32, #tpu.memory_space<hbm>> -> memref<1x1x64xf32, #tpu.memory_space<hbm>>
        %dma_start3A_2433 = tpu.memref_squeeze %dma_start3A_2432 : memref<1x1x64xf32, #tpu.memory_space<hbm>> -> memref<64xf32, #tpu.memory_space<hbm>>
        %dma_start3A_2434 = arith.constant 0 : i32
        %dma_start3A_2435 = tpu.memref_slice %arg12[%sub3A_1575, %dma_start3A_2427, %dma_start3A_2434] : memref<2x32x64xf32, #tpu.memory_space<vmem>> -> memref<1x1x64xf32, #tpu.memory_space<vmem>>
        %dma_start3A_2436 = tpu.memref_squeeze %dma_start3A_2435 : memref<1x1x64xf32, #tpu.memory_space<vmem>> -> memref<64xf32, #tpu.memory_space<vmem>>
        %dma_start3A_2437 = arith.constant 0 : i32
        %dma_start3A_2438 = tpu.memref_slice %arg5[%shift_right_arithmetic3A_2422, %and3A_2426, %dma_start3A_2437] : memref<125000x8x64xf32, #tpu.memory_space<hbm>> -> memref<1x1x64xf32, #tpu.memory_space<hbm>>
        %dma_start3A_2439 = tpu.memref_squeeze %dma_start3A_2438 : memref<1x1x64xf32, #tpu.memory_space<hbm>> -> memref<64xf32, #tpu.memory_space<hbm>>
        tpu.enqueue_dma source(%dma_start3A_2439 : memref<64xf32, #tpu.memory_space<hbm>>) target(%dma_start3A_2436 : memref<64xf32, #tpu.memory_space<vmem>>) target_semaphore(%arg17 : memref<!tpu.dma_semaphore, #tpu.memory_space<semaphore_mem>>)
        %slice3A_2440 = vector.extract_strided_slice %get3A_2265 {offsets = [4], sizes = [1], strides = [1]} : vector<16xi32> to vector<1xi32>
        %squeeze3A_2441 = vector.extract %slice3A_2440[0] : i32 from vector<1xi32>
        %shift_right_arithmetic3A_2442 = arith.constant 3 : i32
        %shift_right_arithmetic3A_2443 = arith.shrsi %squeeze3A_2441, %shift_right_arithmetic3A_2442 : i32
        %slice3A_2444 = vector.extract_strided_slice %get3A_2265 {offsets = [4], sizes = [1], strides = [1]} : vector<16xi32> to vector<1xi32>
        %squeeze3A_2445 = vector.extract %slice3A_2444[0] : i32 from vector<1xi32>
        %and3A_2446 = arith.constant 7 : i32
        %and3A_2447 = arith.andi %squeeze3A_2445, %and3A_2446 : i32
        %dma_start3A_2448 = arith.constant 20 : i32
        %dma_start3A_2449 = arith.constant 0 : i32
        %dma_start3A_2450 = tpu.memref_slice %arg11[%sub3A_1575, %dma_start3A_2448, %dma_start3A_2449] : memref<2x32x64xf32, #tpu.memory_space<vmem>> -> memref<1x1x64xf32, #tpu.memory_space<vmem>>
        %dma_start3A_2451 = tpu.memref_squeeze %dma_start3A_2450 : memref<1x1x64xf32, #tpu.memory_space<vmem>> -> memref<64xf32, #tpu.memory_space<vmem>>
        %dma_start3A_2452 = arith.constant 0 : i32
        %dma_start3A_2453 = tpu.memref_slice %arg4[%shift_right_arithmetic3A_2443, %and3A_2447, %dma_start3A_2452] : memref<12500x8x64xf32, #tpu.memory_space<hbm>> -> memref<1x1x64xf32, #tpu.memory_space<hbm>>
        %dma_start3A_2454 = tpu.memref_squeeze %dma_start3A_2453 : memref<1x1x64xf32, #tpu.memory_space<hbm>> -> memref<64xf32, #tpu.memory_space<hbm>>
        %dma_start3A_2455 = arith.constant 0 : i32
        %dma_start3A_2456 = tpu.memref_slice %arg11[%sub3A_1575, %dma_start3A_2448, %dma_start3A_2455] : memref<2x32x64xf32, #tpu.memory_space<vmem>> -> memref<1x1x64xf32, #tpu.memory_space<vmem>>
        %dma_start3A_2457 = tpu.memref_squeeze %dma_start3A_2456 : memref<1x1x64xf32, #tpu.memory_space<vmem>> -> memref<64xf32, #tpu.memory_space<vmem>>
        %dma_start3A_2458 = arith.constant 0 : i32
        %dma_start3A_2459 = tpu.memref_slice %arg4[%shift_right_arithmetic3A_2443, %and3A_2447, %dma_start3A_2458] : memref<12500x8x64xf32, #tpu.memory_space<hbm>> -> memref<1x1x64xf32, #tpu.memory_space<hbm>>
        %dma_start3A_2460 = tpu.memref_squeeze %dma_start3A_2459 : memref<1x1x64xf32, #tpu.memory_space<hbm>> -> memref<64xf32, #tpu.memory_space<hbm>>
        tpu.enqueue_dma source(%dma_start3A_2460 : memref<64xf32, #tpu.memory_space<hbm>>) target(%dma_start3A_2457 : memref<64xf32, #tpu.memory_space<vmem>>) target_semaphore(%arg16 : memref<!tpu.dma_semaphore, #tpu.memory_space<semaphore_mem>>)
        %slice3A_2461 = vector.extract_strided_slice %get3A_2271 {offsets = [4], sizes = [1], strides = [1]} : vector<16xi32> to vector<1xi32>
        %squeeze3A_2462 = vector.extract %slice3A_2461[0] : i32 from vector<1xi32>
        %shift_right_arithmetic3A_2463 = arith.constant 3 : i32
        %shift_right_arithmetic3A_2464 = arith.shrsi %squeeze3A_2462, %shift_right_arithmetic3A_2463 : i32
        %slice3A_2465 = vector.extract_strided_slice %get3A_2271 {offsets = [4], sizes = [1], strides = [1]} : vector<16xi32> to vector<1xi32>
        %squeeze3A_2466 = vector.extract %slice3A_2465[0] : i32 from vector<1xi32>
        %and3A_2467 = arith.constant 7 : i32
        %and3A_2468 = arith.andi %squeeze3A_2466, %and3A_2467 : i32
        %dma_start3A_2469 = arith.constant 20 : i32
        %dma_start3A_2470 = arith.constant 0 : i32
        %dma_start3A_2471 = tpu.memref_slice %arg12[%sub3A_1575, %dma_start3A_2469, %dma_start3A_2470] : memref<2x32x64xf32, #tpu.memory_space<vmem>> -> memref<1x1x64xf32, #tpu.memory_space<vmem>>
        %dma_start3A_2472 = tpu.memref_squeeze %dma_start3A_2471 : memref<1x1x64xf32, #tpu.memory_space<vmem>> -> memref<64xf32, #tpu.memory_space<vmem>>
        %dma_start3A_2473 = arith.constant 0 : i32
        %dma_start3A_2474 = tpu.memref_slice %arg5[%shift_right_arithmetic3A_2464, %and3A_2468, %dma_start3A_2473] : memref<125000x8x64xf32, #tpu.memory_space<hbm>> -> memref<1x1x64xf32, #tpu.memory_space<hbm>>
        %dma_start3A_2475 = tpu.memref_squeeze %dma_start3A_2474 : memref<1x1x64xf32, #tpu.memory_space<hbm>> -> memref<64xf32, #tpu.memory_space<hbm>>
        %dma_start3A_2476 = arith.constant 0 : i32
        %dma_start3A_2477 = tpu.memref_slice %arg12[%sub3A_1575, %dma_start3A_2469, %dma_start3A_2476] : memref<2x32x64xf32, #tpu.memory_space<vmem>> -> memref<1x1x64xf32, #tpu.memory_space<vmem>>
        %dma_start3A_2478 = tpu.memref_squeeze %dma_start3A_2477 : memref<1x1x64xf32, #tpu.memory_space<vmem>> -> memref<64xf32, #tpu.memory_space<vmem>>
        %dma_start3A_2479 = arith.constant 0 : i32
        %dma_start3A_2480 = tpu.memref_slice %arg5[%shift_right_arithmetic3A_2464, %and3A_2468, %dma_start3A_2479] : memref<125000x8x64xf32, #tpu.memory_space<hbm>> -> memref<1x1x64xf32, #tpu.memory_space<hbm>>
        %dma_start3A_2481 = tpu.memref_squeeze %dma_start3A_2480 : memref<1x1x64xf32, #tpu.memory_space<hbm>> -> memref<64xf32, #tpu.memory_space<hbm>>
        tpu.enqueue_dma source(%dma_start3A_2481 : memref<64xf32, #tpu.memory_space<hbm>>) target(%dma_start3A_2478 : memref<64xf32, #tpu.memory_space<vmem>>) target_semaphore(%arg17 : memref<!tpu.dma_semaphore, #tpu.memory_space<semaphore_mem>>)
        %slice3A_2482 = vector.extract_strided_slice %get3A_2265 {offsets = [5], sizes = [1], strides = [1]} : vector<16xi32> to vector<1xi32>
        %squeeze3A_2483 = vector.extract %slice3A_2482[0] : i32 from vector<1xi32>
        %shift_right_arithmetic3A_2484 = arith.constant 3 : i32
        %shift_right_arithmetic3A_2485 = arith.shrsi %squeeze3A_2483, %shift_right_arithmetic3A_2484 : i32
        %slice3A_2486 = vector.extract_strided_slice %get3A_2265 {offsets = [5], sizes = [1], strides = [1]} : vector<16xi32> to vector<1xi32>
        %squeeze3A_2487 = vector.extract %slice3A_2486[0] : i32 from vector<1xi32>
        %and3A_2488 = arith.constant 7 : i32
        %and3A_2489 = arith.andi %squeeze3A_2487, %and3A_2488 : i32
        %dma_start3A_2490 = arith.constant 21 : i32
        %dma_start3A_2491 = arith.constant 0 : i32
        %dma_start3A_2492 = tpu.memref_slice %arg11[%sub3A_1575, %dma_start3A_2490, %dma_start3A_2491] : memref<2x32x64xf32, #tpu.memory_space<vmem>> -> memref<1x1x64xf32, #tpu.memory_space<vmem>>
        %dma_start3A_2493 = tpu.memref_squeeze %dma_start3A_2492 : memref<1x1x64xf32, #tpu.memory_space<vmem>> -> memref<64xf32, #tpu.memory_space<vmem>>
        %dma_start3A_2494 = arith.constant 0 : i32
        %dma_start3A_2495 = tpu.memref_slice %arg4[%shift_right_arithmetic3A_2485, %and3A_2489, %dma_start3A_2494] : memref<12500x8x64xf32, #tpu.memory_space<hbm>> -> memref<1x1x64xf32, #tpu.memory_space<hbm>>
        %dma_start3A_2496 = tpu.memref_squeeze %dma_start3A_2495 : memref<1x1x64xf32, #tpu.memory_space<hbm>> -> memref<64xf32, #tpu.memory_space<hbm>>
        %dma_start3A_2497 = arith.constant 0 : i32
        %dma_start3A_2498 = tpu.memref_slice %arg11[%sub3A_1575, %dma_start3A_2490, %dma_start3A_2497] : memref<2x32x64xf32, #tpu.memory_space<vmem>> -> memref<1x1x64xf32, #tpu.memory_space<vmem>>
        %dma_start3A_2499 = tpu.memref_squeeze %dma_start3A_2498 : memref<1x1x64xf32, #tpu.memory_space<vmem>> -> memref<64xf32, #tpu.memory_space<vmem>>
        %dma_start3A_2500 = arith.constant 0 : i32
        %dma_start3A_2501 = tpu.memref_slice %arg4[%shift_right_arithmetic3A_2485, %and3A_2489, %dma_start3A_2500] : memref<12500x8x64xf32, #tpu.memory_space<hbm>> -> memref<1x1x64xf32, #tpu.memory_space<hbm>>
        %dma_start3A_2502 = tpu.memref_squeeze %dma_start3A_2501 : memref<1x1x64xf32, #tpu.memory_space<hbm>> -> memref<64xf32, #tpu.memory_space<hbm>>
        tpu.enqueue_dma source(%dma_start3A_2502 : memref<64xf32, #tpu.memory_space<hbm>>) target(%dma_start3A_2499 : memref<64xf32, #tpu.memory_space<vmem>>) target_semaphore(%arg16 : memref<!tpu.dma_semaphore, #tpu.memory_space<semaphore_mem>>)
        %slice3A_2503 = vector.extract_strided_slice %get3A_2271 {offsets = [5], sizes = [1], strides = [1]} : vector<16xi32> to vector<1xi32>
        %squeeze3A_2504 = vector.extract %slice3A_2503[0] : i32 from vector<1xi32>
        %shift_right_arithmetic3A_2505 = arith.constant 3 : i32
        %shift_right_arithmetic3A_2506 = arith.shrsi %squeeze3A_2504, %shift_right_arithmetic3A_2505 : i32
        %slice3A_2507 = vector.extract_strided_slice %get3A_2271 {offsets = [5], sizes = [1], strides = [1]} : vector<16xi32> to vector<1xi32>
        %squeeze3A_2508 = vector.extract %slice3A_2507[0] : i32 from vector<1xi32>
        %and3A_2509 = arith.constant 7 : i32
        %and3A_2510 = arith.andi %squeeze3A_2508, %and3A_2509 : i32
        %dma_start3A_2511 = arith.constant 21 : i32
        %dma_start3A_2512 = arith.constant 0 : i32
        %dma_start3A_2513 = tpu.memref_slice %arg12[%sub3A_1575, %dma_start3A_2511, %dma_start3A_2512] : memref<2x32x64xf32, #tpu.memory_space<vmem>> -> memref<1x1x64xf32, #tpu.memory_space<vmem>>
        %dma_start3A_2514 = tpu.memref_squeeze %dma_start3A_2513 : memref<1x1x64xf32, #tpu.memory_space<vmem>> -> memref<64xf32, #tpu.memory_space<vmem>>
        %dma_start3A_2515 = arith.constant 0 : i32
        %dma_start3A_2516 = tpu.memref_slice %arg5[%shift_right_arithmetic3A_2506, %and3A_2510, %dma_start3A_2515] : memref<125000x8x64xf32, #tpu.memory_space<hbm>> -> memref<1x1x64xf32, #tpu.memory_space<hbm>>
        %dma_start3A_2517 = tpu.memref_squeeze %dma_start3A_2516 : memref<1x1x64xf32, #tpu.memory_space<hbm>> -> memref<64xf32, #tpu.memory_space<hbm>>
        %dma_start3A_2518 = arith.constant 0 : i32
        %dma_start3A_2519 = tpu.memref_slice %arg12[%sub3A_1575, %dma_start3A_2511, %dma_start3A_2518] : memref<2x32x64xf32, #tpu.memory_space<vmem>> -> memref<1x1x64xf32, #tpu.memory_space<vmem>>
        %dma_start3A_2520 = tpu.memref_squeeze %dma_start3A_2519 : memref<1x1x64xf32, #tpu.memory_space<vmem>> -> memref<64xf32, #tpu.memory_space<vmem>>
        %dma_start3A_2521 = arith.constant 0 : i32
        %dma_start3A_2522 = tpu.memref_slice %arg5[%shift_right_arithmetic3A_2506, %and3A_2510, %dma_start3A_2521] : memref<125000x8x64xf32, #tpu.memory_space<hbm>> -> memref<1x1x64xf32, #tpu.memory_space<hbm>>
        %dma_start3A_2523 = tpu.memref_squeeze %dma_start3A_2522 : memref<1x1x64xf32, #tpu.memory_space<hbm>> -> memref<64xf32, #tpu.memory_space<hbm>>
        tpu.enqueue_dma source(%dma_start3A_2523 : memref<64xf32, #tpu.memory_space<hbm>>) target(%dma_start3A_2520 : memref<64xf32, #tpu.memory_space<vmem>>) target_semaphore(%arg17 : memref<!tpu.dma_semaphore, #tpu.memory_space<semaphore_mem>>)
        %slice3A_2524 = vector.extract_strided_slice %get3A_2265 {offsets = [6], sizes = [1], strides = [1]} : vector<16xi32> to vector<1xi32>
        %squeeze3A_2525 = vector.extract %slice3A_2524[0] : i32 from vector<1xi32>
        %shift_right_arithmetic3A_2526 = arith.constant 3 : i32
        %shift_right_arithmetic3A_2527 = arith.shrsi %squeeze3A_2525, %shift_right_arithmetic3A_2526 : i32
        %slice3A_2528 = vector.extract_strided_slice %get3A_2265 {offsets = [6], sizes = [1], strides = [1]} : vector<16xi32> to vector<1xi32>
        %squeeze3A_2529 = vector.extract %slice3A_2528[0] : i32 from vector<1xi32>
        %and3A_2530 = arith.constant 7 : i32
        %and3A_2531 = arith.andi %squeeze3A_2529, %and3A_2530 : i32
        %dma_start3A_2532 = arith.constant 22 : i32
        %dma_start3A_2533 = arith.constant 0 : i32
        %dma_start3A_2534 = tpu.memref_slice %arg11[%sub3A_1575, %dma_start3A_2532, %dma_start3A_2533] : memref<2x32x64xf32, #tpu.memory_space<vmem>> -> memref<1x1x64xf32, #tpu.memory_space<vmem>>
        %dma_start3A_2535 = tpu.memref_squeeze %dma_start3A_2534 : memref<1x1x64xf32, #tpu.memory_space<vmem>> -> memref<64xf32, #tpu.memory_space<vmem>>
        %dma_start3A_2536 = arith.constant 0 : i32
        %dma_start3A_2537 = tpu.memref_slice %arg4[%shift_right_arithmetic3A_2527, %and3A_2531, %dma_start3A_2536] : memref<12500x8x64xf32, #tpu.memory_space<hbm>> -> memref<1x1x64xf32, #tpu.memory_space<hbm>>
        %dma_start3A_2538 = tpu.memref_squeeze %dma_start3A_2537 : memref<1x1x64xf32, #tpu.memory_space<hbm>> -> memref<64xf32, #tpu.memory_space<hbm>>
        %dma_start3A_2539 = arith.constant 0 : i32
        %dma_start3A_2540 = tpu.memref_slice %arg11[%sub3A_1575, %dma_start3A_2532, %dma_start3A_2539] : memref<2x32x64xf32, #tpu.memory_space<vmem>> -> memref<1x1x64xf32, #tpu.memory_space<vmem>>
        %dma_start3A_2541 = tpu.memref_squeeze %dma_start3A_2540 : memref<1x1x64xf32, #tpu.memory_space<vmem>> -> memref<64xf32, #tpu.memory_space<vmem>>
        %dma_start3A_2542 = arith.constant 0 : i32
        %dma_start3A_2543 = tpu.memref_slice %arg4[%shift_right_arithmetic3A_2527, %and3A_2531, %dma_start3A_2542] : memref<12500x8x64xf32, #tpu.memory_space<hbm>> -> memref<1x1x64xf32, #tpu.memory_space<hbm>>
        %dma_start3A_2544 = tpu.memref_squeeze %dma_start3A_2543 : memref<1x1x64xf32, #tpu.memory_space<hbm>> -> memref<64xf32, #tpu.memory_space<hbm>>
        tpu.enqueue_dma source(%dma_start3A_2544 : memref<64xf32, #tpu.memory_space<hbm>>) target(%dma_start3A_2541 : memref<64xf32, #tpu.memory_space<vmem>>) target_semaphore(%arg16 : memref<!tpu.dma_semaphore, #tpu.memory_space<semaphore_mem>>)
        %slice3A_2545 = vector.extract_strided_slice %get3A_2271 {offsets = [6], sizes = [1], strides = [1]} : vector<16xi32> to vector<1xi32>
        %squeeze3A_2546 = vector.extract %slice3A_2545[0] : i32 from vector<1xi32>
        %shift_right_arithmetic3A_2547 = arith.constant 3 : i32
        %shift_right_arithmetic3A_2548 = arith.shrsi %squeeze3A_2546, %shift_right_arithmetic3A_2547 : i32
        %slice3A_2549 = vector.extract_strided_slice %get3A_2271 {offsets = [6], sizes = [1], strides = [1]} : vector<16xi32> to vector<1xi32>
        %squeeze3A_2550 = vector.extract %slice3A_2549[0] : i32 from vector<1xi32>
        %and3A_2551 = arith.constant 7 : i32
        %and3A_2552 = arith.andi %squeeze3A_2550, %and3A_2551 : i32
        %dma_start3A_2553 = arith.constant 22 : i32
        %dma_start3A_2554 = arith.constant 0 : i32
        %dma_start3A_2555 = tpu.memref_slice %arg12[%sub3A_1575, %dma_start3A_2553, %dma_start3A_2554] : memref<2x32x64xf32, #tpu.memory_space<vmem>> -> memref<1x1x64xf32, #tpu.memory_space<vmem>>
        %dma_start3A_2556 = tpu.memref_squeeze %dma_start3A_2555 : memref<1x1x64xf32, #tpu.memory_space<vmem>> -> memref<64xf32, #tpu.memory_space<vmem>>
        %dma_start3A_2557 = arith.constant 0 : i32
        %dma_start3A_2558 = tpu.memref_slice %arg5[%shift_right_arithmetic3A_2548, %and3A_2552, %dma_start3A_2557] : memref<125000x8x64xf32, #tpu.memory_space<hbm>> -> memref<1x1x64xf32, #tpu.memory_space<hbm>>
        %dma_start3A_2559 = tpu.memref_squeeze %dma_start3A_2558 : memref<1x1x64xf32, #tpu.memory_space<hbm>> -> memref<64xf32, #tpu.memory_space<hbm>>
        %dma_start3A_2560 = arith.constant 0 : i32
        %dma_start3A_2561 = tpu.memref_slice %arg12[%sub3A_1575, %dma_start3A_2553, %dma_start3A_2560] : memref<2x32x64xf32, #tpu.memory_space<vmem>> -> memref<1x1x64xf32, #tpu.memory_space<vmem>>
        %dma_start3A_2562 = tpu.memref_squeeze %dma_start3A_2561 : memref<1x1x64xf32, #tpu.memory_space<vmem>> -> memref<64xf32, #tpu.memory_space<vmem>>
        %dma_start3A_2563 = arith.constant 0 : i32
        %dma_start3A_2564 = tpu.memref_slice %arg5[%shift_right_arithmetic3A_2548, %and3A_2552, %dma_start3A_2563] : memref<125000x8x64xf32, #tpu.memory_space<hbm>> -> memref<1x1x64xf32, #tpu.memory_space<hbm>>
        %dma_start3A_2565 = tpu.memref_squeeze %dma_start3A_2564 : memref<1x1x64xf32, #tpu.memory_space<hbm>> -> memref<64xf32, #tpu.memory_space<hbm>>
        tpu.enqueue_dma source(%dma_start3A_2565 : memref<64xf32, #tpu.memory_space<hbm>>) target(%dma_start3A_2562 : memref<64xf32, #tpu.memory_space<vmem>>) target_semaphore(%arg17 : memref<!tpu.dma_semaphore, #tpu.memory_space<semaphore_mem>>)
        %slice3A_2566 = vector.extract_strided_slice %get3A_2265 {offsets = [7], sizes = [1], strides = [1]} : vector<16xi32> to vector<1xi32>
        %squeeze3A_2567 = vector.extract %slice3A_2566[0] : i32 from vector<1xi32>
        %shift_right_arithmetic3A_2568 = arith.constant 3 : i32
        %shift_right_arithmetic3A_2569 = arith.shrsi %squeeze3A_2567, %shift_right_arithmetic3A_2568 : i32
        %slice3A_2570 = vector.extract_strided_slice %get3A_2265 {offsets = [7], sizes = [1], strides = [1]} : vector<16xi32> to vector<1xi32>
        %squeeze3A_2571 = vector.extract %slice3A_2570[0] : i32 from vector<1xi32>
        %and3A_2572 = arith.constant 7 : i32
        %and3A_2573 = arith.andi %squeeze3A_2571, %and3A_2572 : i32
        %dma_start3A_2574 = arith.constant 23 : i32
        %dma_start3A_2575 = arith.constant 0 : i32
        %dma_start3A_2576 = tpu.memref_slice %arg11[%sub3A_1575, %dma_start3A_2574, %dma_start3A_2575] : memref<2x32x64xf32, #tpu.memory_space<vmem>> -> memref<1x1x64xf32, #tpu.memory_space<vmem>>
        %dma_start3A_2577 = tpu.memref_squeeze %dma_start3A_2576 : memref<1x1x64xf32, #tpu.memory_space<vmem>> -> memref<64xf32, #tpu.memory_space<vmem>>
        %dma_start3A_2578 = arith.constant 0 : i32
        %dma_start3A_2579 = tpu.memref_slice %arg4[%shift_right_arithmetic3A_2569, %and3A_2573, %dma_start3A_2578] : memref<12500x8x64xf32, #tpu.memory_space<hbm>> -> memref<1x1x64xf32, #tpu.memory_space<hbm>>
        %dma_start3A_2580 = tpu.memref_squeeze %dma_start3A_2579 : memref<1x1x64xf32, #tpu.memory_space<hbm>> -> memref<64xf32, #tpu.memory_space<hbm>>
        %dma_start3A_2581 = arith.constant 0 : i32
        %dma_start3A_2582 = tpu.memref_slice %arg11[%sub3A_1575, %dma_start3A_2574, %dma_start3A_2581] : memref<2x32x64xf32, #tpu.memory_space<vmem>> -> memref<1x1x64xf32, #tpu.memory_space<vmem>>
        %dma_start3A_2583 = tpu.memref_squeeze %dma_start3A_2582 : memref<1x1x64xf32, #tpu.memory_space<vmem>> -> memref<64xf32, #tpu.memory_space<vmem>>
        %dma_start3A_2584 = arith.constant 0 : i32
        %dma_start3A_2585 = tpu.memref_slice %arg4[%shift_right_arithmetic3A_2569, %and3A_2573, %dma_start3A_2584] : memref<12500x8x64xf32, #tpu.memory_space<hbm>> -> memref<1x1x64xf32, #tpu.memory_space<hbm>>
        %dma_start3A_2586 = tpu.memref_squeeze %dma_start3A_2585 : memref<1x1x64xf32, #tpu.memory_space<hbm>> -> memref<64xf32, #tpu.memory_space<hbm>>
        tpu.enqueue_dma source(%dma_start3A_2586 : memref<64xf32, #tpu.memory_space<hbm>>) target(%dma_start3A_2583 : memref<64xf32, #tpu.memory_space<vmem>>) target_semaphore(%arg16 : memref<!tpu.dma_semaphore, #tpu.memory_space<semaphore_mem>>)
        %slice3A_2587 = vector.extract_strided_slice %get3A_2271 {offsets = [7], sizes = [1], strides = [1]} : vector<16xi32> to vector<1xi32>
        %squeeze3A_2588 = vector.extract %slice3A_2587[0] : i32 from vector<1xi32>
        %shift_right_arithmetic3A_2589 = arith.constant 3 : i32
        %shift_right_arithmetic3A_2590 = arith.shrsi %squeeze3A_2588, %shift_right_arithmetic3A_2589 : i32
        %slice3A_2591 = vector.extract_strided_slice %get3A_2271 {offsets = [7], sizes = [1], strides = [1]} : vector<16xi32> to vector<1xi32>
        %squeeze3A_2592 = vector.extract %slice3A_2591[0] : i32 from vector<1xi32>
        %and3A_2593 = arith.constant 7 : i32
        %and3A_2594 = arith.andi %squeeze3A_2592, %and3A_2593 : i32
        %dma_start3A_2595 = arith.constant 23 : i32
        %dma_start3A_2596 = arith.constant 0 : i32
        %dma_start3A_2597 = tpu.memref_slice %arg12[%sub3A_1575, %dma_start3A_2595, %dma_start3A_2596] : memref<2x32x64xf32, #tpu.memory_space<vmem>> -> memref<1x1x64xf32, #tpu.memory_space<vmem>>
        %dma_start3A_2598 = tpu.memref_squeeze %dma_start3A_2597 : memref<1x1x64xf32, #tpu.memory_space<vmem>> -> memref<64xf32, #tpu.memory_space<vmem>>
        %dma_start3A_2599 = arith.constant 0 : i32
        %dma_start3A_2600 = tpu.memref_slice %arg5[%shift_right_arithmetic3A_2590, %and3A_2594, %dma_start3A_2599] : memref<125000x8x64xf32, #tpu.memory_space<hbm>> -> memref<1x1x64xf32, #tpu.memory_space<hbm>>
        %dma_start3A_2601 = tpu.memref_squeeze %dma_start3A_2600 : memref<1x1x64xf32, #tpu.memory_space<hbm>> -> memref<64xf32, #tpu.memory_space<hbm>>
        %dma_start3A_2602 = arith.constant 0 : i32
        %dma_start3A_2603 = tpu.memref_slice %arg12[%sub3A_1575, %dma_start3A_2595, %dma_start3A_2602] : memref<2x32x64xf32, #tpu.memory_space<vmem>> -> memref<1x1x64xf32, #tpu.memory_space<vmem>>
        %dma_start3A_2604 = tpu.memref_squeeze %dma_start3A_2603 : memref<1x1x64xf32, #tpu.memory_space<vmem>> -> memref<64xf32, #tpu.memory_space<vmem>>
        %dma_start3A_2605 = arith.constant 0 : i32
        %dma_start3A_2606 = tpu.memref_slice %arg5[%shift_right_arithmetic3A_2590, %and3A_2594, %dma_start3A_2605] : memref<125000x8x64xf32, #tpu.memory_space<hbm>> -> memref<1x1x64xf32, #tpu.memory_space<hbm>>
        %dma_start3A_2607 = tpu.memref_squeeze %dma_start3A_2606 : memref<1x1x64xf32, #tpu.memory_space<hbm>> -> memref<64xf32, #tpu.memory_space<hbm>>
        tpu.enqueue_dma source(%dma_start3A_2607 : memref<64xf32, #tpu.memory_space<hbm>>) target(%dma_start3A_2604 : memref<64xf32, #tpu.memory_space<vmem>>) target_semaphore(%arg17 : memref<!tpu.dma_semaphore, #tpu.memory_space<semaphore_mem>>)
        %slice3A_2608 = vector.extract_strided_slice %get3A_2265 {offsets = [8], sizes = [1], strides = [1]} : vector<16xi32> to vector<1xi32>
        %squeeze3A_2609 = vector.extract %slice3A_2608[0] : i32 from vector<1xi32>
        %shift_right_arithmetic3A_2610 = arith.constant 3 : i32
        %shift_right_arithmetic3A_2611 = arith.shrsi %squeeze3A_2609, %shift_right_arithmetic3A_2610 : i32
        %slice3A_2612 = vector.extract_strided_slice %get3A_2265 {offsets = [8], sizes = [1], strides = [1]} : vector<16xi32> to vector<1xi32>
        %squeeze3A_2613 = vector.extract %slice3A_2612[0] : i32 from vector<1xi32>
        %and3A_2614 = arith.constant 7 : i32
        %and3A_2615 = arith.andi %squeeze3A_2613, %and3A_2614 : i32
        %dma_start3A_2616 = arith.constant 24 : i32
        %dma_start3A_2617 = arith.constant 0 : i32
        %dma_start3A_2618 = tpu.memref_slice %arg11[%sub3A_1575, %dma_start3A_2616, %dma_start3A_2617] : memref<2x32x64xf32, #tpu.memory_space<vmem>> -> memref<1x1x64xf32, #tpu.memory_space<vmem>>
        %dma_start3A_2619 = tpu.memref_squeeze %dma_start3A_2618 : memref<1x1x64xf32, #tpu.memory_space<vmem>> -> memref<64xf32, #tpu.memory_space<vmem>>
        %dma_start3A_2620 = arith.constant 0 : i32
        %dma_start3A_2621 = tpu.memref_slice %arg4[%shift_right_arithmetic3A_2611, %and3A_2615, %dma_start3A_2620] : memref<12500x8x64xf32, #tpu.memory_space<hbm>> -> memref<1x1x64xf32, #tpu.memory_space<hbm>>
        %dma_start3A_2622 = tpu.memref_squeeze %dma_start3A_2621 : memref<1x1x64xf32, #tpu.memory_space<hbm>> -> memref<64xf32, #tpu.memory_space<hbm>>
        %dma_start3A_2623 = arith.constant 0 : i32
        %dma_start3A_2624 = tpu.memref_slice %arg11[%sub3A_1575, %dma_start3A_2616, %dma_start3A_2623] : memref<2x32x64xf32, #tpu.memory_space<vmem>> -> memref<1x1x64xf32, #tpu.memory_space<vmem>>
        %dma_start3A_2625 = tpu.memref_squeeze %dma_start3A_2624 : memref<1x1x64xf32, #tpu.memory_space<vmem>> -> memref<64xf32, #tpu.memory_space<vmem>>
        %dma_start3A_2626 = arith.constant 0 : i32
        %dma_start3A_2627 = tpu.memref_slice %arg4[%shift_right_arithmetic3A_2611, %and3A_2615, %dma_start3A_2626] : memref<12500x8x64xf32, #tpu.memory_space<hbm>> -> memref<1x1x64xf32, #tpu.memory_space<hbm>>
        %dma_start3A_2628 = tpu.memref_squeeze %dma_start3A_2627 : memref<1x1x64xf32, #tpu.memory_space<hbm>> -> memref<64xf32, #tpu.memory_space<hbm>>
        tpu.enqueue_dma source(%dma_start3A_2628 : memref<64xf32, #tpu.memory_space<hbm>>) target(%dma_start3A_2625 : memref<64xf32, #tpu.memory_space<vmem>>) target_semaphore(%arg16 : memref<!tpu.dma_semaphore, #tpu.memory_space<semaphore_mem>>)
        %slice3A_2629 = vector.extract_strided_slice %get3A_2271 {offsets = [8], sizes = [1], strides = [1]} : vector<16xi32> to vector<1xi32>
        %squeeze3A_2630 = vector.extract %slice3A_2629[0] : i32 from vector<1xi32>
        %shift_right_arithmetic3A_2631 = arith.constant 3 : i32
        %shift_right_arithmetic3A_2632 = arith.shrsi %squeeze3A_2630, %shift_right_arithmetic3A_2631 : i32
        %slice3A_2633 = vector.extract_strided_slice %get3A_2271 {offsets = [8], sizes = [1], strides = [1]} : vector<16xi32> to vector<1xi32>
        %squeeze3A_2634 = vector.extract %slice3A_2633[0] : i32 from vector<1xi32>
        %and3A_2635 = arith.constant 7 : i32
        %and3A_2636 = arith.andi %squeeze3A_2634, %and3A_2635 : i32
        %dma_start3A_2637 = arith.constant 24 : i32
        %dma_start3A_2638 = arith.constant 0 : i32
        %dma_start3A_2639 = tpu.memref_slice %arg12[%sub3A_1575, %dma_start3A_2637, %dma_start3A_2638] : memref<2x32x64xf32, #tpu.memory_space<vmem>> -> memref<1x1x64xf32, #tpu.memory_space<vmem>>
        %dma_start3A_2640 = tpu.memref_squeeze %dma_start3A_2639 : memref<1x1x64xf32, #tpu.memory_space<vmem>> -> memref<64xf32, #tpu.memory_space<vmem>>
        %dma_start3A_2641 = arith.constant 0 : i32
        %dma_start3A_2642 = tpu.memref_slice %arg5[%shift_right_arithmetic3A_2632, %and3A_2636, %dma_start3A_2641] : memref<125000x8x64xf32, #tpu.memory_space<hbm>> -> memref<1x1x64xf32, #tpu.memory_space<hbm>>
        %dma_start3A_2643 = tpu.memref_squeeze %dma_start3A_2642 : memref<1x1x64xf32, #tpu.memory_space<hbm>> -> memref<64xf32, #tpu.memory_space<hbm>>
        %dma_start3A_2644 = arith.constant 0 : i32
        %dma_start3A_2645 = tpu.memref_slice %arg12[%sub3A_1575, %dma_start3A_2637, %dma_start3A_2644] : memref<2x32x64xf32, #tpu.memory_space<vmem>> -> memref<1x1x64xf32, #tpu.memory_space<vmem>>
        %dma_start3A_2646 = tpu.memref_squeeze %dma_start3A_2645 : memref<1x1x64xf32, #tpu.memory_space<vmem>> -> memref<64xf32, #tpu.memory_space<vmem>>
        %dma_start3A_2647 = arith.constant 0 : i32
        %dma_start3A_2648 = tpu.memref_slice %arg5[%shift_right_arithmetic3A_2632, %and3A_2636, %dma_start3A_2647] : memref<125000x8x64xf32, #tpu.memory_space<hbm>> -> memref<1x1x64xf32, #tpu.memory_space<hbm>>
        %dma_start3A_2649 = tpu.memref_squeeze %dma_start3A_2648 : memref<1x1x64xf32, #tpu.memory_space<hbm>> -> memref<64xf32, #tpu.memory_space<hbm>>
        tpu.enqueue_dma source(%dma_start3A_2649 : memref<64xf32, #tpu.memory_space<hbm>>) target(%dma_start3A_2646 : memref<64xf32, #tpu.memory_space<vmem>>) target_semaphore(%arg17 : memref<!tpu.dma_semaphore, #tpu.memory_space<semaphore_mem>>)
        %slice3A_2650 = vector.extract_strided_slice %get3A_2265 {offsets = [9], sizes = [1], strides = [1]} : vector<16xi32> to vector<1xi32>
        %squeeze3A_2651 = vector.extract %slice3A_2650[0] : i32 from vector<1xi32>
        %shift_right_arithmetic3A_2652 = arith.constant 3 : i32
        %shift_right_arithmetic3A_2653 = arith.shrsi %squeeze3A_2651, %shift_right_arithmetic3A_2652 : i32
        %slice3A_2654 = vector.extract_strided_slice %get3A_2265 {offsets = [9], sizes = [1], strides = [1]} : vector<16xi32> to vector<1xi32>
        %squeeze3A_2655 = vector.extract %slice3A_2654[0] : i32 from vector<1xi32>
        %and3A_2656 = arith.constant 7 : i32
        %and3A_2657 = arith.andi %squeeze3A_2655, %and3A_2656 : i32
        %dma_start3A_2658 = arith.constant 25 : i32
        %dma_start3A_2659 = arith.constant 0 : i32
        %dma_start3A_2660 = tpu.memref_slice %arg11[%sub3A_1575, %dma_start3A_2658, %dma_start3A_2659] : memref<2x32x64xf32, #tpu.memory_space<vmem>> -> memref<1x1x64xf32, #tpu.memory_space<vmem>>
        %dma_start3A_2661 = tpu.memref_squeeze %dma_start3A_2660 : memref<1x1x64xf32, #tpu.memory_space<vmem>> -> memref<64xf32, #tpu.memory_space<vmem>>
        %dma_start3A_2662 = arith.constant 0 : i32
        %dma_start3A_2663 = tpu.memref_slice %arg4[%shift_right_arithmetic3A_2653, %and3A_2657, %dma_start3A_2662] : memref<12500x8x64xf32, #tpu.memory_space<hbm>> -> memref<1x1x64xf32, #tpu.memory_space<hbm>>
        %dma_start3A_2664 = tpu.memref_squeeze %dma_start3A_2663 : memref<1x1x64xf32, #tpu.memory_space<hbm>> -> memref<64xf32, #tpu.memory_space<hbm>>
        %dma_start3A_2665 = arith.constant 0 : i32
        %dma_start3A_2666 = tpu.memref_slice %arg11[%sub3A_1575, %dma_start3A_2658, %dma_start3A_2665] : memref<2x32x64xf32, #tpu.memory_space<vmem>> -> memref<1x1x64xf32, #tpu.memory_space<vmem>>
        %dma_start3A_2667 = tpu.memref_squeeze %dma_start3A_2666 : memref<1x1x64xf32, #tpu.memory_space<vmem>> -> memref<64xf32, #tpu.memory_space<vmem>>
        %dma_start3A_2668 = arith.constant 0 : i32
        %dma_start3A_2669 = tpu.memref_slice %arg4[%shift_right_arithmetic3A_2653, %and3A_2657, %dma_start3A_2668] : memref<12500x8x64xf32, #tpu.memory_space<hbm>> -> memref<1x1x64xf32, #tpu.memory_space<hbm>>
        %dma_start3A_2670 = tpu.memref_squeeze %dma_start3A_2669 : memref<1x1x64xf32, #tpu.memory_space<hbm>> -> memref<64xf32, #tpu.memory_space<hbm>>
        tpu.enqueue_dma source(%dma_start3A_2670 : memref<64xf32, #tpu.memory_space<hbm>>) target(%dma_start3A_2667 : memref<64xf32, #tpu.memory_space<vmem>>) target_semaphore(%arg16 : memref<!tpu.dma_semaphore, #tpu.memory_space<semaphore_mem>>)
        %slice3A_2671 = vector.extract_strided_slice %get3A_2271 {offsets = [9], sizes = [1], strides = [1]} : vector<16xi32> to vector<1xi32>
        %squeeze3A_2672 = vector.extract %slice3A_2671[0] : i32 from vector<1xi32>
        %shift_right_arithmetic3A_2673 = arith.constant 3 : i32
        %shift_right_arithmetic3A_2674 = arith.shrsi %squeeze3A_2672, %shift_right_arithmetic3A_2673 : i32
        %slice3A_2675 = vector.extract_strided_slice %get3A_2271 {offsets = [9], sizes = [1], strides = [1]} : vector<16xi32> to vector<1xi32>
        %squeeze3A_2676 = vector.extract %slice3A_2675[0] : i32 from vector<1xi32>
        %and3A_2677 = arith.constant 7 : i32
        %and3A_2678 = arith.andi %squeeze3A_2676, %and3A_2677 : i32
        %dma_start3A_2679 = arith.constant 25 : i32
        %dma_start3A_2680 = arith.constant 0 : i32
        %dma_start3A_2681 = tpu.memref_slice %arg12[%sub3A_1575, %dma_start3A_2679, %dma_start3A_2680] : memref<2x32x64xf32, #tpu.memory_space<vmem>> -> memref<1x1x64xf32, #tpu.memory_space<vmem>>
        %dma_start3A_2682 = tpu.memref_squeeze %dma_start3A_2681 : memref<1x1x64xf32, #tpu.memory_space<vmem>> -> memref<64xf32, #tpu.memory_space<vmem>>
        %dma_start3A_2683 = arith.constant 0 : i32
        %dma_start3A_2684 = tpu.memref_slice %arg5[%shift_right_arithmetic3A_2674, %and3A_2678, %dma_start3A_2683] : memref<125000x8x64xf32, #tpu.memory_space<hbm>> -> memref<1x1x64xf32, #tpu.memory_space<hbm>>
        %dma_start3A_2685 = tpu.memref_squeeze %dma_start3A_2684 : memref<1x1x64xf32, #tpu.memory_space<hbm>> -> memref<64xf32, #tpu.memory_space<hbm>>
        %dma_start3A_2686 = arith.constant 0 : i32
        %dma_start3A_2687 = tpu.memref_slice %arg12[%sub3A_1575, %dma_start3A_2679, %dma_start3A_2686] : memref<2x32x64xf32, #tpu.memory_space<vmem>> -> memref<1x1x64xf32, #tpu.memory_space<vmem>>
        %dma_start3A_2688 = tpu.memref_squeeze %dma_start3A_2687 : memref<1x1x64xf32, #tpu.memory_space<vmem>> -> memref<64xf32, #tpu.memory_space<vmem>>
        %dma_start3A_2689 = arith.constant 0 : i32
        %dma_start3A_2690 = tpu.memref_slice %arg5[%shift_right_arithmetic3A_2674, %and3A_2678, %dma_start3A_2689] : memref<125000x8x64xf32, #tpu.memory_space<hbm>> -> memref<1x1x64xf32, #tpu.memory_space<hbm>>
        %dma_start3A_2691 = tpu.memref_squeeze %dma_start3A_2690 : memref<1x1x64xf32, #tpu.memory_space<hbm>> -> memref<64xf32, #tpu.memory_space<hbm>>
        tpu.enqueue_dma source(%dma_start3A_2691 : memref<64xf32, #tpu.memory_space<hbm>>) target(%dma_start3A_2688 : memref<64xf32, #tpu.memory_space<vmem>>) target_semaphore(%arg17 : memref<!tpu.dma_semaphore, #tpu.memory_space<semaphore_mem>>)
        %slice3A_2692 = vector.extract_strided_slice %get3A_2265 {offsets = [10], sizes = [1], strides = [1]} : vector<16xi32> to vector<1xi32>
        %squeeze3A_2693 = vector.extract %slice3A_2692[0] : i32 from vector<1xi32>
        %shift_right_arithmetic3A_2694 = arith.constant 3 : i32
        %shift_right_arithmetic3A_2695 = arith.shrsi %squeeze3A_2693, %shift_right_arithmetic3A_2694 : i32
        %slice3A_2696 = vector.extract_strided_slice %get3A_2265 {offsets = [10], sizes = [1], strides = [1]} : vector<16xi32> to vector<1xi32>
        %squeeze3A_2697 = vector.extract %slice3A_2696[0] : i32 from vector<1xi32>
        %and3A_2698 = arith.constant 7 : i32
        %and3A_2699 = arith.andi %squeeze3A_2697, %and3A_2698 : i32
        %dma_start3A_2700 = arith.constant 26 : i32
        %dma_start3A_2701 = arith.constant 0 : i32
        %dma_start3A_2702 = tpu.memref_slice %arg11[%sub3A_1575, %dma_start3A_2700, %dma_start3A_2701] : memref<2x32x64xf32, #tpu.memory_space<vmem>> -> memref<1x1x64xf32, #tpu.memory_space<vmem>>
        %dma_start3A_2703 = tpu.memref_squeeze %dma_start3A_2702 : memref<1x1x64xf32, #tpu.memory_space<vmem>> -> memref<64xf32, #tpu.memory_space<vmem>>
        %dma_start3A_2704 = arith.constant 0 : i32
        %dma_start3A_2705 = tpu.memref_slice %arg4[%shift_right_arithmetic3A_2695, %and3A_2699, %dma_start3A_2704] : memref<12500x8x64xf32, #tpu.memory_space<hbm>> -> memref<1x1x64xf32, #tpu.memory_space<hbm>>
        %dma_start3A_2706 = tpu.memref_squeeze %dma_start3A_2705 : memref<1x1x64xf32, #tpu.memory_space<hbm>> -> memref<64xf32, #tpu.memory_space<hbm>>
        %dma_start3A_2707 = arith.constant 0 : i32
        %dma_start3A_2708 = tpu.memref_slice %arg11[%sub3A_1575, %dma_start3A_2700, %dma_start3A_2707] : memref<2x32x64xf32, #tpu.memory_space<vmem>> -> memref<1x1x64xf32, #tpu.memory_space<vmem>>
        %dma_start3A_2709 = tpu.memref_squeeze %dma_start3A_2708 : memref<1x1x64xf32, #tpu.memory_space<vmem>> -> memref<64xf32, #tpu.memory_space<vmem>>
        %dma_start3A_2710 = arith.constant 0 : i32
        %dma_start3A_2711 = tpu.memref_slice %arg4[%shift_right_arithmetic3A_2695, %and3A_2699, %dma_start3A_2710] : memref<12500x8x64xf32, #tpu.memory_space<hbm>> -> memref<1x1x64xf32, #tpu.memory_space<hbm>>
        %dma_start3A_2712 = tpu.memref_squeeze %dma_start3A_2711 : memref<1x1x64xf32, #tpu.memory_space<hbm>> -> memref<64xf32, #tpu.memory_space<hbm>>
        tpu.enqueue_dma source(%dma_start3A_2712 : memref<64xf32, #tpu.memory_space<hbm>>) target(%dma_start3A_2709 : memref<64xf32, #tpu.memory_space<vmem>>) target_semaphore(%arg16 : memref<!tpu.dma_semaphore, #tpu.memory_space<semaphore_mem>>)
        %slice3A_2713 = vector.extract_strided_slice %get3A_2271 {offsets = [10], sizes = [1], strides = [1]} : vector<16xi32> to vector<1xi32>
        %squeeze3A_2714 = vector.extract %slice3A_2713[0] : i32 from vector<1xi32>
        %shift_right_arithmetic3A_2715 = arith.constant 3 : i32
        %shift_right_arithmetic3A_2716 = arith.shrsi %squeeze3A_2714, %shift_right_arithmetic3A_2715 : i32
        %slice3A_2717 = vector.extract_strided_slice %get3A_2271 {offsets = [10], sizes = [1], strides = [1]} : vector<16xi32> to vector<1xi32>
        %squeeze3A_2718 = vector.extract %slice3A_2717[0] : i32 from vector<1xi32>
        %and3A_2719 = arith.constant 7 : i32
        %and3A_2720 = arith.andi %squeeze3A_2718, %and3A_2719 : i32
        %dma_start3A_2721 = arith.constant 26 : i32
        %dma_start3A_2722 = arith.constant 0 : i32
        %dma_start3A_2723 = tpu.memref_slice %arg12[%sub3A_1575, %dma_start3A_2721, %dma_start3A_2722] : memref<2x32x64xf32, #tpu.memory_space<vmem>> -> memref<1x1x64xf32, #tpu.memory_space<vmem>>
        %dma_start3A_2724 = tpu.memref_squeeze %dma_start3A_2723 : memref<1x1x64xf32, #tpu.memory_space<vmem>> -> memref<64xf32, #tpu.memory_space<vmem>>
        %dma_start3A_2725 = arith.constant 0 : i32
        %dma_start3A_2726 = tpu.memref_slice %arg5[%shift_right_arithmetic3A_2716, %and3A_2720, %dma_start3A_2725] : memref<125000x8x64xf32, #tpu.memory_space<hbm>> -> memref<1x1x64xf32, #tpu.memory_space<hbm>>
        %dma_start3A_2727 = tpu.memref_squeeze %dma_start3A_2726 : memref<1x1x64xf32, #tpu.memory_space<hbm>> -> memref<64xf32, #tpu.memory_space<hbm>>
        %dma_start3A_2728 = arith.constant 0 : i32
        %dma_start3A_2729 = tpu.memref_slice %arg12[%sub3A_1575, %dma_start3A_2721, %dma_start3A_2728] : memref<2x32x64xf32, #tpu.memory_space<vmem>> -> memref<1x1x64xf32, #tpu.memory_space<vmem>>
        %dma_start3A_2730 = tpu.memref_squeeze %dma_start3A_2729 : memref<1x1x64xf32, #tpu.memory_space<vmem>> -> memref<64xf32, #tpu.memory_space<vmem>>
        %dma_start3A_2731 = arith.constant 0 : i32
        %dma_start3A_2732 = tpu.memref_slice %arg5[%shift_right_arithmetic3A_2716, %and3A_2720, %dma_start3A_2731] : memref<125000x8x64xf32, #tpu.memory_space<hbm>> -> memref<1x1x64xf32, #tpu.memory_space<hbm>>
        %dma_start3A_2733 = tpu.memref_squeeze %dma_start3A_2732 : memref<1x1x64xf32, #tpu.memory_space<hbm>> -> memref<64xf32, #tpu.memory_space<hbm>>
        tpu.enqueue_dma source(%dma_start3A_2733 : memref<64xf32, #tpu.memory_space<hbm>>) target(%dma_start3A_2730 : memref<64xf32, #tpu.memory_space<vmem>>) target_semaphore(%arg17 : memref<!tpu.dma_semaphore, #tpu.memory_space<semaphore_mem>>)
        %slice3A_2734 = vector.extract_strided_slice %get3A_2265 {offsets = [11], sizes = [1], strides = [1]} : vector<16xi32> to vector<1xi32>
        %squeeze3A_2735 = vector.extract %slice3A_2734[0] : i32 from vector<1xi32>
        %shift_right_arithmetic3A_2736 = arith.constant 3 : i32
        %shift_right_arithmetic3A_2737 = arith.shrsi %squeeze3A_2735, %shift_right_arithmetic3A_2736 : i32
        %slice3A_2738 = vector.extract_strided_slice %get3A_2265 {offsets = [11], sizes = [1], strides = [1]} : vector<16xi32> to vector<1xi32>
        %squeeze3A_2739 = vector.extract %slice3A_2738[0] : i32 from vector<1xi32>
        %and3A_2740 = arith.constant 7 : i32
        %and3A_2741 = arith.andi %squeeze3A_2739, %and3A_2740 : i32
        %dma_start3A_2742 = arith.constant 27 : i32
        %dma_start3A_2743 = arith.constant 0 : i32
        %dma_start3A_2744 = tpu.memref_slice %arg11[%sub3A_1575, %dma_start3A_2742, %dma_start3A_2743] : memref<2x32x64xf32, #tpu.memory_space<vmem>> -> memref<1x1x64xf32, #tpu.memory_space<vmem>>
        %dma_start3A_2745 = tpu.memref_squeeze %dma_start3A_2744 : memref<1x1x64xf32, #tpu.memory_space<vmem>> -> memref<64xf32, #tpu.memory_space<vmem>>
        %dma_start3A_2746 = arith.constant 0 : i32
        %dma_start3A_2747 = tpu.memref_slice %arg4[%shift_right_arithmetic3A_2737, %and3A_2741, %dma_start3A_2746] : memref<12500x8x64xf32, #tpu.memory_space<hbm>> -> memref<1x1x64xf32, #tpu.memory_space<hbm>>
        %dma_start3A_2748 = tpu.memref_squeeze %dma_start3A_2747 : memref<1x1x64xf32, #tpu.memory_space<hbm>> -> memref<64xf32, #tpu.memory_space<hbm>>
        %dma_start3A_2749 = arith.constant 0 : i32
        %dma_start3A_2750 = tpu.memref_slice %arg11[%sub3A_1575, %dma_start3A_2742, %dma_start3A_2749] : memref<2x32x64xf32, #tpu.memory_space<vmem>> -> memref<1x1x64xf32, #tpu.memory_space<vmem>>
        %dma_start3A_2751 = tpu.memref_squeeze %dma_start3A_2750 : memref<1x1x64xf32, #tpu.memory_space<vmem>> -> memref<64xf32, #tpu.memory_space<vmem>>
        %dma_start3A_2752 = arith.constant 0 : i32
        %dma_start3A_2753 = tpu.memref_slice %arg4[%shift_right_arithmetic3A_2737, %and3A_2741, %dma_start3A_2752] : memref<12500x8x64xf32, #tpu.memory_space<hbm>> -> memref<1x1x64xf32, #tpu.memory_space<hbm>>
        %dma_start3A_2754 = tpu.memref_squeeze %dma_start3A_2753 : memref<1x1x64xf32, #tpu.memory_space<hbm>> -> memref<64xf32, #tpu.memory_space<hbm>>
        tpu.enqueue_dma source(%dma_start3A_2754 : memref<64xf32, #tpu.memory_space<hbm>>) target(%dma_start3A_2751 : memref<64xf32, #tpu.memory_space<vmem>>) target_semaphore(%arg16 : memref<!tpu.dma_semaphore, #tpu.memory_space<semaphore_mem>>)
        %slice3A_2755 = vector.extract_strided_slice %get3A_2271 {offsets = [11], sizes = [1], strides = [1]} : vector<16xi32> to vector<1xi32>
        %squeeze3A_2756 = vector.extract %slice3A_2755[0] : i32 from vector<1xi32>
        %shift_right_arithmetic3A_2757 = arith.constant 3 : i32
        %shift_right_arithmetic3A_2758 = arith.shrsi %squeeze3A_2756, %shift_right_arithmetic3A_2757 : i32
        %slice3A_2759 = vector.extract_strided_slice %get3A_2271 {offsets = [11], sizes = [1], strides = [1]} : vector<16xi32> to vector<1xi32>
        %squeeze3A_2760 = vector.extract %slice3A_2759[0] : i32 from vector<1xi32>
        %and3A_2761 = arith.constant 7 : i32
        %and3A_2762 = arith.andi %squeeze3A_2760, %and3A_2761 : i32
        %dma_start3A_2763 = arith.constant 27 : i32
        %dma_start3A_2764 = arith.constant 0 : i32
        %dma_start3A_2765 = tpu.memref_slice %arg12[%sub3A_1575, %dma_start3A_2763, %dma_start3A_2764] : memref<2x32x64xf32, #tpu.memory_space<vmem>> -> memref<1x1x64xf32, #tpu.memory_space<vmem>>
        %dma_start3A_2766 = tpu.memref_squeeze %dma_start3A_2765 : memref<1x1x64xf32, #tpu.memory_space<vmem>> -> memref<64xf32, #tpu.memory_space<vmem>>
        %dma_start3A_2767 = arith.constant 0 : i32
        %dma_start3A_2768 = tpu.memref_slice %arg5[%shift_right_arithmetic3A_2758, %and3A_2762, %dma_start3A_2767] : memref<125000x8x64xf32, #tpu.memory_space<hbm>> -> memref<1x1x64xf32, #tpu.memory_space<hbm>>
        %dma_start3A_2769 = tpu.memref_squeeze %dma_start3A_2768 : memref<1x1x64xf32, #tpu.memory_space<hbm>> -> memref<64xf32, #tpu.memory_space<hbm>>
        %dma_start3A_2770 = arith.constant 0 : i32
        %dma_start3A_2771 = tpu.memref_slice %arg12[%sub3A_1575, %dma_start3A_2763, %dma_start3A_2770] : memref<2x32x64xf32, #tpu.memory_space<vmem>> -> memref<1x1x64xf32, #tpu.memory_space<vmem>>
        %dma_start3A_2772 = tpu.memref_squeeze %dma_start3A_2771 : memref<1x1x64xf32, #tpu.memory_space<vmem>> -> memref<64xf32, #tpu.memory_space<vmem>>
        %dma_start3A_2773 = arith.constant 0 : i32
        %dma_start3A_2774 = tpu.memref_slice %arg5[%shift_right_arithmetic3A_2758, %and3A_2762, %dma_start3A_2773] : memref<125000x8x64xf32, #tpu.memory_space<hbm>> -> memref<1x1x64xf32, #tpu.memory_space<hbm>>
        %dma_start3A_2775 = tpu.memref_squeeze %dma_start3A_2774 : memref<1x1x64xf32, #tpu.memory_space<hbm>> -> memref<64xf32, #tpu.memory_space<hbm>>
        tpu.enqueue_dma source(%dma_start3A_2775 : memref<64xf32, #tpu.memory_space<hbm>>) target(%dma_start3A_2772 : memref<64xf32, #tpu.memory_space<vmem>>) target_semaphore(%arg17 : memref<!tpu.dma_semaphore, #tpu.memory_space<semaphore_mem>>)
        %slice3A_2776 = vector.extract_strided_slice %get3A_2265 {offsets = [12], sizes = [1], strides = [1]} : vector<16xi32> to vector<1xi32>
        %squeeze3A_2777 = vector.extract %slice3A_2776[0] : i32 from vector<1xi32>
        %shift_right_arithmetic3A_2778 = arith.constant 3 : i32
        %shift_right_arithmetic3A_2779 = arith.shrsi %squeeze3A_2777, %shift_right_arithmetic3A_2778 : i32
        %slice3A_2780 = vector.extract_strided_slice %get3A_2265 {offsets = [12], sizes = [1], strides = [1]} : vector<16xi32> to vector<1xi32>
        %squeeze3A_2781 = vector.extract %slice3A_2780[0] : i32 from vector<1xi32>
        %and3A_2782 = arith.constant 7 : i32
        %and3A_2783 = arith.andi %squeeze3A_2781, %and3A_2782 : i32
        %dma_start3A_2784 = arith.constant 28 : i32
        %dma_start3A_2785 = arith.constant 0 : i32
        %dma_start3A_2786 = tpu.memref_slice %arg11[%sub3A_1575, %dma_start3A_2784, %dma_start3A_2785] : memref<2x32x64xf32, #tpu.memory_space<vmem>> -> memref<1x1x64xf32, #tpu.memory_space<vmem>>
        %dma_start3A_2787 = tpu.memref_squeeze %dma_start3A_2786 : memref<1x1x64xf32, #tpu.memory_space<vmem>> -> memref<64xf32, #tpu.memory_space<vmem>>
        %dma_start3A_2788 = arith.constant 0 : i32
        %dma_start3A_2789 = tpu.memref_slice %arg4[%shift_right_arithmetic3A_2779, %and3A_2783, %dma_start3A_2788] : memref<12500x8x64xf32, #tpu.memory_space<hbm>> -> memref<1x1x64xf32, #tpu.memory_space<hbm>>
        %dma_start3A_2790 = tpu.memref_squeeze %dma_start3A_2789 : memref<1x1x64xf32, #tpu.memory_space<hbm>> -> memref<64xf32, #tpu.memory_space<hbm>>
        %dma_start3A_2791 = arith.constant 0 : i32
        %dma_start3A_2792 = tpu.memref_slice %arg11[%sub3A_1575, %dma_start3A_2784, %dma_start3A_2791] : memref<2x32x64xf32, #tpu.memory_space<vmem>> -> memref<1x1x64xf32, #tpu.memory_space<vmem>>
        %dma_start3A_2793 = tpu.memref_squeeze %dma_start3A_2792 : memref<1x1x64xf32, #tpu.memory_space<vmem>> -> memref<64xf32, #tpu.memory_space<vmem>>
        %dma_start3A_2794 = arith.constant 0 : i32
        %dma_start3A_2795 = tpu.memref_slice %arg4[%shift_right_arithmetic3A_2779, %and3A_2783, %dma_start3A_2794] : memref<12500x8x64xf32, #tpu.memory_space<hbm>> -> memref<1x1x64xf32, #tpu.memory_space<hbm>>
        %dma_start3A_2796 = tpu.memref_squeeze %dma_start3A_2795 : memref<1x1x64xf32, #tpu.memory_space<hbm>> -> memref<64xf32, #tpu.memory_space<hbm>>
        tpu.enqueue_dma source(%dma_start3A_2796 : memref<64xf32, #tpu.memory_space<hbm>>) target(%dma_start3A_2793 : memref<64xf32, #tpu.memory_space<vmem>>) target_semaphore(%arg16 : memref<!tpu.dma_semaphore, #tpu.memory_space<semaphore_mem>>)
        %slice3A_2797 = vector.extract_strided_slice %get3A_2271 {offsets = [12], sizes = [1], strides = [1]} : vector<16xi32> to vector<1xi32>
        %squeeze3A_2798 = vector.extract %slice3A_2797[0] : i32 from vector<1xi32>
        %shift_right_arithmetic3A_2799 = arith.constant 3 : i32
        %shift_right_arithmetic3A_2800 = arith.shrsi %squeeze3A_2798, %shift_right_arithmetic3A_2799 : i32
        %slice3A_2801 = vector.extract_strided_slice %get3A_2271 {offsets = [12], sizes = [1], strides = [1]} : vector<16xi32> to vector<1xi32>
        %squeeze3A_2802 = vector.extract %slice3A_2801[0] : i32 from vector<1xi32>
        %and3A_2803 = arith.constant 7 : i32
        %and3A_2804 = arith.andi %squeeze3A_2802, %and3A_2803 : i32
        %dma_start3A_2805 = arith.constant 28 : i32
        %dma_start3A_2806 = arith.constant 0 : i32
        %dma_start3A_2807 = tpu.memref_slice %arg12[%sub3A_1575, %dma_start3A_2805, %dma_start3A_2806] : memref<2x32x64xf32, #tpu.memory_space<vmem>> -> memref<1x1x64xf32, #tpu.memory_space<vmem>>
        %dma_start3A_2808 = tpu.memref_squeeze %dma_start3A_2807 : memref<1x1x64xf32, #tpu.memory_space<vmem>> -> memref<64xf32, #tpu.memory_space<vmem>>
        %dma_start3A_2809 = arith.constant 0 : i32
        %dma_start3A_2810 = tpu.memref_slice %arg5[%shift_right_arithmetic3A_2800, %and3A_2804, %dma_start3A_2809] : memref<125000x8x64xf32, #tpu.memory_space<hbm>> -> memref<1x1x64xf32, #tpu.memory_space<hbm>>
        %dma_start3A_2811 = tpu.memref_squeeze %dma_start3A_2810 : memref<1x1x64xf32, #tpu.memory_space<hbm>> -> memref<64xf32, #tpu.memory_space<hbm>>
        %dma_start3A_2812 = arith.constant 0 : i32
        %dma_start3A_2813 = tpu.memref_slice %arg12[%sub3A_1575, %dma_start3A_2805, %dma_start3A_2812] : memref<2x32x64xf32, #tpu.memory_space<vmem>> -> memref<1x1x64xf32, #tpu.memory_space<vmem>>
        %dma_start3A_2814 = tpu.memref_squeeze %dma_start3A_2813 : memref<1x1x64xf32, #tpu.memory_space<vmem>> -> memref<64xf32, #tpu.memory_space<vmem>>
        %dma_start3A_2815 = arith.constant 0 : i32
        %dma_start3A_2816 = tpu.memref_slice %arg5[%shift_right_arithmetic3A_2800, %and3A_2804, %dma_start3A_2815] : memref<125000x8x64xf32, #tpu.memory_space<hbm>> -> memref<1x1x64xf32, #tpu.memory_space<hbm>>
        %dma_start3A_2817 = tpu.memref_squeeze %dma_start3A_2816 : memref<1x1x64xf32, #tpu.memory_space<hbm>> -> memref<64xf32, #tpu.memory_space<hbm>>
        tpu.enqueue_dma source(%dma_start3A_2817 : memref<64xf32, #tpu.memory_space<hbm>>) target(%dma_start3A_2814 : memref<64xf32, #tpu.memory_space<vmem>>) target_semaphore(%arg17 : memref<!tpu.dma_semaphore, #tpu.memory_space<semaphore_mem>>)
        %slice3A_2818 = vector.extract_strided_slice %get3A_2265 {offsets = [13], sizes = [1], strides = [1]} : vector<16xi32> to vector<1xi32>
        %squeeze3A_2819 = vector.extract %slice3A_2818[0] : i32 from vector<1xi32>
        %shift_right_arithmetic3A_2820 = arith.constant 3 : i32
        %shift_right_arithmetic3A_2821 = arith.shrsi %squeeze3A_2819, %shift_right_arithmetic3A_2820 : i32
        %slice3A_2822 = vector.extract_strided_slice %get3A_2265 {offsets = [13], sizes = [1], strides = [1]} : vector<16xi32> to vector<1xi32>
        %squeeze3A_2823 = vector.extract %slice3A_2822[0] : i32 from vector<1xi32>
        %and3A_2824 = arith.constant 7 : i32
        %and3A_2825 = arith.andi %squeeze3A_2823, %and3A_2824 : i32
        %dma_start3A_2826 = arith.constant 29 : i32
        %dma_start3A_2827 = arith.constant 0 : i32
        %dma_start3A_2828 = tpu.memref_slice %arg11[%sub3A_1575, %dma_start3A_2826, %dma_start3A_2827] : memref<2x32x64xf32, #tpu.memory_space<vmem>> -> memref<1x1x64xf32, #tpu.memory_space<vmem>>
        %dma_start3A_2829 = tpu.memref_squeeze %dma_start3A_2828 : memref<1x1x64xf32, #tpu.memory_space<vmem>> -> memref<64xf32, #tpu.memory_space<vmem>>
        %dma_start3A_2830 = arith.constant 0 : i32
        %dma_start3A_2831 = tpu.memref_slice %arg4[%shift_right_arithmetic3A_2821, %and3A_2825, %dma_start3A_2830] : memref<12500x8x64xf32, #tpu.memory_space<hbm>> -> memref<1x1x64xf32, #tpu.memory_space<hbm>>
        %dma_start3A_2832 = tpu.memref_squeeze %dma_start3A_2831 : memref<1x1x64xf32, #tpu.memory_space<hbm>> -> memref<64xf32, #tpu.memory_space<hbm>>
        %dma_start3A_2833 = arith.constant 0 : i32
        %dma_start3A_2834 = tpu.memref_slice %arg11[%sub3A_1575, %dma_start3A_2826, %dma_start3A_2833] : memref<2x32x64xf32, #tpu.memory_space<vmem>> -> memref<1x1x64xf32, #tpu.memory_space<vmem>>
        %dma_start3A_2835 = tpu.memref_squeeze %dma_start3A_2834 : memref<1x1x64xf32, #tpu.memory_space<vmem>> -> memref<64xf32, #tpu.memory_space<vmem>>
        %dma_start3A_2836 = arith.constant 0 : i32
        %dma_start3A_2837 = tpu.memref_slice %arg4[%shift_right_arithmetic3A_2821, %and3A_2825, %dma_start3A_2836] : memref<12500x8x64xf32, #tpu.memory_space<hbm>> -> memref<1x1x64xf32, #tpu.memory_space<hbm>>
        %dma_start3A_2838 = tpu.memref_squeeze %dma_start3A_2837 : memref<1x1x64xf32, #tpu.memory_space<hbm>> -> memref<64xf32, #tpu.memory_space<hbm>>
        tpu.enqueue_dma source(%dma_start3A_2838 : memref<64xf32, #tpu.memory_space<hbm>>) target(%dma_start3A_2835 : memref<64xf32, #tpu.memory_space<vmem>>) target_semaphore(%arg16 : memref<!tpu.dma_semaphore, #tpu.memory_space<semaphore_mem>>)
        %slice3A_2839 = vector.extract_strided_slice %get3A_2271 {offsets = [13], sizes = [1], strides = [1]} : vector<16xi32> to vector<1xi32>
        %squeeze3A_2840 = vector.extract %slice3A_2839[0] : i32 from vector<1xi32>
        %shift_right_arithmetic3A_2841 = arith.constant 3 : i32
        %shift_right_arithmetic3A_2842 = arith.shrsi %squeeze3A_2840, %shift_right_arithmetic3A_2841 : i32
        %slice3A_2843 = vector.extract_strided_slice %get3A_2271 {offsets = [13], sizes = [1], strides = [1]} : vector<16xi32> to vector<1xi32>
        %squeeze3A_2844 = vector.extract %slice3A_2843[0] : i32 from vector<1xi32>
        %and3A_2845 = arith.constant 7 : i32
        %and3A_2846 = arith.andi %squeeze3A_2844, %and3A_2845 : i32
        %dma_start3A_2847 = arith.constant 29 : i32
        %dma_start3A_2848 = arith.constant 0 : i32
        %dma_start3A_2849 = tpu.memref_slice %arg12[%sub3A_1575, %dma_start3A_2847, %dma_start3A_2848] : memref<2x32x64xf32, #tpu.memory_space<vmem>> -> memref<1x1x64xf32, #tpu.memory_space<vmem>>
        %dma_start3A_2850 = tpu.memref_squeeze %dma_start3A_2849 : memref<1x1x64xf32, #tpu.memory_space<vmem>> -> memref<64xf32, #tpu.memory_space<vmem>>
        %dma_start3A_2851 = arith.constant 0 : i32
        %dma_start3A_2852 = tpu.memref_slice %arg5[%shift_right_arithmetic3A_2842, %and3A_2846, %dma_start3A_2851] : memref<125000x8x64xf32, #tpu.memory_space<hbm>> -> memref<1x1x64xf32, #tpu.memory_space<hbm>>
        %dma_start3A_2853 = tpu.memref_squeeze %dma_start3A_2852 : memref<1x1x64xf32, #tpu.memory_space<hbm>> -> memref<64xf32, #tpu.memory_space<hbm>>
        %dma_start3A_2854 = arith.constant 0 : i32
        %dma_start3A_2855 = tpu.memref_slice %arg12[%sub3A_1575, %dma_start3A_2847, %dma_start3A_2854] : memref<2x32x64xf32, #tpu.memory_space<vmem>> -> memref<1x1x64xf32, #tpu.memory_space<vmem>>
        %dma_start3A_2856 = tpu.memref_squeeze %dma_start3A_2855 : memref<1x1x64xf32, #tpu.memory_space<vmem>> -> memref<64xf32, #tpu.memory_space<vmem>>
        %dma_start3A_2857 = arith.constant 0 : i32
        %dma_start3A_2858 = tpu.memref_slice %arg5[%shift_right_arithmetic3A_2842, %and3A_2846, %dma_start3A_2857] : memref<125000x8x64xf32, #tpu.memory_space<hbm>> -> memref<1x1x64xf32, #tpu.memory_space<hbm>>
        %dma_start3A_2859 = tpu.memref_squeeze %dma_start3A_2858 : memref<1x1x64xf32, #tpu.memory_space<hbm>> -> memref<64xf32, #tpu.memory_space<hbm>>
        tpu.enqueue_dma source(%dma_start3A_2859 : memref<64xf32, #tpu.memory_space<hbm>>) target(%dma_start3A_2856 : memref<64xf32, #tpu.memory_space<vmem>>) target_semaphore(%arg17 : memref<!tpu.dma_semaphore, #tpu.memory_space<semaphore_mem>>)
        %slice3A_2860 = vector.extract_strided_slice %get3A_2265 {offsets = [14], sizes = [1], strides = [1]} : vector<16xi32> to vector<1xi32>
        %squeeze3A_2861 = vector.extract %slice3A_2860[0] : i32 from vector<1xi32>
        %shift_right_arithmetic3A_2862 = arith.constant 3 : i32
        %shift_right_arithmetic3A_2863 = arith.shrsi %squeeze3A_2861, %shift_right_arithmetic3A_2862 : i32
        %slice3A_2864 = vector.extract_strided_slice %get3A_2265 {offsets = [14], sizes = [1], strides = [1]} : vector<16xi32> to vector<1xi32>
        %squeeze3A_2865 = vector.extract %slice3A_2864[0] : i32 from vector<1xi32>
        %and3A_2866 = arith.constant 7 : i32
        %and3A_2867 = arith.andi %squeeze3A_2865, %and3A_2866 : i32
        %dma_start3A_2868 = arith.constant 30 : i32
        %dma_start3A_2869 = arith.constant 0 : i32
        %dma_start3A_2870 = tpu.memref_slice %arg11[%sub3A_1575, %dma_start3A_2868, %dma_start3A_2869] : memref<2x32x64xf32, #tpu.memory_space<vmem>> -> memref<1x1x64xf32, #tpu.memory_space<vmem>>
        %dma_start3A_2871 = tpu.memref_squeeze %dma_start3A_2870 : memref<1x1x64xf32, #tpu.memory_space<vmem>> -> memref<64xf32, #tpu.memory_space<vmem>>
        %dma_start3A_2872 = arith.constant 0 : i32
        %dma_start3A_2873 = tpu.memref_slice %arg4[%shift_right_arithmetic3A_2863, %and3A_2867, %dma_start3A_2872] : memref<12500x8x64xf32, #tpu.memory_space<hbm>> -> memref<1x1x64xf32, #tpu.memory_space<hbm>>
        %dma_start3A_2874 = tpu.memref_squeeze %dma_start3A_2873 : memref<1x1x64xf32, #tpu.memory_space<hbm>> -> memref<64xf32, #tpu.memory_space<hbm>>
        %dma_start3A_2875 = arith.constant 0 : i32
        %dma_start3A_2876 = tpu.memref_slice %arg11[%sub3A_1575, %dma_start3A_2868, %dma_start3A_2875] : memref<2x32x64xf32, #tpu.memory_space<vmem>> -> memref<1x1x64xf32, #tpu.memory_space<vmem>>
        %dma_start3A_2877 = tpu.memref_squeeze %dma_start3A_2876 : memref<1x1x64xf32, #tpu.memory_space<vmem>> -> memref<64xf32, #tpu.memory_space<vmem>>
        %dma_start3A_2878 = arith.constant 0 : i32
        %dma_start3A_2879 = tpu.memref_slice %arg4[%shift_right_arithmetic3A_2863, %and3A_2867, %dma_start3A_2878] : memref<12500x8x64xf32, #tpu.memory_space<hbm>> -> memref<1x1x64xf32, #tpu.memory_space<hbm>>
        %dma_start3A_2880 = tpu.memref_squeeze %dma_start3A_2879 : memref<1x1x64xf32, #tpu.memory_space<hbm>> -> memref<64xf32, #tpu.memory_space<hbm>>
        tpu.enqueue_dma source(%dma_start3A_2880 : memref<64xf32, #tpu.memory_space<hbm>>) target(%dma_start3A_2877 : memref<64xf32, #tpu.memory_space<vmem>>) target_semaphore(%arg16 : memref<!tpu.dma_semaphore, #tpu.memory_space<semaphore_mem>>)
        %slice3A_2881 = vector.extract_strided_slice %get3A_2271 {offsets = [14], sizes = [1], strides = [1]} : vector<16xi32> to vector<1xi32>
        %squeeze3A_2882 = vector.extract %slice3A_2881[0] : i32 from vector<1xi32>
        %shift_right_arithmetic3A_2883 = arith.constant 3 : i32
        %shift_right_arithmetic3A_2884 = arith.shrsi %squeeze3A_2882, %shift_right_arithmetic3A_2883 : i32
        %slice3A_2885 = vector.extract_strided_slice %get3A_2271 {offsets = [14], sizes = [1], strides = [1]} : vector<16xi32> to vector<1xi32>
        %squeeze3A_2886 = vector.extract %slice3A_2885[0] : i32 from vector<1xi32>
        %and3A_2887 = arith.constant 7 : i32
        %and3A_2888 = arith.andi %squeeze3A_2886, %and3A_2887 : i32
        %dma_start3A_2889 = arith.constant 30 : i32
        %dma_start3A_2890 = arith.constant 0 : i32
        %dma_start3A_2891 = tpu.memref_slice %arg12[%sub3A_1575, %dma_start3A_2889, %dma_start3A_2890] : memref<2x32x64xf32, #tpu.memory_space<vmem>> -> memref<1x1x64xf32, #tpu.memory_space<vmem>>
        %dma_start3A_2892 = tpu.memref_squeeze %dma_start3A_2891 : memref<1x1x64xf32, #tpu.memory_space<vmem>> -> memref<64xf32, #tpu.memory_space<vmem>>
        %dma_start3A_2893 = arith.constant 0 : i32
        %dma_start3A_2894 = tpu.memref_slice %arg5[%shift_right_arithmetic3A_2884, %and3A_2888, %dma_start3A_2893] : memref<125000x8x64xf32, #tpu.memory_space<hbm>> -> memref<1x1x64xf32, #tpu.memory_space<hbm>>
        %dma_start3A_2895 = tpu.memref_squeeze %dma_start3A_2894 : memref<1x1x64xf32, #tpu.memory_space<hbm>> -> memref<64xf32, #tpu.memory_space<hbm>>
        %dma_start3A_2896 = arith.constant 0 : i32
        %dma_start3A_2897 = tpu.memref_slice %arg12[%sub3A_1575, %dma_start3A_2889, %dma_start3A_2896] : memref<2x32x64xf32, #tpu.memory_space<vmem>> -> memref<1x1x64xf32, #tpu.memory_space<vmem>>
        %dma_start3A_2898 = tpu.memref_squeeze %dma_start3A_2897 : memref<1x1x64xf32, #tpu.memory_space<vmem>> -> memref<64xf32, #tpu.memory_space<vmem>>
        %dma_start3A_2899 = arith.constant 0 : i32
        %dma_start3A_2900 = tpu.memref_slice %arg5[%shift_right_arithmetic3A_2884, %and3A_2888, %dma_start3A_2899] : memref<125000x8x64xf32, #tpu.memory_space<hbm>> -> memref<1x1x64xf32, #tpu.memory_space<hbm>>
        %dma_start3A_2901 = tpu.memref_squeeze %dma_start3A_2900 : memref<1x1x64xf32, #tpu.memory_space<hbm>> -> memref<64xf32, #tpu.memory_space<hbm>>
        tpu.enqueue_dma source(%dma_start3A_2901 : memref<64xf32, #tpu.memory_space<hbm>>) target(%dma_start3A_2898 : memref<64xf32, #tpu.memory_space<vmem>>) target_semaphore(%arg17 : memref<!tpu.dma_semaphore, #tpu.memory_space<semaphore_mem>>)
        %slice3A_2902 = vector.extract_strided_slice %get3A_2265 {offsets = [15], sizes = [1], strides = [1]} : vector<16xi32> to vector<1xi32>
        %squeeze3A_2903 = vector.extract %slice3A_2902[0] : i32 from vector<1xi32>
        %shift_right_arithmetic3A_2904 = arith.constant 3 : i32
        %shift_right_arithmetic3A_2905 = arith.shrsi %squeeze3A_2903, %shift_right_arithmetic3A_2904 : i32
        %slice3A_2906 = vector.extract_strided_slice %get3A_2265 {offsets = [15], sizes = [1], strides = [1]} : vector<16xi32> to vector<1xi32>
        %squeeze3A_2907 = vector.extract %slice3A_2906[0] : i32 from vector<1xi32>
        %and3A_2908 = arith.constant 7 : i32
        %and3A_2909 = arith.andi %squeeze3A_2907, %and3A_2908 : i32
        %dma_start3A_2910 = arith.constant 31 : i32
        %dma_start3A_2911 = arith.constant 0 : i32
        %dma_start3A_2912 = tpu.memref_slice %arg11[%sub3A_1575, %dma_start3A_2910, %dma_start3A_2911] : memref<2x32x64xf32, #tpu.memory_space<vmem>> -> memref<1x1x64xf32, #tpu.memory_space<vmem>>
        %dma_start3A_2913 = tpu.memref_squeeze %dma_start3A_2912 : memref<1x1x64xf32, #tpu.memory_space<vmem>> -> memref<64xf32, #tpu.memory_space<vmem>>
        %dma_start3A_2914 = arith.constant 0 : i32
        %dma_start3A_2915 = tpu.memref_slice %arg4[%shift_right_arithmetic3A_2905, %and3A_2909, %dma_start3A_2914] : memref<12500x8x64xf32, #tpu.memory_space<hbm>> -> memref<1x1x64xf32, #tpu.memory_space<hbm>>
        %dma_start3A_2916 = tpu.memref_squeeze %dma_start3A_2915 : memref<1x1x64xf32, #tpu.memory_space<hbm>> -> memref<64xf32, #tpu.memory_space<hbm>>
        %dma_start3A_2917 = arith.constant 0 : i32
        %dma_start3A_2918 = tpu.memref_slice %arg11[%sub3A_1575, %dma_start3A_2910, %dma_start3A_2917] : memref<2x32x64xf32, #tpu.memory_space<vmem>> -> memref<1x1x64xf32, #tpu.memory_space<vmem>>
        %dma_start3A_2919 = tpu.memref_squeeze %dma_start3A_2918 : memref<1x1x64xf32, #tpu.memory_space<vmem>> -> memref<64xf32, #tpu.memory_space<vmem>>
        %dma_start3A_2920 = arith.constant 0 : i32
        %dma_start3A_2921 = tpu.memref_slice %arg4[%shift_right_arithmetic3A_2905, %and3A_2909, %dma_start3A_2920] : memref<12500x8x64xf32, #tpu.memory_space<hbm>> -> memref<1x1x64xf32, #tpu.memory_space<hbm>>
        %dma_start3A_2922 = tpu.memref_squeeze %dma_start3A_2921 : memref<1x1x64xf32, #tpu.memory_space<hbm>> -> memref<64xf32, #tpu.memory_space<hbm>>
        tpu.enqueue_dma source(%dma_start3A_2922 : memref<64xf32, #tpu.memory_space<hbm>>) target(%dma_start3A_2919 : memref<64xf32, #tpu.memory_space<vmem>>) target_semaphore(%arg16 : memref<!tpu.dma_semaphore, #tpu.memory_space<semaphore_mem>>)
        %slice3A_2923 = vector.extract_strided_slice %get3A_2271 {offsets = [15], sizes = [1], strides = [1]} : vector<16xi32> to vector<1xi32>
        %squeeze3A_2924 = vector.extract %slice3A_2923[0] : i32 from vector<1xi32>
        %shift_right_arithmetic3A_2925 = arith.constant 3 : i32
        %shift_right_arithmetic3A_2926 = arith.shrsi %squeeze3A_2924, %shift_right_arithmetic3A_2925 : i32
        %slice3A_2927 = vector.extract_strided_slice %get3A_2271 {offsets = [15], sizes = [1], strides = [1]} : vector<16xi32> to vector<1xi32>
        %squeeze3A_2928 = vector.extract %slice3A_2927[0] : i32 from vector<1xi32>
        %and3A_2929 = arith.constant 7 : i32
        %and3A_2930 = arith.andi %squeeze3A_2928, %and3A_2929 : i32
        %dma_start3A_2931 = arith.constant 31 : i32
        %dma_start3A_2932 = arith.constant 0 : i32
        %dma_start3A_2933 = tpu.memref_slice %arg12[%sub3A_1575, %dma_start3A_2931, %dma_start3A_2932] : memref<2x32x64xf32, #tpu.memory_space<vmem>> -> memref<1x1x64xf32, #tpu.memory_space<vmem>>
        %dma_start3A_2934 = tpu.memref_squeeze %dma_start3A_2933 : memref<1x1x64xf32, #tpu.memory_space<vmem>> -> memref<64xf32, #tpu.memory_space<vmem>>
        %dma_start3A_2935 = arith.constant 0 : i32
        %dma_start3A_2936 = tpu.memref_slice %arg5[%shift_right_arithmetic3A_2926, %and3A_2930, %dma_start3A_2935] : memref<125000x8x64xf32, #tpu.memory_space<hbm>> -> memref<1x1x64xf32, #tpu.memory_space<hbm>>
        %dma_start3A_2937 = tpu.memref_squeeze %dma_start3A_2936 : memref<1x1x64xf32, #tpu.memory_space<hbm>> -> memref<64xf32, #tpu.memory_space<hbm>>
        %dma_start3A_2938 = arith.constant 0 : i32
        %dma_start3A_2939 = tpu.memref_slice %arg12[%sub3A_1575, %dma_start3A_2931, %dma_start3A_2938] : memref<2x32x64xf32, #tpu.memory_space<vmem>> -> memref<1x1x64xf32, #tpu.memory_space<vmem>>
        %dma_start3A_2940 = tpu.memref_squeeze %dma_start3A_2939 : memref<1x1x64xf32, #tpu.memory_space<vmem>> -> memref<64xf32, #tpu.memory_space<vmem>>
        %dma_start3A_2941 = arith.constant 0 : i32
        %dma_start3A_2942 = tpu.memref_slice %arg5[%shift_right_arithmetic3A_2926, %and3A_2930, %dma_start3A_2941] : memref<125000x8x64xf32, #tpu.memory_space<hbm>> -> memref<1x1x64xf32, #tpu.memory_space<hbm>>
        %dma_start3A_2943 = tpu.memref_squeeze %dma_start3A_2942 : memref<1x1x64xf32, #tpu.memory_space<hbm>> -> memref<64xf32, #tpu.memory_space<hbm>>
        tpu.enqueue_dma source(%dma_start3A_2943 : memref<64xf32, #tpu.memory_space<hbm>>) target(%dma_start3A_2940 : memref<64xf32, #tpu.memory_space<vmem>>) target_semaphore(%arg17 : memref<!tpu.dma_semaphore, #tpu.memory_space<semaphore_mem>>)
      } else {
      }
      %dma_wait3A_1431 = arith.constant 0 : i32
      %dma_wait3A_1432 = arith.constant 0 : i32
      %dma_wait3A_1433 = arith.constant 0 : i32
      %dma_wait3A_1434 = tpu.memref_slice %arg11[%rem3A_1426, %dma_wait3A_1432, %dma_wait3A_1433] : memref<2x32x64xf32, #tpu.memory_space<vmem>> -> memref<1x8x64xf32, #tpu.memory_space<vmem>>
      %dma_wait3A_1435 = tpu.memref_squeeze %dma_wait3A_1434 : memref<1x8x64xf32, #tpu.memory_space<vmem>> -> memref<8x64xf32, #tpu.memory_space<vmem>>
      %dma_wait3A_1436 = arith.constant 0 : i32
      %dma_wait3A_1437 = arith.constant 0 : i32
      %dma_wait3A_1438 = tpu.memref_slice %arg4[%dma_wait3A_1431, %dma_wait3A_1436, %dma_wait3A_1437] : memref<12500x8x64xf32, #tpu.memory_space<hbm>> -> memref<1x8x64xf32, #tpu.memory_space<hbm>>
      %dma_wait3A_1439 = tpu.memref_squeeze %dma_wait3A_1438 : memref<1x8x64xf32, #tpu.memory_space<hbm>> -> memref<8x64xf32, #tpu.memory_space<hbm>>
      %dma_wait3A_1440 = arith.constant 0 : i32
      %dma_wait3A_1441 = arith.constant 0 : i32
      %dma_wait3A_1442 = tpu.memref_slice %arg11[%rem3A_1426, %dma_wait3A_1440, %dma_wait3A_1441] : memref<2x32x64xf32, #tpu.memory_space<vmem>> -> memref<1x8x64xf32, #tpu.memory_space<vmem>>
      %dma_wait3A_1443 = tpu.memref_squeeze %dma_wait3A_1442 : memref<1x8x64xf32, #tpu.memory_space<vmem>> -> memref<8x64xf32, #tpu.memory_space<vmem>>
      %dma_wait3A_1444 = arith.constant 0 : i32
      %dma_wait3A_1445 = arith.constant 0 : i32
      %dma_wait3A_1446 = tpu.memref_slice %arg4[%dma_wait3A_1431, %dma_wait3A_1444, %dma_wait3A_1445] : memref<12500x8x64xf32, #tpu.memory_space<hbm>> -> memref<1x8x64xf32, #tpu.memory_space<hbm>>
      %dma_wait3A_1447 = tpu.memref_squeeze %dma_wait3A_1446 : memref<1x8x64xf32, #tpu.memory_space<hbm>> -> memref<8x64xf32, #tpu.memory_space<hbm>>
      tpu.wait_dma2 semaphore(%arg16 : memref<!tpu.dma_semaphore, #tpu.memory_space<semaphore_mem>>) src(%dma_wait3A_1447 : memref<8x64xf32, #tpu.memory_space<hbm>>) dst(%dma_wait3A_1443 : memref<8x64xf32, #tpu.memory_space<vmem>>)
      %dma_wait3A_1448 = arith.constant 0 : i32
      %dma_wait3A_1449 = arith.constant 0 : i32
      %dma_wait3A_1450 = arith.constant 0 : i32
      %dma_wait3A_1451 = tpu.memref_slice %arg12[%rem3A_1426, %dma_wait3A_1449, %dma_wait3A_1450] : memref<2x32x64xf32, #tpu.memory_space<vmem>> -> memref<1x8x64xf32, #tpu.memory_space<vmem>>
      %dma_wait3A_1452 = tpu.memref_squeeze %dma_wait3A_1451 : memref<1x8x64xf32, #tpu.memory_space<vmem>> -> memref<8x64xf32, #tpu.memory_space<vmem>>
      %dma_wait3A_1453 = arith.constant 0 : i32
      %dma_wait3A_1454 = arith.constant 0 : i32
      %dma_wait3A_1455 = tpu.memref_slice %arg5[%dma_wait3A_1448, %dma_wait3A_1453, %dma_wait3A_1454] : memref<125000x8x64xf32, #tpu.memory_space<hbm>> -> memref<1x8x64xf32, #tpu.memory_space<hbm>>
      %dma_wait3A_1456 = tpu.memref_squeeze %dma_wait3A_1455 : memref<1x8x64xf32, #tpu.memory_space<hbm>> -> memref<8x64xf32, #tpu.memory_space<hbm>>
      %dma_wait3A_1457 = arith.constant 0 : i32
      %dma_wait3A_1458 = arith.constant 0 : i32
      %dma_wait3A_1459 = tpu.memref_slice %arg12[%rem3A_1426, %dma_wait3A_1457, %dma_wait3A_1458] : memref<2x32x64xf32, #tpu.memory_space<vmem>> -> memref<1x8x64xf32, #tpu.memory_space<vmem>>
      %dma_wait3A_1460 = tpu.memref_squeeze %dma_wait3A_1459 : memref<1x8x64xf32, #tpu.memory_space<vmem>> -> memref<8x64xf32, #tpu.memory_space<vmem>>
      %dma_wait3A_1461 = arith.constant 0 : i32
      %dma_wait3A_1462 = arith.constant 0 : i32
      %dma_wait3A_1463 = tpu.memref_slice %arg5[%dma_wait3A_1448, %dma_wait3A_1461, %dma_wait3A_1462] : memref<125000x8x64xf32, #tpu.memory_space<hbm>> -> memref<1x8x64xf32, #tpu.memory_space<hbm>>
      %dma_wait3A_1464 = tpu.memref_squeeze %dma_wait3A_1463 : memref<1x8x64xf32, #tpu.memory_space<hbm>> -> memref<8x64xf32, #tpu.memory_space<hbm>>
      tpu.wait_dma2 semaphore(%arg17 : memref<!tpu.dma_semaphore, #tpu.memory_space<semaphore_mem>>) src(%dma_wait3A_1464 : memref<8x64xf32, #tpu.memory_space<hbm>>) dst(%dma_wait3A_1460 : memref<8x64xf32, #tpu.memory_space<vmem>>)
      %dma_wait3A_1465 = arith.constant 0 : i32
      %dma_wait3A_1466 = arith.constant 8 : i32
      %dma_wait3A_1467 = arith.constant 0 : i32
      %dma_wait3A_1468 = tpu.memref_slice %arg11[%rem3A_1426, %dma_wait3A_1466, %dma_wait3A_1467] : memref<2x32x64xf32, #tpu.memory_space<vmem>> -> memref<1x8x64xf32, #tpu.memory_space<vmem>>
      %dma_wait3A_1469 = tpu.memref_squeeze %dma_wait3A_1468 : memref<1x8x64xf32, #tpu.memory_space<vmem>> -> memref<8x64xf32, #tpu.memory_space<vmem>>
      %dma_wait3A_1470 = arith.constant 0 : i32
      %dma_wait3A_1471 = arith.constant 0 : i32
      %dma_wait3A_1472 = tpu.memref_slice %arg4[%dma_wait3A_1465, %dma_wait3A_1470, %dma_wait3A_1471] : memref<12500x8x64xf32, #tpu.memory_space<hbm>> -> memref<1x8x64xf32, #tpu.memory_space<hbm>>
      %dma_wait3A_1473 = tpu.memref_squeeze %dma_wait3A_1472 : memref<1x8x64xf32, #tpu.memory_space<hbm>> -> memref<8x64xf32, #tpu.memory_space<hbm>>
      %dma_wait3A_1474 = arith.constant 8 : i32
      %dma_wait3A_1475 = arith.constant 0 : i32
      %dma_wait3A_1476 = tpu.memref_slice %arg11[%rem3A_1426, %dma_wait3A_1474, %dma_wait3A_1475] : memref<2x32x64xf32, #tpu.memory_space<vmem>> -> memref<1x8x64xf32, #tpu.memory_space<vmem>>
      %dma_wait3A_1477 = tpu.memref_squeeze %dma_wait3A_1476 : memref<1x8x64xf32, #tpu.memory_space<vmem>> -> memref<8x64xf32, #tpu.memory_space<vmem>>
      %dma_wait3A_1478 = arith.constant 0 : i32
      %dma_wait3A_1479 = arith.constant 0 : i32
      %dma_wait3A_1480 = tpu.memref_slice %arg4[%dma_wait3A_1465, %dma_wait3A_1478, %dma_wait3A_1479] : memref<12500x8x64xf32, #tpu.memory_space<hbm>> -> memref<1x8x64xf32, #tpu.memory_space<hbm>>
      %dma_wait3A_1481 = tpu.memref_squeeze %dma_wait3A_1480 : memref<1x8x64xf32, #tpu.memory_space<hbm>> -> memref<8x64xf32, #tpu.memory_space<hbm>>
      tpu.wait_dma2 semaphore(%arg16 : memref<!tpu.dma_semaphore, #tpu.memory_space<semaphore_mem>>) src(%dma_wait3A_1481 : memref<8x64xf32, #tpu.memory_space<hbm>>) dst(%dma_wait3A_1477 : memref<8x64xf32, #tpu.memory_space<vmem>>)
      %dma_wait3A_1482 = arith.constant 0 : i32
      %dma_wait3A_1483 = arith.constant 8 : i32
      %dma_wait3A_1484 = arith.constant 0 : i32
      %dma_wait3A_1485 = tpu.memref_slice %arg12[%rem3A_1426, %dma_wait3A_1483, %dma_wait3A_1484] : memref<2x32x64xf32, #tpu.memory_space<vmem>> -> memref<1x8x64xf32, #tpu.memory_space<vmem>>
      %dma_wait3A_1486 = tpu.memref_squeeze %dma_wait3A_1485 : memref<1x8x64xf32, #tpu.memory_space<vmem>> -> memref<8x64xf32, #tpu.memory_space<vmem>>
      %dma_wait3A_1487 = arith.constant 0 : i32
      %dma_wait3A_1488 = arith.constant 0 : i32
      %dma_wait3A_1489 = tpu.memref_slice %arg5[%dma_wait3A_1482, %dma_wait3A_1487, %dma_wait3A_1488] : memref<125000x8x64xf32, #tpu.memory_space<hbm>> -> memref<1x8x64xf32, #tpu.memory_space<hbm>>
      %dma_wait3A_1490 = tpu.memref_squeeze %dma_wait3A_1489 : memref<1x8x64xf32, #tpu.memory_space<hbm>> -> memref<8x64xf32, #tpu.memory_space<hbm>>
      %dma_wait3A_1491 = arith.constant 8 : i32
      %dma_wait3A_1492 = arith.constant 0 : i32
      %dma_wait3A_1493 = tpu.memref_slice %arg12[%rem3A_1426, %dma_wait3A_1491, %dma_wait3A_1492] : memref<2x32x64xf32, #tpu.memory_space<vmem>> -> memref<1x8x64xf32, #tpu.memory_space<vmem>>
      %dma_wait3A_1494 = tpu.memref_squeeze %dma_wait3A_1493 : memref<1x8x64xf32, #tpu.memory_space<vmem>> -> memref<8x64xf32, #tpu.memory_space<vmem>>
      %dma_wait3A_1495 = arith.constant 0 : i32
      %dma_wait3A_1496 = arith.constant 0 : i32
      %dma_wait3A_1497 = tpu.memref_slice %arg5[%dma_wait3A_1482, %dma_wait3A_1495, %dma_wait3A_1496] : memref<125000x8x64xf32, #tpu.memory_space<hbm>> -> memref<1x8x64xf32, #tpu.memory_space<hbm>>
      %dma_wait3A_1498 = tpu.memref_squeeze %dma_wait3A_1497 : memref<1x8x64xf32, #tpu.memory_space<hbm>> -> memref<8x64xf32, #tpu.memory_space<hbm>>
      tpu.wait_dma2 semaphore(%arg17 : memref<!tpu.dma_semaphore, #tpu.memory_space<semaphore_mem>>) src(%dma_wait3A_1498 : memref<8x64xf32, #tpu.memory_space<hbm>>) dst(%dma_wait3A_1494 : memref<8x64xf32, #tpu.memory_space<vmem>>)
      %dma_wait3A_1499 = arith.constant 0 : i32
      %dma_wait3A_1500 = arith.constant 16 : i32
      %dma_wait3A_1501 = arith.constant 0 : i32
      %dma_wait3A_1502 = tpu.memref_slice %arg11[%rem3A_1426, %dma_wait3A_1500, %dma_wait3A_1501] : memref<2x32x64xf32, #tpu.memory_space<vmem>> -> memref<1x8x64xf32, #tpu.memory_space<vmem>>
      %dma_wait3A_1503 = tpu.memref_squeeze %dma_wait3A_1502 : memref<1x8x64xf32, #tpu.memory_space<vmem>> -> memref<8x64xf32, #tpu.memory_space<vmem>>
      %dma_wait3A_1504 = arith.constant 0 : i32
      %dma_wait3A_1505 = arith.constant 0 : i32
      %dma_wait3A_1506 = tpu.memref_slice %arg4[%dma_wait3A_1499, %dma_wait3A_1504, %dma_wait3A_1505] : memref<12500x8x64xf32, #tpu.memory_space<hbm>> -> memref<1x8x64xf32, #tpu.memory_space<hbm>>
      %dma_wait3A_1507 = tpu.memref_squeeze %dma_wait3A_1506 : memref<1x8x64xf32, #tpu.memory_space<hbm>> -> memref<8x64xf32, #tpu.memory_space<hbm>>
      %dma_wait3A_1508 = arith.constant 16 : i32
      %dma_wait3A_1509 = arith.constant 0 : i32
      %dma_wait3A_1510 = tpu.memref_slice %arg11[%rem3A_1426, %dma_wait3A_1508, %dma_wait3A_1509] : memref<2x32x64xf32, #tpu.memory_space<vmem>> -> memref<1x8x64xf32, #tpu.memory_space<vmem>>
      %dma_wait3A_1511 = tpu.memref_squeeze %dma_wait3A_1510 : memref<1x8x64xf32, #tpu.memory_space<vmem>> -> memref<8x64xf32, #tpu.memory_space<vmem>>
      %dma_wait3A_1512 = arith.constant 0 : i32
      %dma_wait3A_1513 = arith.constant 0 : i32
      %dma_wait3A_1514 = tpu.memref_slice %arg4[%dma_wait3A_1499, %dma_wait3A_1512, %dma_wait3A_1513] : memref<12500x8x64xf32, #tpu.memory_space<hbm>> -> memref<1x8x64xf32, #tpu.memory_space<hbm>>
      %dma_wait3A_1515 = tpu.memref_squeeze %dma_wait3A_1514 : memref<1x8x64xf32, #tpu.memory_space<hbm>> -> memref<8x64xf32, #tpu.memory_space<hbm>>
      tpu.wait_dma2 semaphore(%arg16 : memref<!tpu.dma_semaphore, #tpu.memory_space<semaphore_mem>>) src(%dma_wait3A_1515 : memref<8x64xf32, #tpu.memory_space<hbm>>) dst(%dma_wait3A_1511 : memref<8x64xf32, #tpu.memory_space<vmem>>)
      %dma_wait3A_1516 = arith.constant 0 : i32
      %dma_wait3A_1517 = arith.constant 16 : i32
      %dma_wait3A_1518 = arith.constant 0 : i32
      %dma_wait3A_1519 = tpu.memref_slice %arg12[%rem3A_1426, %dma_wait3A_1517, %dma_wait3A_1518] : memref<2x32x64xf32, #tpu.memory_space<vmem>> -> memref<1x8x64xf32, #tpu.memory_space<vmem>>
      %dma_wait3A_1520 = tpu.memref_squeeze %dma_wait3A_1519 : memref<1x8x64xf32, #tpu.memory_space<vmem>> -> memref<8x64xf32, #tpu.memory_space<vmem>>
      %dma_wait3A_1521 = arith.constant 0 : i32
      %dma_wait3A_1522 = arith.constant 0 : i32
      %dma_wait3A_1523 = tpu.memref_slice %arg5[%dma_wait3A_1516, %dma_wait3A_1521, %dma_wait3A_1522] : memref<125000x8x64xf32, #tpu.memory_space<hbm>> -> memref<1x8x64xf32, #tpu.memory_space<hbm>>
      %dma_wait3A_1524 = tpu.memref_squeeze %dma_wait3A_1523 : memref<1x8x64xf32, #tpu.memory_space<hbm>> -> memref<8x64xf32, #tpu.memory_space<hbm>>
      %dma_wait3A_1525 = arith.constant 16 : i32
      %dma_wait3A_1526 = arith.constant 0 : i32
      %dma_wait3A_1527 = tpu.memref_slice %arg12[%rem3A_1426, %dma_wait3A_1525, %dma_wait3A_1526] : memref<2x32x64xf32, #tpu.memory_space<vmem>> -> memref<1x8x64xf32, #tpu.memory_space<vmem>>
      %dma_wait3A_1528 = tpu.memref_squeeze %dma_wait3A_1527 : memref<1x8x64xf32, #tpu.memory_space<vmem>> -> memref<8x64xf32, #tpu.memory_space<vmem>>
      %dma_wait3A_1529 = arith.constant 0 : i32
      %dma_wait3A_1530 = arith.constant 0 : i32
      %dma_wait3A_1531 = tpu.memref_slice %arg5[%dma_wait3A_1516, %dma_wait3A_1529, %dma_wait3A_1530] : memref<125000x8x64xf32, #tpu.memory_space<hbm>> -> memref<1x8x64xf32, #tpu.memory_space<hbm>>
      %dma_wait3A_1532 = tpu.memref_squeeze %dma_wait3A_1531 : memref<1x8x64xf32, #tpu.memory_space<hbm>> -> memref<8x64xf32, #tpu.memory_space<hbm>>
      tpu.wait_dma2 semaphore(%arg17 : memref<!tpu.dma_semaphore, #tpu.memory_space<semaphore_mem>>) src(%dma_wait3A_1532 : memref<8x64xf32, #tpu.memory_space<hbm>>) dst(%dma_wait3A_1528 : memref<8x64xf32, #tpu.memory_space<vmem>>)
      %dma_wait3A_1533 = arith.constant 0 : i32
      %dma_wait3A_1534 = arith.constant 24 : i32
      %dma_wait3A_1535 = arith.constant 0 : i32
      %dma_wait3A_1536 = tpu.memref_slice %arg11[%rem3A_1426, %dma_wait3A_1534, %dma_wait3A_1535] : memref<2x32x64xf32, #tpu.memory_space<vmem>> -> memref<1x8x64xf32, #tpu.memory_space<vmem>>
      %dma_wait3A_1537 = tpu.memref_squeeze %dma_wait3A_1536 : memref<1x8x64xf32, #tpu.memory_space<vmem>> -> memref<8x64xf32, #tpu.memory_space<vmem>>
      %dma_wait3A_1538 = arith.constant 0 : i32
      %dma_wait3A_1539 = arith.constant 0 : i32
      %dma_wait3A_1540 = tpu.memref_slice %arg4[%dma_wait3A_1533, %dma_wait3A_1538, %dma_wait3A_1539] : memref<12500x8x64xf32, #tpu.memory_space<hbm>> -> memref<1x8x64xf32, #tpu.memory_space<hbm>>
      %dma_wait3A_1541 = tpu.memref_squeeze %dma_wait3A_1540 : memref<1x8x64xf32, #tpu.memory_space<hbm>> -> memref<8x64xf32, #tpu.memory_space<hbm>>
      %dma_wait3A_1542 = arith.constant 24 : i32
      %dma_wait3A_1543 = arith.constant 0 : i32
      %dma_wait3A_1544 = tpu.memref_slice %arg11[%rem3A_1426, %dma_wait3A_1542, %dma_wait3A_1543] : memref<2x32x64xf32, #tpu.memory_space<vmem>> -> memref<1x8x64xf32, #tpu.memory_space<vmem>>
      %dma_wait3A_1545 = tpu.memref_squeeze %dma_wait3A_1544 : memref<1x8x64xf32, #tpu.memory_space<vmem>> -> memref<8x64xf32, #tpu.memory_space<vmem>>
      %dma_wait3A_1546 = arith.constant 0 : i32
      %dma_wait3A_1547 = arith.constant 0 : i32
      %dma_wait3A_1548 = tpu.memref_slice %arg4[%dma_wait3A_1533, %dma_wait3A_1546, %dma_wait3A_1547] : memref<12500x8x64xf32, #tpu.memory_space<hbm>> -> memref<1x8x64xf32, #tpu.memory_space<hbm>>
      %dma_wait3A_1549 = tpu.memref_squeeze %dma_wait3A_1548 : memref<1x8x64xf32, #tpu.memory_space<hbm>> -> memref<8x64xf32, #tpu.memory_space<hbm>>
      tpu.wait_dma2 semaphore(%arg16 : memref<!tpu.dma_semaphore, #tpu.memory_space<semaphore_mem>>) src(%dma_wait3A_1549 : memref<8x64xf32, #tpu.memory_space<hbm>>) dst(%dma_wait3A_1545 : memref<8x64xf32, #tpu.memory_space<vmem>>)
      %dma_wait3A_1550 = arith.constant 0 : i32
      %dma_wait3A_1551 = arith.constant 24 : i32
      %dma_wait3A_1552 = arith.constant 0 : i32
      %dma_wait3A_1553 = tpu.memref_slice %arg12[%rem3A_1426, %dma_wait3A_1551, %dma_wait3A_1552] : memref<2x32x64xf32, #tpu.memory_space<vmem>> -> memref<1x8x64xf32, #tpu.memory_space<vmem>>
      %dma_wait3A_1554 = tpu.memref_squeeze %dma_wait3A_1553 : memref<1x8x64xf32, #tpu.memory_space<vmem>> -> memref<8x64xf32, #tpu.memory_space<vmem>>
      %dma_wait3A_1555 = arith.constant 0 : i32
      %dma_wait3A_1556 = arith.constant 0 : i32
      %dma_wait3A_1557 = tpu.memref_slice %arg5[%dma_wait3A_1550, %dma_wait3A_1555, %dma_wait3A_1556] : memref<125000x8x64xf32, #tpu.memory_space<hbm>> -> memref<1x8x64xf32, #tpu.memory_space<hbm>>
      %dma_wait3A_1558 = tpu.memref_squeeze %dma_wait3A_1557 : memref<1x8x64xf32, #tpu.memory_space<hbm>> -> memref<8x64xf32, #tpu.memory_space<hbm>>
      %dma_wait3A_1559 = arith.constant 24 : i32
      %dma_wait3A_1560 = arith.constant 0 : i32
      %dma_wait3A_1561 = tpu.memref_slice %arg12[%rem3A_1426, %dma_wait3A_1559, %dma_wait3A_1560] : memref<2x32x64xf32, #tpu.memory_space<vmem>> -> memref<1x8x64xf32, #tpu.memory_space<vmem>>
      %dma_wait3A_1562 = tpu.memref_squeeze %dma_wait3A_1561 : memref<1x8x64xf32, #tpu.memory_space<vmem>> -> memref<8x64xf32, #tpu.memory_space<vmem>>
      %dma_wait3A_1563 = arith.constant 0 : i32
      %dma_wait3A_1564 = arith.constant 0 : i32
      %dma_wait3A_1565 = tpu.memref_slice %arg5[%dma_wait3A_1550, %dma_wait3A_1563, %dma_wait3A_1564] : memref<125000x8x64xf32, #tpu.memory_space<hbm>> -> memref<1x8x64xf32, #tpu.memory_space<hbm>>
      %dma_wait3A_1566 = tpu.memref_squeeze %dma_wait3A_1565 : memref<1x8x64xf32, #tpu.memory_space<hbm>> -> memref<8x64xf32, #tpu.memory_space<hbm>>
      tpu.wait_dma2 semaphore(%arg17 : memref<!tpu.dma_semaphore, #tpu.memory_space<semaphore_mem>>) src(%dma_wait3A_1566 : memref<8x64xf32, #tpu.memory_space<hbm>>) dst(%dma_wait3A_1562 : memref<8x64xf32, #tpu.memory_space<vmem>>)
      %scan3A_1567 = arith.constant 0 : i32
      %scan3A_1568 = arith.constant 0 : i32
      %scan3A_1569 = arith.constant 2 : i32
      %scan3A_1570 = arith.addi %scan3A_1568, %scan3A_1569 : i32
      %scan3A_1571 = arith.constant 1 : i32
      scf.for %scan3A_1573 = %scan3A_1568 to %scan3A_1570 step %scan3A_1571  : i32 {
        %mul3A_1574 = arith.constant 32 : i32
        %mul3A_1575 = arith.muli %scan3A_1425, %mul3A_1574 : i32
        %mul3A_1576 = arith.constant 16 : i32
        %mul3A_1577 = arith.muli %scan3A_1573, %mul3A_1576 : i32
        %add3A_1578 = arith.addi %mul3A_1575, %mul3A_1577 : i32
        %get3A_1579 = arith.index_cast %add3A_1578 : i32 to index
        %get3A_1580 = tpu.vector_load %arg13[%get3A_1579] {strides = array<i32>} : memref<512xf32, #tpu.memory_space<vmem>>, vector<16xf32>,
        %get3A_1581 = arith.index_cast %add3A_1578 : i32 to index
        %get3A_1582 = tpu.vector_load %arg14[%get3A_1581] {strides = array<i32>} : memref<512xf32, #tpu.memory_space<vmem>>, vector<16xf32>,
        %add3A_1583 = arith.addf %get3A_1580, %get3A_1582 : vector<16xf32>
        %broadcast_in_dim3A = vector.broadcast %rem3A_1426 : i32 to vector<16xi32>
        %iota3A = tpu.iota {dimensions = array<i32: 0>} : vector<16xi32>
        %mul3A_1584 = arith.constant 16 : i32
        %mul3A_1585 = arith.muli %scan3A_1573, %mul3A_1584 : i32
        %add3A_1586 = vector.broadcast %mul3A_1585 : i32 to vector<16xi32>
        %add3A_1587 = arith.addi %iota3A, %add3A_1586 : vector<16xi32>
        %scan3A_1588 = arith.constant 0 : i32
        %scan3A_1589 = arith.constant 8 : i32
        %scan3A_1590 = arith.addi %scan3A_1588, %scan3A_1589 : i32
        %scan3A_1591 = arith.constant 1 : i32
        %scan3A_1592 = scf.for %scan3A_1595 = %scan3A_1588 to %scan3A_1590 step %scan3A_1591 iter_args(%scan3A_1596 = %add3A_1583) -> (vector<16xf32>)  : i32 {
          %mul3A_1597 = arith.constant 8 : i32
          %mul3A_1598 = arith.muli %scan3A_1595, %mul3A_1597 : i32
          %add3A_1599 = arith.constant 0 : i32
          %add3A_1600 = arith.addi %mul3A_1598, %add3A_1599 : i32
          %broadcast_in_dim3A_1601 = vector.broadcast %add3A_1600 : i32 to vector<16xi32>
          %gather3A = tpu.vector_load_idx %arg11[%broadcast_in_dim3A, %add3A_1587, %broadcast_in_dim3A_1601] : memref<2x32x64xf32, #tpu.memory_space<vmem>>[vector<16xi32>, vector<16xi32>, vector<16xi32>], vector<16xf32>,
          %gather3A_1602 = tpu.vector_load_idx %arg12[%broadcast_in_dim3A, %add3A_1587, %broadcast_in_dim3A_1601] : memref<2x32x64xf32, #tpu.memory_space<vmem>>[vector<16xi32>, vector<16xi32>, vector<16xi32>], vector<16xf32>,
          %mul3A_1603 = arith.mulf %gather3A, %gather3A_1602 : vector<16xf32>
          %add3A_1604 = arith.addf %scan3A_1596, %mul3A_1603 : vector<16xf32>
          %mul3A_1605 = arith.constant 8 : i32
          %mul3A_1606 = arith.muli %scan3A_1595, %mul3A_1605 : i32
          %add3A_1607 = arith.constant 1 : i32
          %add3A_1608 = arith.addi %mul3A_1606, %add3A_1607 : i32
          %broadcast_in_dim3A_1609 = vector.broadcast %add3A_1608 : i32 to vector<16xi32>
          %gather3A_1610 = tpu.vector_load_idx %arg11[%broadcast_in_dim3A, %add3A_1587, %broadcast_in_dim3A_1609] : memref<2x32x64xf32, #tpu.memory_space<vmem>>[vector<16xi32>, vector<16xi32>, vector<16xi32>], vector<16xf32>,
          %gather3A_1611 = tpu.vector_load_idx %arg12[%broadcast_in_dim3A, %add3A_1587, %broadcast_in_dim3A_1609] : memref<2x32x64xf32, #tpu.memory_space<vmem>>[vector<16xi32>, vector<16xi32>, vector<16xi32>], vector<16xf32>,
          %mul3A_1612 = arith.mulf %gather3A_1610, %gather3A_1611 : vector<16xf32>
          %add3A_1613 = arith.addf %add3A_1604, %mul3A_1612 : vector<16xf32>
          %mul3A_1614 = arith.constant 8 : i32
          %mul3A_1615 = arith.muli %scan3A_1595, %mul3A_1614 : i32
          %add3A_1616 = arith.constant 2 : i32
          %add3A_1617 = arith.addi %mul3A_1615, %add3A_1616 : i32
          %broadcast_in_dim3A_1618 = vector.broadcast %add3A_1617 : i32 to vector<16xi32>
          %gather3A_1619 = tpu.vector_load_idx %arg11[%broadcast_in_dim3A, %add3A_1587, %broadcast_in_dim3A_1618] : memref<2x32x64xf32, #tpu.memory_space<vmem>>[vector<16xi32>, vector<16xi32>, vector<16xi32>], vector<16xf32>,
          %gather3A_1620 = tpu.vector_load_idx %arg12[%broadcast_in_dim3A, %add3A_1587, %broadcast_in_dim3A_1618] : memref<2x32x64xf32, #tpu.memory_space<vmem>>[vector<16xi32>, vector<16xi32>, vector<16xi32>], vector<16xf32>,
          %mul3A_1621 = arith.mulf %gather3A_1619, %gather3A_1620 : vector<16xf32>
          %add3A_1622 = arith.addf %add3A_1613, %mul3A_1621 : vector<16xf32>
          %mul3A_1623 = arith.constant 8 : i32
          %mul3A_1624 = arith.muli %scan3A_1595, %mul3A_1623 : i32
          %add3A_1625 = arith.constant 3 : i32
          %add3A_1626 = arith.addi %mul3A_1624, %add3A_1625 : i32
          %broadcast_in_dim3A_1627 = vector.broadcast %add3A_1626 : i32 to vector<16xi32>
          %gather3A_1628 = tpu.vector_load_idx %arg11[%broadcast_in_dim3A, %add3A_1587, %broadcast_in_dim3A_1627] : memref<2x32x64xf32, #tpu.memory_space<vmem>>[vector<16xi32>, vector<16xi32>, vector<16xi32>], vector<16xf32>,
          %gather3A_1629 = tpu.vector_load_idx %arg12[%broadcast_in_dim3A, %add3A_1587, %broadcast_in_dim3A_1627] : memref<2x32x64xf32, #tpu.memory_space<vmem>>[vector<16xi32>, vector<16xi32>, vector<16xi32>], vector<16xf32>,
          %mul3A_1630 = arith.mulf %gather3A_1628, %gather3A_1629 : vector<16xf32>
          %add3A_1631 = arith.addf %add3A_1622, %mul3A_1630 : vector<16xf32>
          %mul3A_1632 = arith.constant 8 : i32
          %mul3A_1633 = arith.muli %scan3A_1595, %mul3A_1632 : i32
          %add3A_1634 = arith.constant 4 : i32
          %add3A_1635 = arith.addi %mul3A_1633, %add3A_1634 : i32
          %broadcast_in_dim3A_1636 = vector.broadcast %add3A_1635 : i32 to vector<16xi32>
          %gather3A_1637 = tpu.vector_load_idx %arg11[%broadcast_in_dim3A, %add3A_1587, %broadcast_in_dim3A_1636] : memref<2x32x64xf32, #tpu.memory_space<vmem>>[vector<16xi32>, vector<16xi32>, vector<16xi32>], vector<16xf32>,
          %gather3A_1638 = tpu.vector_load_idx %arg12[%broadcast_in_dim3A, %add3A_1587, %broadcast_in_dim3A_1636] : memref<2x32x64xf32, #tpu.memory_space<vmem>>[vector<16xi32>, vector<16xi32>, vector<16xi32>], vector<16xf32>,
          %mul3A_1639 = arith.mulf %gather3A_1637, %gather3A_1638 : vector<16xf32>
          %add3A_1640 = arith.addf %add3A_1631, %mul3A_1639 : vector<16xf32>
          %mul3A_1641 = arith.constant 8 : i32
          %mul3A_1642 = arith.muli %scan3A_1595, %mul3A_1641 : i32
          %add3A_1643 = arith.constant 5 : i32
          %add3A_1644 = arith.addi %mul3A_1642, %add3A_1643 : i32
          %broadcast_in_dim3A_1645 = vector.broadcast %add3A_1644 : i32 to vector<16xi32>
          %gather3A_1646 = tpu.vector_load_idx %arg11[%broadcast_in_dim3A, %add3A_1587, %broadcast_in_dim3A_1645] : memref<2x32x64xf32, #tpu.memory_space<vmem>>[vector<16xi32>, vector<16xi32>, vector<16xi32>], vector<16xf32>,
          %gather3A_1647 = tpu.vector_load_idx %arg12[%broadcast_in_dim3A, %add3A_1587, %broadcast_in_dim3A_1645] : memref<2x32x64xf32, #tpu.memory_space<vmem>>[vector<16xi32>, vector<16xi32>, vector<16xi32>], vector<16xf32>,
          %mul3A_1648 = arith.mulf %gather3A_1646, %gather3A_1647 : vector<16xf32>
          %add3A_1649 = arith.addf %add3A_1640, %mul3A_1648 : vector<16xf32>
          %mul3A_1650 = arith.constant 8 : i32
          %mul3A_1651 = arith.muli %scan3A_1595, %mul3A_1650 : i32
          %add3A_1652 = arith.constant 6 : i32
          %add3A_1653 = arith.addi %mul3A_1651, %add3A_1652 : i32
          %broadcast_in_dim3A_1654 = vector.broadcast %add3A_1653 : i32 to vector<16xi32>
          %gather3A_1655 = tpu.vector_load_idx %arg11[%broadcast_in_dim3A, %add3A_1587, %broadcast_in_dim3A_1654] : memref<2x32x64xf32, #tpu.memory_space<vmem>>[vector<16xi32>, vector<16xi32>, vector<16xi32>], vector<16xf32>,
          %gather3A_1656 = tpu.vector_load_idx %arg12[%broadcast_in_dim3A, %add3A_1587, %broadcast_in_dim3A_1654] : memref<2x32x64xf32, #tpu.memory_space<vmem>>[vector<16xi32>, vector<16xi32>, vector<16xi32>], vector<16xf32>,
          %mul3A_1657 = arith.mulf %gather3A_1655, %gather3A_1656 : vector<16xf32>
          %add3A_1658 = arith.addf %add3A_1649, %mul3A_1657 : vector<16xf32>
          %mul3A_1659 = arith.constant 8 : i32
          %mul3A_1660 = arith.muli %scan3A_1595, %mul3A_1659 : i32
          %add3A_1661 = arith.constant 7 : i32
          %add3A_1662 = arith.addi %mul3A_1660, %add3A_1661 : i32
          %broadcast_in_dim3A_1663 = vector.broadcast %add3A_1662 : i32 to vector<16xi32>
          %gather3A_1664 = tpu.vector_load_idx %arg11[%broadcast_in_dim3A, %add3A_1587, %broadcast_in_dim3A_1663] : memref<2x32x64xf32, #tpu.memory_space<vmem>>[vector<16xi32>, vector<16xi32>, vector<16xi32>], vector<16xf32>,
          %gather3A_1665 = tpu.vector_load_idx %arg12[%broadcast_in_dim3A, %add3A_1587, %broadcast_in_dim3A_1663] : memref<2x32x64xf32, #tpu.memory_space<vmem>>[vector<16xi32>, vector<16xi32>, vector<16xi32>], vector<16xf32>,
          %mul3A_1666 = arith.mulf %gather3A_1664, %gather3A_1665 : vector<16xf32>
          %add3A_1667 = arith.addf %add3A_1658, %mul3A_1666 : vector<16xf32>
          scf.yield %add3A_1667 : vector<16xf32>
        }
        %scan3A_1593 = arith.constant 8 : i32
        %swap3A = arith.index_cast %add3A_1578 : i32 to index
        %swap3A_1594 = tpu.vector_load %arg15[%swap3A] {strides = array<i32>} : memref<512xf32, #tpu.memory_space<vmem>>, vector<16xf32>,
        tpu.vector_store %arg15[%swap3A], %scan3A_1592 {strides = array<i32>} : memref<512xf32, #tpu.memory_space<vmem>>, vector<16xf32>,
      }
      %scan3A_1572 = arith.constant 2 : i32
    }
    %scan3A_1424 = arith.constant 16 : i32
    "tpu.region"() ({
      %run_scoped3A = tpu.sem_alloc : memref<!tpu.dma_semaphore, #tpu.memory_space<semaphore_mem>>
      %dma_start3A_1425 = tpu.memref_slice %arg8[%mul3A_2] : memref<16384xf32, #tpu.memory_space<hbm>> -> memref<512xf32, #tpu.memory_space<hbm>>
      %dma_start3A_1426 = tpu.memref_slice %arg8[%mul3A_2] : memref<16384xf32, #tpu.memory_space<hbm>> -> memref<512xf32, #tpu.memory_space<hbm>>
      tpu.enqueue_dma source(%arg15 : memref<512xf32, #tpu.memory_space<vmem>>) target(%dma_start3A_1426 : memref<512xf32, #tpu.memory_space<hbm>>) target_semaphore(%run_scoped3A : memref<!tpu.dma_semaphore, #tpu.memory_space<semaphore_mem>>)
      %dma_wait3A_1427 = tpu.memref_slice %arg8[%mul3A_2] : memref<16384xf32, #tpu.memory_space<hbm>> -> memref<512xf32, #tpu.memory_space<hbm>>
      %dma_wait3A_1428 = tpu.memref_slice %arg8[%mul3A_2] : memref<16384xf32, #tpu.memory_space<hbm>> -> memref<512xf32, #tpu.memory_space<hbm>>
      tpu.wait_dma2 semaphore(%run_scoped3A : memref<!tpu.dma_semaphore, #tpu.memory_space<semaphore_mem>>) src(%arg15 : memref<512xf32, #tpu.memory_space<vmem>>) dst(%dma_wait3A_1428 : memref<512xf32, #tpu.memory_space<hbm>>)
      tpu.yield
    }) : () -> ()
    return
  }
}

</mosaic_0001>

<sc_bundles>
// kernel: _bpr.3.cloned.1.call-start
scs
__scs_entry_jumppad:
0x0: {  	(pc) =	sbr.rel $0x88, $3  }
0x1: {  	(tag) =	ssettag $0x0;
	lr =	simm.s32 $0x1  }
0x2: {  	[smem:$0x3F9B] =	sst lr;
	_ =	strace $0xD0000000  }
0x3: {  	_ = 	snop  }
0x4: {  	_ = 	snop  }
0x5: {  	_ = 	snop  }
0x6: {  	_ = 	snop  }
0x7: {  	_ = 	snop  }
__scs_overlays_trampoline_lowered:
0x8: {  	[smem:$0x3FAA] =	sst s0  }
0x9: {  	[smem:$0x3FAB] =	sst s1  }
0xa: {  	[smem:$0x3FAC] =	sst s2  }
0xb: {  	[smem:$0x3FAD] =	sst s3  }
0xc: {  	[smem:$0x3FAE] =	sst s4  }
0xd: {  	[smem:$0x3FAF] =	sst s5  }
0xe: {  	[smem:$0x3FB0] =	sst s6  }
0xf: {  	[smem:$0x3FB1] =	sst s7  }
0x10: {  	[smem:$0x3FB2] =	sst s8  }
0x11: {  	[smem:$0x3FB3] =	sst s9;
	s0 =	simm.s32 @!p0 $0x0  }
0x12: {  	s1 =	sld [smem:$0x3F99];
	s0 =	simm.s32 @p0 $0x1  }
0x13: {  	[smem:$0x3FB4] =	sst s0;
	s0 =	simm.s32 @!p1 $0x0  }
0x14: {  	s2 =	sld [smem:$0x3F98];
	s0 =	simm.s32 @p1 $0x1  }
0x15: {  	[smem:$0x3FB5] =	sst s0;
	s0 =	simm.s32 @!p2 $0x0  }
0x16: {  	s3 =	sld [smem:$0x3FDB];
	s0 =	simm.s32 @p2 $0x1  }
0x17: {  	s4 =	simm.s32 $0x1BF5;
	[smem:$0x3FB7] =	sst s0  }
0x18: {  	s0 =	sld [smem:$0x3F9A];
	_ =	swait.ge [sflag:s4], $0x0  }
0x19: {  	s7 =	sld [smem:$0x3F9B]  }
0x1a: {  	s8 =	sadd.s32 $0xFFFFE003, lr  }
0x1b: {  	s9 =	sadd.s32 $0xFFFFFEF7, lr;
	s5 =	simm.s32 $0xFFFFFFFF;
	p2 =	slt.u32 s8, $0xFFFFF086  }
0x1c: {  	p1 =	slt.u32 s9, $0xF7A;
	s5 =	simm.s32 @!p2 $0x0  }
0x1d: {  	s5 =	simm.s32 @p1 $0x1;
	p0 =	seq.s32 s7, s2  }
0x1e: {  	s7 =	smul.u32 @!p0 $0xF7A, s2;
	p2 =	seq.s32 @!p0 s5, $0x0  }
0x1f: {  	s9 =	smul.u32 $0xF7A, s1;
	s8 =	simm.s32 @!p0 $0x1BF5;
	p2 =	por !p2, p0  }
0x20: {  	[sflag:s8] =	ssyncset.s32 @!p0 $0xFFFFF086;
	s6 =	sadd.s32 @!p0 s3, s7;
	s7 =	simm.s32 @!p0 $0x108  }
0x21: {  	s3 =	sadd.s32 s3, s9;
	s6 =	sadd.s32 @!p0 $0x88, s6;
	s7 =	simm.s32 @p2 $0x1082  }
0x22: {  	[simem:s7], [sflag:s8] =	dma.local @!p0 [hbm:s6], $0xF7A  }
0x23: {  	s9 =	sor.u32 $0xD0000000, s2;
	s6 =	simm.s32 $0x108;
	_ =	swait.ge @!p0 [sflag:s8], $0x0  }
0x24: {  	s3 =	sadd.s32 $0x88, s3;
	s6 =	simm.s32 @!p1 $0x1082;
	[sflag:s4] =	ssyncset.s32 $0xFFFFF086  }
0x25: {  	[simem:s6], [sflag:s4] =	dma.local [hbm:s3], $0xF7A  }
0x26: {  	[smem:$0x3F9B] =	sst s1;
	(tag) =	ssettag s2;
	_ =	strace s9  }
0x27: {  	s1 =	sld [smem:$0x3FAB]  }
0x28: {  	s2 =	sld [smem:$0x3FAC]  }
0x29: {  	s4 =	sld [smem:$0x3FAE]  }
0x2a: {  	p0 =	seq.s32 s5, $0x0;
	s5 =	sld [smem:$0x3FAF]  }
0x2b: {  	s6 =	sld [smem:$0x3FB0]  }
0x2c: {  	s7 =	sld [smem:$0x3FB1]  }
0x2d: {  	s3 =	simm.s32 $0x108;
	s8 =	sld [smem:$0x3FB2]  }
0x2e: {  	s3 =	simm.s32 @!p0 $0x1082;
	s9 =	sld [smem:$0x3FB3]  }
0x2f: {  	lr =	sadd.s32 s0, s3;
	s0 =	sld [smem:$0x3FAA]  }
0x30: {  	s3 =	sld [smem:$0x3FAD]  }
0x31: {  	[smem:$0x3FB6] =	sst s10  }
0x32: {  	s10 =	sld [smem:$0x3FB4];
	_ =	sdelay $0x3  }
0x33: {  	p0 =	seq.s32 s10, $0x1;
	s10 =	sld [smem:$0x3FB6];
	_ =	sdelay $0x3  }
0x34: {  	[smem:$0x3FB6] =	sst s10  }
0x35: {  	s10 =	sld [smem:$0x3FB5];
	_ =	sdelay $0x3  }
0x36: {  	p1 =	seq.s32 s10, $0x1;
	s10 =	sld [smem:$0x3FB6];
	_ =	sdelay $0x3  }
0x37: {  	[smem:$0x3FB6] =	sst s10  }
0x38: {  	s10 =	sld [smem:$0x3FB7]  }
0x39: {  	_ = 	snop;
	(pc) =	sbr.ind lr, $3  }
0x3a: {  	_ = 	snop  }
0x3b: {  	_ = 	snop  }
0x3c: {  	p2 =	seq.s32 s10, $0x1;
	s10 =	sld [smem:$0x3FB6]  }
0x3d: {  	_ =	shalt  }
0x3e: {  	_ =	shalt  }
0x3f: {  	_ =	shalt  }
0x40: {  	_ =	shalt  }
0x41: {  	_ =	shalt  }
0x42: {  	_ =	shalt  }
0x43: {  	_ =	shalt  }
0x44: {  	_ =	shalt  }
0x45: {  	_ =	shalt  }
0x46: {  	_ =	shalt  }
0x47: {  	_ =	shalt  }
0x48: {  	_ =	shalt  }
0x49: {  	_ =	shalt  }
0x4a: {  	_ =	shalt  }
0x4b: {  	_ =	shalt  }
0x4c: {  	_ =	shalt  }
0x4d: {  	_ =	shalt  }
0x4e: {  	_ =	shalt  }
0x4f: {  	_ =	shalt  }
0x50: {  	_ =	shalt  }
0x51: {  	_ =	shalt  }
0x52: {  	_ =	shalt  }
0x53: {  	_ =	shalt  }
0x54: {  	_ =	shalt  }
0x55: {  	_ =	shalt  }
0x56: {  	_ =	shalt  }
0x57: {  	_ =	shalt  }
0x58: {  	_ =	shalt  }
0x59: {  	_ =	shalt  }
0x5a: {  	_ =	shalt  }
0x5b: {  	_ =	shalt  }
0x5c: {  	_ =	shalt  }
0x5d: {  	_ =	shalt  }
0x5e: {  	_ =	shalt  }
0x5f: {  	_ =	shalt  }
0x60: {  	_ =	shalt  }
0x61: {  	_ =	shalt  }
0x62: {  	_ =	shalt  }
0x63: {  	_ =	shalt  }
0x64: {  	_ =	shalt  }
0x65: {  	_ =	shalt  }
0x66: {  	_ =	shalt  }
0x67: {  	_ =	shalt  }
0x68: {  	_ =	shalt  }
0x69: {  	_ =	shalt  }
0x6a: {  	_ =	shalt  }
0x6b: {  	_ =	shalt  }
0x6c: {  	_ =	shalt  }
0x6d: {  	_ =	shalt  }
0x6e: {  	_ =	shalt  }
0x6f: {  	_ =	shalt  }
0x70: {  	_ =	shalt  }
0x71: {  	_ =	shalt  }
0x72: {  	_ =	shalt  }
0x73: {  	_ =	shalt  }
0x74: {  	_ =	shalt  }
0x75: {  	_ =	shalt  }
0x76: {  	_ =	shalt  }
0x77: {  	_ =	shalt  }
0x78: {  	_ =	shalt  }
0x79: {  	_ =	shalt  }
0x7a: {  	_ =	shalt  }
0x7b: {  	_ =	shalt  }
0x7c: {  	_ =	shalt  }
0x7d: {  	_ =	shalt  }
0x7e: {  	_ =	shalt  }
0x7f: {  	_ =	shalt  }
0x80: {  	_ =	shalt  }
0x81: {  	_ =	shalt  }
0x82: {  	_ =	shalt  }
0x83: {  	_ =	shalt  }
0x84: {  	_ =	shalt  }
0x85: {  	_ =	shalt  }
0x86: {  	_ =	shalt  }
0x87: {  	_ =	shalt  }
.Lfunc_end0:
.L_simem_size_0:
called_computation_lowered:
.L_overlay_start_0:
0x88: {  	s2 =	sld [smem:$0x3FD9]  }
0x89: {  	s3 =	sld [smem:$0x3FFE];
	_ =	sdelay $0x1  }
0x8a: {  	s1 =	srdreg.scid  }
0x8b: {  	s0 =	sand.u32 $0x1, s1  }
0x8c: {  	s17 =	sshll.u32 s0, $0xA;
	s2 =	sadd.s32 s3, s2  }
0x8d: {  	s2 =	sadd.s32 s2, s17  }
0x8e: {  	[smem:$0x3FC2] =	sst s2  }
0x8f: {  	_ = 	snop  }
0x90: {  	s2 =	sld [smem:$0x3FC9]  }
0x91: {  	s18 =	sld [smem:$0x3FC8]  }
0x92: {  	s4 =	sld [smem:$0x3FC5]  }
0x93: {  	s5 =	sld [smem:$0x3FC4]  }
0x94: {  	s6 =	sld [smem:$0x3FD0];
	(tm) =	ssettm $0x1  }
0x95: {  	s7 =	sld [smem:$0x3FFB];
	_ =	sdelay $0x3  }
0x96: {  	_ =	strace s7  }
0x97: {  	s7 =	sld [smem:$0x3FFC];
	_ =	sdelay $0x3  }
0x98: {  	_ =	strace s7  }
0x99: {  	s7 =	sld [smem:$0x3FFD];
	_ =	sdelay $0x3  }
0x9a: {  	_ =	strace s7  }
0x9b: {  	_ =	strace $0x8FFFFFFF  }
0x9c: {  	s19 =	sld [smem:$0x3FDB];
	_ =	sdelay $0x1  }
0x9d: {  	s8 =	simm.s32 $_scs_section_size  }
0x9e: {  	s9 =	simm.s32 $_size__tile_overlayer_lowered;
	s10 =	simm.s32 $_tile_overlayer_lowered  }
0x9f: {  	s22 =	simm.s32 $0x1BFF;
	s21 =	sshll.u32 s10, $0x1;
	s7 =	sadd.s32 s8, s19  }
0xa0: {  	s11 =	simm.s32 $0x0;
	s20 =	sshll.u32 s9, $0x1;
	s9 =	sadd.s32 s21, s7  }
0xa1: {  	[timem:s11], [sflag:s22] =	dma.local [hbm:s9], s20  }
0xa2: {  	_ =	swait.ge [sflag:s22], s20  }
0xa3: {  	s8 =	ssub.s32 $0x0, s20;
	[sflag:s22] =	ssyncset.done $0x0  }
0xa4: {  	[sflag:s22] =	ssyncadd.s32 s8;
	_ =	sdelay $0x1  }
0xa5: {  	s23 =	simm.s32 $0x1B8B  }
0xa6: {  	_ =	swait.ge [sflag:s23], $0x1  }
0xa7: {  	[sflag:s23] =	ssyncset.done $0x0  }
0xa8: {  	s25 =	simm.s32 $0x1B8E;
	s24 =	sld [smem:$0x3FFE];
	[sflag:s23] =	ssyncadd.s32 $0xFFFFFFFF  }
0xa9: {  	s26 =	simm.s32 $execute0_lowered;
	[smem:$0x3FD2] =	sst s25  }
0xaa: {  	s9 =	sshll.u32 s26, $0x1;
	_ =	strace $0x80000046;
	[dreg:$0x1] =	wrdreg $0xFFFFFFFF  }
0xab: {  	s28 =	simm.s32 $_size_execute0_lowered;
	s7 =	sadd.s32 s7, s9;
	[dreg:$0x0] =	wrdreg $0x0  }
0xac: {  	s9 =	sshll.u32 s28, $0x1;
	[dreg:$0x2] =	wrdreg s7  }
0xad: {  	[dreg:$0x3] =	wrdreg s9  }
0xae: {  	[dreg:$0x4] =	wrdreg $0xC0  }
0xaf: {  	_ =	task [dreg:s11], $0x5FFFF  }
0xb0: {  	[dreg:$0x1] =	wrdreg $0xFFFFFFFF  }
0xb1: {  	[dreg:$0x0] =	wrdreg $0x60  }
0xb2: {  	[dreg:$0x2] =	wrdreg s2  }
0xb3: {  	[dreg:$0x3] =	wrdreg s18  }
0xb4: {  	[dreg:$0x4] =	wrdreg s24  }
0xb5: {  	[dreg:$0x5] =	wrdreg s4  }
0xb6: {  	[dreg:$0x6] =	wrdreg s5  }
0xb7: {  	[dreg:$0x7] =	wrdreg s6  }
0xb8: {  	[dreg:$0x8] =	wrdreg $0x9  }
0xb9: {  	_ =	task.clear_ibuf [dreg:s11], $0x9FFFF;
	_ =	strace $0x90000046  }
0xba: {  	s29 =	simm.s32 $0x9;
	_ =	strace $0x80000048  }
0xbb: {  	_ =	swait.ge [sflag:s29], $0x1  }
0xbc: {  	[sflag:s29] =	ssyncadd.s32 $0xFFFFFFFF  }
0xbd: {  	_ =	strace $0x90000048  }
0xbe: {  	_ =	sfence  }
0xbf: {  	s30 =	sld [smem:$0x0];
	_ =	sdelay $0x2  }
0xc0: {  	s31 =	sshll.u32 s1, $0xD;
	s1 =	sshrl.u32 s1, $0x2  }
0xc1: {  	s3 =	sand.u32 $0x4000, s31;
	s1 =	sadd.s32 s1, s30  }
0xc2: {  	s0 =	sor.u32 s3, s0;
	s1 =	sshll.u32 s1, $0x11  }
0xc3: {  	s0 =	sor.u32 s1, s0  }
0xc4: {  	s0 =	sadd.s32 $0x8F2B, s0  }
0xc5: {  	[sflag:s0] =	ssyncadd.remote.s32 $0x1  }
0xc6: {  	_ =	sfence.sel $0xFFFF  }
0xc7: {  	[dreg:$0x0] =	wrdreg $0xFFFFFFFF;
	(pc) =	sbr.abs _section_cstart, $3  }
0xc8: {  	[dreg:$0x1] =	wrdreg $0xFFFFFFFF  }
0xc9: {  	_ =	task.clear_ibuf [dreg:s11], $0x2FFFF;
	_ =	strace $0x9FFFFFFF  }
0xca: {  	(tm) =	ssettm $0x7FFFFFFF  }
0xcb: {  	_ =	shalt  }
tec
execute0_lowered:
.L_overlay_start_1:
0x0: {  	(tag) =	ssettag $0x1  }
0x1: {  	s0 =	rddreg [dreg:$0x0]  }
0x2: {  	s1 =	rddreg [dreg:$0x1]  }
0x3: {  	s2 =	rddreg [dreg:$0x2]  }
0x4: {  	s4 =	rddreg [dreg:$0x5];
	s3 =	simm.s32 $0x0;
	s5 =	srdreg.scid  }
0x5: {  	s9 =	stileid.u32;
	s11 =	simm.s32 $0x5;
	s12 =	simm.s32 $0x200  }
0x6: {  	s15 =	simm.s32 $0x400;
	s16 =	simm.s32 $0x2400;
	s13 =	simm.s32 $0x1300  }
0x7: {  	s14 =	simm.s32 $0x3300;
	s17 =	simm.s32 $0x1380;
	s18 =	simm.s32 $0x3380  }
0x8: {  	s19 =	simm.s32 $0x3;
	s20 =	simm.s32 $0x4;
	s21 =	simm.s32 $0x1  }
0x9: {  	s22 =	simm.s32 $0x2;
	s23 =	simm.s32 $0x4800;
	s24 =	simm.s32 $0x0  }
0xa: {  	[smem:$0x7FF] =	sst s3;
	s6 =	sand.u32 $0x1, s5;
	s5 =	sadd.s32 $0x400, s2  }
0xb: {  	s9 =	sshll.u32 s9, $0x7;
	_ =	strace $0x80000047;
	s7 =	ssub.s32 $0x2, s6  }
0xc: {  	s10 =	sshll.u32 s6, $0x6;
	s6 =	sadd.s32 $0x186E00, s2;
	s8 =	sshrl.u32 s7, $0x1  }
0xd: {  	s2 =	simm.s32 $0x3280;
	s9 =	sor.u32 s10, s9;
	s31 =	ssub.s32 s7, s8  }
0xe: {  	v0 =	vlaneseq.u32;
	s7 =	sadd.s32 s0, s9;
	s8 =	sadd.s32 s1, s9;
	s9 =	sadd.s32 s4, s9  }
0xf: {  	v0 =	vmul.u32 $0x80, v0;
	s4 =	simm.s32 $0x3200;
	s1 =	simm.s32 $0x1280;
	s10 =	smax.u32 s31, $0x1  }
.LBB2_1:
0x10: {  	[tilespmem:s3], [sflag:$0x5] =	stream.linear.gather [hbm4b:s7+s3], $0x200, $0x38;
	[tilespmem:$0x4A00] =	vst v63  }
0x11: {  	_ =	swait.ge [sflag:s11], $0x200  }
0x12: {  	[sflag:s11] =	ssyncset.done $0x0  }
0x13: {  	[sflag:s11] =	ssyncadd.s32 $0xFFFFFE00  }
0x14: {  	[tilespmem:s12], [sflag:$0x5] =	stream.linear.gather [hbm4b:s8+s3], $0x200, $0x38;
	[tilespmem:$0x4A00] =	vst v63  }
0x15: {  	_ =	swait.ge [sflag:s11], $0x200  }
0x16: {  	[sflag:s11] =	ssyncset.done $0x0  }
0x17: {  	[sflag:s11] =	ssyncadd.s32 $0xFFFFFE00  }
0x18: {  	s25 =	simm.s32 $0x4400;
	s0 =	rddreg [dreg:$0x3]  }
0x19: {  	[tilespmem:s25], [sflag:$0x3] =	stream.indirect.gather [hbm4b:s0+s12], $0x1, s3, s12, $0xb8;
	[tilespmem:$0x4A00] =	vst v63  }
0x1a: {  	s31 =	simm.s32 $0x4600;
	s30 =	rddreg [dreg:$0x4]  }
0x1b: {  	[tilespmem:s31], [sflag:$0x4] =	stream.indirect.gather [hbm4b:s30+s12], $0x1, s12, s12, $0xb8;
	[tilespmem:$0x4A00] =	vst v63  }
0x1c: {  	v1 =	vld [tilespmem:$0x0];
	_ =	sdelay $0x1  }
0x1d: {  	v3 =	vld [tilespmem:$0x200];
	_ =	sdelay $0x2  }
0x1e: {  	v2 =	vshll.u32 v1, $0x4  }
0x1f: {  	(v2sf) =	vpush v2, $0x0  }
0x20: {  	v1 =	vshll.u32 v3, $0x4  }
0x21: {  	(v2sf) =	vpush v1, $0x0;
	_ =	sdelay $0x1  }
0x22: {  	(v2sf) =	vpush v2, $0x1;
	_ =	sdelay $0x2  }
0x23: {  	(v2sf) =	vpush v1, $0x1;
	_ =	sdelay $0x7  }
0x24: {  	s0 =	spop (v2sf);
	(v2sf) =	vpush v2, $0x2;
	_ =	sdelay $0x1  }
0x25: {  	s26 =	spop (v2sf);
	(v2sf) =	vpush v1, $0x2;
	_ =	sdelay $0x1  }
0x26: {  	s28 =	spop (v2sf);
	(v2sf) =	vpush v2, $0x3;
	_ =	sdelay $0x2  }
0x27: {  	s30 =	spop (v2sf);
	(v2sf) =	vpush v1, $0x3;
	_ =	sdelay $0x1  }
0x28: {  	s25 =	sand.u32 $0x1FFFFFF0, s0  }
0x29: {  	s25 =	sadd.s32 s5, s25  }
0x2a: {  	[tilespmem:s15], [sflag:$0x1] =	stream.linear.gather [hbm4b:s25+s3], $0x80, $0x38;
	[tilespmem:$0x4A00] =	vst v63  }
0x2b: {  	s25 =	sand.u32 $0x1FFFFFF0, s26  }
0x2c: {  	s25 =	sadd.s32 s6, s25  }
0x2d: {  	[tilespmem:s16], [sflag:$0x2] =	stream.linear.gather [hbm4b:s25+s3], $0x80, $0x38;
	[tilespmem:$0x4A00] =	vst v63  }
0x2e: {  	s0 =	spop (v2sf);
	(v2sf) =	vpush v2, $0x4  }
0x2f: {  	s25 =	sand.u32 $0x1FFFFFF0, s28  }
0x30: {  	s29 =	simm.s32 $0x480;
	s25 =	sadd.s32 s5, s25;
	s28 =	spop (v2sf);
	(v2sf) =	vpush v1, $0x4  }
0x31: {  	[tilespmem:s29], [sflag:$0x1] =	stream.linear.gather [hbm4b:s25+s3], $0x80, $0x38;
	[tilespmem:$0x4A00] =	vst v63  }
0x32: {  	s25 =	sand.u32 $0x1FFFFFF0, s30;
	s30 =	spop (v2sf);
	(v2sf) =	vpush v2, $0x5  }
0x33: {  	s31 =	simm.s32 $0x2480;
	s25 =	sadd.s32 s6, s25  }
0x34: {  	[tilespmem:s31], [sflag:$0x2] =	stream.linear.gather [hbm4b:s25+s3], $0x80, $0x38;
	[tilespmem:$0x4A00] =	vst v63  }
0x35: {  	s25 =	sand.u32 $0x1FFFFFF0, s0;
	s0 =	spop (v2sf);
	(v2sf) =	vpush v1, $0x5;
	_ =	sdelay $0x2  }
0x36: {  	s26 =	simm.s32 $0x500;
	s25 =	sadd.s32 s5, s25  }
0x37: {  	[tilespmem:s26], [sflag:$0x1] =	stream.linear.gather [hbm4b:s25+s3], $0x80, $0x38;
	[tilespmem:$0x4A00] =	vst v63  }
0x38: {  	s25 =	sand.u32 $0x1FFFFFF0, s28  }
0x39: {  	s29 =	simm.s32 $0x2500;
	s25 =	sadd.s32 s6, s25  }
0x3a: {  	[tilespmem:s29], [sflag:$0x2] =	stream.linear.gather [hbm4b:s25+s3], $0x80, $0x38;
	[tilespmem:$0x4A00] =	vst v63  }
0x3b: {  	s28 =	spop (v2sf);
	(v2sf) =	vpush v2, $0x6  }
0x3c: {  	s25 =	sand.u32 $0x1FFFFFF0, s30  }
0x3d: {  	s31 =	simm.s32 $0x580;
	s25 =	sadd.s32 s5, s25;
	s30 =	spop (v2sf);
	(v2sf) =	vpush v1, $0x6  }
0x3e: {  	[tilespmem:s31], [sflag:$0x1] =	stream.linear.gather [hbm4b:s25+s3], $0x80, $0x38;
	[tilespmem:$0x4A00] =	vst v63  }
0x3f: {  	s25 =	sand.u32 $0x1FFFFFF0, s0;
	s0 =	spop (v2sf);
	(v2sf) =	vpush v2, $0x7  }
0x40: {  	s26 =	simm.s32 $0x2580;
	s25 =	sadd.s32 s6, s25  }
0x41: {  	[tilespmem:s26], [sflag:$0x2] =	stream.linear.gather [hbm4b:s25+s3], $0x80, $0x38;
	[tilespmem:$0x4A00] =	vst v63  }
0x42: {  	s25 =	sand.u32 $0x1FFFFFF0, s28;
	s28 =	spop (v2sf);
	(v2sf) =	vpush v1, $0x7;
	_ =	sdelay $0x2  }
0x43: {  	s29 =	simm.s32 $0x600;
	s25 =	sadd.s32 s5, s25  }
0x44: {  	[tilespmem:s29], [sflag:$0x1] =	stream.linear.gather [hbm4b:s25+s3], $0x80, $0x38;
	[tilespmem:$0x4A00] =	vst v63  }
0x45: {  	s25 =	sand.u32 $0x1FFFFFF0, s30  }
0x46: {  	s31 =	simm.s32 $0x2600;
	s25 =	sadd.s32 s6, s25  }
0x47: {  	[tilespmem:s31], [sflag:$0x2] =	stream.linear.gather [hbm4b:s25+s3], $0x80, $0x38;
	[tilespmem:$0x4A00] =	vst v63  }
0x48: {  	s30 =	spop (v2sf);
	(v2sf) =	vpush v2, $0x8  }
0x49: {  	s25 =	sand.u32 $0x1FFFFFF0, s0  }
0x4a: {  	s26 =	simm.s32 $0x680;
	s25 =	sadd.s32 s5, s25;
	s0 =	spop (v2sf);
	(v2sf) =	vpush v1, $0x8  }
0x4b: {  	[tilespmem:s26], [sflag:$0x1] =	stream.linear.gather [hbm4b:s25+s3], $0x80, $0x38;
	[tilespmem:$0x4A00] =	vst v63  }
0x4c: {  	s25 =	sand.u32 $0x1FFFFFF0, s28;
	s28 =	spop (v2sf);
	(v2sf) =	vpush v2, $0x9  }
0x4d: {  	s29 =	simm.s32 $0x2680;
	s25 =	sadd.s32 s6, s25  }
0x4e: {  	[tilespmem:s29], [sflag:$0x2] =	stream.linear.gather [hbm4b:s25+s3], $0x80, $0x38;
	[tilespmem:$0x4A00] =	vst v63  }
0x4f: {  	s25 =	sand.u32 $0x1FFFFFF0, s30;
	s30 =	spop (v2sf);
	(v2sf) =	vpush v1, $0x9;
	_ =	sdelay $0x1  }
0x50: {  	s31 =	simm.s32 $0x700;
	s25 =	sadd.s32 s5, s25  }
0x51: {  	[tilespmem:s31], [sflag:$0x1] =	stream.linear.gather [hbm4b:s25+s3], $0x80, $0x38;
	[tilespmem:$0x4A00] =	vst v63  }
0x52: {  	s25 =	sand.u32 $0x1FFFFFF0, s0  }
0x53: {  	s26 =	simm.s32 $0x2700;
	s25 =	sadd.s32 s6, s25  }
0x54: {  	[tilespmem:s26], [sflag:$0x2] =	stream.linear.gather [hbm4b:s25+s3], $0x80, $0x38;
	[tilespmem:$0x4A00] =	vst v63  }
0x55: {  	s25 =	sand.u32 $0x1FFFFFF0, s28  }
0x56: {  	s29 =	simm.s32 $0x780;
	s25 =	sadd.s32 s5, s25;
	s0 =	spop (v2sf);
	(v2sf) =	vpush v2, $0xA  }
0x57: {  	[tilespmem:s29], [sflag:$0x1] =	stream.linear.gather [hbm4b:s25+s3], $0x80, $0x38;
	[tilespmem:$0x4A00] =	vst v63  }
0x58: {  	s28 =	spop (v2sf);
	(v2sf) =	vpush v1, $0xA  }
0x59: {  	s25 =	sand.u32 $0x1FFFFFF0, s30  }
0x5a: {  	s31 =	simm.s32 $0x2780;
	s25 =	sadd.s32 s6, s25;
	s30 =	spop (v2sf);
	(v2sf) =	vpush v2, $0xB  }
0x5b: {  	[tilespmem:s31], [sflag:$0x2] =	stream.linear.gather [hbm4b:s25+s3], $0x80, $0x38;
	[tilespmem:$0x4A00] =	vst v63  }
0x5c: {  	s25 =	sand.u32 $0x1FFFFFF0, s0  }
0x5d: {  	s26 =	simm.s32 $0x800;
	s25 =	sadd.s32 s5, s25;
	s0 =	spop (v2sf);
	(v2sf) =	vpush v1, $0xB  }
0x5e: {  	[tilespmem:s26], [sflag:$0x1] =	stream.linear.gather [hbm4b:s25+s3], $0x80, $0x38;
	[tilespmem:$0x4A00] =	vst v63  }
0x5f: {  	s25 =	sand.u32 $0x1FFFFFF0, s28  }
0x60: {  	s29 =	simm.s32 $0x2800;
	s25 =	sadd.s32 s6, s25  }
0x61: {  	[tilespmem:s29], [sflag:$0x2] =	stream.linear.gather [hbm4b:s25+s3], $0x80, $0x38;
	[tilespmem:$0x4A00] =	vst v63  }
0x62: {  	s25 =	sand.u32 $0x1FFFFFF0, s30  }
0x63: {  	s31 =	simm.s32 $0x880;
	s25 =	sadd.s32 s5, s25  }
0x64: {  	[tilespmem:s31], [sflag:$0x1] =	stream.linear.gather [hbm4b:s25+s3], $0x80, $0x38;
	[tilespmem:$0x4A00] =	vst v63  }
0x65: {  	s28 =	spop (v2sf);
	(v2sf) =	vpush v2, $0xC  }
0x66: {  	s25 =	sand.u32 $0x1FFFFFF0, s0  }
0x67: {  	s26 =	simm.s32 $0x2880;
	s25 =	sadd.s32 s6, s25;
	s30 =	spop (v2sf);
	(v2sf) =	vpush v1, $0xC  }
0x68: {  	[tilespmem:s26], [sflag:$0x2] =	stream.linear.gather [hbm4b:s25+s3], $0x80, $0x38;
	[tilespmem:$0x4A00] =	vst v63  }
0x69: {  	s25 =	sand.u32 $0x1FFFFFF0, s28;
	s0 =	spop (v2sf);
	(v2sf) =	vpush v2, $0xD  }
0x6a: {  	s29 =	simm.s32 $0x900;
	s25 =	sadd.s32 s5, s25  }
0x6b: {  	[tilespmem:s29], [sflag:$0x1] =	stream.linear.gather [hbm4b:s25+s3], $0x80, $0x38;
	[tilespmem:$0x4A00] =	vst v63  }
0x6c: {  	s28 =	spop (v2sf);
	(v2sf) =	vpush v1, $0xD  }
0x6d: {  	s25 =	sand.u32 $0x1FFFFFF0, s30  }
0x6e: {  	s31 =	simm.s32 $0x2900;
	s25 =	sadd.s32 s6, s25  }
0x6f: {  	[tilespmem:s31], [sflag:$0x2] =	stream.linear.gather [hbm4b:s25+s3], $0x80, $0x38;
	[tilespmem:$0x4A00] =	vst v63  }
0x70: {  	s25 =	sand.u32 $0x1FFFFFF0, s0  }
0x71: {  	s26 =	simm.s32 $0x980;
	s25 =	sadd.s32 s5, s25  }
0x72: {  	[tilespmem:s26], [sflag:$0x1] =	stream.linear.gather [hbm4b:s25+s3], $0x80, $0x38;
	[tilespmem:$0x4A00] =	vst v63  }
0x73: {  	s25 =	sand.u32 $0x1FFFFFF0, s28  }
0x74: {  	s29 =	simm.s32 $0x2980;
	s25 =	sadd.s32 s6, s25;
	s30 =	spop (v2sf);
	(v2sf) =	vpush v2, $0xE  }
0x75: {  	[tilespmem:s29], [sflag:$0x2] =	stream.linear.gather [hbm4b:s25+s3], $0x80, $0x38;
	[tilespmem:$0x4A00] =	vst v63  }
0x76: {  	s0 =	spop (v2sf);
	(v2sf) =	vpush v1, $0xE  }
0x77: {  	s25 =	sand.u32 $0x1FFFFFF0, s30  }
0x78: {  	s31 =	simm.s32 $0xA00;
	s25 =	sadd.s32 s5, s25;
	s28 =	spop (v2sf)  }
0x79: {  	(v2sf) =	vpush v2, $0xF;
	[tilespmem:s31], [sflag:$0x1] =	stream.linear.gather [hbm4b:s25+s3], $0x80, $0x38;
	[tilespmem:$0x4A00] =	vst v63  }
0x7a: {  	s25 =	sand.u32 $0x1FFFFFF0, s0  }
0x7b: {  	s26 =	simm.s32 $0x2A00;
	s30 =	spop (v2sf);
	s25 =	sadd.s32 s6, s25  }
0x7c: {  	(v2sf) =	vpush v1, $0xF;
	[tilespmem:s26], [sflag:$0x2] =	stream.linear.gather [hbm4b:s25+s3], $0x80, $0x38;
	[tilespmem:$0x4A00] =	vst v63  }
0x7d: {  	s25 =	sand.u32 $0x1FFFFFF0, s28  }
0x7e: {  	s29 =	simm.s32 $0xA80;
	s25 =	sadd.s32 s5, s25  }
0x7f: {  	[tilespmem:s29], [sflag:$0x1] =	stream.linear.gather [hbm4b:s25+s3], $0x80, $0x38;
	[tilespmem:$0x4A00] =	vst v63  }
0x80: {  	s25 =	sand.u32 $0x1FFFFFF0, s30  }
0x81: {  	s31 =	simm.s32 $0x2A80;
	s25 =	sadd.s32 s6, s25  }
0x82: {  	[tilespmem:s31], [sflag:$0x2] =	stream.linear.gather [hbm4b:s25+s3], $0x80, $0x38;
	[tilespmem:$0x4A00] =	vst v63  }
0x83: {  	s0 =	spop (v2sf)  }
0x84: {  	s25 =	sand.u32 $0x1FFFFFF0, s0  }
0x85: {  	s26 =	simm.s32 $0xB00;
	s28 =	spop (v2sf);
	s25 =	sadd.s32 s5, s25  }
0x86: {  	[tilespmem:s26], [sflag:$0x1] =	stream.linear.gather [hbm4b:s25+s3], $0x80, $0x38;
	[tilespmem:$0x4A00] =	vst v63  }
0x87: {  	s25 =	sand.u32 $0x1FFFFFF0, s28  }
0x88: {  	s29 =	simm.s32 $0x2B00;
	s30 =	spop (v2sf);
	s25 =	sadd.s32 s6, s25  }
0x89: {  	[tilespmem:s29], [sflag:$0x2] =	stream.linear.gather [hbm4b:s25+s3], $0x80, $0x38;
	[tilespmem:$0x4A00] =	vst v63  }
0x8a: {  	s25 =	sand.u32 $0x1FFFFFF0, s30  }
0x8b: {  	s31 =	simm.s32 $0xB80;
	s0 =	spop (v2sf);
	s25 =	sadd.s32 s5, s25  }
0x8c: {  	[tilespmem:s31], [sflag:$0x1] =	stream.linear.gather [hbm4b:s25+s3], $0x80, $0x38;
	[tilespmem:$0x4A00] =	vst v63  }
0x8d: {  	s25 =	sand.u32 $0x1FFFFFF0, s0  }
0x8e: {  	s26 =	simm.s32 $0x2B80;
	s25 =	sadd.s32 s6, s25  }
0x8f: {  	[tilespmem:s26], [sflag:$0x2] =	stream.linear.gather [hbm4b:s25+s3], $0x80, $0x38;
	[tilespmem:$0x4A00] =	vst v63  }
0x90: {  	v1 =	vld [tilespmem:$0x10];
	_ =	sdelay $0x1  }
0x91: {  	v3 =	vld [tilespmem:$0x210];
	_ =	sdelay $0x2  }
0x92: {  	v2 =	vshll.u32 v1, $0x4  }
0x93: {  	(v2sf) =	vpush v2, $0x0  }
0x94: {  	v1 =	vshll.u32 v3, $0x4  }
0x95: {  	(v2sf) =	vpush v1, $0x0;
	_ =	sdelay $0x1  }
0x96: {  	(v2sf) =	vpush v2, $0x1;
	_ =	sdelay $0x2  }
0x97: {  	(v2sf) =	vpush v1, $0x1;
	_ =	sdelay $0x7  }
0x98: {  	s28 =	spop (v2sf);
	(v2sf) =	vpush v2, $0x2;
	_ =	sdelay $0x1  }
0x99: {  	s30 =	spop (v2sf);
	(v2sf) =	vpush v1, $0x2;
	_ =	sdelay $0x1  }
0x9a: {  	s0 =	spop (v2sf);
	(v2sf) =	vpush v2, $0x3;
	_ =	sdelay $0x2  }
0x9b: {  	s25 =	sand.u32 $0x1FFFFFF0, s28;
	s28 =	spop (v2sf);
	(v2sf) =	vpush v1, $0x3;
	_ =	sdelay $0x2  }
0x9c: {  	s29 =	simm.s32 $0xC00;
	s25 =	sadd.s32 s5, s25  }
0x9d: {  	[tilespmem:s29], [sflag:$0x1] =	stream.linear.gather [hbm4b:s25+s3], $0x80, $0x38;
	[tilespmem:$0x4A00] =	vst v63  }
0x9e: {  	s25 =	sand.u32 $0x1FFFFFF0, s30  }
0x9f: {  	s31 =	simm.s32 $0x2C00;
	s25 =	sadd.s32 s6, s25  }
0xa0: {  	[tilespmem:s31], [sflag:$0x2] =	stream.linear.gather [hbm4b:s25+s3], $0x80, $0x38;
	[tilespmem:$0x4A00] =	vst v63  }
0xa1: {  	s30 =	spop (v2sf);
	(v2sf) =	vpush v2, $0x4  }
0xa2: {  	s25 =	sand.u32 $0x1FFFFFF0, s0  }
0xa3: {  	s26 =	simm.s32 $0xC80;
	s25 =	sadd.s32 s5, s25;
	s0 =	spop (v2sf);
	(v2sf) =	vpush v1, $0x4  }
0xa4: {  	[tilespmem:s26], [sflag:$0x1] =	stream.linear.gather [hbm4b:s25+s3], $0x80, $0x38;
	[tilespmem:$0x4A00] =	vst v63  }
0xa5: {  	s25 =	sand.u32 $0x1FFFFFF0, s28;
	s28 =	spop (v2sf);
	(v2sf) =	vpush v2, $0x5  }
0xa6: {  	s29 =	simm.s32 $0x2C80;
	s25 =	sadd.s32 s6, s25  }
0xa7: {  	[tilespmem:s29], [sflag:$0x2] =	stream.linear.gather [hbm4b:s25+s3], $0x80, $0x38;
	[tilespmem:$0x4A00] =	vst v63  }
0xa8: {  	s25 =	sand.u32 $0x1FFFFFF0, s30;
	s30 =	spop (v2sf);
	(v2sf) =	vpush v1, $0x5;
	_ =	sdelay $0x2  }
0xa9: {  	s31 =	simm.s32 $0xD00;
	s25 =	sadd.s32 s5, s25  }
0xaa: {  	[tilespmem:s31], [sflag:$0x1] =	stream.linear.gather [hbm4b:s25+s3], $0x80, $0x38;
	[tilespmem:$0x4A00] =	vst v63  }
0xab: {  	s25 =	sand.u32 $0x1FFFFFF0, s0  }
0xac: {  	s26 =	simm.s32 $0x2D00;
	s25 =	sadd.s32 s6, s25  }
0xad: {  	[tilespmem:s26], [sflag:$0x2] =	stream.linear.gather [hbm4b:s25+s3], $0x80, $0x38;
	[tilespmem:$0x4A00] =	vst v63  }
0xae: {  	s0 =	spop (v2sf);
	(v2sf) =	vpush v2, $0x6  }
0xaf: {  	s25 =	sand.u32 $0x1FFFFFF0, s28  }
0xb0: {  	s29 =	simm.s32 $0xD80;
	s25 =	sadd.s32 s5, s25;
	s28 =	spop (v2sf);
	(v2sf) =	vpush v1, $0x6  }
0xb1: {  	[tilespmem:s29], [sflag:$0x1] =	stream.linear.gather [hbm4b:s25+s3], $0x80, $0x38;
	[tilespmem:$0x4A00] =	vst v63  }
0xb2: {  	s25 =	sand.u32 $0x1FFFFFF0, s30;
	s30 =	spop (v2sf);
	(v2sf) =	vpush v2, $0x7  }
0xb3: {  	s31 =	simm.s32 $0x2D80;
	s25 =	sadd.s32 s6, s25  }
0xb4: {  	[tilespmem:s31], [sflag:$0x2] =	stream.linear.gather [hbm4b:s25+s3], $0x80, $0x38;
	[tilespmem:$0x4A00] =	vst v63  }
0xb5: {  	s25 =	sand.u32 $0x1FFFFFF0, s0;
	s0 =	spop (v2sf);
	(v2sf) =	vpush v1, $0x7;
	_ =	sdelay $0x2  }
0xb6: {  	s26 =	simm.s32 $0xE00;
	s25 =	sadd.s32 s5, s25  }
0xb7: {  	[tilespmem:s26], [sflag:$0x1] =	stream.linear.gather [hbm4b:s25+s3], $0x80, $0x38;
	[tilespmem:$0x4A00] =	vst v63  }
0xb8: {  	s25 =	sand.u32 $0x1FFFFFF0, s28  }
0xb9: {  	s29 =	simm.s32 $0x2E00;
	s25 =	sadd.s32 s6, s25  }
0xba: {  	[tilespmem:s29], [sflag:$0x2] =	stream.linear.gather [hbm4b:s25+s3], $0x80, $0x38;
	[tilespmem:$0x4A00] =	vst v63  }
0xbb: {  	s28 =	spop (v2sf);
	(v2sf) =	vpush v2, $0x8  }
0xbc: {  	s25 =	sand.u32 $0x1FFFFFF0, s30  }
0xbd: {  	s31 =	simm.s32 $0xE80;
	s25 =	sadd.s32 s5, s25;
	s30 =	spop (v2sf);
	(v2sf) =	vpush v1, $0x8  }
0xbe: {  	[tilespmem:s31], [sflag:$0x1] =	stream.linear.gather [hbm4b:s25+s3], $0x80, $0x38;
	[tilespmem:$0x4A00] =	vst v63  }
0xbf: {  	s25 =	sand.u32 $0x1FFFFFF0, s0;
	s0 =	spop (v2sf);
	(v2sf) =	vpush v2, $0x9  }
0xc0: {  	s26 =	simm.s32 $0x2E80;
	s25 =	sadd.s32 s6, s25  }
0xc1: {  	[tilespmem:s26], [sflag:$0x2] =	stream.linear.gather [hbm4b:s25+s3], $0x80, $0x38;
	[tilespmem:$0x4A00] =	vst v63  }
0xc2: {  	s25 =	sand.u32 $0x1FFFFFF0, s28;
	s28 =	spop (v2sf);
	(v2sf) =	vpush v1, $0x9;
	_ =	sdelay $0x1  }
0xc3: {  	s29 =	simm.s32 $0xF00;
	s25 =	sadd.s32 s5, s25  }
0xc4: {  	[tilespmem:s29], [sflag:$0x1] =	stream.linear.gather [hbm4b:s25+s3], $0x80, $0x38;
	[tilespmem:$0x4A00] =	vst v63  }
0xc5: {  	s25 =	sand.u32 $0x1FFFFFF0, s30  }
0xc6: {  	s31 =	simm.s32 $0x2F00;
	s25 =	sadd.s32 s6, s25  }
0xc7: {  	[tilespmem:s31], [sflag:$0x2] =	stream.linear.gather [hbm4b:s25+s3], $0x80, $0x38;
	[tilespmem:$0x4A00] =	vst v63  }
0xc8: {  	s25 =	sand.u32 $0x1FFFFFF0, s0  }
0xc9: {  	s26 =	simm.s32 $0xF80;
	s25 =	sadd.s32 s5, s25;
	s30 =	spop (v2sf);
	(v2sf) =	vpush v2, $0xA  }
0xca: {  	[tilespmem:s26], [sflag:$0x1] =	stream.linear.gather [hbm4b:s25+s3], $0x80, $0x38;
	[tilespmem:$0x4A00] =	vst v63  }
0xcb: {  	s0 =	spop (v2sf);
	(v2sf) =	vpush v1, $0xA  }
0xcc: {  	s25 =	sand.u32 $0x1FFFFFF0, s28  }
0xcd: {  	s29 =	simm.s32 $0x2F80;
	s25 =	sadd.s32 s6, s25;
	s28 =	spop (v2sf);
	(v2sf) =	vpush v2, $0xB  }
0xce: {  	[tilespmem:s29], [sflag:$0x2] =	stream.linear.gather [hbm4b:s25+s3], $0x80, $0x38;
	[tilespmem:$0x4A00] =	vst v63  }
0xcf: {  	s25 =	sand.u32 $0x1FFFFFF0, s30  }
0xd0: {  	s31 =	simm.s32 $0x1000;
	s25 =	sadd.s32 s5, s25;
	s30 =	spop (v2sf);
	(v2sf) =	vpush v1, $0xB  }
0xd1: {  	[tilespmem:s31], [sflag:$0x1] =	stream.linear.gather [hbm4b:s25+s3], $0x80, $0x38;
	[tilespmem:$0x4A00] =	vst v63  }
0xd2: {  	s25 =	sand.u32 $0x1FFFFFF0, s0  }
0xd3: {  	s26 =	simm.s32 $0x3000;
	s25 =	sadd.s32 s6, s25  }
0xd4: {  	[tilespmem:s26], [sflag:$0x2] =	stream.linear.gather [hbm4b:s25+s3], $0x80, $0x38;
	[tilespmem:$0x4A00] =	vst v63  }
0xd5: {  	s25 =	sand.u32 $0x1FFFFFF0, s28  }
0xd6: {  	s29 =	simm.s32 $0x1080;
	s25 =	sadd.s32 s5, s25  }
0xd7: {  	[tilespmem:s29], [sflag:$0x1] =	stream.linear.gather [hbm4b:s25+s3], $0x80, $0x38;
	[tilespmem:$0x4A00] =	vst v63  }
0xd8: {  	s0 =	spop (v2sf);
	(v2sf) =	vpush v2, $0xC  }
0xd9: {  	s25 =	sand.u32 $0x1FFFFFF0, s30  }
0xda: {  	s31 =	simm.s32 $0x3080;
	s25 =	sadd.s32 s6, s25;
	s28 =	spop (v2sf);
	(v2sf) =	vpush v1, $0xC  }
0xdb: {  	[tilespmem:s31], [sflag:$0x2] =	stream.linear.gather [hbm4b:s25+s3], $0x80, $0x38;
	[tilespmem:$0x4A00] =	vst v63  }
0xdc: {  	s25 =	sand.u32 $0x1FFFFFF0, s0;
	s30 =	spop (v2sf);
	(v2sf) =	vpush v2, $0xD  }
0xdd: {  	s26 =	simm.s32 $0x1100;
	s25 =	sadd.s32 s5, s25  }
0xde: {  	[tilespmem:s26], [sflag:$0x1] =	stream.linear.gather [hbm4b:s25+s3], $0x80, $0x38;
	[tilespmem:$0x4A00] =	vst v63  }
0xdf: {  	s26 =	spop (v2sf);
	(v2sf) =	vpush v1, $0xD  }
0xe0: {  	s25 =	sand.u32 $0x1FFFFFF0, s28  }
0xe1: {  	s29 =	simm.s32 $0x3100;
	s25 =	sadd.s32 s6, s25  }
0xe2: {  	[tilespmem:s29], [sflag:$0x2] =	stream.linear.gather [hbm4b:s25+s3], $0x80, $0x38;
	[tilespmem:$0x4A00] =	vst v63  }
0xe3: {  	s25 =	sand.u32 $0x1FFFFFF0, s30  }
0xe4: {  	s31 =	simm.s32 $0x1180;
	s25 =	sadd.s32 s5, s25  }
0xe5: {  	[tilespmem:s31], [sflag:$0x1] =	stream.linear.gather [hbm4b:s25+s3], $0x80, $0x38;
	[tilespmem:$0x4A00] =	vst v63  }
0xe6: {  	s25 =	sand.u32 $0x1FFFFFF0, s26  }
0xe7: {  	s28 =	simm.s32 $0x3180;
	s25 =	sadd.s32 s6, s25;
	s29 =	spop (v2sf);
	(v2sf) =	vpush v2, $0xE  }
0xe8: {  	[tilespmem:s28], [sflag:$0x2] =	stream.linear.gather [hbm4b:s25+s3], $0x80, $0x38;
	[tilespmem:$0x4A00] =	vst v63  }
0xe9: {  	s31 =	spop (v2sf);
	(v2sf) =	vpush v1, $0xE  }
0xea: {  	s25 =	sand.u32 $0x1FFFFFF0, s29  }
0xeb: {  	s30 =	simm.s32 $0x1200;
	s25 =	sadd.s32 s5, s25;
	s0 =	spop (v2sf)  }
0xec: {  	(v2sf) =	vpush v2, $0xF;
	[tilespmem:s30], [sflag:$0x1] =	stream.linear.gather [hbm4b:s25+s3], $0x80, $0x38;
	[tilespmem:$0x4A00] =	vst v63  }
0xed: {  	s25 =	sand.u32 $0x1FFFFFF0, s31  }
0xee: {  	s26 =	spop (v2sf);
	s25 =	sadd.s32 s6, s25  }
0xef: {  	(v2sf) =	vpush v1, $0xF;
	[tilespmem:s4], [sflag:$0x2] =	stream.linear.gather [hbm4b:s25+s3], $0x80, $0x38;
	[tilespmem:$0x4A00] =	vst v63  }
0xf0: {  	s25 =	sand.u32 $0x1FFFFFF0, s0  }
0xf1: {  	s25 =	sadd.s32 s5, s25  }
0xf2: {  	[tilespmem:s1], [sflag:$0x1] =	stream.linear.gather [hbm4b:s25+s3], $0x80, $0x38;
	[tilespmem:$0x4A00] =	vst v63  }
0xf3: {  	s25 =	sand.u32 $0x1FFFFFF0, s26  }
0xf4: {  	s25 =	sadd.s32 s6, s25  }
0xf5: {  	[tilespmem:s2], [sflag:$0x2] =	stream.linear.gather [hbm4b:s25+s3], $0x80, $0x38;
	[tilespmem:$0x4A00] =	vst v63  }
0xf6: {  	s28 =	spop (v2sf)  }
0xf7: {  	s25 =	sand.u32 $0x1FFFFFF0, s28  }
0xf8: {  	s29 =	spop (v2sf);
	s25 =	sadd.s32 s5, s25  }
0xf9: {  	[tilespmem:s13], [sflag:$0x1] =	stream.linear.gather [hbm4b:s25+s3], $0x80, $0x38;
	[tilespmem:$0x4A00] =	vst v63  }
0xfa: {  	s25 =	sand.u32 $0x1FFFFFF0, s29  }
0xfb: {  	s30 =	spop (v2sf);
	s25 =	sadd.s32 s6, s25  }
0xfc: {  	[tilespmem:s14], [sflag:$0x2] =	stream.linear.gather [hbm4b:s25+s3], $0x80, $0x38;
	[tilespmem:$0x4A00] =	vst v63  }
0xfd: {  	s25 =	sand.u32 $0x1FFFFFF0, s30  }
0xfe: {  	s31 =	spop (v2sf);
	s25 =	sadd.s32 s5, s25  }
0xff: {  	[tilespmem:s17], [sflag:$0x1] =	stream.linear.gather [hbm4b:s25+s3], $0x80, $0x38;
	[tilespmem:$0x4A00] =	vst v63  }
0x100: {  	s25 =	sand.u32 $0x1FFFFFF0, s31  }
0x101: {  	s25 =	sadd.s32 s6, s25  }
0x102: {  	[tilespmem:s18], [sflag:$0x2] =	stream.linear.gather [hbm4b:s25+s3], $0x80, $0x38;
	[tilespmem:$0x4A00] =	vst v63  }
0x103: {  	_ =	swait.ge [sflag:s19], $0x200  }
0x104: {  	[sflag:s19] =	ssyncset.done $0x0  }
0x105: {  	[sflag:s19] =	ssyncadd.s32 $0xFFFFFE00  }
0x106: {  	_ =	swait.ge [sflag:s20], $0x200  }
0x107: {  	[sflag:s20] =	ssyncset.done $0x0  }
0x108: {  	s25 =	simm.s32 $0x0;
	[sflag:s20] =	ssyncadd.s32 $0xFFFFFE00  }
.LBB2_3:
0x109: {  	p0 =	seq.s32 s25, $0xF  }
.Ltmp0:
0x10a: {  	_ = 	snop;
	(pc) =	sbr.rel @p0 .LBB2_5-.Ltmp0, $2  }
0x10b: {  	_ =	sdelay $0x2  }
0x10c: {  	s28 =	sand.u32 $0x1, s25;
	s26 =	sadd.s32 $0x1, s25  }
0x10d: {  	s30 =	sshll.u32 s26, $0x5  }
0x10e: {  	v1 =	vld [tilespmem:s30+$0x0];
	_ =	sdelay $0x3  }
0x10f: {  	v3 =	vld [tilespmem:s30+$0x200]  }
0x110: {  	v2 =	vshll.u32 v1, $0x4  }
0x111: {  	(v2sf) =	vpush v2, $0x0;
	_ =	sdelay $0x2  }
0x112: {  	v1 =	vshll.u32 v3, $0x4  }
0x113: {  	(v2sf) =	vpush v1, $0x0;
	_ =	sdelay $0x3  }
0x114: {  	(v2sf) =	vpush v2, $0x1;
	_ =	sdelay $0x3  }
0x115: {  	(v2sf) =	vpush v1, $0x1;
	_ =	sdelay $0x2  }
0x116: {  	s31 =	spop (v2sf)  }
0x117: {  	s29 =	sshll.u32 s28, $0xC;
	(v2sf) =	vpush v2, $0x2;
	s31 =	sand.u32 $0x1FFFFFF0, s31  }
0x118: {  	s0 =	sxor.u32 $0x1400, s29;
	s31 =	sadd.s32 s5, s31  }
0x119: {  	[tilespmem:s0], [sflag:$0x1] =	stream.linear.gather [hbm4b:s31+s3], $0x80, $0x38;
	[tilespmem:$0x4A00] =	vst v63  }
0x11a: {  	s31 =	spop (v2sf)  }
0x11b: {  	(v2sf) =	vpush v1, $0x2;
	s0 =	sand.u32 $0x1FFFFFF0, s31  }
0x11c: {  	s31 =	sxor.u32 $0x3400, s29;
	s0 =	sadd.s32 s6, s0  }
0x11d: {  	[tilespmem:s31], [sflag:$0x2] =	stream.linear.gather [hbm4b:s0+s3], $0x80, $0x38;
	[tilespmem:$0x4A00] =	vst v63  }
0x11e: {  	s31 =	spop (v2sf)  }
0x11f: {  	(v2sf) =	vpush v2, $0x3;
	s0 =	sand.u32 $0x1FFFFFF0, s31  }
0x120: {  	s31 =	sxor.u32 $0x1480, s29;
	s0 =	sadd.s32 s5, s0  }
0x121: {  	[tilespmem:s31], [sflag:$0x1] =	stream.linear.gather [hbm4b:s0+s3], $0x80, $0x38;
	[tilespmem:$0x4A00] =	vst v63  }
0x122: {  	s31 =	spop (v2sf)  }
0x123: {  	(v2sf) =	vpush v1, $0x3;
	s0 =	sand.u32 $0x1FFFFFF0, s31  }
0x124: {  	s31 =	sxor.u32 $0x3480, s29;
	s0 =	sadd.s32 s6, s0  }
0x125: {  	[tilespmem:s31], [sflag:$0x2] =	stream.linear.gather [hbm4b:s0+s3], $0x80, $0x38;
	[tilespmem:$0x4A00] =	vst v63  }
0x126: {  	s31 =	spop (v2sf)  }
0x127: {  	(v2sf) =	vpush v2, $0x4;
	s0 =	sand.u32 $0x1FFFFFF0, s31  }
0x128: {  	s31 =	sxor.u32 $0x1500, s29;
	s0 =	sadd.s32 s5, s0  }
0x129: {  	[tilespmem:s31], [sflag:$0x1] =	stream.linear.gather [hbm4b:s0+s3], $0x80, $0x38;
	[tilespmem:$0x4A00] =	vst v63  }
0x12a: {  	s31 =	spop (v2sf)  }
0x12b: {  	(v2sf) =	vpush v1, $0x4;
	s0 =	sand.u32 $0x1FFFFFF0, s31  }
0x12c: {  	s31 =	sxor.u32 $0x3500, s29;
	s0 =	sadd.s32 s6, s0  }
0x12d: {  	[tilespmem:s31], [sflag:$0x2] =	stream.linear.gather [hbm4b:s0+s3], $0x80, $0x38;
	[tilespmem:$0x4A00] =	vst v63  }
0x12e: {  	s31 =	spop (v2sf)  }
0x12f: {  	(v2sf) =	vpush v2, $0x5;
	s0 =	sand.u32 $0x1FFFFFF0, s31  }
0x130: {  	s31 =	sxor.u32 $0x1580, s29;
	s0 =	sadd.s32 s5, s0  }
0x131: {  	[tilespmem:s31], [sflag:$0x1] =	stream.linear.gather [hbm4b:s0+s3], $0x80, $0x38;
	[tilespmem:$0x4A00] =	vst v63  }
0x132: {  	s31 =	spop (v2sf)  }
0x133: {  	(v2sf) =	vpush v1, $0x5;
	s0 =	sand.u32 $0x1FFFFFF0, s31  }
0x134: {  	s31 =	sxor.u32 $0x3580, s29;
	s0 =	sadd.s32 s6, s0  }
0x135: {  	[tilespmem:s31], [sflag:$0x2] =	stream.linear.gather [hbm4b:s0+s3], $0x80, $0x38;
	[tilespmem:$0x4A00] =	vst v63  }
0x136: {  	s31 =	spop (v2sf)  }
0x137: {  	(v2sf) =	vpush v2, $0x6;
	s0 =	sand.u32 $0x1FFFFFF0, s31  }
0x138: {  	s31 =	sxor.u32 $0x1600, s29;
	s0 =	sadd.s32 s5, s0  }
0x139: {  	[tilespmem:s31], [sflag:$0x1] =	stream.linear.gather [hbm4b:s0+s3], $0x80, $0x38;
	[tilespmem:$0x4A00] =	vst v63  }
0x13a: {  	s31 =	spop (v2sf)  }
0x13b: {  	(v2sf) =	vpush v1, $0x6;
	s0 =	sand.u32 $0x1FFFFFF0, s31  }
0x13c: {  	s31 =	sxor.u32 $0x3600, s29;
	s0 =	sadd.s32 s6, s0  }
0x13d: {  	[tilespmem:s31], [sflag:$0x2] =	stream.linear.gather [hbm4b:s0+s3], $0x80, $0x38;
	[tilespmem:$0x4A00] =	vst v63  }
0x13e: {  	s31 =	spop (v2sf)  }
0x13f: {  	(v2sf) =	vpush v2, $0x7;
	s0 =	sand.u32 $0x1FFFFFF0, s31  }
0x140: {  	s31 =	sxor.u32 $0x1680, s29;
	s0 =	sadd.s32 s5, s0  }
0x141: {  	[tilespmem:s31], [sflag:$0x1] =	stream.linear.gather [hbm4b:s0+s3], $0x80, $0x38;
	[tilespmem:$0x4A00] =	vst v63  }
0x142: {  	s31 =	spop (v2sf)  }
0x143: {  	(v2sf) =	vpush v1, $0x7;
	s0 =	sand.u32 $0x1FFFFFF0, s31  }
0x144: {  	s31 =	sxor.u32 $0x3680, s29;
	s0 =	sadd.s32 s6, s0  }
0x145: {  	[tilespmem:s31], [sflag:$0x2] =	stream.linear.gather [hbm4b:s0+s3], $0x80, $0x38;
	[tilespmem:$0x4A00] =	vst v63  }
0x146: {  	s31 =	spop (v2sf)  }
0x147: {  	(v2sf) =	vpush v2, $0x8;
	s0 =	sand.u32 $0x1FFFFFF0, s31  }
0x148: {  	s31 =	sxor.u32 $0x1700, s29;
	s0 =	sadd.s32 s5, s0  }
0x149: {  	[tilespmem:s31], [sflag:$0x1] =	stream.linear.gather [hbm4b:s0+s3], $0x80, $0x38;
	[tilespmem:$0x4A00] =	vst v63  }
0x14a: {  	s31 =	spop (v2sf)  }
0x14b: {  	(v2sf) =	vpush v1, $0x8;
	s0 =	sand.u32 $0x1FFFFFF0, s31  }
0x14c: {  	s31 =	sxor.u32 $0x3700, s29;
	s0 =	sadd.s32 s6, s0  }
0x14d: {  	[tilespmem:s31], [sflag:$0x2] =	stream.linear.gather [hbm4b:s0+s3], $0x80, $0x38;
	[tilespmem:$0x4A00] =	vst v63  }
0x14e: {  	s31 =	spop (v2sf)  }
0x14f: {  	(v2sf) =	vpush v2, $0x9;
	s0 =	sand.u32 $0x1FFFFFF0, s31  }
0x150: {  	s31 =	sxor.u32 $0x1780, s29;
	s0 =	sadd.s32 s5, s0  }
0x151: {  	[tilespmem:s31], [sflag:$0x1] =	stream.linear.gather [hbm4b:s0+s3], $0x80, $0x38;
	[tilespmem:$0x4A00] =	vst v63  }
0x152: {  	s31 =	spop (v2sf)  }
0x153: {  	(v2sf) =	vpush v1, $0x9;
	s0 =	sand.u32 $0x1FFFFFF0, s31  }
0x154: {  	s31 =	sxor.u32 $0x3780, s29;
	s0 =	sadd.s32 s6, s0  }
0x155: {  	[tilespmem:s31], [sflag:$0x2] =	stream.linear.gather [hbm4b:s0+s3], $0x80, $0x38;
	[tilespmem:$0x4A00] =	vst v63  }
0x156: {  	s31 =	spop (v2sf)  }
0x157: {  	(v2sf) =	vpush v2, $0xA;
	s0 =	sand.u32 $0x1FFFFFF0, s31  }
0x158: {  	s31 =	sxor.u32 $0x1800, s29;
	s0 =	sadd.s32 s5, s0  }
0x159: {  	[tilespmem:s31], [sflag:$0x1] =	stream.linear.gather [hbm4b:s0+s3], $0x80, $0x38;
	[tilespmem:$0x4A00] =	vst v63  }
0x15a: {  	s31 =	spop (v2sf)  }
0x15b: {  	(v2sf) =	vpush v1, $0xA;
	s0 =	sand.u32 $0x1FFFFFF0, s31  }
0x15c: {  	s31 =	sxor.u32 $0x3800, s29;
	s0 =	sadd.s32 s6, s0  }
0x15d: {  	[tilespmem:s31], [sflag:$0x2] =	stream.linear.gather [hbm4b:s0+s3], $0x80, $0x38;
	[tilespmem:$0x4A00] =	vst v63  }
0x15e: {  	s31 =	spop (v2sf)  }
0x15f: {  	(v2sf) =	vpush v2, $0xB;
	s0 =	sand.u32 $0x1FFFFFF0, s31  }
0x160: {  	s31 =	sxor.u32 $0x1880, s29;
	s0 =	sadd.s32 s5, s0  }
0x161: {  	[tilespmem:s31], [sflag:$0x1] =	stream.linear.gather [hbm4b:s0+s3], $0x80, $0x38;
	[tilespmem:$0x4A00] =	vst v63  }
0x162: {  	s31 =	spop (v2sf)  }
0x163: {  	(v2sf) =	vpush v1, $0xB;
	s0 =	sand.u32 $0x1FFFFFF0, s31  }
0x164: {  	s31 =	sxor.u32 $0x3880, s29;
	s0 =	sadd.s32 s6, s0  }
0x165: {  	[tilespmem:s31], [sflag:$0x2] =	stream.linear.gather [hbm4b:s0+s3], $0x80, $0x38;
	[tilespmem:$0x4A00] =	vst v63  }
0x166: {  	s31 =	spop (v2sf)  }
0x167: {  	(v2sf) =	vpush v2, $0xC;
	s0 =	sand.u32 $0x1FFFFFF0, s31  }
0x168: {  	s31 =	sxor.u32 $0x1900, s29;
	s0 =	sadd.s32 s5, s0  }
0x169: {  	[tilespmem:s31], [sflag:$0x1] =	stream.linear.gather [hbm4b:s0+s3], $0x80, $0x38;
	[tilespmem:$0x4A00] =	vst v63  }
0x16a: {  	s31 =	spop (v2sf)  }
0x16b: {  	(v2sf) =	vpush v1, $0xC;
	s0 =	sand.u32 $0x1FFFFFF0, s31  }
0x16c: {  	s31 =	sxor.u32 $0x3900, s29;
	s0 =	sadd.s32 s6, s0  }
0x16d: {  	[tilespmem:s31], [sflag:$0x2] =	stream.linear.gather [hbm4b:s0+s3], $0x80, $0x38;
	[tilespmem:$0x4A00] =	vst v63  }
0x16e: {  	s31 =	spop (v2sf)  }
0x16f: {  	(v2sf) =	vpush v2, $0xD;
	s0 =	sand.u32 $0x1FFFFFF0, s31  }
0x170: {  	s31 =	sxor.u32 $0x1980, s29;
	s0 =	sadd.s32 s5, s0  }
0x171: {  	[tilespmem:s31], [sflag:$0x1] =	stream.linear.gather [hbm4b:s0+s3], $0x80, $0x38;
	[tilespmem:$0x4A00] =	vst v63  }
0x172: {  	s31 =	spop (v2sf)  }
0x173: {  	(v2sf) =	vpush v1, $0xD;
	s0 =	sand.u32 $0x1FFFFFF0, s31  }
0x174: {  	s31 =	sxor.u32 $0x3980, s29;
	s0 =	sadd.s32 s6, s0  }
0x175: {  	[tilespmem:s31], [sflag:$0x2] =	stream.linear.gather [hbm4b:s0+s3], $0x80, $0x38;
	[tilespmem:$0x4A00] =	vst v63  }
0x176: {  	s31 =	spop (v2sf)  }
0x177: {  	(v2sf) =	vpush v2, $0xE;
	s0 =	sand.u32 $0x1FFFFFF0, s31  }
0x178: {  	s31 =	sxor.u32 $0x1A00, s29;
	s0 =	sadd.s32 s5, s0  }
0x179: {  	[tilespmem:s31], [sflag:$0x1] =	stream.linear.gather [hbm4b:s0+s3], $0x80, $0x38;
	[tilespmem:$0x4A00] =	vst v63  }
0x17a: {  	s31 =	spop (v2sf)  }
0x17b: {  	(v2sf) =	vpush v1, $0xE;
	s0 =	sand.u32 $0x1FFFFFF0, s31  }
0x17c: {  	s31 =	sxor.u32 $0x3A00, s29;
	s0 =	sadd.s32 s6, s0  }
0x17d: {  	[tilespmem:s31], [sflag:$0x2] =	stream.linear.gather [hbm4b:s0+s3], $0x80, $0x38;
	[tilespmem:$0x4A00] =	vst v63  }
0x17e: {  	s31 =	spop (v2sf)  }
0x17f: {  	(v2sf) =	vpush v2, $0xF;
	s0 =	sand.u32 $0x1FFFFFF0, s31  }
0x180: {  	s31 =	sxor.u32 $0x1A80, s29;
	s0 =	sadd.s32 s5, s0  }
0x181: {  	[tilespmem:s31], [sflag:$0x1] =	stream.linear.gather [hbm4b:s0+s3], $0x80, $0x38;
	[tilespmem:$0x4A00] =	vst v63  }
0x182: {  	s31 =	spop (v2sf)  }
0x183: {  	(v2sf) =	vpush v1, $0xF;
	s0 =	sand.u32 $0x1FFFFFF0, s31  }
0x184: {  	s31 =	sxor.u32 $0x3A80, s29;
	s0 =	sadd.s32 s6, s0  }
0x185: {  	[tilespmem:s31], [sflag:$0x2] =	stream.linear.gather [hbm4b:s0+s3], $0x80, $0x38;
	[tilespmem:$0x4A00] =	vst v63  }
0x186: {  	s31 =	spop (v2sf)  }
0x187: {  	s0 =	sand.u32 $0x1FFFFFF0, s31  }
0x188: {  	s31 =	sxor.u32 $0x1B00, s29;
	s0 =	sadd.s32 s5, s0  }
0x189: {  	[tilespmem:s31], [sflag:$0x1] =	stream.linear.gather [hbm4b:s0+s3], $0x80, $0x38;
	[tilespmem:$0x4A00] =	vst v63  }
0x18a: {  	s31 =	spop (v2sf)  }
0x18b: {  	s0 =	sand.u32 $0x1FFFFFF0, s31  }
0x18c: {  	s31 =	sxor.u32 $0x3B00, s29;
	s0 =	sadd.s32 s6, s0  }
0x18d: {  	[tilespmem:s31], [sflag:$0x2] =	stream.linear.gather [hbm4b:s0+s3], $0x80, $0x38;
	[tilespmem:$0x4A00] =	vst v63  }
0x18e: {  	s31 =	spop (v2sf)  }
0x18f: {  	s0 =	sand.u32 $0x1FFFFFF0, s31  }
0x190: {  	s31 =	sxor.u32 $0x1B80, s29;
	s0 =	sadd.s32 s5, s0  }
0x191: {  	[tilespmem:s31], [sflag:$0x1] =	stream.linear.gather [hbm4b:s0+s3], $0x80, $0x38;
	[tilespmem:$0x4A00] =	vst v63  }
0x192: {  	s31 =	spop (v2sf)  }
0x193: {  	s0 =	sand.u32 $0x1FFFFFF0, s31  }
0x194: {  	s31 =	sxor.u32 $0x3B80, s29;
	s0 =	sadd.s32 s6, s0  }
0x195: {  	[tilespmem:s31], [sflag:$0x2] =	stream.linear.gather [hbm4b:s0+s3], $0x80, $0x38;
	[tilespmem:$0x4A00] =	vst v63  }
0x196: {  	v1 =	vld [tilespmem:s30+$0x10];
	_ =	sdelay $0x1  }
0x197: {  	v3 =	vld [tilespmem:s30+$0x210];
	_ =	sdelay $0x2  }
0x198: {  	v2 =	vshll.u32 v1, $0x4  }
0x199: {  	(v2sf) =	vpush v2, $0x0  }
0x19a: {  	v1 =	vshll.u32 v3, $0x4  }
0x19b: {  	(v2sf) =	vpush v1, $0x0;
	_ =	sdelay $0x2  }
0x19c: {  	(v2sf) =	vpush v2, $0x1;
	_ =	sdelay $0x1  }
0x19d: {  	(v2sf) =	vpush v1, $0x1;
	_ =	sdelay $0x2  }
0x19e: {  	(v2sf) =	vpush v2, $0x2;
	_ =	sdelay $0x4  }
0x19f: {  	s30 =	spop (v2sf);
	(v2sf) =	vpush v1, $0x2  }
0x1a0: {  	s0 =	sand.u32 $0x1FFFFFF0, s30  }
0x1a1: {  	s31 =	sxor.u32 $0x1C00, s29;
	s30 =	spop (v2sf);
	s0 =	sadd.s32 s5, s0  }
0x1a2: {  	[tilespmem:s31], [sflag:$0x1] =	stream.linear.gather [hbm4b:s0+s3], $0x80, $0x38;
	[tilespmem:$0x4A00] =	vst v63  }
0x1a3: {  	s0 =	sand.u32 $0x1FFFFFF0, s30  }
0x1a4: {  	s31 =	sxor.u32 $0x3C00, s29;
	s30 =	spop (v2sf);
	(v2sf) =	vpush v2, $0x3;
	s0 =	sadd.s32 s6, s0  }
0x1a5: {  	[tilespmem:s31], [sflag:$0x2] =	stream.linear.gather [hbm4b:s0+s3], $0x80, $0x38;
	[tilespmem:$0x4A00] =	vst v63  }
0x1a6: {  	s0 =	sand.u32 $0x1FFFFFF0, s30;
	s30 =	spop (v2sf);
	(v2sf) =	vpush v1, $0x3  }
0x1a7: {  	s31 =	sxor.u32 $0x1C80, s29;
	s0 =	sadd.s32 s5, s0  }
0x1a8: {  	[tilespmem:s31], [sflag:$0x1] =	stream.linear.gather [hbm4b:s0+s3], $0x80, $0x38;
	[tilespmem:$0x4A00] =	vst v63  }
0x1a9: {  	s0 =	sand.u32 $0x1FFFFFF0, s30;
	s30 =	spop (v2sf);
	(v2sf) =	vpush v2, $0x4;
	_ =	sdelay $0x2  }
0x1aa: {  	s31 =	sxor.u32 $0x3C80, s29;
	s0 =	sadd.s32 s6, s0  }
0x1ab: {  	[tilespmem:s31], [sflag:$0x2] =	stream.linear.gather [hbm4b:s0+s3], $0x80, $0x38;
	[tilespmem:$0x4A00] =	vst v63  }
0x1ac: {  	s0 =	sand.u32 $0x1FFFFFF0, s30;
	s30 =	spop (v2sf);
	(v2sf) =	vpush v1, $0x4;
	_ =	sdelay $0x1  }
0x1ad: {  	s31 =	sxor.u32 $0x1D00, s29;
	s0 =	sadd.s32 s5, s0  }
0x1ae: {  	[tilespmem:s31], [sflag:$0x1] =	stream.linear.gather [hbm4b:s0+s3], $0x80, $0x38;
	[tilespmem:$0x4A00] =	vst v63  }
0x1af: {  	s0 =	sand.u32 $0x1FFFFFF0, s30  }
0x1b0: {  	s31 =	sxor.u32 $0x3D00, s29;
	s0 =	sadd.s32 s6, s0;
	s30 =	spop (v2sf);
	(v2sf) =	vpush v2, $0x5  }
0x1b1: {  	[tilespmem:s31], [sflag:$0x2] =	stream.linear.gather [hbm4b:s0+s3], $0x80, $0x38;
	[tilespmem:$0x4A00] =	vst v63  }
0x1b2: {  	s0 =	sand.u32 $0x1FFFFFF0, s30;
	s30 =	spop (v2sf);
	(v2sf) =	vpush v1, $0x5  }
0x1b3: {  	s31 =	sxor.u32 $0x1D80, s29;
	s0 =	sadd.s32 s5, s0  }
0x1b4: {  	[tilespmem:s31], [sflag:$0x1] =	stream.linear.gather [hbm4b:s0+s3], $0x80, $0x38;
	[tilespmem:$0x4A00] =	vst v63  }
0x1b5: {  	s0 =	sand.u32 $0x1FFFFFF0, s30;
	s30 =	spop (v2sf);
	(v2sf) =	vpush v2, $0x6;
	_ =	sdelay $0x2  }
0x1b6: {  	s31 =	sxor.u32 $0x3D80, s29;
	s0 =	sadd.s32 s6, s0  }
0x1b7: {  	[tilespmem:s31], [sflag:$0x2] =	stream.linear.gather [hbm4b:s0+s3], $0x80, $0x38;
	[tilespmem:$0x4A00] =	vst v63  }
0x1b8: {  	s0 =	sand.u32 $0x1FFFFFF0, s30;
	s30 =	spop (v2sf);
	(v2sf) =	vpush v1, $0x6;
	_ =	sdelay $0x1  }
0x1b9: {  	s31 =	sxor.u32 $0x1E00, s29;
	s0 =	sadd.s32 s5, s0  }
0x1ba: {  	[tilespmem:s31], [sflag:$0x1] =	stream.linear.gather [hbm4b:s0+s3], $0x80, $0x38;
	[tilespmem:$0x4A00] =	vst v63  }
0x1bb: {  	s0 =	sand.u32 $0x1FFFFFF0, s30  }
0x1bc: {  	s31 =	sxor.u32 $0x3E00, s29;
	s0 =	sadd.s32 s6, s0;
	s30 =	spop (v2sf);
	(v2sf) =	vpush v2, $0x7  }
0x1bd: {  	[tilespmem:s31], [sflag:$0x2] =	stream.linear.gather [hbm4b:s0+s3], $0x80, $0x38;
	[tilespmem:$0x4A00] =	vst v63  }
0x1be: {  	s0 =	sand.u32 $0x1FFFFFF0, s30;
	s30 =	spop (v2sf);
	(v2sf) =	vpush v1, $0x7  }
0x1bf: {  	s31 =	sxor.u32 $0x1E80, s29;
	s0 =	sadd.s32 s5, s0  }
0x1c0: {  	[tilespmem:s31], [sflag:$0x1] =	stream.linear.gather [hbm4b:s0+s3], $0x80, $0x38;
	[tilespmem:$0x4A00] =	vst v63  }
0x1c1: {  	s0 =	sand.u32 $0x1FFFFFF0, s30;
	s30 =	spop (v2sf);
	(v2sf) =	vpush v2, $0x8;
	_ =	sdelay $0x2  }
0x1c2: {  	s31 =	sxor.u32 $0x3E80, s29;
	s0 =	sadd.s32 s6, s0  }
0x1c3: {  	[tilespmem:s31], [sflag:$0x2] =	stream.linear.gather [hbm4b:s0+s3], $0x80, $0x38;
	[tilespmem:$0x4A00] =	vst v63  }
0x1c4: {  	s0 =	sand.u32 $0x1FFFFFF0, s30;
	s30 =	spop (v2sf);
	(v2sf) =	vpush v1, $0x8;
	_ =	sdelay $0x1  }
0x1c5: {  	s31 =	sxor.u32 $0x1F00, s29;
	s0 =	sadd.s32 s5, s0  }
0x1c6: {  	[tilespmem:s31], [sflag:$0x1] =	stream.linear.gather [hbm4b:s0+s3], $0x80, $0x38;
	[tilespmem:$0x4A00] =	vst v63  }
0x1c7: {  	s0 =	sand.u32 $0x1FFFFFF0, s30  }
0x1c8: {  	s31 =	sxor.u32 $0x3F00, s29;
	s0 =	sadd.s32 s6, s0;
	s30 =	spop (v2sf);
	(v2sf) =	vpush v2, $0x9  }
0x1c9: {  	[tilespmem:s31], [sflag:$0x2] =	stream.linear.gather [hbm4b:s0+s3], $0x80, $0x38;
	[tilespmem:$0x4A00] =	vst v63  }
0x1ca: {  	s0 =	sand.u32 $0x1FFFFFF0, s30;
	s30 =	spop (v2sf);
	(v2sf) =	vpush v1, $0x9  }
0x1cb: {  	s31 =	sxor.u32 $0x1F80, s29;
	s0 =	sadd.s32 s5, s0  }
0x1cc: {  	[tilespmem:s31], [sflag:$0x1] =	stream.linear.gather [hbm4b:s0+s3], $0x80, $0x38;
	[tilespmem:$0x4A00] =	vst v63  }
0x1cd: {  	s0 =	sand.u32 $0x1FFFFFF0, s30;
	s30 =	spop (v2sf);
	(v2sf) =	vpush v2, $0xA;
	_ =	sdelay $0x2  }
0x1ce: {  	s31 =	sxor.u32 $0x3F80, s29;
	s0 =	sadd.s32 s6, s0  }
0x1cf: {  	[tilespmem:s31], [sflag:$0x2] =	stream.linear.gather [hbm4b:s0+s3], $0x80, $0x38;
	[tilespmem:$0x4A00] =	vst v63  }
0x1d0: {  	s0 =	sand.u32 $0x1FFFFFF0, s30;
	s30 =	spop (v2sf);
	(v2sf) =	vpush v1, $0xA;
	_ =	sdelay $0x1  }
0x1d1: {  	s31 =	ssub.s32 $0x2000, s29;
	s0 =	sadd.s32 s5, s0  }
0x1d2: {  	[tilespmem:s31], [sflag:$0x1] =	stream.linear.gather [hbm4b:s0+s3], $0x80, $0x38;
	[tilespmem:$0x4A00] =	vst v63  }
0x1d3: {  	s0 =	sand.u32 $0x1FFFFFF0, s30  }
0x1d4: {  	s31 =	ssub.s32 $0x4000, s29;
	s0 =	sadd.s32 s6, s0;
	s30 =	spop (v2sf);
	(v2sf) =	vpush v2, $0xB  }
0x1d5: {  	[tilespmem:s31], [sflag:$0x2] =	stream.linear.gather [hbm4b:s0+s3], $0x80, $0x38;
	[tilespmem:$0x4A00] =	vst v63  }
0x1d6: {  	s0 =	sand.u32 $0x1FFFFFF0, s30;
	s30 =	spop (v2sf);
	(v2sf) =	vpush v1, $0xB  }
0x1d7: {  	s31 =	ssub.s32 $0x2080, s29;
	s0 =	sadd.s32 s5, s0  }
0x1d8: {  	[tilespmem:s31], [sflag:$0x1] =	stream.linear.gather [hbm4b:s0+s3], $0x80, $0x38;
	[tilespmem:$0x4A00] =	vst v63  }
0x1d9: {  	s0 =	sand.u32 $0x1FFFFFF0, s30;
	s30 =	spop (v2sf);
	(v2sf) =	vpush v2, $0xC;
	_ =	sdelay $0x1  }
0x1da: {  	s31 =	ssub.s32 $0x4080, s29;
	s0 =	sadd.s32 s6, s0  }
0x1db: {  	[tilespmem:s31], [sflag:$0x2] =	stream.linear.gather [hbm4b:s0+s3], $0x80, $0x38;
	[tilespmem:$0x4A00] =	vst v63  }
0x1dc: {  	s0 =	sand.u32 $0x1FFFFFF0, s30  }
0x1dd: {  	s31 =	ssub.s32 $0x2100, s29;
	s0 =	sadd.s32 s5, s0;
	s30 =	spop (v2sf);
	(v2sf) =	vpush v1, $0xC  }
0x1de: {  	[tilespmem:s31], [sflag:$0x1] =	stream.linear.gather [hbm4b:s0+s3], $0x80, $0x38;
	[tilespmem:$0x4A00] =	vst v63  }
0x1df: {  	s0 =	sand.u32 $0x1FFFFFF0, s30;
	(v2sf) =	vpush v2, $0xD  }
0x1e0: {  	s31 =	ssub.s32 $0x4100, s29;
	s0 =	sadd.s32 s6, s0  }
0x1e1: {  	[tilespmem:s31], [sflag:$0x2] =	stream.linear.gather [hbm4b:s0+s3], $0x80, $0x38;
	[tilespmem:$0x4A00] =	vst v63  }
0x1e2: {  	s30 =	spop (v2sf);
	(v2sf) =	vpush v1, $0xD  }
0x1e3: {  	s0 =	sand.u32 $0x1FFFFFF0, s30  }
0x1e4: {  	s31 =	ssub.s32 $0x2180, s29;
	s0 =	sadd.s32 s5, s0;
	s30 =	spop (v2sf)  }
0x1e5: {  	(v2sf) =	vpush v2, $0xE;
	[tilespmem:s31], [sflag:$0x1] =	stream.linear.gather [hbm4b:s0+s3], $0x80, $0x38;
	[tilespmem:$0x4A00] =	vst v63  }
0x1e6: {  	s0 =	sand.u32 $0x1FFFFFF0, s30  }
0x1e7: {  	s31 =	ssub.s32 $0x4180, s29;
	s0 =	sadd.s32 s6, s0;
	s30 =	spop (v2sf)  }
0x1e8: {  	(v2sf) =	vpush v1, $0xE;
	[tilespmem:s31], [sflag:$0x2] =	stream.linear.gather [hbm4b:s0+s3], $0x80, $0x38;
	[tilespmem:$0x4A00] =	vst v63  }
0x1e9: {  	s0 =	sand.u32 $0x1FFFFFF0, s30  }
0x1ea: {  	s31 =	ssub.s32 $0x2200, s29;
	s0 =	sadd.s32 s5, s0  }
0x1eb: {  	[tilespmem:s31], [sflag:$0x1] =	stream.linear.gather [hbm4b:s0+s3], $0x80, $0x38;
	[tilespmem:$0x4A00] =	vst v63  }
0x1ec: {  	s30 =	spop (v2sf)  }
0x1ed: {  	(v2sf) =	vpush v2, $0xF;
	s0 =	sand.u32 $0x1FFFFFF0, s30  }
0x1ee: {  	s31 =	ssub.s32 $0x4200, s29;
	s30 =	spop (v2sf);
	s0 =	sadd.s32 s6, s0  }
0x1ef: {  	[tilespmem:s31], [sflag:$0x2] =	stream.linear.gather [hbm4b:s0+s3], $0x80, $0x38;
	[tilespmem:$0x4A00] =	vst v63  }
0x1f0: {  	s0 =	sand.u32 $0x1FFFFFF0, s30  }
0x1f1: {  	(v2sf) =	vpush v1, $0xF;
	s30 =	spop (v2sf);
	s31 =	ssub.s32 $0x2280, s29;
	s0 =	sadd.s32 s5, s0  }
0x1f2: {  	[tilespmem:s31], [sflag:$0x1] =	stream.linear.gather [hbm4b:s0+s3], $0x80, $0x38;
	[tilespmem:$0x4A00] =	vst v63  }
0x1f3: {  	s0 =	sand.u32 $0x1FFFFFF0, s30  }
0x1f4: {  	s30 =	spop (v2sf);
	s31 =	ssub.s32 $0x4280, s29;
	s0 =	sadd.s32 s6, s0  }
0x1f5: {  	[tilespmem:s31], [sflag:$0x2] =	stream.linear.gather [hbm4b:s0+s3], $0x80, $0x38;
	[tilespmem:$0x4A00] =	vst v63  }
0x1f6: {  	s0 =	sand.u32 $0x1FFFFFF0, s30  }
0x1f7: {  	s30 =	spop (v2sf);
	s31 =	ssub.s32 $0x2300, s29;
	s0 =	sadd.s32 s5, s0  }
0x1f8: {  	[tilespmem:s31], [sflag:$0x1] =	stream.linear.gather [hbm4b:s0+s3], $0x80, $0x38;
	[tilespmem:$0x4A00] =	vst v63  }
0x1f9: {  	s0 =	sand.u32 $0x1FFFFFF0, s30  }
0x1fa: {  	s31 =	ssub.s32 $0x4300, s29;
	s0 =	sadd.s32 s6, s0  }
0x1fb: {  	[tilespmem:s31], [sflag:$0x2] =	stream.linear.gather [hbm4b:s0+s3], $0x80, $0x38;
	[tilespmem:$0x4A00] =	vst v63  }
0x1fc: {  	s30 =	spop (v2sf)  }
0x1fd: {  	s0 =	sand.u32 $0x1FFFFFF0, s30  }
0x1fe: {  	s31 =	ssub.s32 $0x2380, s29;
	s0 =	sadd.s32 s5, s0  }
0x1ff: {  	[tilespmem:s31], [sflag:$0x1] =	stream.linear.gather [hbm4b:s0+s3], $0x80, $0x38;
	[tilespmem:$0x4A00] =	vst v63  }
0x200: {  	s31 =	spop (v2sf)  }
0x201: {  	s0 =	sand.u32 $0x1FFFFFF0, s31  }
0x202: {  	s29 =	ssub.s32 $0x4380, s29;
	s0 =	sadd.s32 s6, s0  }
0x203: {  	[tilespmem:s29], [sflag:$0x2] =	stream.linear.gather [hbm4b:s0+s3], $0x80, $0x38;
	[tilespmem:$0x4A00] =	vst v63  }
.LBB2_5:
0x204: {  	_ =	swait.ge [sflag:s21], $0x400  }
0x205: {  	[sflag:s21] =	ssyncset.done $0x0  }
0x206: {  	[sflag:s21] =	ssyncadd.s32 $0xFFFFFC00  }
0x207: {  	_ =	swait.ge [sflag:s22], $0x400  }
0x208: {  	[sflag:s22] =	ssyncset.done $0x0  }
0x209: {  	[sflag:s22] =	ssyncadd.s32 $0xFFFFFC00  }
0x20a: {  	_ =	swait.ge [sflag:s21], $0x400  }
0x20b: {  	[sflag:s21] =	ssyncset.done $0x0  }
0x20c: {  	[sflag:s21] =	ssyncadd.s32 $0xFFFFFC00  }
0x20d: {  	_ =	swait.ge [sflag:s22], $0x400  }
0x20e: {  	[sflag:s22] =	ssyncset.done $0x0  }
0x20f: {  	[sflag:s22] =	ssyncadd.s32 $0xFFFFFC00  }
0x210: {  	_ =	swait.ge [sflag:s21], $0x400  }
0x211: {  	[sflag:s21] =	ssyncset.done $0x0  }
0x212: {  	[sflag:s21] =	ssyncadd.s32 $0xFFFFFC00  }
0x213: {  	_ =	swait.ge [sflag:s22], $0x400  }
0x214: {  	[sflag:s22] =	ssyncset.done $0x0  }
0x215: {  	[sflag:s22] =	ssyncadd.s32 $0xFFFFFC00  }
0x216: {  	_ =	swait.ge [sflag:s21], $0x400  }
0x217: {  	[sflag:s21] =	ssyncset.done $0x0  }
0x218: {  	[sflag:s21] =	ssyncadd.s32 $0xFFFFFC00  }
0x219: {  	_ =	swait.ge [sflag:s22], $0x400  }
0x21a: {  	s0 =	sshll.u32 s28, $0xC;
	s25 =	sshll.u32 s25, $0x5;
	[sflag:s22] =	ssyncset.done $0x0  }
0x21b: {  	s28 =	simm.s32 $0x0;
	p1 =	por $0x1, $0x1;
	v1 =	vmov s0;
	[sflag:s22] =	ssyncadd.s32 $0xFFFFFC00  }
.LBB2_6:
0x21c: {  	s0 =	simm.s32 $0x0  }
0x21d: {  	v2 =	vmov s28;
	v3 =	vmov s0  }
0x21e: {  	v2 =	vshll.u32 v2, $0x7;
	s0 =	simm.s32 $0x1;
	v3 =	vand.u32 $0x78, v3  }
0x21f: {  	v2 =	vor.u32 v0, v2;
	v4 =	vmov s0;
	v3 =	vbroadcast v3, $0x0  }
0x220: {  	s0 =	simm.s32 $0x2;
	v2 =	vor.u32 v1, v2;
	v4 =	vand.u32 $0x79, v4  }
0x221: {  	s28 =	sor.u32 s25, s28;
	v5 =	vmov s0;
	v4 =	vbroadcast v4, $0x0;
	v3 =	vor.u32 v2, v3  }
0x222: {  	v6 =	vld [tilespmem:s28+$0x4400];
	s0 =	simm.s32 $0x3;
	v5 =	vand.u32 $0x7A, v5  }
0x223: {  	v8 =	vld [tilespmem:s28+$0x4600];
	v7 =	vmov s0;
	v5 =	vbroadcast v5, $0x0;
	v4 =	vor.u32 v2, v4  }
0x224: {  	s0 =	simm.s32 $0x4;
	v7 =	vand.u32 $0x7B, v7  }
0x225: {  	v9 =	vmov s0;
	v7 =	vbroadcast v7, $0x0;
	v5 =	vor.u32 v2, v5  }
0x226: {  	s0 =	simm.s32 $0x5;
	v9 =	vand.u32 $0x7C, v9;
	v10 =	vld.idx.msk [tilespmem:v3+s15+$0x0], $0xffff  }
0x227: {  	s29 =	simm.s32 $0x7;
	v11 =	vmov s0;
	v9 =	vbroadcast v9, $0x0;
	v17 =	vor.u32 v2, v7;
	v16 =	vld.idx.msk [tilespmem:v3+s16+$0x0], $0xffff  }
0x228: {  	v13 =	vmov s29;
	s0 =	simm.s32 $0x6;
	v12 =	vadd.f32 v8, v6;
	v7 =	vand.u32 $0x7D, v11;
	v3 =	vld.idx.msk [tilespmem:v4+s15+$0x0], $0xffff  }
0x229: {  	v6 =	vmov s0;
	v11 =	vbroadcast v7, $0x0;
	v8 =	vor.u32 v2, v9;
	v7 =	vld.idx.msk [tilespmem:v4+s16+$0x0], $0xffff  }
0x22a: {  	v13 =	vand.u32 $0x7F, v13;
	s0 =	simm.s32 $0x8;
	v6 =	vand.u32 $0x7E, v6;
	v4 =	vld.idx.msk [tilespmem:v5+s15+$0x0], $0xffff  }
0x22b: {  	v14 =	vmov s0;
	v18 =	vbroadcast v6, $0x0;
	v6 =	vor.u32 v2, v11;
	v9 =	vld.idx.msk [tilespmem:v5+s16+$0x0], $0xffff  }
0x22c: {  	p0 =	por p1, p1;
	v13 =	vbroadcast v13, $0x0;
	s0 =	simm.s32 $0x9;
	v15 =	vand.u32 $0x78, v14;
	v5 =	vld.idx.msk [tilespmem:v17+s15+$0x0], $0xffff  }
0x22d: {  	s31 =	simm.s32 $0xA;
	s30 =	simm.s32 $0x17;
	s29 =	simm.s32 $0xF;
	v14 =	vmov s0;
	v11 =	vld.idx.msk [tilespmem:v17+s16+$0x0], $0xffff;
	v16 =	vmul.f32 v16, v10;
	v10 =	vor.u32 v2, v18  }
.LBB2_7:
0x22e: {  	p1 =	sne.s32 s30, $0x3F;
	v15 =	vbroadcast v15, $0x0;
	v14 =	vand.u32 $0x79, v14;
	v17 =	vmov s31;
	v18 =	vld.idx.msk [tilespmem:v8+s15+$0x0], $0xffff  }
0x22f: {  	s0 =	sadd.s32 $0xFFFFFFFC, s29;
	v3 =	vmul.f32 v7, v3;
	v12 =	vadd.f32 v16, v12;
	v7 =	vld.idx.msk [tilespmem:v8+s16+$0x0], $0xffff;
	v8 =	vor.u32 v2, v13  }
0x230: {  	v13 =	vbroadcast v14, $0x0;
	v14 =	vand.u32 $0x7A, v17;
	v16 =	vmov s0;
	v17 =	vld.idx.msk [tilespmem:v6+s15+$0x0], $0xffff  }
0x231: {  	s0 =	sadd.s32 $0xFFFFFFFD, s29;
	v15 =	vor.u32 v2, v15;
	v4 =	vmul.f32 v9, v4;
	v3 =	vadd.f32 v3, v12;
	v6 =	vld.idx.msk [tilespmem:v6+s16+$0x0], $0xffff  }
0x232: {  	v9 =	vbroadcast v14, $0x0;
	v14 =	vmov s0;
	v12 =	vand.u32 $0x7B, v16;
	v16 =	vld.idx.msk [tilespmem:v10+s15+$0x0], $0xffff  }
0x233: {  	s0 =	sadd.s32 $0xFFFFFFFE, s29;
	v13 =	vor.u32 v2, v13;
	v3 =	vadd.f32 v4, v3;
	v4 =	vmul.f32 v11, v5;
	v5 =	vld.idx.msk [tilespmem:v10+s16+$0x0], $0xffff  }
0x234: {  	v10 =	vbroadcast v12, $0x0;
	v11 =	vand.u32 $0x7C, v14;
	v12 =	vmov s0;
	v14 =	vld.idx.msk [tilespmem:v8+s15+$0x0], $0xffff  }
0x235: {  	v9 =	vor.u32 v2, v9;
	s0 =	sadd.s32 $0xFFFFFFFF, s29;
	v3 =	vadd.f32 v4, v3;
	v4 =	vmul.f32 v7, v18;
	v18 =	vld.idx.msk [tilespmem:v8+s16+$0x0], $0xffff  }
0x236: {  	v8 =	vbroadcast v11, $0x0;
	v7 =	vand.u32 $0x7D, v12;
	v11 =	vmov s0;
	v19 =	vld.idx.msk [tilespmem:v15+s15+$0x0], $0xffff  }
0x237: {  	v10 =	vor.u32 v2, v10;
	v6 =	vmul.f32 v6, v17;
	v12 =	vld.idx.msk [tilespmem:v15+s16+$0x0], $0xffff;
	v4 =	vadd.f32 v4, v3  }
0x238: {  	v11 =	vand.u32 $0x7E, v11;
	v17 =	vmov s29;
	s29 =	smov.u32 s30;
	v15 =	vbroadcast v7, $0x0;
	v3 =	vld.idx.msk [tilespmem:v13+s15+$0x0], $0xffff  }
.Ltmp1:
0x239: {  	s0 =	sadd.s32 $0xFFFFFFF9, s30;
	v8 =	vor.u32 v2, v8;
	v5 =	vmul.f32 v5, v16;
	v7 =	vld.idx.msk [tilespmem:v13+s16+$0x0], $0xffff;
	v13 =	vadd.f32 v6, v4;
	(pc) =	sbr.rel @p1 .LBB2_7-.Ltmp1, $4  }
0x23a: {  	v20 =	vbroadcast v11, $0x0;
	v11 =	vand.u32 $0x7F, v17;
	v16 =	vmov s0;
	v4 =	vld.idx.msk [tilespmem:v9+s15+$0x0], $0xffff  }
0x23b: {  	s0 =	sadd.s32 $0xFFFFFFFA, s30;
	v6 =	vor.u32 v2, v15;
	v18 =	vmul.f32 v18, v14;
	v9 =	vld.idx.msk [tilespmem:v9+s16+$0x0], $0xffff;
	v17 =	vadd.f32 v5, v13  }
0x23c: {  	v15 =	vand.u32 $0x78, v16;
	v14 =	vmov s0;
	v13 =	vbroadcast v11, $0x0;
	v5 =	vld.idx.msk [tilespmem:v10+s15+$0x0], $0xffff  }
0x23d: {  	s31 =	sadd.s32 $0xFFFFFFFB, s29;
	s30 =	sadd.s32 $0x8, s30;
	v16 =	vmul.f32 v12, v19;
	v11 =	vld.idx.msk [tilespmem:v10+s16+$0x0], $0xffff;
	v10 =	vor.u32 v2, v20;
	v12 =	vadd.f32 v18, v17  }
0x23e: {  	_ =	sdelay $0x3  }
0x23f: {  	v17 =	vld.idx.msk [tilespmem:v8+s15+$0x0], $0xffff;
	v3 =	vmul.f32 v7, v3;
	v12 =	vadd.f32 v16, v12  }
0x240: {  	v30 =	vbroadcast v15, $0x0;
	v31 =	vld.idx.msk [tilespmem:v8+s16+$0x0], $0xffff;
	v13 =	vor.u32 v2, v13  }
0x241: {  	v14 =	vand.u32 $0x79, v14;
	v32 =	vld.idx.msk [tilespmem:v6+s15+$0x0], $0xffff;
	v4 =	vmul.f32 v9, v4;
	v3 =	vadd.f32 v3, v12  }
0x242: {  	v33 =	vmov s31;
	v35 =	vld.idx.msk [tilespmem:v6+s16+$0x0], $0xffff;
	v34 =	vbroadcast v14, $0x0;
	v7 =	vor.u32 v2, v30  }
0x243: {  	s0 =	sadd.s32 $0xFFFFFFFC, s29;
	v36 =	vld.idx.msk [tilespmem:v10+s15+$0x0], $0xffff;
	v9 =	vand.u32 $0x7A, v33;
	v37 =	vmul.f32 v11, v5;
	v3 =	vadd.f32 v4, v3  }
0x244: {  	v40 =	vld.idx.msk [tilespmem:v10+s16+$0x0], $0xffff;
	v38 =	vmov s0;
	v9 =	vbroadcast v9, $0x0;
	v39 =	vor.u32 v2, v34  }
0x245: {  	s31 =	sadd.s32 $0xFFFFFFFD, s29;
	v5 =	vand.u32 $0x7B, v38;
	v41 =	vld.idx.msk [tilespmem:v13+s15+$0x0], $0xffff;
	v42 =	vmul.f32 v31, v17;
	v3 =	vadd.f32 v37, v3  }
0x246: {  	v43 =	vmov s31;
	v5 =	vbroadcast v5, $0x0;
	v9 =	vor.u32 v2, v9;
	v13 =	vld.idx.msk [tilespmem:v13+s16+$0x0], $0xffff  }
0x247: {  	s30 =	sadd.s32 $0xFFFFFFFE, s29;
	v8 =	vand.u32 $0x7C, v43;
	v45 =	vmul.f32 v35, v32;
	v44 =	vld.idx.msk [tilespmem:v7+s15+$0x0], $0xffff;
	v3 =	vadd.f32 v42, v3  }
0x248: {  	v46 =	vmov s30;
	v8 =	vbroadcast v8, $0x0;
	v7 =	vld.idx.msk [tilespmem:v7+s16+$0x0], $0xffff;
	v5 =	vor.u32 v2, v5  }
0x249: {  	s31 =	sadd.s32 $0xFFFFFFFF, s29;
	v6 =	vand.u32 $0x7D, v46;
	v48 =	vmul.f32 v40, v36;
	v47 =	vld.idx.msk [tilespmem:v39+s15+$0x0], $0xffff;
	v3 =	vadd.f32 v45, v3  }
0x24a: {  	v49 =	vmov s31;
	v6 =	vbroadcast v6, $0x0;
	v8 =	vor.u32 v2, v8;
	v11 =	vld.idx.msk [tilespmem:v39+s16+$0x0], $0xffff  }
0x24b: {  	v10 =	vand.u32 $0x7E, v49;
	v50 =	vld.idx.msk [tilespmem:v9+s15+$0x0], $0xffff;
	v51 =	vmul.f32 v13, v41;
	v3 =	vadd.f32 v48, v3  }
0x24c: {  	v52 =	vmov s29;
	v10 =	vbroadcast v10, $0x0;
	v6 =	vor.u32 v2, v6;
	v9 =	vld.idx.msk [tilespmem:v9+s16+$0x0], $0xffff  }
0x24d: {  	v12 =	vand.u32 $0x7F, v52;
	v53 =	vld.idx.msk [tilespmem:v5+s15+$0x0], $0xffff;
	v7 =	vmul.f32 v7, v44;
	v3 =	vadd.f32 v51, v3  }
0x24e: {  	v54 =	vbroadcast v12, $0x0;
	v10 =	vor.u32 v2, v10;
	v5 =	vld.idx.msk [tilespmem:v5+s16+$0x0], $0xffff  }
0x24f: {  	v55 =	vld.idx.msk [tilespmem:v8+s15+$0x0], $0xffff;
	v56 =	vmul.f32 v11, v47;
	v3 =	vadd.f32 v7, v3  }
0x250: {  	v2 =	vor.u32 v2, v54;
	v8 =	vld.idx.msk [tilespmem:v8+s16+$0x0], $0xffff  }
0x251: {  	v57 =	vld.idx.msk [tilespmem:v6+s15+$0x0], $0xffff;
	v58 =	vmul.f32 v9, v50;
	v3 =	vadd.f32 v56, v3  }
0x252: {  	v6 =	vld.idx.msk [tilespmem:v6+s16+$0x0], $0xffff  }
0x253: {  	v59 =	vld.idx.msk [tilespmem:v10+s15+$0x0], $0xffff;
	v5 =	vmul.f32 v5, v53;
	v3 =	vadd.f32 v58, v3  }
0x254: {  	v60 =	vld.idx.msk [tilespmem:v10+s16+$0x0], $0xffff  }
0x255: {  	v61 =	vld.idx.msk [tilespmem:v2+s15+$0x0], $0xffff;
	v62 =	vmul.f32 v8, v55;
	v3 =	vadd.f32 v5, v3  }
0x256: {  	v2 =	vld.idx.msk [tilespmem:v2+s16+$0x0], $0xffff  }
0x257: {  	v4 =	vmul.f32 v6, v57;
	v3 =	vadd.f32 v62, v3;
	_ =	sdelay $0x1  }
0x258: {  	v63 =	vmul.f32 v60, v59;
	v3 =	vadd.f32 v4, v3;
	_ =	sdelay $0x1  }
.Ltmp2:
0x259: {  	v2 =	vmul.f32 v2, v61;
	v3 =	vadd.f32 v63, v3;
	(pc) =	sbr.rel @p0 .LBB2_6-.Ltmp2, $3  }
0x25a: {  	_ = 	snop  }
0x25b: {  	v2 =	vadd.f32 v2, v3;
	_ =	sdelay $0x1  }
0x25c: {  	p1 =	por $0x0, $0x0;
	[tilespmem:s28+$0x4800] =	vst v2;
	s28 =	simm.s32 $0x10  }
0x25d: {  	p0 =	seq.s32 s26, $0x10  }
.Ltmp3:
0x25e: {  	_ = 	snop;
	(pc) =	sbr.rel @!p0 .LBB2_3-.Ltmp3, $2  }
0x25f: {  	_ =	sdelay $0x2  }
0x260: {  	s25 =	smov.u32 s26  }
0x261: {  	s24 =	sadd.s32 $0x1, s24  }
0x262: {  	p0 =	sne.s32 s24, s10  }
.Ltmp4:
0x263: {  	_ = 	snop;
	(pc) =	sbr.rel @p0 .LBB2_1-.Ltmp4, $4  }
0x264: {  	[hbm4b:s9+s3] =	stream.linear.scatter [tilespmem:s23], [sflag:$0x5], $0x200, $0x38;
	[tilespmem:$0x4A00] =	vst v63  }
0x265: {  	_ =	swait.ge [sflag:s11], $0x200  }
0x266: {  	[sflag:s11] =	ssyncset.done $0x0  }
0x267: {  	[sflag:s11] =	ssyncadd.s32 $0xFFFFFE00  }
0x268: {  	_ =	sfence.sel $0x180000  }
0x269: {  	[bflag:$0x0] =	sbarrier.arrive $0xFFFF  }
0x26a: {  	_ =	strace $0x90000047  }
0x26b: {  	s0 =	stileid.u32;
	[bflag:$0x2] =	sbarrier.arrive $0xFFFF  }
0x26c: {  	p0 =	sne.s32 s0, $0x0;
	s0 =	rddreg [dreg:$0x6]  }
0x26d: {  	s0 =	sadd.s32 @!p0 $0x100000, s0  }
0x26e: {  	[sflag:s0] =	ssyncadd.tile.s32 @!p0 $0x1;
	_ =	shalt  }
.Lfunc_end2:
_tile_overlayer_lowered:
.L_overlay_start_2:
0x26f: {  	(tag) =	ssettag $0x2  }
0x270: {  	s0 =	rddreg [dreg:$0x0];
	s2 =	stileid.u32  }
0x271: {  	s1 =	rddreg [dreg:$0x1];
	p0 =	sne.s32 s2, $0x0  }
0x272: {  	s3 =	rddreg [dreg:$0x2];
	[bflag:$0x3] =	sbarrier.arrive $0xFFFF;
	s2 =	simm.s32 @!p0 $0x1C05  }
0x273: {  	[timem:s3], [sflag:s2] =	dma.local @!p0 [hbm:s0], s1  }
0x274: {  	s0 =	simm.s32 @!p0 $0x5  }
0x275: {  	_ =	swait.ge @!p0 [sflag:s0], s1  }
0x276: {  	s1 =	ssub.s32 @!p0 $0x0, s1;
	[sflag:s0] =	ssyncset.done @!p0 $0x0  }
0x277: {  	[sflag:s0] =	ssyncadd.s32 @!p0 s1  }
0x278: {  	[bflag:$0x3] =	sbarrier.arrive $0xFFFF  }
0x279: {  	_ =	shalt  }

</sc_bundles>
